<compile_context>
chip_gen: v7x
topology: tpu7x:2x2x1
jax: 0.10.2.dev20260603
libtpu: 0.0.44.dev20260713+nightly
codegen_flags: <defaults>
</compile_context>

<pallas_src>
import functools

import jax
import jax.numpy as jnp
from jax import lax
from jax.experimental import pallas as pl
from jax.experimental.pallas import tpu as pltpu
from jax.experimental.pallas import tpu_sc as plsc

B = 16384
L = 50
D = 64
V = 1000
VPAD = 1024
NGRAM_VOCAB = 1000000
VB = 8192
NBLK = -(-NGRAM_VOCAB // VB)
LINES = NBLK * (VB // 2)

_info = plsc.get_sparse_core_info()
NC = _info.num_cores
NS = _info.num_subcores
NW = NC * NS
BPW = B // NW
CB = 8
NCHUNK = BPW // CB
IDX_PER_CHUNK = CB * L
NBUF = 2

_mesh = plsc.VectorSubcoreMesh(core_axis_name="c", subcore_axis_name="s")


def _repack_body(in_ref, out_ref):
    blk = in_ref[...]
    a = blk[:, 0 : VB // 2]
    b = blk[:, VB // 2 : VB]
    blk2 = jnp.concatenate([a, b], axis=0)
    eye = jnp.eye(2 * D, dtype=jnp.float32)
    dims = (((0,), (0,)), ((), ()))
    out_ref[...] = lax.dot_general(
        blk2, eye, dims, preferred_element_type=jnp.float32
    )


def _repack(table_t):
    return pl.pallas_call(
        _repack_body,
        grid=(NBLK,),
        in_specs=[pl.BlockSpec((D, VB), lambda i: (0, i))],
        out_specs=pl.BlockSpec((VB // 2, 2 * D), lambda i: (i, 0)),
        out_shape=jax.ShapeDtypeStruct((LINES, 2 * D), jnp.float32),
    )(table_t)


@functools.partial(
    pl.kernel,
    mesh=_mesh,
    out_type=jax.ShapeDtypeStruct((D, B), jnp.float32),
    scratch_types=[
        pltpu.VMEM((L, 128), jnp.int32),
        [pltpu.VMEM((IDX_PER_CHUNK, 2 * D), jnp.float32) for _ in range(NBUF)],
        pltpu.VMEM((D, 128), jnp.float32),
        [pltpu.VMEM((IDX_PER_CHUNK,), jnp.int32) for _ in range(NBUF)],
        [pltpu.VMEM((IDX_PER_CHUNK,), jnp.int32) for _ in range(NBUF)],
        [pltpu.SemaphoreType.DMA for _ in range(NBUF)],
    ],
    compiler_params=pltpu.CompilerParams(
        use_tc_tiling_on_sc=True, needs_layout_passes=False
    ),
)
def _sc_gather_mean(
    idx_hbm, table_hbm, out_hbm, idxg_v, rows_v, acc_v, line_v, lbase_v, gsem
):
    wid = lax.axis_index("s") * NC + lax.axis_index("c")
    base_row = wid * BPW
    _iota = lax.iota(jnp.int32, 16)
    GB = 128 // CB
    _jhalf = lax.shift_right_logical(_iota, 3)
    _ilow = _iota & (CB - 1)

    def stage_group(g2):
        start = pl.multiple_of(base_row + g2 * 128, 128)
        pltpu.sync_copy(idx_hbm.at[:, pl.ds(start, 128)], idxg_v)

    def prep(c, b):
        local0 = (c % GB) * CB

        def vecloop(m, carry):
            rows = _jhalf + jnp.full((16,), 2 * m, jnp.int32)
            cols = _ilow + jnp.full((16,), local0, jnp.int32)
            v = plsc.load_gather(idxg_v, [rows, cols])
            blk = lax.shift_right_logical(v, 13)
            w = v & (VB // 2 - 1)
            half = lax.shift_right_logical(v, 12) & 1
            line_v[b][pl.ds(m * 16, 16)] = blk * (VB // 2) + w
            lbase_v[b][pl.ds(m * 16, 16)] = half * D
            return carry

        lax.fori_loop(0, IDX_PER_CHUNK // 16, vecloop, 0)

    def issue(b):
        pltpu.async_copy(table_hbm.at[line_v[b]], rows_v[b], gsem[b])

    def wait_gather(b):
        pltpu.make_async_copy(table_hbm.at[line_v[b]], rows_v[b], gsem[b]).wait()

    def compute(b, c):
        rv, av, lb = rows_v[b], acc_v, lbase_v[b]
        col0 = (c % GB) * CB

        def rowloop(i, carry):
            accs = [None] * 4
            for j in range(L):
                r = j * CB + i
                rsplat = jnp.full((16,), r, jnp.int32)
                lbj = plsc.load_gather(lb, [rsplat])
                for t in range(4):
                    lanes = lbj + (_iota + t * 16)
                    val = plsc.load_gather(rv, [rsplat, lanes])
                    accs[t] = val if j == 0 else accs[t] + val
            for t in range(4):
                plsc.store_scatter(
                    av,
                    [_iota + t * 16, jnp.full((16,), col0 + i, jnp.int32)],
                    accs[t] * (1.0 / L),
                )
            return carry

        lax.fori_loop(0, CB, rowloop, 0)

    stage_group(0)
    for b in range(NBUF):
        prep(b, b)
        issue(b)

    def outer(g, carry):
        for b in range(NBUF):
            c = g * NBUF + b

            wait_gather(b)
            compute(b, c)

            @pl.when(c + NBUF < NCHUNK)
            def _():
                prep(c + NBUF, b)
                issue(b)

            @pl.when((c % GB == GB - 3) & (c + GB - 2 < NCHUNK))
            def _():
                stage_group(c // GB + 1)

            @pl.when(c % GB == GB - 1)
            def _():
                start = pl.multiple_of(base_row + (c - (GB - 1)) * CB, 128)
                pltpu.sync_copy(acc_v, out_hbm.at[:, pl.ds(start, 128)])
        return carry

    lax.fori_loop(0, NCHUNK // NBUF, outer, 0)


def _mm_body(wt_ref, avgt_ref, b_ref, o_ref):
    dims = (((0,), (0,)), ((), ()))
    o_ref[...] = (
        lax.dot_general(
            wt_ref[...], avgt_ref[...], dims, preferred_element_type=jnp.float32
        )
        + b_ref[...][:, 0:1]
    )


_BM = 2048


def _tc_matmul(wt, avgt, b2):
    return pl.pallas_call(
        _mm_body,
        grid=(B // _BM,),
        in_specs=[
            pl.BlockSpec((D, V), lambda i: (0, 0)),
            pl.BlockSpec((D, _BM), lambda i: (0, i)),
            pl.BlockSpec((V, 128), lambda i: (0, 0)),
        ],
        out_specs=pl.BlockSpec((V, _BM), lambda i: (0, i)),
        out_shape=jax.ShapeDtypeStruct((V, B), jnp.float32),
    )(wt, avgt, b2)


def kernel(x, emb_table, W, b):
    idxt = x.T.astype(jnp.int32)
    table2 = _repack(emb_table.T)
    avgt = _sc_gather_mean(idxt, table2)
    b2 = jnp.broadcast_to(b.reshape(V, 1), (V, 128))
    yt = _tc_matmul(W.T, avgt, b2)
    return yt.T

# --- scband reference (transcript-rebuilt; emitter-appended) ---
"""Pipeline reference for scband-char-ngram-w2-v-79104707657853 (READ-ONLY COPY).

The authoritative reference and input builder live on the scoring server;
editing this copy changes nothing except your own understanding.
"""

import jax, jax.numpy as jnp
import numpy as np

B = 16384
L = 50
NGRAM_VOCAB = 1000000
EMBED_DIM = 64
VOCAB = 1000

def setup_inputs(seed: int = 0) -> dict:
    key = jax.random.key(seed)
    k1, k2, k3 = jax.random.split(key, 3)
    x = jax.random.randint(k1, (B, L), 0, NGRAM_VOCAB, dtype=jnp.int64)
    emb_table = jax.random.normal(k2, (NGRAM_VOCAB, EMBED_DIM), dtype=jnp.float32) * 0.02
    W = jax.random.normal(k3, (VOCAB, EMBED_DIM), dtype=jnp.float32) * 0.02
    b = jnp.zeros((VOCAB,), dtype=jnp.float32)
    return {"x": x, "emb_table": emb_table, "W": W, "b": b}

def reference(x, emb_table, W, b):
    # nn.Embedding lookup -> gather rows of the n-gram table
    embeddings = jnp.take(emb_table, x, axis=0)          # [B, L, D]
    avg_vector = jnp.mean(embeddings, axis=1)            # [B, D]
    # nn.Linear: y = avg @ W^T + b
    return avg_vector @ W.T + b                          # [B, VOCAB]

if __name__ == "__main__":
    import jax
    _d = setup_inputs()
    print(jax.jit(kernel)(*tuple(_d.values())))

</pallas_src>

<mosaic_0001>
#map = affine_map<(d0, d1) -> (0, 0)>
module attributes {stable_mosaic.version = 14 : i64} {
  func.func @_sc_gather_mean(%arg0: i32, %arg1: i32, %arg2: memref<50x16384xi32, #tpu.memory_space<hbm>>, %arg3: memref<503808x128xf32, #tpu.memory_space<hbm>>, %arg4: memref<64x16384xf32, #tpu.memory_space<hbm>>, %arg5: memref<50x128xi32, #tpu.memory_space<vmem>>, %arg6: memref<400x128xf32, #tpu.memory_space<vmem>>, %arg7: memref<400x128xf32, #tpu.memory_space<vmem>>, %arg8: memref<64x128xf32, #tpu.memory_space<vmem>>, %arg9: memref<400xi32, #tpu.memory_space<vmem>>, %arg10: memref<400xi32, #tpu.memory_space<vmem>>, %arg11: memref<400xi32, #tpu.memory_space<vmem>>, %arg12: memref<400xi32, #tpu.memory_space<vmem>>, %arg13: memref<!tpu.dma_semaphore, #tpu.memory_space<semaphore_mem>>, %arg14: memref<!tpu.dma_semaphore, #tpu.memory_space<semaphore_mem>>) attributes {dimension_semantics = [#tpu.dimension_semantics<core_parallel>, #tpu.dimension_semantics<subcore_parallel>], iteration_bounds = array<i64: 2, 16>, scalar_prefetch = 0 : i64, scratch_operands = 10 : i64, tpu.core_type = #tpu.core_type<sc_vector_subcore>, window_params = [{transform_indices = #map}, {transform_indices = #map}, {transform_indices = #map}]} {
    %mul3A = arith.constant 2 : i32
    %mul3A_0 = arith.muli %arg1, %mul3A : i32
    %add3A = arith.addi %mul3A_0, %arg0 : i32
    %mul3A_1 = arith.constant 512 : i32
    %mul3A_2 = arith.muli %add3A, %mul3A_1 : i32
    %iota3A = tpu.iota {dimensions = array<i32: 0>} : vector<16xi32>
    %shift_right_logical3A = arith.constant 3 : i32
    %shift_right_logical3A_3 = vector.broadcast %shift_right_logical3A : i32 to vector<16xi32>
    %shift_right_logical3A_4 = arith.shrui %iota3A, %shift_right_logical3A_3 : vector<16xi32>
    %and3A = arith.constant 7 : i32
    %and3A_5 = vector.broadcast %and3A : i32 to vector<16xi32>
    %and3A_6 = arith.andi %iota3A, %and3A_5 : vector<16xi32>
    %add3A_7 = arith.constant 0 : i32
    %add3A_8 = arith.addi %mul3A_2, %add3A_7 : i32
    %multiple_of3A = tpu.assume_multiple %add3A_8, 128 : i32
    "tpu.region"() ({
      %run_scoped3A = tpu.sem_alloc : memref<!tpu.dma_semaphore, #tpu.memory_space<semaphore_mem>>
      %dma_start3A_31 = arith.constant 0 : i32
      %dma_start3A_32 = tpu.memref_slice %arg2[%dma_start3A_31, %multiple_of3A] : memref<50x16384xi32, #tpu.memory_space<hbm>> -> memref<50x128xi32, #tpu.memory_space<hbm>>
      %dma_start3A_33 = arith.constant 0 : i32
      %dma_start3A_34 = tpu.memref_slice %arg2[%dma_start3A_33, %multiple_of3A] : memref<50x16384xi32, #tpu.memory_space<hbm>> -> memref<50x128xi32, #tpu.memory_space<hbm>>
      tpu.enqueue_dma source(%dma_start3A_34 : memref<50x128xi32, #tpu.memory_space<hbm>>) target(%arg5 : memref<50x128xi32, #tpu.memory_space<vmem>>) target_semaphore(%run_scoped3A : memref<!tpu.dma_semaphore, #tpu.memory_space<semaphore_mem>>)
      %dma_wait3A = arith.constant 0 : i32
      %dma_wait3A_35 = tpu.memref_slice %arg2[%dma_wait3A, %multiple_of3A] : memref<50x16384xi32, #tpu.memory_space<hbm>> -> memref<50x128xi32, #tpu.memory_space<hbm>>
      %dma_wait3A_36 = arith.constant 0 : i32
      %dma_wait3A_37 = tpu.memref_slice %arg2[%dma_wait3A_36, %multiple_of3A] : memref<50x16384xi32, #tpu.memory_space<hbm>> -> memref<50x128xi32, #tpu.memory_space<hbm>>
      tpu.wait_dma2 semaphore(%run_scoped3A : memref<!tpu.dma_semaphore, #tpu.memory_space<semaphore_mem>>) src(%dma_wait3A_37 : memref<50x128xi32, #tpu.memory_space<hbm>>) dst(%arg5 : memref<50x128xi32, #tpu.memory_space<vmem>>)
      tpu.yield
    }) : () -> ()
    %scan3A = arith.constant 0 : i32
    %scan3A_9 = arith.constant 0 : i32
    %scan3A_10 = arith.constant 25 : i32
    %scan3A_11 = arith.addi %scan3A_9, %scan3A_10 : i32
    %scan3A_12 = arith.constant 1 : i32
    scf.for %scan3A_31 = %scan3A_9 to %scan3A_11 step %scan3A_12  : i32 {
      %mul3A_32 = arith.constant 2 : i32
      %mul3A_33 = arith.muli %mul3A_32, %scan3A_31 : i32
      %broadcast_in_dim3A = vector.broadcast %mul3A_33 : i32 to vector<16xi32>
      %add3A_34 = arith.addi %shift_right_logical3A_4, %broadcast_in_dim3A : vector<16xi32>
      %broadcast_in_dim3A_35 = arith.constant 0 : i32
      %broadcast_in_dim3A_36 = vector.broadcast %broadcast_in_dim3A_35 : i32 to vector<16xi32>
      %add3A_37 = arith.addi %and3A_6, %broadcast_in_dim3A_36 : vector<16xi32>
      %gather3A = tpu.vector_load_idx %arg5[%add3A_34, %add3A_37] : memref<50x128xi32, #tpu.memory_space<vmem>>[vector<16xi32>, vector<16xi32>], vector<16xi32>,
      %shift_right_logical3A_38 = arith.constant 13 : i32
      %shift_right_logical3A_39 = vector.broadcast %shift_right_logical3A_38 : i32 to vector<16xi32>
      %shift_right_logical3A_40 = arith.shrui %gather3A, %shift_right_logical3A_39 : vector<16xi32>
      %and3A_41 = arith.constant 4095 : i32
      %and3A_42 = vector.broadcast %and3A_41 : i32 to vector<16xi32>
      %and3A_43 = arith.andi %gather3A, %and3A_42 : vector<16xi32>
      %shift_right_logical3A_44 = arith.constant 12 : i32
      %shift_right_logical3A_45 = vector.broadcast %shift_right_logical3A_44 : i32 to vector<16xi32>
      %shift_right_logical3A_46 = arith.shrui %gather3A, %shift_right_logical3A_45 : vector<16xi32>
      %and3A_47 = arith.constant 1 : i32
      %and3A_48 = vector.broadcast %and3A_47 : i32 to vector<16xi32>
      %and3A_49 = arith.andi %shift_right_logical3A_46, %and3A_48 : vector<16xi32>
      %mul3A_50 = arith.constant 4096 : i32
      %mul3A_51 = vector.broadcast %mul3A_50 : i32 to vector<16xi32>
      %mul3A_52 = arith.muli %shift_right_logical3A_40, %mul3A_51 : vector<16xi32>
      %add3A_53 = arith.addi %mul3A_52, %and3A_43 : vector<16xi32>
      %mul3A_54 = arith.constant 16 : i32
      %mul3A_55 = arith.muli %scan3A_31, %mul3A_54 : i32
      %swap3A = arith.index_cast %mul3A_55 : i32 to index
      %swap3A_56 = tpu.vector_load %arg9[%swap3A] {strides = array<i32>} : memref<400xi32, #tpu.memory_space<vmem>>, vector<16xi32>,
      tpu.vector_store %arg9[%swap3A], %add3A_53 {strides = array<i32>} : memref<400xi32, #tpu.memory_space<vmem>>, vector<16xi32>,
      %mul3A_57 = arith.constant 64 : i32
      %mul3A_58 = vector.broadcast %mul3A_57 : i32 to vector<16xi32>
      %mul3A_59 = arith.muli %and3A_49, %mul3A_58 : vector<16xi32>
      %mul3A_60 = arith.constant 16 : i32
      %mul3A_61 = arith.muli %scan3A_31, %mul3A_60 : i32
      %swap3A_62 = arith.index_cast %mul3A_61 : i32 to index
      %swap3A_63 = tpu.vector_load %arg11[%swap3A_62] {strides = array<i32>} : memref<400xi32, #tpu.memory_space<vmem>>, vector<16xi32>,
      tpu.vector_store %arg11[%swap3A_62], %mul3A_59 {strides = array<i32>} : memref<400xi32, #tpu.memory_space<vmem>>, vector<16xi32>,
    }
    %scan3A_13 = arith.constant 25 : i32
    %dma_start3A = arith.constant 0 : i32
    %dma_start3A_14 = arith.constant 0 : i32
    %dma_start3A_15 = tpu.memref_slice %arg3[%dma_start3A, %dma_start3A_14] : memref<503808x128xf32, #tpu.memory_space<hbm>> -> memref<503808x128xf32, #tpu.memory_space<hbm>>
    tpu.enqueue_indirect_dma source(%dma_start3A_15 : memref<503808x128xf32, #tpu.memory_space<hbm>>) target(%arg6 : memref<400x128xf32, #tpu.memory_space<vmem>>) offsets(%arg9 : memref<400xi32, #tpu.memory_space<vmem>>) semaphore(%arg13 : memref<!tpu.dma_semaphore, #tpu.memory_space<semaphore_mem>>)
    %scan3A_16 = arith.constant 0 : i32
    %scan3A_17 = arith.constant 0 : i32
    %scan3A_18 = arith.constant 25 : i32
    %scan3A_19 = arith.addi %scan3A_17, %scan3A_18 : i32
    %scan3A_20 = arith.constant 1 : i32
    scf.for %scan3A_31 = %scan3A_17 to %scan3A_19 step %scan3A_20  : i32 {
      %mul3A_32 = arith.constant 2 : i32
      %mul3A_33 = arith.muli %mul3A_32, %scan3A_31 : i32
      %broadcast_in_dim3A = vector.broadcast %mul3A_33 : i32 to vector<16xi32>
      %add3A_34 = arith.addi %shift_right_logical3A_4, %broadcast_in_dim3A : vector<16xi32>
      %broadcast_in_dim3A_35 = arith.constant 8 : i32
      %broadcast_in_dim3A_36 = vector.broadcast %broadcast_in_dim3A_35 : i32 to vector<16xi32>
      %add3A_37 = arith.addi %and3A_6, %broadcast_in_dim3A_36 : vector<16xi32>
      %gather3A = tpu.vector_load_idx %arg5[%add3A_34, %add3A_37] : memref<50x128xi32, #tpu.memory_space<vmem>>[vector<16xi32>, vector<16xi32>], vector<16xi32>,
      %shift_right_logical3A_38 = arith.constant 13 : i32
      %shift_right_logical3A_39 = vector.broadcast %shift_right_logical3A_38 : i32 to vector<16xi32>
      %shift_right_logical3A_40 = arith.shrui %gather3A, %shift_right_logical3A_39 : vector<16xi32>
      %and3A_41 = arith.constant 4095 : i32
      %and3A_42 = vector.broadcast %and3A_41 : i32 to vector<16xi32>
      %and3A_43 = arith.andi %gather3A, %and3A_42 : vector<16xi32>
      %shift_right_logical3A_44 = arith.constant 12 : i32
      %shift_right_logical3A_45 = vector.broadcast %shift_right_logical3A_44 : i32 to vector<16xi32>
      %shift_right_logical3A_46 = arith.shrui %gather3A, %shift_right_logical3A_45 : vector<16xi32>
      %and3A_47 = arith.constant 1 : i32
      %and3A_48 = vector.broadcast %and3A_47 : i32 to vector<16xi32>
      %and3A_49 = arith.andi %shift_right_logical3A_46, %and3A_48 : vector<16xi32>
      %mul3A_50 = arith.constant 4096 : i32
      %mul3A_51 = vector.broadcast %mul3A_50 : i32 to vector<16xi32>
      %mul3A_52 = arith.muli %shift_right_logical3A_40, %mul3A_51 : vector<16xi32>
      %add3A_53 = arith.addi %mul3A_52, %and3A_43 : vector<16xi32>
      %mul3A_54 = arith.constant 16 : i32
      %mul3A_55 = arith.muli %scan3A_31, %mul3A_54 : i32
      %swap3A = arith.index_cast %mul3A_55 : i32 to index
      %swap3A_56 = tpu.vector_load %arg10[%swap3A] {strides = array<i32>} : memref<400xi32, #tpu.memory_space<vmem>>, vector<16xi32>,
      tpu.vector_store %arg10[%swap3A], %add3A_53 {strides = array<i32>} : memref<400xi32, #tpu.memory_space<vmem>>, vector<16xi32>,
      %mul3A_57 = arith.constant 64 : i32
      %mul3A_58 = vector.broadcast %mul3A_57 : i32 to vector<16xi32>
      %mul3A_59 = arith.muli %and3A_49, %mul3A_58 : vector<16xi32>
      %mul3A_60 = arith.constant 16 : i32
      %mul3A_61 = arith.muli %scan3A_31, %mul3A_60 : i32
      %swap3A_62 = arith.index_cast %mul3A_61 : i32 to index
      %swap3A_63 = tpu.vector_load %arg12[%swap3A_62] {strides = array<i32>} : memref<400xi32, #tpu.memory_space<vmem>>, vector<16xi32>,
      tpu.vector_store %arg12[%swap3A_62], %mul3A_59 {strides = array<i32>} : memref<400xi32, #tpu.memory_space<vmem>>, vector<16xi32>,
    }
    %scan3A_21 = arith.constant 25 : i32
    %dma_start3A_22 = arith.constant 0 : i32
    %dma_start3A_23 = arith.constant 0 : i32
    %dma_start3A_24 = tpu.memref_slice %arg3[%dma_start3A_22, %dma_start3A_23] : memref<503808x128xf32, #tpu.memory_space<hbm>> -> memref<503808x128xf32, #tpu.memory_space<hbm>>
    tpu.enqueue_indirect_dma source(%dma_start3A_24 : memref<503808x128xf32, #tpu.memory_space<hbm>>) target(%arg7 : memref<400x128xf32, #tpu.memory_space<vmem>>) offsets(%arg10 : memref<400xi32, #tpu.memory_space<vmem>>) semaphore(%arg14 : memref<!tpu.dma_semaphore, #tpu.memory_space<semaphore_mem>>)
    %scan3A_25 = arith.constant 0 : i32
    %scan3A_26 = arith.constant 0 : i32
    %scan3A_27 = arith.constant 32 : i32
    %scan3A_28 = arith.addi %scan3A_26, %scan3A_27 : i32
    %scan3A_29 = arith.constant 1 : i32
    scf.for %scan3A_31 = %scan3A_26 to %scan3A_28 step %scan3A_29  : i32 {
      %mul3A_32 = arith.constant 2 : i32
      %mul3A_33 = arith.muli %scan3A_31, %mul3A_32 : i32
      %add3A_34 = arith.constant 0 : i32
      %add3A_35 = arith.addi %mul3A_33, %add3A_34 : i32
      %dma_wait3A = arith.constant 0 : i32
      %dma_wait3A_36 = arith.constant 0 : i32
      %dma_wait3A_37 = tpu.memref_slice %arg3[%dma_wait3A, %dma_wait3A_36] : memref<503808x128xf32, #tpu.memory_space<hbm>> -> memref<503808x128xf32, #tpu.memory_space<hbm>>
      tpu.wait_indirect_dma semaphore(%arg13 : memref<!tpu.dma_semaphore, #tpu.memory_space<semaphore_mem>>) src(%dma_wait3A_37 : memref<503808x128xf32, #tpu.memory_space<hbm>>) dst(%arg6 : memref<400x128xf32, #tpu.memory_space<vmem>>)
      %jit3A = arith.constant 16 : i32
      %eq3A = arith.constant 0 : i32
      %eq3A_38 = arith.cmpi eq, %jit3A, %eq3A : i32
      %jit3A_39 = arith.constant 1 : i32
      %select_n3A = arith.select %eq3A_38, %jit3A_39, %jit3A : i32
      %rem3A = arith.remsi %add3A_35, %select_n3A : i32
      %ne3A = arith.constant 0 : i32
      %ne3A_40 = arith.cmpi ne, %rem3A, %ne3A : i32
      %lt3A = arith.constant 0 : i32
      %lt3A_41 = arith.cmpi slt, %rem3A, %lt3A : i32
      %lt3A_42 = arith.constant 0 : i32
      %lt3A_43 = arith.cmpi slt, %select_n3A, %lt3A_42 : i32
      %ne3A_44 = arith.xori %lt3A_41, %lt3A_43 : i1
      %and3A_45 = arith.andi %ne3A_44, %ne3A_40 : i1
      %add3A_46 = arith.addi %rem3A, %select_n3A : i32
      %select_n3A_47 = arith.select %and3A_45, %add3A_46, %rem3A : i32
      %mul3A_48 = arith.constant 8 : i32
      %mul3A_49 = arith.muli %select_n3A_47, %mul3A_48 : i32
      %scan3A_50 = arith.constant 0 : i32
      %scan3A_51 = arith.constant 0 : i32
      %scan3A_52 = arith.constant 8 : i32
      %scan3A_53 = arith.addi %scan3A_51, %scan3A_52 : i32
      %scan3A_54 = arith.constant 1 : i32
      scf.for %scan3A_196 = %scan3A_51 to %scan3A_53 step %scan3A_54  : i32 {
        %add3A_197 = arith.constant 0 : i32
        %add3A_198 = arith.addi %add3A_197, %scan3A_196 : i32
        %broadcast_in_dim3A = vector.broadcast %add3A_198 : i32 to vector<16xi32>
        %gather3A = tpu.vector_load_idx %arg11[%broadcast_in_dim3A] : memref<400xi32, #tpu.memory_space<vmem>>[vector<16xi32>], vector<16xi32>,
        %add3A_199 = arith.constant 0 : i32
        %add3A_200 = vector.broadcast %add3A_199 : i32 to vector<16xi32>
        %add3A_201 = arith.addi %iota3A, %add3A_200 : vector<16xi32>
        %add3A_202 = arith.addi %gather3A, %add3A_201 : vector<16xi32>
        %gather3A_203 = tpu.vector_load_idx %arg6[%broadcast_in_dim3A, %add3A_202] : memref<400x128xf32, #tpu.memory_space<vmem>>[vector<16xi32>, vector<16xi32>], vector<16xf32>,
        %add3A_204 = arith.constant 16 : i32
        %add3A_205 = vector.broadcast %add3A_204 : i32 to vector<16xi32>
        %add3A_206 = arith.addi %iota3A, %add3A_205 : vector<16xi32>
        %add3A_207 = arith.addi %gather3A, %add3A_206 : vector<16xi32>
        %gather3A_208 = tpu.vector_load_idx %arg6[%broadcast_in_dim3A, %add3A_207] : memref<400x128xf32, #tpu.memory_space<vmem>>[vector<16xi32>, vector<16xi32>], vector<16xf32>,
        %add3A_209 = arith.constant 32 : i32
        %add3A_210 = vector.broadcast %add3A_209 : i32 to vector<16xi32>
        %add3A_211 = arith.addi %iota3A, %add3A_210 : vector<16xi32>
        %add3A_212 = arith.addi %gather3A, %add3A_211 : vector<16xi32>
        %gather3A_213 = tpu.vector_load_idx %arg6[%broadcast_in_dim3A, %add3A_212] : memref<400x128xf32, #tpu.memory_space<vmem>>[vector<16xi32>, vector<16xi32>], vector<16xf32>,
        %add3A_214 = arith.constant 48 : i32
        %add3A_215 = vector.broadcast %add3A_214 : i32 to vector<16xi32>
        %add3A_216 = arith.addi %iota3A, %add3A_215 : vector<16xi32>
        %add3A_217 = arith.addi %gather3A, %add3A_216 : vector<16xi32>
        %gather3A_218 = tpu.vector_load_idx %arg6[%broadcast_in_dim3A, %add3A_217] : memref<400x128xf32, #tpu.memory_space<vmem>>[vector<16xi32>, vector<16xi32>], vector<16xf32>,
        %add3A_219 = arith.constant 8 : i32
        %add3A_220 = arith.addi %add3A_219, %scan3A_196 : i32
        %broadcast_in_dim3A_221 = vector.broadcast %add3A_220 : i32 to vector<16xi32>
        %gather3A_222 = tpu.vector_load_idx %arg11[%broadcast_in_dim3A_221] : memref<400xi32, #tpu.memory_space<vmem>>[vector<16xi32>], vector<16xi32>,
        %add3A_223 = arith.constant 0 : i32
        %add3A_224 = vector.broadcast %add3A_223 : i32 to vector<16xi32>
        %add3A_225 = arith.addi %iota3A, %add3A_224 : vector<16xi32>
        %add3A_226 = arith.addi %gather3A_222, %add3A_225 : vector<16xi32>
        %gather3A_227 = tpu.vector_load_idx %arg6[%broadcast_in_dim3A_221, %add3A_226] : memref<400x128xf32, #tpu.memory_space<vmem>>[vector<16xi32>, vector<16xi32>], vector<16xf32>,
        %add3A_228 = arith.addf %gather3A_203, %gather3A_227 : vector<16xf32>
        %add3A_229 = arith.constant 16 : i32
        %add3A_230 = vector.broadcast %add3A_229 : i32 to vector<16xi32>
        %add3A_231 = arith.addi %iota3A, %add3A_230 : vector<16xi32>
        %add3A_232 = arith.addi %gather3A_222, %add3A_231 : vector<16xi32>
        %gather3A_233 = tpu.vector_load_idx %arg6[%broadcast_in_dim3A_221, %add3A_232] : memref<400x128xf32, #tpu.memory_space<vmem>>[vector<16xi32>, vector<16xi32>], vector<16xf32>,
        %add3A_234 = arith.addf %gather3A_208, %gather3A_233 : vector<16xf32>
        %add3A_235 = arith.constant 32 : i32
        %add3A_236 = vector.broadcast %add3A_235 : i32 to vector<16xi32>
        %add3A_237 = arith.addi %iota3A, %add3A_236 : vector<16xi32>
        %add3A_238 = arith.addi %gather3A_222, %add3A_237 : vector<16xi32>
        %gather3A_239 = tpu.vector_load_idx %arg6[%broadcast_in_dim3A_221, %add3A_238] : memref<400x128xf32, #tpu.memory_space<vmem>>[vector<16xi32>, vector<16xi32>], vector<16xf32>,
        %add3A_240 = arith.addf %gather3A_213, %gather3A_239 : vector<16xf32>
        %add3A_241 = arith.constant 48 : i32
        %add3A_242 = vector.broadcast %add3A_241 : i32 to vector<16xi32>
        %add3A_243 = arith.addi %iota3A, %add3A_242 : vector<16xi32>
        %add3A_244 = arith.addi %gather3A_222, %add3A_243 : vector<16xi32>
        %gather3A_245 = tpu.vector_load_idx %arg6[%broadcast_in_dim3A_221, %add3A_244] : memref<400x128xf32, #tpu.memory_space<vmem>>[vector<16xi32>, vector<16xi32>], vector<16xf32>,
        %add3A_246 = arith.addf %gather3A_218, %gather3A_245 : vector<16xf32>
        %add3A_247 = arith.constant 16 : i32
        %add3A_248 = arith.addi %add3A_247, %scan3A_196 : i32
        %broadcast_in_dim3A_249 = vector.broadcast %add3A_248 : i32 to vector<16xi32>
        %gather3A_250 = tpu.vector_load_idx %arg11[%broadcast_in_dim3A_249] : memref<400xi32, #tpu.memory_space<vmem>>[vector<16xi32>], vector<16xi32>,
        %add3A_251 = arith.constant 0 : i32
        %add3A_252 = vector.broadcast %add3A_251 : i32 to vector<16xi32>
        %add3A_253 = arith.addi %iota3A, %add3A_252 : vector<16xi32>
        %add3A_254 = arith.addi %gather3A_250, %add3A_253 : vector<16xi32>
        %gather3A_255 = tpu.vector_load_idx %arg6[%broadcast_in_dim3A_249, %add3A_254] : memref<400x128xf32, #tpu.memory_space<vmem>>[vector<16xi32>, vector<16xi32>], vector<16xf32>,
        %add3A_256 = arith.addf %add3A_228, %gather3A_255 : vector<16xf32>
        %add3A_257 = arith.constant 16 : i32
        %add3A_258 = vector.broadcast %add3A_257 : i32 to vector<16xi32>
        %add3A_259 = arith.addi %iota3A, %add3A_258 : vector<16xi32>
        %add3A_260 = arith.addi %gather3A_250, %add3A_259 : vector<16xi32>
        %gather3A_261 = tpu.vector_load_idx %arg6[%broadcast_in_dim3A_249, %add3A_260] : memref<400x128xf32, #tpu.memory_space<vmem>>[vector<16xi32>, vector<16xi32>], vector<16xf32>,
        %add3A_262 = arith.addf %add3A_234, %gather3A_261 : vector<16xf32>
        %add3A_263 = arith.constant 32 : i32
        %add3A_264 = vector.broadcast %add3A_263 : i32 to vector<16xi32>
        %add3A_265 = arith.addi %iota3A, %add3A_264 : vector<16xi32>
        %add3A_266 = arith.addi %gather3A_250, %add3A_265 : vector<16xi32>
        %gather3A_267 = tpu.vector_load_idx %arg6[%broadcast_in_dim3A_249, %add3A_266] : memref<400x128xf32, #tpu.memory_space<vmem>>[vector<16xi32>, vector<16xi32>], vector<16xf32>,
        %add3A_268 = arith.addf %add3A_240, %gather3A_267 : vector<16xf32>
        %add3A_269 = arith.constant 48 : i32
        %add3A_270 = vector.broadcast %add3A_269 : i32 to vector<16xi32>
        %add3A_271 = arith.addi %iota3A, %add3A_270 : vector<16xi32>
        %add3A_272 = arith.addi %gather3A_250, %add3A_271 : vector<16xi32>
        %gather3A_273 = tpu.vector_load_idx %arg6[%broadcast_in_dim3A_249, %add3A_272] : memref<400x128xf32, #tpu.memory_space<vmem>>[vector<16xi32>, vector<16xi32>], vector<16xf32>,
        %add3A_274 = arith.addf %add3A_246, %gather3A_273 : vector<16xf32>
        %add3A_275 = arith.constant 24 : i32
        %add3A_276 = arith.addi %add3A_275, %scan3A_196 : i32
        %broadcast_in_dim3A_277 = vector.broadcast %add3A_276 : i32 to vector<16xi32>
        %gather3A_278 = tpu.vector_load_idx %arg11[%broadcast_in_dim3A_277] : memref<400xi32, #tpu.memory_space<vmem>>[vector<16xi32>], vector<16xi32>,
        %add3A_279 = arith.constant 0 : i32
        %add3A_280 = vector.broadcast %add3A_279 : i32 to vector<16xi32>
        %add3A_281 = arith.addi %iota3A, %add3A_280 : vector<16xi32>
        %add3A_282 = arith.addi %gather3A_278, %add3A_281 : vector<16xi32>
        %gather3A_283 = tpu.vector_load_idx %arg6[%broadcast_in_dim3A_277, %add3A_282] : memref<400x128xf32, #tpu.memory_space<vmem>>[vector<16xi32>, vector<16xi32>], vector<16xf32>,
        %add3A_284 = arith.addf %add3A_256, %gather3A_283 : vector<16xf32>
        %add3A_285 = arith.constant 16 : i32
        %add3A_286 = vector.broadcast %add3A_285 : i32 to vector<16xi32>
        %add3A_287 = arith.addi %iota3A, %add3A_286 : vector<16xi32>
        %add3A_288 = arith.addi %gather3A_278, %add3A_287 : vector<16xi32>
        %gather3A_289 = tpu.vector_load_idx %arg6[%broadcast_in_dim3A_277, %add3A_288] : memref<400x128xf32, #tpu.memory_space<vmem>>[vector<16xi32>, vector<16xi32>], vector<16xf32>,
        %add3A_290 = arith.addf %add3A_262, %gather3A_289 : vector<16xf32>
        %add3A_291 = arith.constant 32 : i32
        %add3A_292 = vector.broadcast %add3A_291 : i32 to vector<16xi32>
        %add3A_293 = arith.addi %iota3A, %add3A_292 : vector<16xi32>
        %add3A_294 = arith.addi %gather3A_278, %add3A_293 : vector<16xi32>
        %gather3A_295 = tpu.vector_load_idx %arg6[%broadcast_in_dim3A_277, %add3A_294] : memref<400x128xf32, #tpu.memory_space<vmem>>[vector<16xi32>, vector<16xi32>], vector<16xf32>,
        %add3A_296 = arith.addf %add3A_268, %gather3A_295 : vector<16xf32>
        %add3A_297 = arith.constant 48 : i32
        %add3A_298 = vector.broadcast %add3A_297 : i32 to vector<16xi32>
        %add3A_299 = arith.addi %iota3A, %add3A_298 : vector<16xi32>
        %add3A_300 = arith.addi %gather3A_278, %add3A_299 : vector<16xi32>
        %gather3A_301 = tpu.vector_load_idx %arg6[%broadcast_in_dim3A_277, %add3A_300] : memref<400x128xf32, #tpu.memory_space<vmem>>[vector<16xi32>, vector<16xi32>], vector<16xf32>,
        %add3A_302 = arith.addf %add3A_274, %gather3A_301 : vector<16xf32>
        %add3A_303 = arith.constant 32 : i32
        %add3A_304 = arith.addi %add3A_303, %scan3A_196 : i32
        %broadcast_in_dim3A_305 = vector.broadcast %add3A_304 : i32 to vector<16xi32>
        %gather3A_306 = tpu.vector_load_idx %arg11[%broadcast_in_dim3A_305] : memref<400xi32, #tpu.memory_space<vmem>>[vector<16xi32>], vector<16xi32>,
        %add3A_307 = arith.constant 0 : i32
        %add3A_308 = vector.broadcast %add3A_307 : i32 to vector<16xi32>
        %add3A_309 = arith.addi %iota3A, %add3A_308 : vector<16xi32>
        %add3A_310 = arith.addi %gather3A_306, %add3A_309 : vector<16xi32>
        %gather3A_311 = tpu.vector_load_idx %arg6[%broadcast_in_dim3A_305, %add3A_310] : memref<400x128xf32, #tpu.memory_space<vmem>>[vector<16xi32>, vector<16xi32>], vector<16xf32>,
        %add3A_312 = arith.addf %add3A_284, %gather3A_311 : vector<16xf32>
        %add3A_313 = arith.constant 16 : i32
        %add3A_314 = vector.broadcast %add3A_313 : i32 to vector<16xi32>
        %add3A_315 = arith.addi %iota3A, %add3A_314 : vector<16xi32>
        %add3A_316 = arith.addi %gather3A_306, %add3A_315 : vector<16xi32>
        %gather3A_317 = tpu.vector_load_idx %arg6[%broadcast_in_dim3A_305, %add3A_316] : memref<400x128xf32, #tpu.memory_space<vmem>>[vector<16xi32>, vector<16xi32>], vector<16xf32>,
        %add3A_318 = arith.addf %add3A_290, %gather3A_317 : vector<16xf32>
        %add3A_319 = arith.constant 32 : i32
        %add3A_320 = vector.broadcast %add3A_319 : i32 to vector<16xi32>
        %add3A_321 = arith.addi %iota3A, %add3A_320 : vector<16xi32>
        %add3A_322 = arith.addi %gather3A_306, %add3A_321 : vector<16xi32>
        %gather3A_323 = tpu.vector_load_idx %arg6[%broadcast_in_dim3A_305, %add3A_322] : memref<400x128xf32, #tpu.memory_space<vmem>>[vector<16xi32>, vector<16xi32>], vector<16xf32>,
        %add3A_324 = arith.addf %add3A_296, %gather3A_323 : vector<16xf32>
        %add3A_325 = arith.constant 48 : i32
        %add3A_326 = vector.broadcast %add3A_325 : i32 to vector<16xi32>
        %add3A_327 = arith.addi %iota3A, %add3A_326 : vector<16xi32>
        %add3A_328 = arith.addi %gather3A_306, %add3A_327 : vector<16xi32>
        %gather3A_329 = tpu.vector_load_idx %arg6[%broadcast_in_dim3A_305, %add3A_328] : memref<400x128xf32, #tpu.memory_space<vmem>>[vector<16xi32>, vector<16xi32>], vector<16xf32>,
        %add3A_330 = arith.addf %add3A_302, %gather3A_329 : vector<16xf32>
        %add3A_331 = arith.constant 40 : i32
        %add3A_332 = arith.addi %add3A_331, %scan3A_196 : i32
        %broadcast_in_dim3A_333 = vector.broadcast %add3A_332 : i32 to vector<16xi32>
        %gather3A_334 = tpu.vector_load_idx %arg11[%broadcast_in_dim3A_333] : memref<400xi32, #tpu.memory_space<vmem>>[vector<16xi32>], vector<16xi32>,
        %add3A_335 = arith.constant 0 : i32
        %add3A_336 = vector.broadcast %add3A_335 : i32 to vector<16xi32>
        %add3A_337 = arith.addi %iota3A, %add3A_336 : vector<16xi32>
        %add3A_338 = arith.addi %gather3A_334, %add3A_337 : vector<16xi32>
        %gather3A_339 = tpu.vector_load_idx %arg6[%broadcast_in_dim3A_333, %add3A_338] : memref<400x128xf32, #tpu.memory_space<vmem>>[vector<16xi32>, vector<16xi32>], vector<16xf32>,
        %add3A_340 = arith.addf %add3A_312, %gather3A_339 : vector<16xf32>
        %add3A_341 = arith.constant 16 : i32
        %add3A_342 = vector.broadcast %add3A_341 : i32 to vector<16xi32>
        %add3A_343 = arith.addi %iota3A, %add3A_342 : vector<16xi32>
        %add3A_344 = arith.addi %gather3A_334, %add3A_343 : vector<16xi32>
        %gather3A_345 = tpu.vector_load_idx %arg6[%broadcast_in_dim3A_333, %add3A_344] : memref<400x128xf32, #tpu.memory_space<vmem>>[vector<16xi32>, vector<16xi32>], vector<16xf32>,
        %add3A_346 = arith.addf %add3A_318, %gather3A_345 : vector<16xf32>
        %add3A_347 = arith.constant 32 : i32
        %add3A_348 = vector.broadcast %add3A_347 : i32 to vector<16xi32>
        %add3A_349 = arith.addi %iota3A, %add3A_348 : vector<16xi32>
        %add3A_350 = arith.addi %gather3A_334, %add3A_349 : vector<16xi32>
        %gather3A_351 = tpu.vector_load_idx %arg6[%broadcast_in_dim3A_333, %add3A_350] : memref<400x128xf32, #tpu.memory_space<vmem>>[vector<16xi32>, vector<16xi32>], vector<16xf32>,
        %add3A_352 = arith.addf %add3A_324, %gather3A_351 : vector<16xf32>
        %add3A_353 = arith.constant 48 : i32
        %add3A_354 = vector.broadcast %add3A_353 : i32 to vector<16xi32>
        %add3A_355 = arith.addi %iota3A, %add3A_354 : vector<16xi32>
        %add3A_356 = arith.addi %gather3A_334, %add3A_355 : vector<16xi32>
        %gather3A_357 = tpu.vector_load_idx %arg6[%broadcast_in_dim3A_333, %add3A_356] : memref<400x128xf32, #tpu.memory_space<vmem>>[vector<16xi32>, vector<16xi32>], vector<16xf32>,
        %add3A_358 = arith.addf %add3A_330, %gather3A_357 : vector<16xf32>
        %add3A_359 = arith.constant 48 : i32
        %add3A_360 = arith.addi %add3A_359, %scan3A_196 : i32
        %broadcast_in_dim3A_361 = vector.broadcast %add3A_360 : i32 to vector<16xi32>
        %gather3A_362 = tpu.vector_load_idx %arg11[%broadcast_in_dim3A_361] : memref<400xi32, #tpu.memory_space<vmem>>[vector<16xi32>], vector<16xi32>,
        %add3A_363 = arith.constant 0 : i32
        %add3A_364 = vector.broadcast %add3A_363 : i32 to vector<16xi32>
        %add3A_365 = arith.addi %iota3A, %add3A_364 : vector<16xi32>
        %add3A_366 = arith.addi %gather3A_362, %add3A_365 : vector<16xi32>
        %gather3A_367 = tpu.vector_load_idx %arg6[%broadcast_in_dim3A_361, %add3A_366] : memref<400x128xf32, #tpu.memory_space<vmem>>[vector<16xi32>, vector<16xi32>], vector<16xf32>,
        %add3A_368 = arith.addf %add3A_340, %gather3A_367 : vector<16xf32>
        %add3A_369 = arith.constant 16 : i32
        %add3A_370 = vector.broadcast %add3A_369 : i32 to vector<16xi32>
        %add3A_371 = arith.addi %iota3A, %add3A_370 : vector<16xi32>
        %add3A_372 = arith.addi %gather3A_362, %add3A_371 : vector<16xi32>
        %gather3A_373 = tpu.vector_load_idx %arg6[%broadcast_in_dim3A_361, %add3A_372] : memref<400x128xf32, #tpu.memory_space<vmem>>[vector<16xi32>, vector<16xi32>], vector<16xf32>,
        %add3A_374 = arith.addf %add3A_346, %gather3A_373 : vector<16xf32>
        %add3A_375 = arith.constant 32 : i32
        %add3A_376 = vector.broadcast %add3A_375 : i32 to vector<16xi32>
        %add3A_377 = arith.addi %iota3A, %add3A_376 : vector<16xi32>
        %add3A_378 = arith.addi %gather3A_362, %add3A_377 : vector<16xi32>
        %gather3A_379 = tpu.vector_load_idx %arg6[%broadcast_in_dim3A_361, %add3A_378] : memref<400x128xf32, #tpu.memory_space<vmem>>[vector<16xi32>, vector<16xi32>], vector<16xf32>,
        %add3A_380 = arith.addf %add3A_352, %gather3A_379 : vector<16xf32>
        %add3A_381 = arith.constant 48 : i32
        %add3A_382 = vector.broadcast %add3A_381 : i32 to vector<16xi32>
        %add3A_383 = arith.addi %iota3A, %add3A_382 : vector<16xi32>
        %add3A_384 = arith.addi %gather3A_362, %add3A_383 : vector<16xi32>
        %gather3A_385 = tpu.vector_load_idx %arg6[%broadcast_in_dim3A_361, %add3A_384] : memref<400x128xf32, #tpu.memory_space<vmem>>[vector<16xi32>, vector<16xi32>], vector<16xf32>,
        %add3A_386 = arith.addf %add3A_358, %gather3A_385 : vector<16xf32>
        %add3A_387 = arith.constant 56 : i32
        %add3A_388 = arith.addi %add3A_387, %scan3A_196 : i32
        %broadcast_in_dim3A_389 = vector.broadcast %add3A_388 : i32 to vector<16xi32>
        %gather3A_390 = tpu.vector_load_idx %arg11[%broadcast_in_dim3A_389] : memref<400xi32, #tpu.memory_space<vmem>>[vector<16xi32>], vector<16xi32>,
        %add3A_391 = arith.constant 0 : i32
        %add3A_392 = vector.broadcast %add3A_391 : i32 to vector<16xi32>
        %add3A_393 = arith.addi %iota3A, %add3A_392 : vector<16xi32>
        %add3A_394 = arith.addi %gather3A_390, %add3A_393 : vector<16xi32>
        %gather3A_395 = tpu.vector_load_idx %arg6[%broadcast_in_dim3A_389, %add3A_394] : memref<400x128xf32, #tpu.memory_space<vmem>>[vector<16xi32>, vector<16xi32>], vector<16xf32>,
        %add3A_396 = arith.addf %add3A_368, %gather3A_395 : vector<16xf32>
        %add3A_397 = arith.constant 16 : i32
        %add3A_398 = vector.broadcast %add3A_397 : i32 to vector<16xi32>
        %add3A_399 = arith.addi %iota3A, %add3A_398 : vector<16xi32>
        %add3A_400 = arith.addi %gather3A_390, %add3A_399 : vector<16xi32>
        %gather3A_401 = tpu.vector_load_idx %arg6[%broadcast_in_dim3A_389, %add3A_400] : memref<400x128xf32, #tpu.memory_space<vmem>>[vector<16xi32>, vector<16xi32>], vector<16xf32>,
        %add3A_402 = arith.addf %add3A_374, %gather3A_401 : vector<16xf32>
        %add3A_403 = arith.constant 32 : i32
        %add3A_404 = vector.broadcast %add3A_403 : i32 to vector<16xi32>
        %add3A_405 = arith.addi %iota3A, %add3A_404 : vector<16xi32>
        %add3A_406 = arith.addi %gather3A_390, %add3A_405 : vector<16xi32>
        %gather3A_407 = tpu.vector_load_idx %arg6[%broadcast_in_dim3A_389, %add3A_406] : memref<400x128xf32, #tpu.memory_space<vmem>>[vector<16xi32>, vector<16xi32>], vector<16xf32>,
        %add3A_408 = arith.addf %add3A_380, %gather3A_407 : vector<16xf32>
        %add3A_409 = arith.constant 48 : i32
        %add3A_410 = vector.broadcast %add3A_409 : i32 to vector<16xi32>
        %add3A_411 = arith.addi %iota3A, %add3A_410 : vector<16xi32>
        %add3A_412 = arith.addi %gather3A_390, %add3A_411 : vector<16xi32>
        %gather3A_413 = tpu.vector_load_idx %arg6[%broadcast_in_dim3A_389, %add3A_412] : memref<400x128xf32, #tpu.memory_space<vmem>>[vector<16xi32>, vector<16xi32>], vector<16xf32>,
        %add3A_414 = arith.addf %add3A_386, %gather3A_413 : vector<16xf32>
        %add3A_415 = arith.constant 64 : i32
        %add3A_416 = arith.addi %add3A_415, %scan3A_196 : i32
        %broadcast_in_dim3A_417 = vector.broadcast %add3A_416 : i32 to vector<16xi32>
        %gather3A_418 = tpu.vector_load_idx %arg11[%broadcast_in_dim3A_417] : memref<400xi32, #tpu.memory_space<vmem>>[vector<16xi32>], vector<16xi32>,
        %add3A_419 = arith.constant 0 : i32
        %add3A_420 = vector.broadcast %add3A_419 : i32 to vector<16xi32>
        %add3A_421 = arith.addi %iota3A, %add3A_420 : vector<16xi32>
        %add3A_422 = arith.addi %gather3A_418, %add3A_421 : vector<16xi32>
        %gather3A_423 = tpu.vector_load_idx %arg6[%broadcast_in_dim3A_417, %add3A_422] : memref<400x128xf32, #tpu.memory_space<vmem>>[vector<16xi32>, vector<16xi32>], vector<16xf32>,
        %add3A_424 = arith.addf %add3A_396, %gather3A_423 : vector<16xf32>
        %add3A_425 = arith.constant 16 : i32
        %add3A_426 = vector.broadcast %add3A_425 : i32 to vector<16xi32>
        %add3A_427 = arith.addi %iota3A, %add3A_426 : vector<16xi32>
        %add3A_428 = arith.addi %gather3A_418, %add3A_427 : vector<16xi32>
        %gather3A_429 = tpu.vector_load_idx %arg6[%broadcast_in_dim3A_417, %add3A_428] : memref<400x128xf32, #tpu.memory_space<vmem>>[vector<16xi32>, vector<16xi32>], vector<16xf32>,
        %add3A_430 = arith.addf %add3A_402, %gather3A_429 : vector<16xf32>
        %add3A_431 = arith.constant 32 : i32
        %add3A_432 = vector.broadcast %add3A_431 : i32 to vector<16xi32>
        %add3A_433 = arith.addi %iota3A, %add3A_432 : vector<16xi32>
        %add3A_434 = arith.addi %gather3A_418, %add3A_433 : vector<16xi32>
        %gather3A_435 = tpu.vector_load_idx %arg6[%broadcast_in_dim3A_417, %add3A_434] : memref<400x128xf32, #tpu.memory_space<vmem>>[vector<16xi32>, vector<16xi32>], vector<16xf32>,
        %add3A_436 = arith.addf %add3A_408, %gather3A_435 : vector<16xf32>
        %add3A_437 = arith.constant 48 : i32
        %add3A_438 = vector.broadcast %add3A_437 : i32 to vector<16xi32>
        %add3A_439 = arith.addi %iota3A, %add3A_438 : vector<16xi32>
        %add3A_440 = arith.addi %gather3A_418, %add3A_439 : vector<16xi32>
        %gather3A_441 = tpu.vector_load_idx %arg6[%broadcast_in_dim3A_417, %add3A_440] : memref<400x128xf32, #tpu.memory_space<vmem>>[vector<16xi32>, vector<16xi32>], vector<16xf32>,
        %add3A_442 = arith.addf %add3A_414, %gather3A_441 : vector<16xf32>
        %add3A_443 = arith.constant 72 : i32
        %add3A_444 = arith.addi %add3A_443, %scan3A_196 : i32
        %broadcast_in_dim3A_445 = vector.broadcast %add3A_444 : i32 to vector<16xi32>
        %gather3A_446 = tpu.vector_load_idx %arg11[%broadcast_in_dim3A_445] : memref<400xi32, #tpu.memory_space<vmem>>[vector<16xi32>], vector<16xi32>,
        %add3A_447 = arith.constant 0 : i32
        %add3A_448 = vector.broadcast %add3A_447 : i32 to vector<16xi32>
        %add3A_449 = arith.addi %iota3A, %add3A_448 : vector<16xi32>
        %add3A_450 = arith.addi %gather3A_446, %add3A_449 : vector<16xi32>
        %gather3A_451 = tpu.vector_load_idx %arg6[%broadcast_in_dim3A_445, %add3A_450] : memref<400x128xf32, #tpu.memory_space<vmem>>[vector<16xi32>, vector<16xi32>], vector<16xf32>,
        %add3A_452 = arith.addf %add3A_424, %gather3A_451 : vector<16xf32>
        %add3A_453 = arith.constant 16 : i32
        %add3A_454 = vector.broadcast %add3A_453 : i32 to vector<16xi32>
        %add3A_455 = arith.addi %iota3A, %add3A_454 : vector<16xi32>
        %add3A_456 = arith.addi %gather3A_446, %add3A_455 : vector<16xi32>
        %gather3A_457 = tpu.vector_load_idx %arg6[%broadcast_in_dim3A_445, %add3A_456] : memref<400x128xf32, #tpu.memory_space<vmem>>[vector<16xi32>, vector<16xi32>], vector<16xf32>,
        %add3A_458 = arith.addf %add3A_430, %gather3A_457 : vector<16xf32>
        %add3A_459 = arith.constant 32 : i32
        %add3A_460 = vector.broadcast %add3A_459 : i32 to vector<16xi32>
        %add3A_461 = arith.addi %iota3A, %add3A_460 : vector<16xi32>
        %add3A_462 = arith.addi %gather3A_446, %add3A_461 : vector<16xi32>
        %gather3A_463 = tpu.vector_load_idx %arg6[%broadcast_in_dim3A_445, %add3A_462] : memref<400x128xf32, #tpu.memory_space<vmem>>[vector<16xi32>, vector<16xi32>], vector<16xf32>,
        %add3A_464 = arith.addf %add3A_436, %gather3A_463 : vector<16xf32>
        %add3A_465 = arith.constant 48 : i32
        %add3A_466 = vector.broadcast %add3A_465 : i32 to vector<16xi32>
        %add3A_467 = arith.addi %iota3A, %add3A_466 : vector<16xi32>
        %add3A_468 = arith.addi %gather3A_446, %add3A_467 : vector<16xi32>
        %gather3A_469 = tpu.vector_load_idx %arg6[%broadcast_in_dim3A_445, %add3A_468] : memref<400x128xf32, #tpu.memory_space<vmem>>[vector<16xi32>, vector<16xi32>], vector<16xf32>,
        %add3A_470 = arith.addf %add3A_442, %gather3A_469 : vector<16xf32>
        %add3A_471 = arith.constant 80 : i32
        %add3A_472 = arith.addi %add3A_471, %scan3A_196 : i32
        %broadcast_in_dim3A_473 = vector.broadcast %add3A_472 : i32 to vector<16xi32>
        %gather3A_474 = tpu.vector_load_idx %arg11[%broadcast_in_dim3A_473] : memref<400xi32, #tpu.memory_space<vmem>>[vector<16xi32>], vector<16xi32>,
        %add3A_475 = arith.constant 0 : i32
        %add3A_476 = vector.broadcast %add3A_475 : i32 to vector<16xi32>
        %add3A_477 = arith.addi %iota3A, %add3A_476 : vector<16xi32>
        %add3A_478 = arith.addi %gather3A_474, %add3A_477 : vector<16xi32>
        %gather3A_479 = tpu.vector_load_idx %arg6[%broadcast_in_dim3A_473, %add3A_478] : memref<400x128xf32, #tpu.memory_space<vmem>>[vector<16xi32>, vector<16xi32>], vector<16xf32>,
        %add3A_480 = arith.addf %add3A_452, %gather3A_479 : vector<16xf32>
        %add3A_481 = arith.constant 16 : i32
        %add3A_482 = vector.broadcast %add3A_481 : i32 to vector<16xi32>
        %add3A_483 = arith.addi %iota3A, %add3A_482 : vector<16xi32>
        %add3A_484 = arith.addi %gather3A_474, %add3A_483 : vector<16xi32>
        %gather3A_485 = tpu.vector_load_idx %arg6[%broadcast_in_dim3A_473, %add3A_484] : memref<400x128xf32, #tpu.memory_space<vmem>>[vector<16xi32>, vector<16xi32>], vector<16xf32>,
        %add3A_486 = arith.addf %add3A_458, %gather3A_485 : vector<16xf32>
        %add3A_487 = arith.constant 32 : i32
        %add3A_488 = vector.broadcast %add3A_487 : i32 to vector<16xi32>
        %add3A_489 = arith.addi %iota3A, %add3A_488 : vector<16xi32>
        %add3A_490 = arith.addi %gather3A_474, %add3A_489 : vector<16xi32>
        %gather3A_491 = tpu.vector_load_idx %arg6[%broadcast_in_dim3A_473, %add3A_490] : memref<400x128xf32, #tpu.memory_space<vmem>>[vector<16xi32>, vector<16xi32>], vector<16xf32>,
        %add3A_492 = arith.addf %add3A_464, %gather3A_491 : vector<16xf32>
        %add3A_493 = arith.constant 48 : i32
        %add3A_494 = vector.broadcast %add3A_493 : i32 to vector<16xi32>
        %add3A_495 = arith.addi %iota3A, %add3A_494 : vector<16xi32>
        %add3A_496 = arith.addi %gather3A_474, %add3A_495 : vector<16xi32>
        %gather3A_497 = tpu.vector_load_idx %arg6[%broadcast_in_dim3A_473, %add3A_496] : memref<400x128xf32, #tpu.memory_space<vmem>>[vector<16xi32>, vector<16xi32>], vector<16xf32>,
        %add3A_498 = arith.addf %add3A_470, %gather3A_497 : vector<16xf32>
        %add3A_499 = arith.constant 88 : i32
        %add3A_500 = arith.addi %add3A_499, %scan3A_196 : i32
        %broadcast_in_dim3A_501 = vector.broadcast %add3A_500 : i32 to vector<16xi32>
        %gather3A_502 = tpu.vector_load_idx %arg11[%broadcast_in_dim3A_501] : memref<400xi32, #tpu.memory_space<vmem>>[vector<16xi32>], vector<16xi32>,
        %add3A_503 = arith.constant 0 : i32
        %add3A_504 = vector.broadcast %add3A_503 : i32 to vector<16xi32>
        %add3A_505 = arith.addi %iota3A, %add3A_504 : vector<16xi32>
        %add3A_506 = arith.addi %gather3A_502, %add3A_505 : vector<16xi32>
        %gather3A_507 = tpu.vector_load_idx %arg6[%broadcast_in_dim3A_501, %add3A_506] : memref<400x128xf32, #tpu.memory_space<vmem>>[vector<16xi32>, vector<16xi32>], vector<16xf32>,
        %add3A_508 = arith.addf %add3A_480, %gather3A_507 : vector<16xf32>
        %add3A_509 = arith.constant 16 : i32
        %add3A_510 = vector.broadcast %add3A_509 : i32 to vector<16xi32>
        %add3A_511 = arith.addi %iota3A, %add3A_510 : vector<16xi32>
        %add3A_512 = arith.addi %gather3A_502, %add3A_511 : vector<16xi32>
        %gather3A_513 = tpu.vector_load_idx %arg6[%broadcast_in_dim3A_501, %add3A_512] : memref<400x128xf32, #tpu.memory_space<vmem>>[vector<16xi32>, vector<16xi32>], vector<16xf32>,
        %add3A_514 = arith.addf %add3A_486, %gather3A_513 : vector<16xf32>
        %add3A_515 = arith.constant 32 : i32
        %add3A_516 = vector.broadcast %add3A_515 : i32 to vector<16xi32>
        %add3A_517 = arith.addi %iota3A, %add3A_516 : vector<16xi32>
        %add3A_518 = arith.addi %gather3A_502, %add3A_517 : vector<16xi32>
        %gather3A_519 = tpu.vector_load_idx %arg6[%broadcast_in_dim3A_501, %add3A_518] : memref<400x128xf32, #tpu.memory_space<vmem>>[vector<16xi32>, vector<16xi32>], vector<16xf32>,
        %add3A_520 = arith.addf %add3A_492, %gather3A_519 : vector<16xf32>
        %add3A_521 = arith.constant 48 : i32
        %add3A_522 = vector.broadcast %add3A_521 : i32 to vector<16xi32>
        %add3A_523 = arith.addi %iota3A, %add3A_522 : vector<16xi32>
        %add3A_524 = arith.addi %gather3A_502, %add3A_523 : vector<16xi32>
        %gather3A_525 = tpu.vector_load_idx %arg6[%broadcast_in_dim3A_501, %add3A_524] : memref<400x128xf32, #tpu.memory_space<vmem>>[vector<16xi32>, vector<16xi32>], vector<16xf32>,
        %add3A_526 = arith.addf %add3A_498, %gather3A_525 : vector<16xf32>
        %add3A_527 = arith.constant 96 : i32
        %add3A_528 = arith.addi %add3A_527, %scan3A_196 : i32
        %broadcast_in_dim3A_529 = vector.broadcast %add3A_528 : i32 to vector<16xi32>
        %gather3A_530 = tpu.vector_load_idx %arg11[%broadcast_in_dim3A_529] : memref<400xi32, #tpu.memory_space<vmem>>[vector<16xi32>], vector<16xi32>,
        %add3A_531 = arith.constant 0 : i32
        %add3A_532 = vector.broadcast %add3A_531 : i32 to vector<16xi32>
        %add3A_533 = arith.addi %iota3A, %add3A_532 : vector<16xi32>
        %add3A_534 = arith.addi %gather3A_530, %add3A_533 : vector<16xi32>
        %gather3A_535 = tpu.vector_load_idx %arg6[%broadcast_in_dim3A_529, %add3A_534] : memref<400x128xf32, #tpu.memory_space<vmem>>[vector<16xi32>, vector<16xi32>], vector<16xf32>,
        %add3A_536 = arith.addf %add3A_508, %gather3A_535 : vector<16xf32>
        %add3A_537 = arith.constant 16 : i32
        %add3A_538 = vector.broadcast %add3A_537 : i32 to vector<16xi32>
        %add3A_539 = arith.addi %iota3A, %add3A_538 : vector<16xi32>
        %add3A_540 = arith.addi %gather3A_530, %add3A_539 : vector<16xi32>
        %gather3A_541 = tpu.vector_load_idx %arg6[%broadcast_in_dim3A_529, %add3A_540] : memref<400x128xf32, #tpu.memory_space<vmem>>[vector<16xi32>, vector<16xi32>], vector<16xf32>,
        %add3A_542 = arith.addf %add3A_514, %gather3A_541 : vector<16xf32>
        %add3A_543 = arith.constant 32 : i32
        %add3A_544 = vector.broadcast %add3A_543 : i32 to vector<16xi32>
        %add3A_545 = arith.addi %iota3A, %add3A_544 : vector<16xi32>
        %add3A_546 = arith.addi %gather3A_530, %add3A_545 : vector<16xi32>
        %gather3A_547 = tpu.vector_load_idx %arg6[%broadcast_in_dim3A_529, %add3A_546] : memref<400x128xf32, #tpu.memory_space<vmem>>[vector<16xi32>, vector<16xi32>], vector<16xf32>,
        %add3A_548 = arith.addf %add3A_520, %gather3A_547 : vector<16xf32>
        %add3A_549 = arith.constant 48 : i32
        %add3A_550 = vector.broadcast %add3A_549 : i32 to vector<16xi32>
        %add3A_551 = arith.addi %iota3A, %add3A_550 : vector<16xi32>
        %add3A_552 = arith.addi %gather3A_530, %add3A_551 : vector<16xi32>
        %gather3A_553 = tpu.vector_load_idx %arg6[%broadcast_in_dim3A_529, %add3A_552] : memref<400x128xf32, #tpu.memory_space<vmem>>[vector<16xi32>, vector<16xi32>], vector<16xf32>,
        %add3A_554 = arith.addf %add3A_526, %gather3A_553 : vector<16xf32>
        %add3A_555 = arith.constant 104 : i32
        %add3A_556 = arith.addi %add3A_555, %scan3A_196 : i32
        %broadcast_in_dim3A_557 = vector.broadcast %add3A_556 : i32 to vector<16xi32>
        %gather3A_558 = tpu.vector_load_idx %arg11[%broadcast_in_dim3A_557] : memref<400xi32, #tpu.memory_space<vmem>>[vector<16xi32>], vector<16xi32>,
        %add3A_559 = arith.constant 0 : i32
        %add3A_560 = vector.broadcast %add3A_559 : i32 to vector<16xi32>
        %add3A_561 = arith.addi %iota3A, %add3A_560 : vector<16xi32>
        %add3A_562 = arith.addi %gather3A_558, %add3A_561 : vector<16xi32>
        %gather3A_563 = tpu.vector_load_idx %arg6[%broadcast_in_dim3A_557, %add3A_562] : memref<400x128xf32, #tpu.memory_space<vmem>>[vector<16xi32>, vector<16xi32>], vector<16xf32>,
        %add3A_564 = arith.addf %add3A_536, %gather3A_563 : vector<16xf32>
        %add3A_565 = arith.constant 16 : i32
        %add3A_566 = vector.broadcast %add3A_565 : i32 to vector<16xi32>
        %add3A_567 = arith.addi %iota3A, %add3A_566 : vector<16xi32>
        %add3A_568 = arith.addi %gather3A_558, %add3A_567 : vector<16xi32>
        %gather3A_569 = tpu.vector_load_idx %arg6[%broadcast_in_dim3A_557, %add3A_568] : memref<400x128xf32, #tpu.memory_space<vmem>>[vector<16xi32>, vector<16xi32>], vector<16xf32>,
        %add3A_570 = arith.addf %add3A_542, %gather3A_569 : vector<16xf32>
        %add3A_571 = arith.constant 32 : i32
        %add3A_572 = vector.broadcast %add3A_571 : i32 to vector<16xi32>
        %add3A_573 = arith.addi %iota3A, %add3A_572 : vector<16xi32>
        %add3A_574 = arith.addi %gather3A_558, %add3A_573 : vector<16xi32>
        %gather3A_575 = tpu.vector_load_idx %arg6[%broadcast_in_dim3A_557, %add3A_574] : memref<400x128xf32, #tpu.memory_space<vmem>>[vector<16xi32>, vector<16xi32>], vector<16xf32>,
        %add3A_576 = arith.addf %add3A_548, %gather3A_575 : vector<16xf32>
        %add3A_577 = arith.constant 48 : i32
        %add3A_578 = vector.broadcast %add3A_577 : i32 to vector<16xi32>
        %add3A_579 = arith.addi %iota3A, %add3A_578 : vector<16xi32>
        %add3A_580 = arith.addi %gather3A_558, %add3A_579 : vector<16xi32>
        %gather3A_581 = tpu.vector_load_idx %arg6[%broadcast_in_dim3A_557, %add3A_580] : memref<400x128xf32, #tpu.memory_space<vmem>>[vector<16xi32>, vector<16xi32>], vector<16xf32>,
        %add3A_582 = arith.addf %add3A_554, %gather3A_581 : vector<16xf32>
        %add3A_583 = arith.constant 112 : i32
        %add3A_584 = arith.addi %add3A_583, %scan3A_196 : i32
        %broadcast_in_dim3A_585 = vector.broadcast %add3A_584 : i32 to vector<16xi32>
        %gather3A_586 = tpu.vector_load_idx %arg11[%broadcast_in_dim3A_585] : memref<400xi32, #tpu.memory_space<vmem>>[vector<16xi32>], vector<16xi32>,
        %add3A_587 = arith.constant 0 : i32
        %add3A_588 = vector.broadcast %add3A_587 : i32 to vector<16xi32>
        %add3A_589 = arith.addi %iota3A, %add3A_588 : vector<16xi32>
        %add3A_590 = arith.addi %gather3A_586, %add3A_589 : vector<16xi32>
        %gather3A_591 = tpu.vector_load_idx %arg6[%broadcast_in_dim3A_585, %add3A_590] : memref<400x128xf32, #tpu.memory_space<vmem>>[vector<16xi32>, vector<16xi32>], vector<16xf32>,
        %add3A_592 = arith.addf %add3A_564, %gather3A_591 : vector<16xf32>
        %add3A_593 = arith.constant 16 : i32
        %add3A_594 = vector.broadcast %add3A_593 : i32 to vector<16xi32>
        %add3A_595 = arith.addi %iota3A, %add3A_594 : vector<16xi32>
        %add3A_596 = arith.addi %gather3A_586, %add3A_595 : vector<16xi32>
        %gather3A_597 = tpu.vector_load_idx %arg6[%broadcast_in_dim3A_585, %add3A_596] : memref<400x128xf32, #tpu.memory_space<vmem>>[vector<16xi32>, vector<16xi32>], vector<16xf32>,
        %add3A_598 = arith.addf %add3A_570, %gather3A_597 : vector<16xf32>
        %add3A_599 = arith.constant 32 : i32
        %add3A_600 = vector.broadcast %add3A_599 : i32 to vector<16xi32>
        %add3A_601 = arith.addi %iota3A, %add3A_600 : vector<16xi32>
        %add3A_602 = arith.addi %gather3A_586, %add3A_601 : vector<16xi32>
        %gather3A_603 = tpu.vector_load_idx %arg6[%broadcast_in_dim3A_585, %add3A_602] : memref<400x128xf32, #tpu.memory_space<vmem>>[vector<16xi32>, vector<16xi32>], vector<16xf32>,
        %add3A_604 = arith.addf %add3A_576, %gather3A_603 : vector<16xf32>
        %add3A_605 = arith.constant 48 : i32
        %add3A_606 = vector.broadcast %add3A_605 : i32 to vector<16xi32>
        %add3A_607 = arith.addi %iota3A, %add3A_606 : vector<16xi32>
        %add3A_608 = arith.addi %gather3A_586, %add3A_607 : vector<16xi32>
        %gather3A_609 = tpu.vector_load_idx %arg6[%broadcast_in_dim3A_585, %add3A_608] : memref<400x128xf32, #tpu.memory_space<vmem>>[vector<16xi32>, vector<16xi32>], vector<16xf32>,
        %add3A_610 = arith.addf %add3A_582, %gather3A_609 : vector<16xf32>
        %add3A_611 = arith.constant 120 : i32
        %add3A_612 = arith.addi %add3A_611, %scan3A_196 : i32
        %broadcast_in_dim3A_613 = vector.broadcast %add3A_612 : i32 to vector<16xi32>
        %gather3A_614 = tpu.vector_load_idx %arg11[%broadcast_in_dim3A_613] : memref<400xi32, #tpu.memory_space<vmem>>[vector<16xi32>], vector<16xi32>,
        %add3A_615 = arith.constant 0 : i32
        %add3A_616 = vector.broadcast %add3A_615 : i32 to vector<16xi32>
        %add3A_617 = arith.addi %iota3A, %add3A_616 : vector<16xi32>
        %add3A_618 = arith.addi %gather3A_614, %add3A_617 : vector<16xi32>
        %gather3A_619 = tpu.vector_load_idx %arg6[%broadcast_in_dim3A_613, %add3A_618] : memref<400x128xf32, #tpu.memory_space<vmem>>[vector<16xi32>, vector<16xi32>], vector<16xf32>,
        %add3A_620 = arith.addf %add3A_592, %gather3A_619 : vector<16xf32>
        %add3A_621 = arith.constant 16 : i32
        %add3A_622 = vector.broadcast %add3A_621 : i32 to vector<16xi32>
        %add3A_623 = arith.addi %iota3A, %add3A_622 : vector<16xi32>
        %add3A_624 = arith.addi %gather3A_614, %add3A_623 : vector<16xi32>
        %gather3A_625 = tpu.vector_load_idx %arg6[%broadcast_in_dim3A_613, %add3A_624] : memref<400x128xf32, #tpu.memory_space<vmem>>[vector<16xi32>, vector<16xi32>], vector<16xf32>,
        %add3A_626 = arith.addf %add3A_598, %gather3A_625 : vector<16xf32>
        %add3A_627 = arith.constant 32 : i32
        %add3A_628 = vector.broadcast %add3A_627 : i32 to vector<16xi32>
        %add3A_629 = arith.addi %iota3A, %add3A_628 : vector<16xi32>
        %add3A_630 = arith.addi %gather3A_614, %add3A_629 : vector<16xi32>
        %gather3A_631 = tpu.vector_load_idx %arg6[%broadcast_in_dim3A_613, %add3A_630] : memref<400x128xf32, #tpu.memory_space<vmem>>[vector<16xi32>, vector<16xi32>], vector<16xf32>,
        %add3A_632 = arith.addf %add3A_604, %gather3A_631 : vector<16xf32>
        %add3A_633 = arith.constant 48 : i32
        %add3A_634 = vector.broadcast %add3A_633 : i32 to vector<16xi32>
        %add3A_635 = arith.addi %iota3A, %add3A_634 : vector<16xi32>
        %add3A_636 = arith.addi %gather3A_614, %add3A_635 : vector<16xi32>
        %gather3A_637 = tpu.vector_load_idx %arg6[%broadcast_in_dim3A_613, %add3A_636] : memref<400x128xf32, #tpu.memory_space<vmem>>[vector<16xi32>, vector<16xi32>], vector<16xf32>,
        %add3A_638 = arith.addf %add3A_610, %gather3A_637 : vector<16xf32>
        %add3A_639 = arith.constant 128 : i32
        %add3A_640 = arith.addi %add3A_639, %scan3A_196 : i32
        %broadcast_in_dim3A_641 = vector.broadcast %add3A_640 : i32 to vector<16xi32>
        %gather3A_642 = tpu.vector_load_idx %arg11[%broadcast_in_dim3A_641] : memref<400xi32, #tpu.memory_space<vmem>>[vector<16xi32>], vector<16xi32>,
        %add3A_643 = arith.constant 0 : i32
        %add3A_644 = vector.broadcast %add3A_643 : i32 to vector<16xi32>
        %add3A_645 = arith.addi %iota3A, %add3A_644 : vector<16xi32>
        %add3A_646 = arith.addi %gather3A_642, %add3A_645 : vector<16xi32>
        %gather3A_647 = tpu.vector_load_idx %arg6[%broadcast_in_dim3A_641, %add3A_646] : memref<400x128xf32, #tpu.memory_space<vmem>>[vector<16xi32>, vector<16xi32>], vector<16xf32>,
        %add3A_648 = arith.addf %add3A_620, %gather3A_647 : vector<16xf32>
        %add3A_649 = arith.constant 16 : i32
        %add3A_650 = vector.broadcast %add3A_649 : i32 to vector<16xi32>
        %add3A_651 = arith.addi %iota3A, %add3A_650 : vector<16xi32>
        %add3A_652 = arith.addi %gather3A_642, %add3A_651 : vector<16xi32>
        %gather3A_653 = tpu.vector_load_idx %arg6[%broadcast_in_dim3A_641, %add3A_652] : memref<400x128xf32, #tpu.memory_space<vmem>>[vector<16xi32>, vector<16xi32>], vector<16xf32>,
        %add3A_654 = arith.addf %add3A_626, %gather3A_653 : vector<16xf32>
        %add3A_655 = arith.constant 32 : i32
        %add3A_656 = vector.broadcast %add3A_655 : i32 to vector<16xi32>
        %add3A_657 = arith.addi %iota3A, %add3A_656 : vector<16xi32>
        %add3A_658 = arith.addi %gather3A_642, %add3A_657 : vector<16xi32>
        %gather3A_659 = tpu.vector_load_idx %arg6[%broadcast_in_dim3A_641, %add3A_658] : memref<400x128xf32, #tpu.memory_space<vmem>>[vector<16xi32>, vector<16xi32>], vector<16xf32>,
        %add3A_660 = arith.addf %add3A_632, %gather3A_659 : vector<16xf32>
        %add3A_661 = arith.constant 48 : i32
        %add3A_662 = vector.broadcast %add3A_661 : i32 to vector<16xi32>
        %add3A_663 = arith.addi %iota3A, %add3A_662 : vector<16xi32>
        %add3A_664 = arith.addi %gather3A_642, %add3A_663 : vector<16xi32>
        %gather3A_665 = tpu.vector_load_idx %arg6[%broadcast_in_dim3A_641, %add3A_664] : memref<400x128xf32, #tpu.memory_space<vmem>>[vector<16xi32>, vector<16xi32>], vector<16xf32>,
        %add3A_666 = arith.addf %add3A_638, %gather3A_665 : vector<16xf32>
        %add3A_667 = arith.constant 136 : i32
        %add3A_668 = arith.addi %add3A_667, %scan3A_196 : i32
        %broadcast_in_dim3A_669 = vector.broadcast %add3A_668 : i32 to vector<16xi32>
        %gather3A_670 = tpu.vector_load_idx %arg11[%broadcast_in_dim3A_669] : memref<400xi32, #tpu.memory_space<vmem>>[vector<16xi32>], vector<16xi32>,
        %add3A_671 = arith.constant 0 : i32
        %add3A_672 = vector.broadcast %add3A_671 : i32 to vector<16xi32>
        %add3A_673 = arith.addi %iota3A, %add3A_672 : vector<16xi32>
        %add3A_674 = arith.addi %gather3A_670, %add3A_673 : vector<16xi32>
        %gather3A_675 = tpu.vector_load_idx %arg6[%broadcast_in_dim3A_669, %add3A_674] : memref<400x128xf32, #tpu.memory_space<vmem>>[vector<16xi32>, vector<16xi32>], vector<16xf32>,
        %add3A_676 = arith.addf %add3A_648, %gather3A_675 : vector<16xf32>
        %add3A_677 = arith.constant 16 : i32
        %add3A_678 = vector.broadcast %add3A_677 : i32 to vector<16xi32>
        %add3A_679 = arith.addi %iota3A, %add3A_678 : vector<16xi32>
        %add3A_680 = arith.addi %gather3A_670, %add3A_679 : vector<16xi32>
        %gather3A_681 = tpu.vector_load_idx %arg6[%broadcast_in_dim3A_669, %add3A_680] : memref<400x128xf32, #tpu.memory_space<vmem>>[vector<16xi32>, vector<16xi32>], vector<16xf32>,
        %add3A_682 = arith.addf %add3A_654, %gather3A_681 : vector<16xf32>
        %add3A_683 = arith.constant 32 : i32
        %add3A_684 = vector.broadcast %add3A_683 : i32 to vector<16xi32>
        %add3A_685 = arith.addi %iota3A, %add3A_684 : vector<16xi32>
        %add3A_686 = arith.addi %gather3A_670, %add3A_685 : vector<16xi32>
        %gather3A_687 = tpu.vector_load_idx %arg6[%broadcast_in_dim3A_669, %add3A_686] : memref<400x128xf32, #tpu.memory_space<vmem>>[vector<16xi32>, vector<16xi32>], vector<16xf32>,
        %add3A_688 = arith.addf %add3A_660, %gather3A_687 : vector<16xf32>
        %add3A_689 = arith.constant 48 : i32
        %add3A_690 = vector.broadcast %add3A_689 : i32 to vector<16xi32>
        %add3A_691 = arith.addi %iota3A, %add3A_690 : vector<16xi32>
        %add3A_692 = arith.addi %gather3A_670, %add3A_691 : vector<16xi32>
        %gather3A_693 = tpu.vector_load_idx %arg6[%broadcast_in_dim3A_669, %add3A_692] : memref<400x128xf32, #tpu.memory_space<vmem>>[vector<16xi32>, vector<16xi32>], vector<16xf32>,
        %add3A_694 = arith.addf %add3A_666, %gather3A_693 : vector<16xf32>
        %add3A_695 = arith.constant 144 : i32
        %add3A_696 = arith.addi %add3A_695, %scan3A_196 : i32
        %broadcast_in_dim3A_697 = vector.broadcast %add3A_696 : i32 to vector<16xi32>
        %gather3A_698 = tpu.vector_load_idx %arg11[%broadcast_in_dim3A_697] : memref<400xi32, #tpu.memory_space<vmem>>[vector<16xi32>], vector<16xi32>,
        %add3A_699 = arith.constant 0 : i32
        %add3A_700 = vector.broadcast %add3A_699 : i32 to vector<16xi32>
        %add3A_701 = arith.addi %iota3A, %add3A_700 : vector<16xi32>
        %add3A_702 = arith.addi %gather3A_698, %add3A_701 : vector<16xi32>
        %gather3A_703 = tpu.vector_load_idx %arg6[%broadcast_in_dim3A_697, %add3A_702] : memref<400x128xf32, #tpu.memory_space<vmem>>[vector<16xi32>, vector<16xi32>], vector<16xf32>,
        %add3A_704 = arith.addf %add3A_676, %gather3A_703 : vector<16xf32>
        %add3A_705 = arith.constant 16 : i32
        %add3A_706 = vector.broadcast %add3A_705 : i32 to vector<16xi32>
        %add3A_707 = arith.addi %iota3A, %add3A_706 : vector<16xi32>
        %add3A_708 = arith.addi %gather3A_698, %add3A_707 : vector<16xi32>
        %gather3A_709 = tpu.vector_load_idx %arg6[%broadcast_in_dim3A_697, %add3A_708] : memref<400x128xf32, #tpu.memory_space<vmem>>[vector<16xi32>, vector<16xi32>], vector<16xf32>,
        %add3A_710 = arith.addf %add3A_682, %gather3A_709 : vector<16xf32>
        %add3A_711 = arith.constant 32 : i32
        %add3A_712 = vector.broadcast %add3A_711 : i32 to vector<16xi32>
        %add3A_713 = arith.addi %iota3A, %add3A_712 : vector<16xi32>
        %add3A_714 = arith.addi %gather3A_698, %add3A_713 : vector<16xi32>
        %gather3A_715 = tpu.vector_load_idx %arg6[%broadcast_in_dim3A_697, %add3A_714] : memref<400x128xf32, #tpu.memory_space<vmem>>[vector<16xi32>, vector<16xi32>], vector<16xf32>,
        %add3A_716 = arith.addf %add3A_688, %gather3A_715 : vector<16xf32>
        %add3A_717 = arith.constant 48 : i32
        %add3A_718 = vector.broadcast %add3A_717 : i32 to vector<16xi32>
        %add3A_719 = arith.addi %iota3A, %add3A_718 : vector<16xi32>
        %add3A_720 = arith.addi %gather3A_698, %add3A_719 : vector<16xi32>
        %gather3A_721 = tpu.vector_load_idx %arg6[%broadcast_in_dim3A_697, %add3A_720] : memref<400x128xf32, #tpu.memory_space<vmem>>[vector<16xi32>, vector<16xi32>], vector<16xf32>,
        %add3A_722 = arith.addf %add3A_694, %gather3A_721 : vector<16xf32>
        %add3A_723 = arith.constant 152 : i32
        %add3A_724 = arith.addi %add3A_723, %scan3A_196 : i32
        %broadcast_in_dim3A_725 = vector.broadcast %add3A_724 : i32 to vector<16xi32>
        %gather3A_726 = tpu.vector_load_idx %arg11[%broadcast_in_dim3A_725] : memref<400xi32, #tpu.memory_space<vmem>>[vector<16xi32>], vector<16xi32>,
        %add3A_727 = arith.constant 0 : i32
        %add3A_728 = vector.broadcast %add3A_727 : i32 to vector<16xi32>
        %add3A_729 = arith.addi %iota3A, %add3A_728 : vector<16xi32>
        %add3A_730 = arith.addi %gather3A_726, %add3A_729 : vector<16xi32>
        %gather3A_731 = tpu.vector_load_idx %arg6[%broadcast_in_dim3A_725, %add3A_730] : memref<400x128xf32, #tpu.memory_space<vmem>>[vector<16xi32>, vector<16xi32>], vector<16xf32>,
        %add3A_732 = arith.addf %add3A_704, %gather3A_731 : vector<16xf32>
        %add3A_733 = arith.constant 16 : i32
        %add3A_734 = vector.broadcast %add3A_733 : i32 to vector<16xi32>
        %add3A_735 = arith.addi %iota3A, %add3A_734 : vector<16xi32>
        %add3A_736 = arith.addi %gather3A_726, %add3A_735 : vector<16xi32>
        %gather3A_737 = tpu.vector_load_idx %arg6[%broadcast_in_dim3A_725, %add3A_736] : memref<400x128xf32, #tpu.memory_space<vmem>>[vector<16xi32>, vector<16xi32>], vector<16xf32>,
        %add3A_738 = arith.addf %add3A_710, %gather3A_737 : vector<16xf32>
        %add3A_739 = arith.constant 32 : i32
        %add3A_740 = vector.broadcast %add3A_739 : i32 to vector<16xi32>
        %add3A_741 = arith.addi %iota3A, %add3A_740 : vector<16xi32>
        %add3A_742 = arith.addi %gather3A_726, %add3A_741 : vector<16xi32>
        %gather3A_743 = tpu.vector_load_idx %arg6[%broadcast_in_dim3A_725, %add3A_742] : memref<400x128xf32, #tpu.memory_space<vmem>>[vector<16xi32>, vector<16xi32>], vector<16xf32>,
        %add3A_744 = arith.addf %add3A_716, %gather3A_743 : vector<16xf32>
        %add3A_745 = arith.constant 48 : i32
        %add3A_746 = vector.broadcast %add3A_745 : i32 to vector<16xi32>
        %add3A_747 = arith.addi %iota3A, %add3A_746 : vector<16xi32>
        %add3A_748 = arith.addi %gather3A_726, %add3A_747 : vector<16xi32>
        %gather3A_749 = tpu.vector_load_idx %arg6[%broadcast_in_dim3A_725, %add3A_748] : memref<400x128xf32, #tpu.memory_space<vmem>>[vector<16xi32>, vector<16xi32>], vector<16xf32>,
        %add3A_750 = arith.addf %add3A_722, %gather3A_749 : vector<16xf32>
        %add3A_751 = arith.constant 160 : i32
        %add3A_752 = arith.addi %add3A_751, %scan3A_196 : i32
        %broadcast_in_dim3A_753 = vector.broadcast %add3A_752 : i32 to vector<16xi32>
        %gather3A_754 = tpu.vector_load_idx %arg11[%broadcast_in_dim3A_753] : memref<400xi32, #tpu.memory_space<vmem>>[vector<16xi32>], vector<16xi32>,
        %add3A_755 = arith.constant 0 : i32
        %add3A_756 = vector.broadcast %add3A_755 : i32 to vector<16xi32>
        %add3A_757 = arith.addi %iota3A, %add3A_756 : vector<16xi32>
        %add3A_758 = arith.addi %gather3A_754, %add3A_757 : vector<16xi32>
        %gather3A_759 = tpu.vector_load_idx %arg6[%broadcast_in_dim3A_753, %add3A_758] : memref<400x128xf32, #tpu.memory_space<vmem>>[vector<16xi32>, vector<16xi32>], vector<16xf32>,
        %add3A_760 = arith.addf %add3A_732, %gather3A_759 : vector<16xf32>
        %add3A_761 = arith.constant 16 : i32
        %add3A_762 = vector.broadcast %add3A_761 : i32 to vector<16xi32>
        %add3A_763 = arith.addi %iota3A, %add3A_762 : vector<16xi32>
        %add3A_764 = arith.addi %gather3A_754, %add3A_763 : vector<16xi32>
        %gather3A_765 = tpu.vector_load_idx %arg6[%broadcast_in_dim3A_753, %add3A_764] : memref<400x128xf32, #tpu.memory_space<vmem>>[vector<16xi32>, vector<16xi32>], vector<16xf32>,
        %add3A_766 = arith.addf %add3A_738, %gather3A_765 : vector<16xf32>
        %add3A_767 = arith.constant 32 : i32
        %add3A_768 = vector.broadcast %add3A_767 : i32 to vector<16xi32>
        %add3A_769 = arith.addi %iota3A, %add3A_768 : vector<16xi32>
        %add3A_770 = arith.addi %gather3A_754, %add3A_769 : vector<16xi32>
        %gather3A_771 = tpu.vector_load_idx %arg6[%broadcast_in_dim3A_753, %add3A_770] : memref<400x128xf32, #tpu.memory_space<vmem>>[vector<16xi32>, vector<16xi32>], vector<16xf32>,
        %add3A_772 = arith.addf %add3A_744, %gather3A_771 : vector<16xf32>
        %add3A_773 = arith.constant 48 : i32
        %add3A_774 = vector.broadcast %add3A_773 : i32 to vector<16xi32>
        %add3A_775 = arith.addi %iota3A, %add3A_774 : vector<16xi32>
        %add3A_776 = arith.addi %gather3A_754, %add3A_775 : vector<16xi32>
        %gather3A_777 = tpu.vector_load_idx %arg6[%broadcast_in_dim3A_753, %add3A_776] : memref<400x128xf32, #tpu.memory_space<vmem>>[vector<16xi32>, vector<16xi32>], vector<16xf32>,
        %add3A_778 = arith.addf %add3A_750, %gather3A_777 : vector<16xf32>
        %add3A_779 = arith.constant 168 : i32
        %add3A_780 = arith.addi %add3A_779, %scan3A_196 : i32
        %broadcast_in_dim3A_781 = vector.broadcast %add3A_780 : i32 to vector<16xi32>
        %gather3A_782 = tpu.vector_load_idx %arg11[%broadcast_in_dim3A_781] : memref<400xi32, #tpu.memory_space<vmem>>[vector<16xi32>], vector<16xi32>,
        %add3A_783 = arith.constant 0 : i32
        %add3A_784 = vector.broadcast %add3A_783 : i32 to vector<16xi32>
        %add3A_785 = arith.addi %iota3A, %add3A_784 : vector<16xi32>
        %add3A_786 = arith.addi %gather3A_782, %add3A_785 : vector<16xi32>
        %gather3A_787 = tpu.vector_load_idx %arg6[%broadcast_in_dim3A_781, %add3A_786] : memref<400x128xf32, #tpu.memory_space<vmem>>[vector<16xi32>, vector<16xi32>], vector<16xf32>,
        %add3A_788 = arith.addf %add3A_760, %gather3A_787 : vector<16xf32>
        %add3A_789 = arith.constant 16 : i32
        %add3A_790 = vector.broadcast %add3A_789 : i32 to vector<16xi32>
        %add3A_791 = arith.addi %iota3A, %add3A_790 : vector<16xi32>
        %add3A_792 = arith.addi %gather3A_782, %add3A_791 : vector<16xi32>
        %gather3A_793 = tpu.vector_load_idx %arg6[%broadcast_in_dim3A_781, %add3A_792] : memref<400x128xf32, #tpu.memory_space<vmem>>[vector<16xi32>, vector<16xi32>], vector<16xf32>,
        %add3A_794 = arith.addf %add3A_766, %gather3A_793 : vector<16xf32>
        %add3A_795 = arith.constant 32 : i32
        %add3A_796 = vector.broadcast %add3A_795 : i32 to vector<16xi32>
        %add3A_797 = arith.addi %iota3A, %add3A_796 : vector<16xi32>
        %add3A_798 = arith.addi %gather3A_782, %add3A_797 : vector<16xi32>
        %gather3A_799 = tpu.vector_load_idx %arg6[%broadcast_in_dim3A_781, %add3A_798] : memref<400x128xf32, #tpu.memory_space<vmem>>[vector<16xi32>, vector<16xi32>], vector<16xf32>,
        %add3A_800 = arith.addf %add3A_772, %gather3A_799 : vector<16xf32>
        %add3A_801 = arith.constant 48 : i32
        %add3A_802 = vector.broadcast %add3A_801 : i32 to vector<16xi32>
        %add3A_803 = arith.addi %iota3A, %add3A_802 : vector<16xi32>
        %add3A_804 = arith.addi %gather3A_782, %add3A_803 : vector<16xi32>
        %gather3A_805 = tpu.vector_load_idx %arg6[%broadcast_in_dim3A_781, %add3A_804] : memref<400x128xf32, #tpu.memory_space<vmem>>[vector<16xi32>, vector<16xi32>], vector<16xf32>,
        %add3A_806 = arith.addf %add3A_778, %gather3A_805 : vector<16xf32>
        %add3A_807 = arith.constant 176 : i32
        %add3A_808 = arith.addi %add3A_807, %scan3A_196 : i32
        %broadcast_in_dim3A_809 = vector.broadcast %add3A_808 : i32 to vector<16xi32>
        %gather3A_810 = tpu.vector_load_idx %arg11[%broadcast_in_dim3A_809] : memref<400xi32, #tpu.memory_space<vmem>>[vector<16xi32>], vector<16xi32>,
        %add3A_811 = arith.constant 0 : i32
        %add3A_812 = vector.broadcast %add3A_811 : i32 to vector<16xi32>
        %add3A_813 = arith.addi %iota3A, %add3A_812 : vector<16xi32>
        %add3A_814 = arith.addi %gather3A_810, %add3A_813 : vector<16xi32>
        %gather3A_815 = tpu.vector_load_idx %arg6[%broadcast_in_dim3A_809, %add3A_814] : memref<400x128xf32, #tpu.memory_space<vmem>>[vector<16xi32>, vector<16xi32>], vector<16xf32>,
        %add3A_816 = arith.addf %add3A_788, %gather3A_815 : vector<16xf32>
        %add3A_817 = arith.constant 16 : i32
        %add3A_818 = vector.broadcast %add3A_817 : i32 to vector<16xi32>
        %add3A_819 = arith.addi %iota3A, %add3A_818 : vector<16xi32>
        %add3A_820 = arith.addi %gather3A_810, %add3A_819 : vector<16xi32>
        %gather3A_821 = tpu.vector_load_idx %arg6[%broadcast_in_dim3A_809, %add3A_820] : memref<400x128xf32, #tpu.memory_space<vmem>>[vector<16xi32>, vector<16xi32>], vector<16xf32>,
        %add3A_822 = arith.addf %add3A_794, %gather3A_821 : vector<16xf32>
        %add3A_823 = arith.constant 32 : i32
        %add3A_824 = vector.broadcast %add3A_823 : i32 to vector<16xi32>
        %add3A_825 = arith.addi %iota3A, %add3A_824 : vector<16xi32>
        %add3A_826 = arith.addi %gather3A_810, %add3A_825 : vector<16xi32>
        %gather3A_827 = tpu.vector_load_idx %arg6[%broadcast_in_dim3A_809, %add3A_826] : memref<400x128xf32, #tpu.memory_space<vmem>>[vector<16xi32>, vector<16xi32>], vector<16xf32>,
        %add3A_828 = arith.addf %add3A_800, %gather3A_827 : vector<16xf32>
        %add3A_829 = arith.constant 48 : i32
        %add3A_830 = vector.broadcast %add3A_829 : i32 to vector<16xi32>
        %add3A_831 = arith.addi %iota3A, %add3A_830 : vector<16xi32>
        %add3A_832 = arith.addi %gather3A_810, %add3A_831 : vector<16xi32>
        %gather3A_833 = tpu.vector_load_idx %arg6[%broadcast_in_dim3A_809, %add3A_832] : memref<400x128xf32, #tpu.memory_space<vmem>>[vector<16xi32>, vector<16xi32>], vector<16xf32>,
        %add3A_834 = arith.addf %add3A_806, %gather3A_833 : vector<16xf32>
        %add3A_835 = arith.constant 184 : i32
        %add3A_836 = arith.addi %add3A_835, %scan3A_196 : i32
        %broadcast_in_dim3A_837 = vector.broadcast %add3A_836 : i32 to vector<16xi32>
        %gather3A_838 = tpu.vector_load_idx %arg11[%broadcast_in_dim3A_837] : memref<400xi32, #tpu.memory_space<vmem>>[vector<16xi32>], vector<16xi32>,
        %add3A_839 = arith.constant 0 : i32
        %add3A_840 = vector.broadcast %add3A_839 : i32 to vector<16xi32>
        %add3A_841 = arith.addi %iota3A, %add3A_840 : vector<16xi32>
        %add3A_842 = arith.addi %gather3A_838, %add3A_841 : vector<16xi32>
        %gather3A_843 = tpu.vector_load_idx %arg6[%broadcast_in_dim3A_837, %add3A_842] : memref<400x128xf32, #tpu.memory_space<vmem>>[vector<16xi32>, vector<16xi32>], vector<16xf32>,
        %add3A_844 = arith.addf %add3A_816, %gather3A_843 : vector<16xf32>
        %add3A_845 = arith.constant 16 : i32
        %add3A_846 = vector.broadcast %add3A_845 : i32 to vector<16xi32>
        %add3A_847 = arith.addi %iota3A, %add3A_846 : vector<16xi32>
        %add3A_848 = arith.addi %gather3A_838, %add3A_847 : vector<16xi32>
        %gather3A_849 = tpu.vector_load_idx %arg6[%broadcast_in_dim3A_837, %add3A_848] : memref<400x128xf32, #tpu.memory_space<vmem>>[vector<16xi32>, vector<16xi32>], vector<16xf32>,
        %add3A_850 = arith.addf %add3A_822, %gather3A_849 : vector<16xf32>
        %add3A_851 = arith.constant 32 : i32
        %add3A_852 = vector.broadcast %add3A_851 : i32 to vector<16xi32>
        %add3A_853 = arith.addi %iota3A, %add3A_852 : vector<16xi32>
        %add3A_854 = arith.addi %gather3A_838, %add3A_853 : vector<16xi32>
        %gather3A_855 = tpu.vector_load_idx %arg6[%broadcast_in_dim3A_837, %add3A_854] : memref<400x128xf32, #tpu.memory_space<vmem>>[vector<16xi32>, vector<16xi32>], vector<16xf32>,
        %add3A_856 = arith.addf %add3A_828, %gather3A_855 : vector<16xf32>
        %add3A_857 = arith.constant 48 : i32
        %add3A_858 = vector.broadcast %add3A_857 : i32 to vector<16xi32>
        %add3A_859 = arith.addi %iota3A, %add3A_858 : vector<16xi32>
        %add3A_860 = arith.addi %gather3A_838, %add3A_859 : vector<16xi32>
        %gather3A_861 = tpu.vector_load_idx %arg6[%broadcast_in_dim3A_837, %add3A_860] : memref<400x128xf32, #tpu.memory_space<vmem>>[vector<16xi32>, vector<16xi32>], vector<16xf32>,
        %add3A_862 = arith.addf %add3A_834, %gather3A_861 : vector<16xf32>
        %add3A_863 = arith.constant 192 : i32
        %add3A_864 = arith.addi %add3A_863, %scan3A_196 : i32
        %broadcast_in_dim3A_865 = vector.broadcast %add3A_864 : i32 to vector<16xi32>
        %gather3A_866 = tpu.vector_load_idx %arg11[%broadcast_in_dim3A_865] : memref<400xi32, #tpu.memory_space<vmem>>[vector<16xi32>], vector<16xi32>,
        %add3A_867 = arith.constant 0 : i32
        %add3A_868 = vector.broadcast %add3A_867 : i32 to vector<16xi32>
        %add3A_869 = arith.addi %iota3A, %add3A_868 : vector<16xi32>
        %add3A_870 = arith.addi %gather3A_866, %add3A_869 : vector<16xi32>
        %gather3A_871 = tpu.vector_load_idx %arg6[%broadcast_in_dim3A_865, %add3A_870] : memref<400x128xf32, #tpu.memory_space<vmem>>[vector<16xi32>, vector<16xi32>], vector<16xf32>,
        %add3A_872 = arith.addf %add3A_844, %gather3A_871 : vector<16xf32>
        %add3A_873 = arith.constant 16 : i32
        %add3A_874 = vector.broadcast %add3A_873 : i32 to vector<16xi32>
        %add3A_875 = arith.addi %iota3A, %add3A_874 : vector<16xi32>
        %add3A_876 = arith.addi %gather3A_866, %add3A_875 : vector<16xi32>
        %gather3A_877 = tpu.vector_load_idx %arg6[%broadcast_in_dim3A_865, %add3A_876] : memref<400x128xf32, #tpu.memory_space<vmem>>[vector<16xi32>, vector<16xi32>], vector<16xf32>,
        %add3A_878 = arith.addf %add3A_850, %gather3A_877 : vector<16xf32>
        %add3A_879 = arith.constant 32 : i32
        %add3A_880 = vector.broadcast %add3A_879 : i32 to vector<16xi32>
        %add3A_881 = arith.addi %iota3A, %add3A_880 : vector<16xi32>
        %add3A_882 = arith.addi %gather3A_866, %add3A_881 : vector<16xi32>
        %gather3A_883 = tpu.vector_load_idx %arg6[%broadcast_in_dim3A_865, %add3A_882] : memref<400x128xf32, #tpu.memory_space<vmem>>[vector<16xi32>, vector<16xi32>], vector<16xf32>,
        %add3A_884 = arith.addf %add3A_856, %gather3A_883 : vector<16xf32>
        %add3A_885 = arith.constant 48 : i32
        %add3A_886 = vector.broadcast %add3A_885 : i32 to vector<16xi32>
        %add3A_887 = arith.addi %iota3A, %add3A_886 : vector<16xi32>
        %add3A_888 = arith.addi %gather3A_866, %add3A_887 : vector<16xi32>
        %gather3A_889 = tpu.vector_load_idx %arg6[%broadcast_in_dim3A_865, %add3A_888] : memref<400x128xf32, #tpu.memory_space<vmem>>[vector<16xi32>, vector<16xi32>], vector<16xf32>,
        %add3A_890 = arith.addf %add3A_862, %gather3A_889 : vector<16xf32>
        %add3A_891 = arith.constant 200 : i32
        %add3A_892 = arith.addi %add3A_891, %scan3A_196 : i32
        %broadcast_in_dim3A_893 = vector.broadcast %add3A_892 : i32 to vector<16xi32>
        %gather3A_894 = tpu.vector_load_idx %arg11[%broadcast_in_dim3A_893] : memref<400xi32, #tpu.memory_space<vmem>>[vector<16xi32>], vector<16xi32>,
        %add3A_895 = arith.constant 0 : i32
        %add3A_896 = vector.broadcast %add3A_895 : i32 to vector<16xi32>
        %add3A_897 = arith.addi %iota3A, %add3A_896 : vector<16xi32>
        %add3A_898 = arith.addi %gather3A_894, %add3A_897 : vector<16xi32>
        %gather3A_899 = tpu.vector_load_idx %arg6[%broadcast_in_dim3A_893, %add3A_898] : memref<400x128xf32, #tpu.memory_space<vmem>>[vector<16xi32>, vector<16xi32>], vector<16xf32>,
        %add3A_900 = arith.addf %add3A_872, %gather3A_899 : vector<16xf32>
        %add3A_901 = arith.constant 16 : i32
        %add3A_902 = vector.broadcast %add3A_901 : i32 to vector<16xi32>
        %add3A_903 = arith.addi %iota3A, %add3A_902 : vector<16xi32>
        %add3A_904 = arith.addi %gather3A_894, %add3A_903 : vector<16xi32>
        %gather3A_905 = tpu.vector_load_idx %arg6[%broadcast_in_dim3A_893, %add3A_904] : memref<400x128xf32, #tpu.memory_space<vmem>>[vector<16xi32>, vector<16xi32>], vector<16xf32>,
        %add3A_906 = arith.addf %add3A_878, %gather3A_905 : vector<16xf32>
        %add3A_907 = arith.constant 32 : i32
        %add3A_908 = vector.broadcast %add3A_907 : i32 to vector<16xi32>
        %add3A_909 = arith.addi %iota3A, %add3A_908 : vector<16xi32>
        %add3A_910 = arith.addi %gather3A_894, %add3A_909 : vector<16xi32>
        %gather3A_911 = tpu.vector_load_idx %arg6[%broadcast_in_dim3A_893, %add3A_910] : memref<400x128xf32, #tpu.memory_space<vmem>>[vector<16xi32>, vector<16xi32>], vector<16xf32>,
        %add3A_912 = arith.addf %add3A_884, %gather3A_911 : vector<16xf32>
        %add3A_913 = arith.constant 48 : i32
        %add3A_914 = vector.broadcast %add3A_913 : i32 to vector<16xi32>
        %add3A_915 = arith.addi %iota3A, %add3A_914 : vector<16xi32>
        %add3A_916 = arith.addi %gather3A_894, %add3A_915 : vector<16xi32>
        %gather3A_917 = tpu.vector_load_idx %arg6[%broadcast_in_dim3A_893, %add3A_916] : memref<400x128xf32, #tpu.memory_space<vmem>>[vector<16xi32>, vector<16xi32>], vector<16xf32>,
        %add3A_918 = arith.addf %add3A_890, %gather3A_917 : vector<16xf32>
        %add3A_919 = arith.constant 208 : i32
        %add3A_920 = arith.addi %add3A_919, %scan3A_196 : i32
        %broadcast_in_dim3A_921 = vector.broadcast %add3A_920 : i32 to vector<16xi32>
        %gather3A_922 = tpu.vector_load_idx %arg11[%broadcast_in_dim3A_921] : memref<400xi32, #tpu.memory_space<vmem>>[vector<16xi32>], vector<16xi32>,
        %add3A_923 = arith.constant 0 : i32
        %add3A_924 = vector.broadcast %add3A_923 : i32 to vector<16xi32>
        %add3A_925 = arith.addi %iota3A, %add3A_924 : vector<16xi32>
        %add3A_926 = arith.addi %gather3A_922, %add3A_925 : vector<16xi32>
        %gather3A_927 = tpu.vector_load_idx %arg6[%broadcast_in_dim3A_921, %add3A_926] : memref<400x128xf32, #tpu.memory_space<vmem>>[vector<16xi32>, vector<16xi32>], vector<16xf32>,
        %add3A_928 = arith.addf %add3A_900, %gather3A_927 : vector<16xf32>
        %add3A_929 = arith.constant 16 : i32
        %add3A_930 = vector.broadcast %add3A_929 : i32 to vector<16xi32>
        %add3A_931 = arith.addi %iota3A, %add3A_930 : vector<16xi32>
        %add3A_932 = arith.addi %gather3A_922, %add3A_931 : vector<16xi32>
        %gather3A_933 = tpu.vector_load_idx %arg6[%broadcast_in_dim3A_921, %add3A_932] : memref<400x128xf32, #tpu.memory_space<vmem>>[vector<16xi32>, vector<16xi32>], vector<16xf32>,
        %add3A_934 = arith.addf %add3A_906, %gather3A_933 : vector<16xf32>
        %add3A_935 = arith.constant 32 : i32
        %add3A_936 = vector.broadcast %add3A_935 : i32 to vector<16xi32>
        %add3A_937 = arith.addi %iota3A, %add3A_936 : vector<16xi32>
        %add3A_938 = arith.addi %gather3A_922, %add3A_937 : vector<16xi32>
        %gather3A_939 = tpu.vector_load_idx %arg6[%broadcast_in_dim3A_921, %add3A_938] : memref<400x128xf32, #tpu.memory_space<vmem>>[vector<16xi32>, vector<16xi32>], vector<16xf32>,
        %add3A_940 = arith.addf %add3A_912, %gather3A_939 : vector<16xf32>
        %add3A_941 = arith.constant 48 : i32
        %add3A_942 = vector.broadcast %add3A_941 : i32 to vector<16xi32>
        %add3A_943 = arith.addi %iota3A, %add3A_942 : vector<16xi32>
        %add3A_944 = arith.addi %gather3A_922, %add3A_943 : vector<16xi32>
        %gather3A_945 = tpu.vector_load_idx %arg6[%broadcast_in_dim3A_921, %add3A_944] : memref<400x128xf32, #tpu.memory_space<vmem>>[vector<16xi32>, vector<16xi32>], vector<16xf32>,
        %add3A_946 = arith.addf %add3A_918, %gather3A_945 : vector<16xf32>
        %add3A_947 = arith.constant 216 : i32
        %add3A_948 = arith.addi %add3A_947, %scan3A_196 : i32
        %broadcast_in_dim3A_949 = vector.broadcast %add3A_948 : i32 to vector<16xi32>
        %gather3A_950 = tpu.vector_load_idx %arg11[%broadcast_in_dim3A_949] : memref<400xi32, #tpu.memory_space<vmem>>[vector<16xi32>], vector<16xi32>,
        %add3A_951 = arith.constant 0 : i32
        %add3A_952 = vector.broadcast %add3A_951 : i32 to vector<16xi32>
        %add3A_953 = arith.addi %iota3A, %add3A_952 : vector<16xi32>
        %add3A_954 = arith.addi %gather3A_950, %add3A_953 : vector<16xi32>
        %gather3A_955 = tpu.vector_load_idx %arg6[%broadcast_in_dim3A_949, %add3A_954] : memref<400x128xf32, #tpu.memory_space<vmem>>[vector<16xi32>, vector<16xi32>], vector<16xf32>,
        %add3A_956 = arith.addf %add3A_928, %gather3A_955 : vector<16xf32>
        %add3A_957 = arith.constant 16 : i32
        %add3A_958 = vector.broadcast %add3A_957 : i32 to vector<16xi32>
        %add3A_959 = arith.addi %iota3A, %add3A_958 : vector<16xi32>
        %add3A_960 = arith.addi %gather3A_950, %add3A_959 : vector<16xi32>
        %gather3A_961 = tpu.vector_load_idx %arg6[%broadcast_in_dim3A_949, %add3A_960] : memref<400x128xf32, #tpu.memory_space<vmem>>[vector<16xi32>, vector<16xi32>], vector<16xf32>,
        %add3A_962 = arith.addf %add3A_934, %gather3A_961 : vector<16xf32>
        %add3A_963 = arith.constant 32 : i32
        %add3A_964 = vector.broadcast %add3A_963 : i32 to vector<16xi32>
        %add3A_965 = arith.addi %iota3A, %add3A_964 : vector<16xi32>
        %add3A_966 = arith.addi %gather3A_950, %add3A_965 : vector<16xi32>
        %gather3A_967 = tpu.vector_load_idx %arg6[%broadcast_in_dim3A_949, %add3A_966] : memref<400x128xf32, #tpu.memory_space<vmem>>[vector<16xi32>, vector<16xi32>], vector<16xf32>,
        %add3A_968 = arith.addf %add3A_940, %gather3A_967 : vector<16xf32>
        %add3A_969 = arith.constant 48 : i32
        %add3A_970 = vector.broadcast %add3A_969 : i32 to vector<16xi32>
        %add3A_971 = arith.addi %iota3A, %add3A_970 : vector<16xi32>
        %add3A_972 = arith.addi %gather3A_950, %add3A_971 : vector<16xi32>
        %gather3A_973 = tpu.vector_load_idx %arg6[%broadcast_in_dim3A_949, %add3A_972] : memref<400x128xf32, #tpu.memory_space<vmem>>[vector<16xi32>, vector<16xi32>], vector<16xf32>,
        %add3A_974 = arith.addf %add3A_946, %gather3A_973 : vector<16xf32>
        %add3A_975 = arith.constant 224 : i32
        %add3A_976 = arith.addi %add3A_975, %scan3A_196 : i32
        %broadcast_in_dim3A_977 = vector.broadcast %add3A_976 : i32 to vector<16xi32>
        %gather3A_978 = tpu.vector_load_idx %arg11[%broadcast_in_dim3A_977] : memref<400xi32, #tpu.memory_space<vmem>>[vector<16xi32>], vector<16xi32>,
        %add3A_979 = arith.constant 0 : i32
        %add3A_980 = vector.broadcast %add3A_979 : i32 to vector<16xi32>
        %add3A_981 = arith.addi %iota3A, %add3A_980 : vector<16xi32>
        %add3A_982 = arith.addi %gather3A_978, %add3A_981 : vector<16xi32>
        %gather3A_983 = tpu.vector_load_idx %arg6[%broadcast_in_dim3A_977, %add3A_982] : memref<400x128xf32, #tpu.memory_space<vmem>>[vector<16xi32>, vector<16xi32>], vector<16xf32>,
        %add3A_984 = arith.addf %add3A_956, %gather3A_983 : vector<16xf32>
        %add3A_985 = arith.constant 16 : i32
        %add3A_986 = vector.broadcast %add3A_985 : i32 to vector<16xi32>
        %add3A_987 = arith.addi %iota3A, %add3A_986 : vector<16xi32>
        %add3A_988 = arith.addi %gather3A_978, %add3A_987 : vector<16xi32>
        %gather3A_989 = tpu.vector_load_idx %arg6[%broadcast_in_dim3A_977, %add3A_988] : memref<400x128xf32, #tpu.memory_space<vmem>>[vector<16xi32>, vector<16xi32>], vector<16xf32>,
        %add3A_990 = arith.addf %add3A_962, %gather3A_989 : vector<16xf32>
        %add3A_991 = arith.constant 32 : i32
        %add3A_992 = vector.broadcast %add3A_991 : i32 to vector<16xi32>
        %add3A_993 = arith.addi %iota3A, %add3A_992 : vector<16xi32>
        %add3A_994 = arith.addi %gather3A_978, %add3A_993 : vector<16xi32>
        %gather3A_995 = tpu.vector_load_idx %arg6[%broadcast_in_dim3A_977, %add3A_994] : memref<400x128xf32, #tpu.memory_space<vmem>>[vector<16xi32>, vector<16xi32>], vector<16xf32>,
        %add3A_996 = arith.addf %add3A_968, %gather3A_995 : vector<16xf32>
        %add3A_997 = arith.constant 48 : i32
        %add3A_998 = vector.broadcast %add3A_997 : i32 to vector<16xi32>
        %add3A_999 = arith.addi %iota3A, %add3A_998 : vector<16xi32>
        %add3A_1000 = arith.addi %gather3A_978, %add3A_999 : vector<16xi32>
        %gather3A_1001 = tpu.vector_load_idx %arg6[%broadcast_in_dim3A_977, %add3A_1000] : memref<400x128xf32, #tpu.memory_space<vmem>>[vector<16xi32>, vector<16xi32>], vector<16xf32>,
        %add3A_1002 = arith.addf %add3A_974, %gather3A_1001 : vector<16xf32>
        %add3A_1003 = arith.constant 232 : i32
        %add3A_1004 = arith.addi %add3A_1003, %scan3A_196 : i32
        %broadcast_in_dim3A_1005 = vector.broadcast %add3A_1004 : i32 to vector<16xi32>
        %gather3A_1006 = tpu.vector_load_idx %arg11[%broadcast_in_dim3A_1005] : memref<400xi32, #tpu.memory_space<vmem>>[vector<16xi32>], vector<16xi32>,
        %add3A_1007 = arith.constant 0 : i32
        %add3A_1008 = vector.broadcast %add3A_1007 : i32 to vector<16xi32>
        %add3A_1009 = arith.addi %iota3A, %add3A_1008 : vector<16xi32>
        %add3A_1010 = arith.addi %gather3A_1006, %add3A_1009 : vector<16xi32>
        %gather3A_1011 = tpu.vector_load_idx %arg6[%broadcast_in_dim3A_1005, %add3A_1010] : memref<400x128xf32, #tpu.memory_space<vmem>>[vector<16xi32>, vector<16xi32>], vector<16xf32>,
        %add3A_1012 = arith.addf %add3A_984, %gather3A_1011 : vector<16xf32>
        %add3A_1013 = arith.constant 16 : i32
        %add3A_1014 = vector.broadcast %add3A_1013 : i32 to vector<16xi32>
        %add3A_1015 = arith.addi %iota3A, %add3A_1014 : vector<16xi32>
        %add3A_1016 = arith.addi %gather3A_1006, %add3A_1015 : vector<16xi32>
        %gather3A_1017 = tpu.vector_load_idx %arg6[%broadcast_in_dim3A_1005, %add3A_1016] : memref<400x128xf32, #tpu.memory_space<vmem>>[vector<16xi32>, vector<16xi32>], vector<16xf32>,
        %add3A_1018 = arith.addf %add3A_990, %gather3A_1017 : vector<16xf32>
        %add3A_1019 = arith.constant 32 : i32
        %add3A_1020 = vector.broadcast %add3A_1019 : i32 to vector<16xi32>
        %add3A_1021 = arith.addi %iota3A, %add3A_1020 : vector<16xi32>
        %add3A_1022 = arith.addi %gather3A_1006, %add3A_1021 : vector<16xi32>
        %gather3A_1023 = tpu.vector_load_idx %arg6[%broadcast_in_dim3A_1005, %add3A_1022] : memref<400x128xf32, #tpu.memory_space<vmem>>[vector<16xi32>, vector<16xi32>], vector<16xf32>,
        %add3A_1024 = arith.addf %add3A_996, %gather3A_1023 : vector<16xf32>
        %add3A_1025 = arith.constant 48 : i32
        %add3A_1026 = vector.broadcast %add3A_1025 : i32 to vector<16xi32>
        %add3A_1027 = arith.addi %iota3A, %add3A_1026 : vector<16xi32>
        %add3A_1028 = arith.addi %gather3A_1006, %add3A_1027 : vector<16xi32>
        %gather3A_1029 = tpu.vector_load_idx %arg6[%broadcast_in_dim3A_1005, %add3A_1028] : memref<400x128xf32, #tpu.memory_space<vmem>>[vector<16xi32>, vector<16xi32>], vector<16xf32>,
        %add3A_1030 = arith.addf %add3A_1002, %gather3A_1029 : vector<16xf32>
        %add3A_1031 = arith.constant 240 : i32
        %add3A_1032 = arith.addi %add3A_1031, %scan3A_196 : i32
        %broadcast_in_dim3A_1033 = vector.broadcast %add3A_1032 : i32 to vector<16xi32>
        %gather3A_1034 = tpu.vector_load_idx %arg11[%broadcast_in_dim3A_1033] : memref<400xi32, #tpu.memory_space<vmem>>[vector<16xi32>], vector<16xi32>,
        %add3A_1035 = arith.constant 0 : i32
        %add3A_1036 = vector.broadcast %add3A_1035 : i32 to vector<16xi32>
        %add3A_1037 = arith.addi %iota3A, %add3A_1036 : vector<16xi32>
        %add3A_1038 = arith.addi %gather3A_1034, %add3A_1037 : vector<16xi32>
        %gather3A_1039 = tpu.vector_load_idx %arg6[%broadcast_in_dim3A_1033, %add3A_1038] : memref<400x128xf32, #tpu.memory_space<vmem>>[vector<16xi32>, vector<16xi32>], vector<16xf32>,
        %add3A_1040 = arith.addf %add3A_1012, %gather3A_1039 : vector<16xf32>
        %add3A_1041 = arith.constant 16 : i32
        %add3A_1042 = vector.broadcast %add3A_1041 : i32 to vector<16xi32>
        %add3A_1043 = arith.addi %iota3A, %add3A_1042 : vector<16xi32>
        %add3A_1044 = arith.addi %gather3A_1034, %add3A_1043 : vector<16xi32>
        %gather3A_1045 = tpu.vector_load_idx %arg6[%broadcast_in_dim3A_1033, %add3A_1044] : memref<400x128xf32, #tpu.memory_space<vmem>>[vector<16xi32>, vector<16xi32>], vector<16xf32>,
        %add3A_1046 = arith.addf %add3A_1018, %gather3A_1045 : vector<16xf32>
        %add3A_1047 = arith.constant 32 : i32
        %add3A_1048 = vector.broadcast %add3A_1047 : i32 to vector<16xi32>
        %add3A_1049 = arith.addi %iota3A, %add3A_1048 : vector<16xi32>
        %add3A_1050 = arith.addi %gather3A_1034, %add3A_1049 : vector<16xi32>
        %gather3A_1051 = tpu.vector_load_idx %arg6[%broadcast_in_dim3A_1033, %add3A_1050] : memref<400x128xf32, #tpu.memory_space<vmem>>[vector<16xi32>, vector<16xi32>], vector<16xf32>,
        %add3A_1052 = arith.addf %add3A_1024, %gather3A_1051 : vector<16xf32>
        %add3A_1053 = arith.constant 48 : i32
        %add3A_1054 = vector.broadcast %add3A_1053 : i32 to vector<16xi32>
        %add3A_1055 = arith.addi %iota3A, %add3A_1054 : vector<16xi32>
        %add3A_1056 = arith.addi %gather3A_1034, %add3A_1055 : vector<16xi32>
        %gather3A_1057 = tpu.vector_load_idx %arg6[%broadcast_in_dim3A_1033, %add3A_1056] : memref<400x128xf32, #tpu.memory_space<vmem>>[vector<16xi32>, vector<16xi32>], vector<16xf32>,
        %add3A_1058 = arith.addf %add3A_1030, %gather3A_1057 : vector<16xf32>
        %add3A_1059 = arith.constant 248 : i32
        %add3A_1060 = arith.addi %add3A_1059, %scan3A_196 : i32
        %broadcast_in_dim3A_1061 = vector.broadcast %add3A_1060 : i32 to vector<16xi32>
        %gather3A_1062 = tpu.vector_load_idx %arg11[%broadcast_in_dim3A_1061] : memref<400xi32, #tpu.memory_space<vmem>>[vector<16xi32>], vector<16xi32>,
        %add3A_1063 = arith.constant 0 : i32
        %add3A_1064 = vector.broadcast %add3A_1063 : i32 to vector<16xi32>
        %add3A_1065 = arith.addi %iota3A, %add3A_1064 : vector<16xi32>
        %add3A_1066 = arith.addi %gather3A_1062, %add3A_1065 : vector<16xi32>
        %gather3A_1067 = tpu.vector_load_idx %arg6[%broadcast_in_dim3A_1061, %add3A_1066] : memref<400x128xf32, #tpu.memory_space<vmem>>[vector<16xi32>, vector<16xi32>], vector<16xf32>,
        %add3A_1068 = arith.addf %add3A_1040, %gather3A_1067 : vector<16xf32>
        %add3A_1069 = arith.constant 16 : i32
        %add3A_1070 = vector.broadcast %add3A_1069 : i32 to vector<16xi32>
        %add3A_1071 = arith.addi %iota3A, %add3A_1070 : vector<16xi32>
        %add3A_1072 = arith.addi %gather3A_1062, %add3A_1071 : vector<16xi32>
        %gather3A_1073 = tpu.vector_load_idx %arg6[%broadcast_in_dim3A_1061, %add3A_1072] : memref<400x128xf32, #tpu.memory_space<vmem>>[vector<16xi32>, vector<16xi32>], vector<16xf32>,
        %add3A_1074 = arith.addf %add3A_1046, %gather3A_1073 : vector<16xf32>
        %add3A_1075 = arith.constant 32 : i32
        %add3A_1076 = vector.broadcast %add3A_1075 : i32 to vector<16xi32>
        %add3A_1077 = arith.addi %iota3A, %add3A_1076 : vector<16xi32>
        %add3A_1078 = arith.addi %gather3A_1062, %add3A_1077 : vector<16xi32>
        %gather3A_1079 = tpu.vector_load_idx %arg6[%broadcast_in_dim3A_1061, %add3A_1078] : memref<400x128xf32, #tpu.memory_space<vmem>>[vector<16xi32>, vector<16xi32>], vector<16xf32>,
        %add3A_1080 = arith.addf %add3A_1052, %gather3A_1079 : vector<16xf32>
        %add3A_1081 = arith.constant 48 : i32
        %add3A_1082 = vector.broadcast %add3A_1081 : i32 to vector<16xi32>
        %add3A_1083 = arith.addi %iota3A, %add3A_1082 : vector<16xi32>
        %add3A_1084 = arith.addi %gather3A_1062, %add3A_1083 : vector<16xi32>
        %gather3A_1085 = tpu.vector_load_idx %arg6[%broadcast_in_dim3A_1061, %add3A_1084] : memref<400x128xf32, #tpu.memory_space<vmem>>[vector<16xi32>, vector<16xi32>], vector<16xf32>,
        %add3A_1086 = arith.addf %add3A_1058, %gather3A_1085 : vector<16xf32>
        %add3A_1087 = arith.constant 256 : i32
        %add3A_1088 = arith.addi %add3A_1087, %scan3A_196 : i32
        %broadcast_in_dim3A_1089 = vector.broadcast %add3A_1088 : i32 to vector<16xi32>
        %gather3A_1090 = tpu.vector_load_idx %arg11[%broadcast_in_dim3A_1089] : memref<400xi32, #tpu.memory_space<vmem>>[vector<16xi32>], vector<16xi32>,
        %add3A_1091 = arith.constant 0 : i32
        %add3A_1092 = vector.broadcast %add3A_1091 : i32 to vector<16xi32>
        %add3A_1093 = arith.addi %iota3A, %add3A_1092 : vector<16xi32>
        %add3A_1094 = arith.addi %gather3A_1090, %add3A_1093 : vector<16xi32>
        %gather3A_1095 = tpu.vector_load_idx %arg6[%broadcast_in_dim3A_1089, %add3A_1094] : memref<400x128xf32, #tpu.memory_space<vmem>>[vector<16xi32>, vector<16xi32>], vector<16xf32>,
        %add3A_1096 = arith.addf %add3A_1068, %gather3A_1095 : vector<16xf32>
        %add3A_1097 = arith.constant 16 : i32
        %add3A_1098 = vector.broadcast %add3A_1097 : i32 to vector<16xi32>
        %add3A_1099 = arith.addi %iota3A, %add3A_1098 : vector<16xi32>
        %add3A_1100 = arith.addi %gather3A_1090, %add3A_1099 : vector<16xi32>
        %gather3A_1101 = tpu.vector_load_idx %arg6[%broadcast_in_dim3A_1089, %add3A_1100] : memref<400x128xf32, #tpu.memory_space<vmem>>[vector<16xi32>, vector<16xi32>], vector<16xf32>,
        %add3A_1102 = arith.addf %add3A_1074, %gather3A_1101 : vector<16xf32>
        %add3A_1103 = arith.constant 32 : i32
        %add3A_1104 = vector.broadcast %add3A_1103 : i32 to vector<16xi32>
        %add3A_1105 = arith.addi %iota3A, %add3A_1104 : vector<16xi32>
        %add3A_1106 = arith.addi %gather3A_1090, %add3A_1105 : vector<16xi32>
        %gather3A_1107 = tpu.vector_load_idx %arg6[%broadcast_in_dim3A_1089, %add3A_1106] : memref<400x128xf32, #tpu.memory_space<vmem>>[vector<16xi32>, vector<16xi32>], vector<16xf32>,
        %add3A_1108 = arith.addf %add3A_1080, %gather3A_1107 : vector<16xf32>
        %add3A_1109 = arith.constant 48 : i32
        %add3A_1110 = vector.broadcast %add3A_1109 : i32 to vector<16xi32>
        %add3A_1111 = arith.addi %iota3A, %add3A_1110 : vector<16xi32>
        %add3A_1112 = arith.addi %gather3A_1090, %add3A_1111 : vector<16xi32>
        %gather3A_1113 = tpu.vector_load_idx %arg6[%broadcast_in_dim3A_1089, %add3A_1112] : memref<400x128xf32, #tpu.memory_space<vmem>>[vector<16xi32>, vector<16xi32>], vector<16xf32>,
        %add3A_1114 = arith.addf %add3A_1086, %gather3A_1113 : vector<16xf32>
        %add3A_1115 = arith.constant 264 : i32
        %add3A_1116 = arith.addi %add3A_1115, %scan3A_196 : i32
        %broadcast_in_dim3A_1117 = vector.broadcast %add3A_1116 : i32 to vector<16xi32>
        %gather3A_1118 = tpu.vector_load_idx %arg11[%broadcast_in_dim3A_1117] : memref<400xi32, #tpu.memory_space<vmem>>[vector<16xi32>], vector<16xi32>,
        %add3A_1119 = arith.constant 0 : i32
        %add3A_1120 = vector.broadcast %add3A_1119 : i32 to vector<16xi32>
        %add3A_1121 = arith.addi %iota3A, %add3A_1120 : vector<16xi32>
        %add3A_1122 = arith.addi %gather3A_1118, %add3A_1121 : vector<16xi32>
        %gather3A_1123 = tpu.vector_load_idx %arg6[%broadcast_in_dim3A_1117, %add3A_1122] : memref<400x128xf32, #tpu.memory_space<vmem>>[vector<16xi32>, vector<16xi32>], vector<16xf32>,
        %add3A_1124 = arith.addf %add3A_1096, %gather3A_1123 : vector<16xf32>
        %add3A_1125 = arith.constant 16 : i32
        %add3A_1126 = vector.broadcast %add3A_1125 : i32 to vector<16xi32>
        %add3A_1127 = arith.addi %iota3A, %add3A_1126 : vector<16xi32>
        %add3A_1128 = arith.addi %gather3A_1118, %add3A_1127 : vector<16xi32>
        %gather3A_1129 = tpu.vector_load_idx %arg6[%broadcast_in_dim3A_1117, %add3A_1128] : memref<400x128xf32, #tpu.memory_space<vmem>>[vector<16xi32>, vector<16xi32>], vector<16xf32>,
        %add3A_1130 = arith.addf %add3A_1102, %gather3A_1129 : vector<16xf32>
        %add3A_1131 = arith.constant 32 : i32
        %add3A_1132 = vector.broadcast %add3A_1131 : i32 to vector<16xi32>
        %add3A_1133 = arith.addi %iota3A, %add3A_1132 : vector<16xi32>
        %add3A_1134 = arith.addi %gather3A_1118, %add3A_1133 : vector<16xi32>
        %gather3A_1135 = tpu.vector_load_idx %arg6[%broadcast_in_dim3A_1117, %add3A_1134] : memref<400x128xf32, #tpu.memory_space<vmem>>[vector<16xi32>, vector<16xi32>], vector<16xf32>,
        %add3A_1136 = arith.addf %add3A_1108, %gather3A_1135 : vector<16xf32>
        %add3A_1137 = arith.constant 48 : i32
        %add3A_1138 = vector.broadcast %add3A_1137 : i32 to vector<16xi32>
        %add3A_1139 = arith.addi %iota3A, %add3A_1138 : vector<16xi32>
        %add3A_1140 = arith.addi %gather3A_1118, %add3A_1139 : vector<16xi32>
        %gather3A_1141 = tpu.vector_load_idx %arg6[%broadcast_in_dim3A_1117, %add3A_1140] : memref<400x128xf32, #tpu.memory_space<vmem>>[vector<16xi32>, vector<16xi32>], vector<16xf32>,
        %add3A_1142 = arith.addf %add3A_1114, %gather3A_1141 : vector<16xf32>
        %add3A_1143 = arith.constant 272 : i32
        %add3A_1144 = arith.addi %add3A_1143, %scan3A_196 : i32
        %broadcast_in_dim3A_1145 = vector.broadcast %add3A_1144 : i32 to vector<16xi32>
        %gather3A_1146 = tpu.vector_load_idx %arg11[%broadcast_in_dim3A_1145] : memref<400xi32, #tpu.memory_space<vmem>>[vector<16xi32>], vector<16xi32>,
        %add3A_1147 = arith.constant 0 : i32
        %add3A_1148 = vector.broadcast %add3A_1147 : i32 to vector<16xi32>
        %add3A_1149 = arith.addi %iota3A, %add3A_1148 : vector<16xi32>
        %add3A_1150 = arith.addi %gather3A_1146, %add3A_1149 : vector<16xi32>
        %gather3A_1151 = tpu.vector_load_idx %arg6[%broadcast_in_dim3A_1145, %add3A_1150] : memref<400x128xf32, #tpu.memory_space<vmem>>[vector<16xi32>, vector<16xi32>], vector<16xf32>,
        %add3A_1152 = arith.addf %add3A_1124, %gather3A_1151 : vector<16xf32>
        %add3A_1153 = arith.constant 16 : i32
        %add3A_1154 = vector.broadcast %add3A_1153 : i32 to vector<16xi32>
        %add3A_1155 = arith.addi %iota3A, %add3A_1154 : vector<16xi32>
        %add3A_1156 = arith.addi %gather3A_1146, %add3A_1155 : vector<16xi32>
        %gather3A_1157 = tpu.vector_load_idx %arg6[%broadcast_in_dim3A_1145, %add3A_1156] : memref<400x128xf32, #tpu.memory_space<vmem>>[vector<16xi32>, vector<16xi32>], vector<16xf32>,
        %add3A_1158 = arith.addf %add3A_1130, %gather3A_1157 : vector<16xf32>
        %add3A_1159 = arith.constant 32 : i32
        %add3A_1160 = vector.broadcast %add3A_1159 : i32 to vector<16xi32>
        %add3A_1161 = arith.addi %iota3A, %add3A_1160 : vector<16xi32>
        %add3A_1162 = arith.addi %gather3A_1146, %add3A_1161 : vector<16xi32>
        %gather3A_1163 = tpu.vector_load_idx %arg6[%broadcast_in_dim3A_1145, %add3A_1162] : memref<400x128xf32, #tpu.memory_space<vmem>>[vector<16xi32>, vector<16xi32>], vector<16xf32>,
        %add3A_1164 = arith.addf %add3A_1136, %gather3A_1163 : vector<16xf32>
        %add3A_1165 = arith.constant 48 : i32
        %add3A_1166 = vector.broadcast %add3A_1165 : i32 to vector<16xi32>
        %add3A_1167 = arith.addi %iota3A, %add3A_1166 : vector<16xi32>
        %add3A_1168 = arith.addi %gather3A_1146, %add3A_1167 : vector<16xi32>
        %gather3A_1169 = tpu.vector_load_idx %arg6[%broadcast_in_dim3A_1145, %add3A_1168] : memref<400x128xf32, #tpu.memory_space<vmem>>[vector<16xi32>, vector<16xi32>], vector<16xf32>,
        %add3A_1170 = arith.addf %add3A_1142, %gather3A_1169 : vector<16xf32>
        %add3A_1171 = arith.constant 280 : i32
        %add3A_1172 = arith.addi %add3A_1171, %scan3A_196 : i32
        %broadcast_in_dim3A_1173 = vector.broadcast %add3A_1172 : i32 to vector<16xi32>
        %gather3A_1174 = tpu.vector_load_idx %arg11[%broadcast_in_dim3A_1173] : memref<400xi32, #tpu.memory_space<vmem>>[vector<16xi32>], vector<16xi32>,
        %add3A_1175 = arith.constant 0 : i32
        %add3A_1176 = vector.broadcast %add3A_1175 : i32 to vector<16xi32>
        %add3A_1177 = arith.addi %iota3A, %add3A_1176 : vector<16xi32>
        %add3A_1178 = arith.addi %gather3A_1174, %add3A_1177 : vector<16xi32>
        %gather3A_1179 = tpu.vector_load_idx %arg6[%broadcast_in_dim3A_1173, %add3A_1178] : memref<400x128xf32, #tpu.memory_space<vmem>>[vector<16xi32>, vector<16xi32>], vector<16xf32>,
        %add3A_1180 = arith.addf %add3A_1152, %gather3A_1179 : vector<16xf32>
        %add3A_1181 = arith.constant 16 : i32
        %add3A_1182 = vector.broadcast %add3A_1181 : i32 to vector<16xi32>
        %add3A_1183 = arith.addi %iota3A, %add3A_1182 : vector<16xi32>
        %add3A_1184 = arith.addi %gather3A_1174, %add3A_1183 : vector<16xi32>
        %gather3A_1185 = tpu.vector_load_idx %arg6[%broadcast_in_dim3A_1173, %add3A_1184] : memref<400x128xf32, #tpu.memory_space<vmem>>[vector<16xi32>, vector<16xi32>], vector<16xf32>,
        %add3A_1186 = arith.addf %add3A_1158, %gather3A_1185 : vector<16xf32>
        %add3A_1187 = arith.constant 32 : i32
        %add3A_1188 = vector.broadcast %add3A_1187 : i32 to vector<16xi32>
        %add3A_1189 = arith.addi %iota3A, %add3A_1188 : vector<16xi32>
        %add3A_1190 = arith.addi %gather3A_1174, %add3A_1189 : vector<16xi32>
        %gather3A_1191 = tpu.vector_load_idx %arg6[%broadcast_in_dim3A_1173, %add3A_1190] : memref<400x128xf32, #tpu.memory_space<vmem>>[vector<16xi32>, vector<16xi32>], vector<16xf32>,
        %add3A_1192 = arith.addf %add3A_1164, %gather3A_1191 : vector<16xf32>
        %add3A_1193 = arith.constant 48 : i32
        %add3A_1194 = vector.broadcast %add3A_1193 : i32 to vector<16xi32>
        %add3A_1195 = arith.addi %iota3A, %add3A_1194 : vector<16xi32>
        %add3A_1196 = arith.addi %gather3A_1174, %add3A_1195 : vector<16xi32>
        %gather3A_1197 = tpu.vector_load_idx %arg6[%broadcast_in_dim3A_1173, %add3A_1196] : memref<400x128xf32, #tpu.memory_space<vmem>>[vector<16xi32>, vector<16xi32>], vector<16xf32>,
        %add3A_1198 = arith.addf %add3A_1170, %gather3A_1197 : vector<16xf32>
        %add3A_1199 = arith.constant 288 : i32
        %add3A_1200 = arith.addi %add3A_1199, %scan3A_196 : i32
        %broadcast_in_dim3A_1201 = vector.broadcast %add3A_1200 : i32 to vector<16xi32>
        %gather3A_1202 = tpu.vector_load_idx %arg11[%broadcast_in_dim3A_1201] : memref<400xi32, #tpu.memory_space<vmem>>[vector<16xi32>], vector<16xi32>,
        %add3A_1203 = arith.constant 0 : i32
        %add3A_1204 = vector.broadcast %add3A_1203 : i32 to vector<16xi32>
        %add3A_1205 = arith.addi %iota3A, %add3A_1204 : vector<16xi32>
        %add3A_1206 = arith.addi %gather3A_1202, %add3A_1205 : vector<16xi32>
        %gather3A_1207 = tpu.vector_load_idx %arg6[%broadcast_in_dim3A_1201, %add3A_1206] : memref<400x128xf32, #tpu.memory_space<vmem>>[vector<16xi32>, vector<16xi32>], vector<16xf32>,
        %add3A_1208 = arith.addf %add3A_1180, %gather3A_1207 : vector<16xf32>
        %add3A_1209 = arith.constant 16 : i32
        %add3A_1210 = vector.broadcast %add3A_1209 : i32 to vector<16xi32>
        %add3A_1211 = arith.addi %iota3A, %add3A_1210 : vector<16xi32>
        %add3A_1212 = arith.addi %gather3A_1202, %add3A_1211 : vector<16xi32>
        %gather3A_1213 = tpu.vector_load_idx %arg6[%broadcast_in_dim3A_1201, %add3A_1212] : memref<400x128xf32, #tpu.memory_space<vmem>>[vector<16xi32>, vector<16xi32>], vector<16xf32>,
        %add3A_1214 = arith.addf %add3A_1186, %gather3A_1213 : vector<16xf32>
        %add3A_1215 = arith.constant 32 : i32
        %add3A_1216 = vector.broadcast %add3A_1215 : i32 to vector<16xi32>
        %add3A_1217 = arith.addi %iota3A, %add3A_1216 : vector<16xi32>
        %add3A_1218 = arith.addi %gather3A_1202, %add3A_1217 : vector<16xi32>
        %gather3A_1219 = tpu.vector_load_idx %arg6[%broadcast_in_dim3A_1201, %add3A_1218] : memref<400x128xf32, #tpu.memory_space<vmem>>[vector<16xi32>, vector<16xi32>], vector<16xf32>,
        %add3A_1220 = arith.addf %add3A_1192, %gather3A_1219 : vector<16xf32>
        %add3A_1221 = arith.constant 48 : i32
        %add3A_1222 = vector.broadcast %add3A_1221 : i32 to vector<16xi32>
        %add3A_1223 = arith.addi %iota3A, %add3A_1222 : vector<16xi32>
        %add3A_1224 = arith.addi %gather3A_1202, %add3A_1223 : vector<16xi32>
        %gather3A_1225 = tpu.vector_load_idx %arg6[%broadcast_in_dim3A_1201, %add3A_1224] : memref<400x128xf32, #tpu.memory_space<vmem>>[vector<16xi32>, vector<16xi32>], vector<16xf32>,
        %add3A_1226 = arith.addf %add3A_1198, %gather3A_1225 : vector<16xf32>
        %add3A_1227 = arith.constant 296 : i32
        %add3A_1228 = arith.addi %add3A_1227, %scan3A_196 : i32
        %broadcast_in_dim3A_1229 = vector.broadcast %add3A_1228 : i32 to vector<16xi32>
        %gather3A_1230 = tpu.vector_load_idx %arg11[%broadcast_in_dim3A_1229] : memref<400xi32, #tpu.memory_space<vmem>>[vector<16xi32>], vector<16xi32>,
        %add3A_1231 = arith.constant 0 : i32
        %add3A_1232 = vector.broadcast %add3A_1231 : i32 to vector<16xi32>
        %add3A_1233 = arith.addi %iota3A, %add3A_1232 : vector<16xi32>
        %add3A_1234 = arith.addi %gather3A_1230, %add3A_1233 : vector<16xi32>
        %gather3A_1235 = tpu.vector_load_idx %arg6[%broadcast_in_dim3A_1229, %add3A_1234] : memref<400x128xf32, #tpu.memory_space<vmem>>[vector<16xi32>, vector<16xi32>], vector<16xf32>,
        %add3A_1236 = arith.addf %add3A_1208, %gather3A_1235 : vector<16xf32>
        %add3A_1237 = arith.constant 16 : i32
        %add3A_1238 = vector.broadcast %add3A_1237 : i32 to vector<16xi32>
        %add3A_1239 = arith.addi %iota3A, %add3A_1238 : vector<16xi32>
        %add3A_1240 = arith.addi %gather3A_1230, %add3A_1239 : vector<16xi32>
        %gather3A_1241 = tpu.vector_load_idx %arg6[%broadcast_in_dim3A_1229, %add3A_1240] : memref<400x128xf32, #tpu.memory_space<vmem>>[vector<16xi32>, vector<16xi32>], vector<16xf32>,
        %add3A_1242 = arith.addf %add3A_1214, %gather3A_1241 : vector<16xf32>
        %add3A_1243 = arith.constant 32 : i32
        %add3A_1244 = vector.broadcast %add3A_1243 : i32 to vector<16xi32>
        %add3A_1245 = arith.addi %iota3A, %add3A_1244 : vector<16xi32>
        %add3A_1246 = arith.addi %gather3A_1230, %add3A_1245 : vector<16xi32>
        %gather3A_1247 = tpu.vector_load_idx %arg6[%broadcast_in_dim3A_1229, %add3A_1246] : memref<400x128xf32, #tpu.memory_space<vmem>>[vector<16xi32>, vector<16xi32>], vector<16xf32>,
        %add3A_1248 = arith.addf %add3A_1220, %gather3A_1247 : vector<16xf32>
        %add3A_1249 = arith.constant 48 : i32
        %add3A_1250 = vector.broadcast %add3A_1249 : i32 to vector<16xi32>
        %add3A_1251 = arith.addi %iota3A, %add3A_1250 : vector<16xi32>
        %add3A_1252 = arith.addi %gather3A_1230, %add3A_1251 : vector<16xi32>
        %gather3A_1253 = tpu.vector_load_idx %arg6[%broadcast_in_dim3A_1229, %add3A_1252] : memref<400x128xf32, #tpu.memory_space<vmem>>[vector<16xi32>, vector<16xi32>], vector<16xf32>,
        %add3A_1254 = arith.addf %add3A_1226, %gather3A_1253 : vector<16xf32>
        %add3A_1255 = arith.constant 304 : i32
        %add3A_1256 = arith.addi %add3A_1255, %scan3A_196 : i32
        %broadcast_in_dim3A_1257 = vector.broadcast %add3A_1256 : i32 to vector<16xi32>
        %gather3A_1258 = tpu.vector_load_idx %arg11[%broadcast_in_dim3A_1257] : memref<400xi32, #tpu.memory_space<vmem>>[vector<16xi32>], vector<16xi32>,
        %add3A_1259 = arith.constant 0 : i32
        %add3A_1260 = vector.broadcast %add3A_1259 : i32 to vector<16xi32>
        %add3A_1261 = arith.addi %iota3A, %add3A_1260 : vector<16xi32>
        %add3A_1262 = arith.addi %gather3A_1258, %add3A_1261 : vector<16xi32>
        %gather3A_1263 = tpu.vector_load_idx %arg6[%broadcast_in_dim3A_1257, %add3A_1262] : memref<400x128xf32, #tpu.memory_space<vmem>>[vector<16xi32>, vector<16xi32>], vector<16xf32>,
        %add3A_1264 = arith.addf %add3A_1236, %gather3A_1263 : vector<16xf32>
        %add3A_1265 = arith.constant 16 : i32
        %add3A_1266 = vector.broadcast %add3A_1265 : i32 to vector<16xi32>
        %add3A_1267 = arith.addi %iota3A, %add3A_1266 : vector<16xi32>
        %add3A_1268 = arith.addi %gather3A_1258, %add3A_1267 : vector<16xi32>
        %gather3A_1269 = tpu.vector_load_idx %arg6[%broadcast_in_dim3A_1257, %add3A_1268] : memref<400x128xf32, #tpu.memory_space<vmem>>[vector<16xi32>, vector<16xi32>], vector<16xf32>,
        %add3A_1270 = arith.addf %add3A_1242, %gather3A_1269 : vector<16xf32>
        %add3A_1271 = arith.constant 32 : i32
        %add3A_1272 = vector.broadcast %add3A_1271 : i32 to vector<16xi32>
        %add3A_1273 = arith.addi %iota3A, %add3A_1272 : vector<16xi32>
        %add3A_1274 = arith.addi %gather3A_1258, %add3A_1273 : vector<16xi32>
        %gather3A_1275 = tpu.vector_load_idx %arg6[%broadcast_in_dim3A_1257, %add3A_1274] : memref<400x128xf32, #tpu.memory_space<vmem>>[vector<16xi32>, vector<16xi32>], vector<16xf32>,
        %add3A_1276 = arith.addf %add3A_1248, %gather3A_1275 : vector<16xf32>
        %add3A_1277 = arith.constant 48 : i32
        %add3A_1278 = vector.broadcast %add3A_1277 : i32 to vector<16xi32>
        %add3A_1279 = arith.addi %iota3A, %add3A_1278 : vector<16xi32>
        %add3A_1280 = arith.addi %gather3A_1258, %add3A_1279 : vector<16xi32>
        %gather3A_1281 = tpu.vector_load_idx %arg6[%broadcast_in_dim3A_1257, %add3A_1280] : memref<400x128xf32, #tpu.memory_space<vmem>>[vector<16xi32>, vector<16xi32>], vector<16xf32>,
        %add3A_1282 = arith.addf %add3A_1254, %gather3A_1281 : vector<16xf32>
        %add3A_1283 = arith.constant 312 : i32
        %add3A_1284 = arith.addi %add3A_1283, %scan3A_196 : i32
        %broadcast_in_dim3A_1285 = vector.broadcast %add3A_1284 : i32 to vector<16xi32>
        %gather3A_1286 = tpu.vector_load_idx %arg11[%broadcast_in_dim3A_1285] : memref<400xi32, #tpu.memory_space<vmem>>[vector<16xi32>], vector<16xi32>,
        %add3A_1287 = arith.constant 0 : i32
        %add3A_1288 = vector.broadcast %add3A_1287 : i32 to vector<16xi32>
        %add3A_1289 = arith.addi %iota3A, %add3A_1288 : vector<16xi32>
        %add3A_1290 = arith.addi %gather3A_1286, %add3A_1289 : vector<16xi32>
        %gather3A_1291 = tpu.vector_load_idx %arg6[%broadcast_in_dim3A_1285, %add3A_1290] : memref<400x128xf32, #tpu.memory_space<vmem>>[vector<16xi32>, vector<16xi32>], vector<16xf32>,
        %add3A_1292 = arith.addf %add3A_1264, %gather3A_1291 : vector<16xf32>
        %add3A_1293 = arith.constant 16 : i32
        %add3A_1294 = vector.broadcast %add3A_1293 : i32 to vector<16xi32>
        %add3A_1295 = arith.addi %iota3A, %add3A_1294 : vector<16xi32>
        %add3A_1296 = arith.addi %gather3A_1286, %add3A_1295 : vector<16xi32>
        %gather3A_1297 = tpu.vector_load_idx %arg6[%broadcast_in_dim3A_1285, %add3A_1296] : memref<400x128xf32, #tpu.memory_space<vmem>>[vector<16xi32>, vector<16xi32>], vector<16xf32>,
        %add3A_1298 = arith.addf %add3A_1270, %gather3A_1297 : vector<16xf32>
        %add3A_1299 = arith.constant 32 : i32
        %add3A_1300 = vector.broadcast %add3A_1299 : i32 to vector<16xi32>
        %add3A_1301 = arith.addi %iota3A, %add3A_1300 : vector<16xi32>
        %add3A_1302 = arith.addi %gather3A_1286, %add3A_1301 : vector<16xi32>
        %gather3A_1303 = tpu.vector_load_idx %arg6[%broadcast_in_dim3A_1285, %add3A_1302] : memref<400x128xf32, #tpu.memory_space<vmem>>[vector<16xi32>, vector<16xi32>], vector<16xf32>,
        %add3A_1304 = arith.addf %add3A_1276, %gather3A_1303 : vector<16xf32>
        %add3A_1305 = arith.constant 48 : i32
        %add3A_1306 = vector.broadcast %add3A_1305 : i32 to vector<16xi32>
        %add3A_1307 = arith.addi %iota3A, %add3A_1306 : vector<16xi32>
        %add3A_1308 = arith.addi %gather3A_1286, %add3A_1307 : vector<16xi32>
        %gather3A_1309 = tpu.vector_load_idx %arg6[%broadcast_in_dim3A_1285, %add3A_1308] : memref<400x128xf32, #tpu.memory_space<vmem>>[vector<16xi32>, vector<16xi32>], vector<16xf32>,
        %add3A_1310 = arith.addf %add3A_1282, %gather3A_1309 : vector<16xf32>
        %add3A_1311 = arith.constant 320 : i32
        %add3A_1312 = arith.addi %add3A_1311, %scan3A_196 : i32
        %broadcast_in_dim3A_1313 = vector.broadcast %add3A_1312 : i32 to vector<16xi32>
        %gather3A_1314 = tpu.vector_load_idx %arg11[%broadcast_in_dim3A_1313] : memref<400xi32, #tpu.memory_space<vmem>>[vector<16xi32>], vector<16xi32>,
        %add3A_1315 = arith.constant 0 : i32
        %add3A_1316 = vector.broadcast %add3A_1315 : i32 to vector<16xi32>
        %add3A_1317 = arith.addi %iota3A, %add3A_1316 : vector<16xi32>
        %add3A_1318 = arith.addi %gather3A_1314, %add3A_1317 : vector<16xi32>
        %gather3A_1319 = tpu.vector_load_idx %arg6[%broadcast_in_dim3A_1313, %add3A_1318] : memref<400x128xf32, #tpu.memory_space<vmem>>[vector<16xi32>, vector<16xi32>], vector<16xf32>,
        %add3A_1320 = arith.addf %add3A_1292, %gather3A_1319 : vector<16xf32>
        %add3A_1321 = arith.constant 16 : i32
        %add3A_1322 = vector.broadcast %add3A_1321 : i32 to vector<16xi32>
        %add3A_1323 = arith.addi %iota3A, %add3A_1322 : vector<16xi32>
        %add3A_1324 = arith.addi %gather3A_1314, %add3A_1323 : vector<16xi32>
        %gather3A_1325 = tpu.vector_load_idx %arg6[%broadcast_in_dim3A_1313, %add3A_1324] : memref<400x128xf32, #tpu.memory_space<vmem>>[vector<16xi32>, vector<16xi32>], vector<16xf32>,
        %add3A_1326 = arith.addf %add3A_1298, %gather3A_1325 : vector<16xf32>
        %add3A_1327 = arith.constant 32 : i32
        %add3A_1328 = vector.broadcast %add3A_1327 : i32 to vector<16xi32>
        %add3A_1329 = arith.addi %iota3A, %add3A_1328 : vector<16xi32>
        %add3A_1330 = arith.addi %gather3A_1314, %add3A_1329 : vector<16xi32>
        %gather3A_1331 = tpu.vector_load_idx %arg6[%broadcast_in_dim3A_1313, %add3A_1330] : memref<400x128xf32, #tpu.memory_space<vmem>>[vector<16xi32>, vector<16xi32>], vector<16xf32>,
        %add3A_1332 = arith.addf %add3A_1304, %gather3A_1331 : vector<16xf32>
        %add3A_1333 = arith.constant 48 : i32
        %add3A_1334 = vector.broadcast %add3A_1333 : i32 to vector<16xi32>
        %add3A_1335 = arith.addi %iota3A, %add3A_1334 : vector<16xi32>
        %add3A_1336 = arith.addi %gather3A_1314, %add3A_1335 : vector<16xi32>
        %gather3A_1337 = tpu.vector_load_idx %arg6[%broadcast_in_dim3A_1313, %add3A_1336] : memref<400x128xf32, #tpu.memory_space<vmem>>[vector<16xi32>, vector<16xi32>], vector<16xf32>,
        %add3A_1338 = arith.addf %add3A_1310, %gather3A_1337 : vector<16xf32>
        %add3A_1339 = arith.constant 328 : i32
        %add3A_1340 = arith.addi %add3A_1339, %scan3A_196 : i32
        %broadcast_in_dim3A_1341 = vector.broadcast %add3A_1340 : i32 to vector<16xi32>
        %gather3A_1342 = tpu.vector_load_idx %arg11[%broadcast_in_dim3A_1341] : memref<400xi32, #tpu.memory_space<vmem>>[vector<16xi32>], vector<16xi32>,
        %add3A_1343 = arith.constant 0 : i32
        %add3A_1344 = vector.broadcast %add3A_1343 : i32 to vector<16xi32>
        %add3A_1345 = arith.addi %iota3A, %add3A_1344 : vector<16xi32>
        %add3A_1346 = arith.addi %gather3A_1342, %add3A_1345 : vector<16xi32>
        %gather3A_1347 = tpu.vector_load_idx %arg6[%broadcast_in_dim3A_1341, %add3A_1346] : memref<400x128xf32, #tpu.memory_space<vmem>>[vector<16xi32>, vector<16xi32>], vector<16xf32>,
        %add3A_1348 = arith.addf %add3A_1320, %gather3A_1347 : vector<16xf32>
        %add3A_1349 = arith.constant 16 : i32
        %add3A_1350 = vector.broadcast %add3A_1349 : i32 to vector<16xi32>
        %add3A_1351 = arith.addi %iota3A, %add3A_1350 : vector<16xi32>
        %add3A_1352 = arith.addi %gather3A_1342, %add3A_1351 : vector<16xi32>
        %gather3A_1353 = tpu.vector_load_idx %arg6[%broadcast_in_dim3A_1341, %add3A_1352] : memref<400x128xf32, #tpu.memory_space<vmem>>[vector<16xi32>, vector<16xi32>], vector<16xf32>,
        %add3A_1354 = arith.addf %add3A_1326, %gather3A_1353 : vector<16xf32>
        %add3A_1355 = arith.constant 32 : i32
        %add3A_1356 = vector.broadcast %add3A_1355 : i32 to vector<16xi32>
        %add3A_1357 = arith.addi %iota3A, %add3A_1356 : vector<16xi32>
        %add3A_1358 = arith.addi %gather3A_1342, %add3A_1357 : vector<16xi32>
        %gather3A_1359 = tpu.vector_load_idx %arg6[%broadcast_in_dim3A_1341, %add3A_1358] : memref<400x128xf32, #tpu.memory_space<vmem>>[vector<16xi32>, vector<16xi32>], vector<16xf32>,
        %add3A_1360 = arith.addf %add3A_1332, %gather3A_1359 : vector<16xf32>
        %add3A_1361 = arith.constant 48 : i32
        %add3A_1362 = vector.broadcast %add3A_1361 : i32 to vector<16xi32>
        %add3A_1363 = arith.addi %iota3A, %add3A_1362 : vector<16xi32>
        %add3A_1364 = arith.addi %gather3A_1342, %add3A_1363 : vector<16xi32>
        %gather3A_1365 = tpu.vector_load_idx %arg6[%broadcast_in_dim3A_1341, %add3A_1364] : memref<400x128xf32, #tpu.memory_space<vmem>>[vector<16xi32>, vector<16xi32>], vector<16xf32>,
        %add3A_1366 = arith.addf %add3A_1338, %gather3A_1365 : vector<16xf32>
        %add3A_1367 = arith.constant 336 : i32
        %add3A_1368 = arith.addi %add3A_1367, %scan3A_196 : i32
        %broadcast_in_dim3A_1369 = vector.broadcast %add3A_1368 : i32 to vector<16xi32>
        %gather3A_1370 = tpu.vector_load_idx %arg11[%broadcast_in_dim3A_1369] : memref<400xi32, #tpu.memory_space<vmem>>[vector<16xi32>], vector<16xi32>,
        %add3A_1371 = arith.constant 0 : i32
        %add3A_1372 = vector.broadcast %add3A_1371 : i32 to vector<16xi32>
        %add3A_1373 = arith.addi %iota3A, %add3A_1372 : vector<16xi32>
        %add3A_1374 = arith.addi %gather3A_1370, %add3A_1373 : vector<16xi32>
        %gather3A_1375 = tpu.vector_load_idx %arg6[%broadcast_in_dim3A_1369, %add3A_1374] : memref<400x128xf32, #tpu.memory_space<vmem>>[vector<16xi32>, vector<16xi32>], vector<16xf32>,
        %add3A_1376 = arith.addf %add3A_1348, %gather3A_1375 : vector<16xf32>
        %add3A_1377 = arith.constant 16 : i32
        %add3A_1378 = vector.broadcast %add3A_1377 : i32 to vector<16xi32>
        %add3A_1379 = arith.addi %iota3A, %add3A_1378 : vector<16xi32>
        %add3A_1380 = arith.addi %gather3A_1370, %add3A_1379 : vector<16xi32>
        %gather3A_1381 = tpu.vector_load_idx %arg6[%broadcast_in_dim3A_1369, %add3A_1380] : memref<400x128xf32, #tpu.memory_space<vmem>>[vector<16xi32>, vector<16xi32>], vector<16xf32>,
        %add3A_1382 = arith.addf %add3A_1354, %gather3A_1381 : vector<16xf32>
        %add3A_1383 = arith.constant 32 : i32
        %add3A_1384 = vector.broadcast %add3A_1383 : i32 to vector<16xi32>
        %add3A_1385 = arith.addi %iota3A, %add3A_1384 : vector<16xi32>
        %add3A_1386 = arith.addi %gather3A_1370, %add3A_1385 : vector<16xi32>
        %gather3A_1387 = tpu.vector_load_idx %arg6[%broadcast_in_dim3A_1369, %add3A_1386] : memref<400x128xf32, #tpu.memory_space<vmem>>[vector<16xi32>, vector<16xi32>], vector<16xf32>,
        %add3A_1388 = arith.addf %add3A_1360, %gather3A_1387 : vector<16xf32>
        %add3A_1389 = arith.constant 48 : i32
        %add3A_1390 = vector.broadcast %add3A_1389 : i32 to vector<16xi32>
        %add3A_1391 = arith.addi %iota3A, %add3A_1390 : vector<16xi32>
        %add3A_1392 = arith.addi %gather3A_1370, %add3A_1391 : vector<16xi32>
        %gather3A_1393 = tpu.vector_load_idx %arg6[%broadcast_in_dim3A_1369, %add3A_1392] : memref<400x128xf32, #tpu.memory_space<vmem>>[vector<16xi32>, vector<16xi32>], vector<16xf32>,
        %add3A_1394 = arith.addf %add3A_1366, %gather3A_1393 : vector<16xf32>
        %add3A_1395 = arith.constant 344 : i32
        %add3A_1396 = arith.addi %add3A_1395, %scan3A_196 : i32
        %broadcast_in_dim3A_1397 = vector.broadcast %add3A_1396 : i32 to vector<16xi32>
        %gather3A_1398 = tpu.vector_load_idx %arg11[%broadcast_in_dim3A_1397] : memref<400xi32, #tpu.memory_space<vmem>>[vector<16xi32>], vector<16xi32>,
        %add3A_1399 = arith.constant 0 : i32
        %add3A_1400 = vector.broadcast %add3A_1399 : i32 to vector<16xi32>
        %add3A_1401 = arith.addi %iota3A, %add3A_1400 : vector<16xi32>
        %add3A_1402 = arith.addi %gather3A_1398, %add3A_1401 : vector<16xi32>
        %gather3A_1403 = tpu.vector_load_idx %arg6[%broadcast_in_dim3A_1397, %add3A_1402] : memref<400x128xf32, #tpu.memory_space<vmem>>[vector<16xi32>, vector<16xi32>], vector<16xf32>,
        %add3A_1404 = arith.addf %add3A_1376, %gather3A_1403 : vector<16xf32>
        %add3A_1405 = arith.constant 16 : i32
        %add3A_1406 = vector.broadcast %add3A_1405 : i32 to vector<16xi32>
        %add3A_1407 = arith.addi %iota3A, %add3A_1406 : vector<16xi32>
        %add3A_1408 = arith.addi %gather3A_1398, %add3A_1407 : vector<16xi32>
        %gather3A_1409 = tpu.vector_load_idx %arg6[%broadcast_in_dim3A_1397, %add3A_1408] : memref<400x128xf32, #tpu.memory_space<vmem>>[vector<16xi32>, vector<16xi32>], vector<16xf32>,
        %add3A_1410 = arith.addf %add3A_1382, %gather3A_1409 : vector<16xf32>
        %add3A_1411 = arith.constant 32 : i32
        %add3A_1412 = vector.broadcast %add3A_1411 : i32 to vector<16xi32>
        %add3A_1413 = arith.addi %iota3A, %add3A_1412 : vector<16xi32>
        %add3A_1414 = arith.addi %gather3A_1398, %add3A_1413 : vector<16xi32>
        %gather3A_1415 = tpu.vector_load_idx %arg6[%broadcast_in_dim3A_1397, %add3A_1414] : memref<400x128xf32, #tpu.memory_space<vmem>>[vector<16xi32>, vector<16xi32>], vector<16xf32>,
        %add3A_1416 = arith.addf %add3A_1388, %gather3A_1415 : vector<16xf32>
        %add3A_1417 = arith.constant 48 : i32
        %add3A_1418 = vector.broadcast %add3A_1417 : i32 to vector<16xi32>
        %add3A_1419 = arith.addi %iota3A, %add3A_1418 : vector<16xi32>
        %add3A_1420 = arith.addi %gather3A_1398, %add3A_1419 : vector<16xi32>
        %gather3A_1421 = tpu.vector_load_idx %arg6[%broadcast_in_dim3A_1397, %add3A_1420] : memref<400x128xf32, #tpu.memory_space<vmem>>[vector<16xi32>, vector<16xi32>], vector<16xf32>,
        %add3A_1422 = arith.addf %add3A_1394, %gather3A_1421 : vector<16xf32>
        %add3A_1423 = arith.constant 352 : i32
        %add3A_1424 = arith.addi %add3A_1423, %scan3A_196 : i32
        %broadcast_in_dim3A_1425 = vector.broadcast %add3A_1424 : i32 to vector<16xi32>
        %gather3A_1426 = tpu.vector_load_idx %arg11[%broadcast_in_dim3A_1425] : memref<400xi32, #tpu.memory_space<vmem>>[vector<16xi32>], vector<16xi32>,
        %add3A_1427 = arith.constant 0 : i32
        %add3A_1428 = vector.broadcast %add3A_1427 : i32 to vector<16xi32>
        %add3A_1429 = arith.addi %iota3A, %add3A_1428 : vector<16xi32>
        %add3A_1430 = arith.addi %gather3A_1426, %add3A_1429 : vector<16xi32>
        %gather3A_1431 = tpu.vector_load_idx %arg6[%broadcast_in_dim3A_1425, %add3A_1430] : memref<400x128xf32, #tpu.memory_space<vmem>>[vector<16xi32>, vector<16xi32>], vector<16xf32>,
        %add3A_1432 = arith.addf %add3A_1404, %gather3A_1431 : vector<16xf32>
        %add3A_1433 = arith.constant 16 : i32
        %add3A_1434 = vector.broadcast %add3A_1433 : i32 to vector<16xi32>
        %add3A_1435 = arith.addi %iota3A, %add3A_1434 : vector<16xi32>
        %add3A_1436 = arith.addi %gather3A_1426, %add3A_1435 : vector<16xi32>
        %gather3A_1437 = tpu.vector_load_idx %arg6[%broadcast_in_dim3A_1425, %add3A_1436] : memref<400x128xf32, #tpu.memory_space<vmem>>[vector<16xi32>, vector<16xi32>], vector<16xf32>,
        %add3A_1438 = arith.addf %add3A_1410, %gather3A_1437 : vector<16xf32>
        %add3A_1439 = arith.constant 32 : i32
        %add3A_1440 = vector.broadcast %add3A_1439 : i32 to vector<16xi32>
        %add3A_1441 = arith.addi %iota3A, %add3A_1440 : vector<16xi32>
        %add3A_1442 = arith.addi %gather3A_1426, %add3A_1441 : vector<16xi32>
        %gather3A_1443 = tpu.vector_load_idx %arg6[%broadcast_in_dim3A_1425, %add3A_1442] : memref<400x128xf32, #tpu.memory_space<vmem>>[vector<16xi32>, vector<16xi32>], vector<16xf32>,
        %add3A_1444 = arith.addf %add3A_1416, %gather3A_1443 : vector<16xf32>
        %add3A_1445 = arith.constant 48 : i32
        %add3A_1446 = vector.broadcast %add3A_1445 : i32 to vector<16xi32>
        %add3A_1447 = arith.addi %iota3A, %add3A_1446 : vector<16xi32>
        %add3A_1448 = arith.addi %gather3A_1426, %add3A_1447 : vector<16xi32>
        %gather3A_1449 = tpu.vector_load_idx %arg6[%broadcast_in_dim3A_1425, %add3A_1448] : memref<400x128xf32, #tpu.memory_space<vmem>>[vector<16xi32>, vector<16xi32>], vector<16xf32>,
        %add3A_1450 = arith.addf %add3A_1422, %gather3A_1449 : vector<16xf32>
        %add3A_1451 = arith.constant 360 : i32
        %add3A_1452 = arith.addi %add3A_1451, %scan3A_196 : i32
        %broadcast_in_dim3A_1453 = vector.broadcast %add3A_1452 : i32 to vector<16xi32>
        %gather3A_1454 = tpu.vector_load_idx %arg11[%broadcast_in_dim3A_1453] : memref<400xi32, #tpu.memory_space<vmem>>[vector<16xi32>], vector<16xi32>,
        %add3A_1455 = arith.constant 0 : i32
        %add3A_1456 = vector.broadcast %add3A_1455 : i32 to vector<16xi32>
        %add3A_1457 = arith.addi %iota3A, %add3A_1456 : vector<16xi32>
        %add3A_1458 = arith.addi %gather3A_1454, %add3A_1457 : vector<16xi32>
        %gather3A_1459 = tpu.vector_load_idx %arg6[%broadcast_in_dim3A_1453, %add3A_1458] : memref<400x128xf32, #tpu.memory_space<vmem>>[vector<16xi32>, vector<16xi32>], vector<16xf32>,
        %add3A_1460 = arith.addf %add3A_1432, %gather3A_1459 : vector<16xf32>
        %add3A_1461 = arith.constant 16 : i32
        %add3A_1462 = vector.broadcast %add3A_1461 : i32 to vector<16xi32>
        %add3A_1463 = arith.addi %iota3A, %add3A_1462 : vector<16xi32>
        %add3A_1464 = arith.addi %gather3A_1454, %add3A_1463 : vector<16xi32>
        %gather3A_1465 = tpu.vector_load_idx %arg6[%broadcast_in_dim3A_1453, %add3A_1464] : memref<400x128xf32, #tpu.memory_space<vmem>>[vector<16xi32>, vector<16xi32>], vector<16xf32>,
        %add3A_1466 = arith.addf %add3A_1438, %gather3A_1465 : vector<16xf32>
        %add3A_1467 = arith.constant 32 : i32
        %add3A_1468 = vector.broadcast %add3A_1467 : i32 to vector<16xi32>
        %add3A_1469 = arith.addi %iota3A, %add3A_1468 : vector<16xi32>
        %add3A_1470 = arith.addi %gather3A_1454, %add3A_1469 : vector<16xi32>
        %gather3A_1471 = tpu.vector_load_idx %arg6[%broadcast_in_dim3A_1453, %add3A_1470] : memref<400x128xf32, #tpu.memory_space<vmem>>[vector<16xi32>, vector<16xi32>], vector<16xf32>,
        %add3A_1472 = arith.addf %add3A_1444, %gather3A_1471 : vector<16xf32>
        %add3A_1473 = arith.constant 48 : i32
        %add3A_1474 = vector.broadcast %add3A_1473 : i32 to vector<16xi32>
        %add3A_1475 = arith.addi %iota3A, %add3A_1474 : vector<16xi32>
        %add3A_1476 = arith.addi %gather3A_1454, %add3A_1475 : vector<16xi32>
        %gather3A_1477 = tpu.vector_load_idx %arg6[%broadcast_in_dim3A_1453, %add3A_1476] : memref<400x128xf32, #tpu.memory_space<vmem>>[vector<16xi32>, vector<16xi32>], vector<16xf32>,
        %add3A_1478 = arith.addf %add3A_1450, %gather3A_1477 : vector<16xf32>
        %add3A_1479 = arith.constant 368 : i32
        %add3A_1480 = arith.addi %add3A_1479, %scan3A_196 : i32
        %broadcast_in_dim3A_1481 = vector.broadcast %add3A_1480 : i32 to vector<16xi32>
        %gather3A_1482 = tpu.vector_load_idx %arg11[%broadcast_in_dim3A_1481] : memref<400xi32, #tpu.memory_space<vmem>>[vector<16xi32>], vector<16xi32>,
        %add3A_1483 = arith.constant 0 : i32
        %add3A_1484 = vector.broadcast %add3A_1483 : i32 to vector<16xi32>
        %add3A_1485 = arith.addi %iota3A, %add3A_1484 : vector<16xi32>
        %add3A_1486 = arith.addi %gather3A_1482, %add3A_1485 : vector<16xi32>
        %gather3A_1487 = tpu.vector_load_idx %arg6[%broadcast_in_dim3A_1481, %add3A_1486] : memref<400x128xf32, #tpu.memory_space<vmem>>[vector<16xi32>, vector<16xi32>], vector<16xf32>,
        %add3A_1488 = arith.addf %add3A_1460, %gather3A_1487 : vector<16xf32>
        %add3A_1489 = arith.constant 16 : i32
        %add3A_1490 = vector.broadcast %add3A_1489 : i32 to vector<16xi32>
        %add3A_1491 = arith.addi %iota3A, %add3A_1490 : vector<16xi32>
        %add3A_1492 = arith.addi %gather3A_1482, %add3A_1491 : vector<16xi32>
        %gather3A_1493 = tpu.vector_load_idx %arg6[%broadcast_in_dim3A_1481, %add3A_1492] : memref<400x128xf32, #tpu.memory_space<vmem>>[vector<16xi32>, vector<16xi32>], vector<16xf32>,
        %add3A_1494 = arith.addf %add3A_1466, %gather3A_1493 : vector<16xf32>
        %add3A_1495 = arith.constant 32 : i32
        %add3A_1496 = vector.broadcast %add3A_1495 : i32 to vector<16xi32>
        %add3A_1497 = arith.addi %iota3A, %add3A_1496 : vector<16xi32>
        %add3A_1498 = arith.addi %gather3A_1482, %add3A_1497 : vector<16xi32>
        %gather3A_1499 = tpu.vector_load_idx %arg6[%broadcast_in_dim3A_1481, %add3A_1498] : memref<400x128xf32, #tpu.memory_space<vmem>>[vector<16xi32>, vector<16xi32>], vector<16xf32>,
        %add3A_1500 = arith.addf %add3A_1472, %gather3A_1499 : vector<16xf32>
        %add3A_1501 = arith.constant 48 : i32
        %add3A_1502 = vector.broadcast %add3A_1501 : i32 to vector<16xi32>
        %add3A_1503 = arith.addi %iota3A, %add3A_1502 : vector<16xi32>
        %add3A_1504 = arith.addi %gather3A_1482, %add3A_1503 : vector<16xi32>
        %gather3A_1505 = tpu.vector_load_idx %arg6[%broadcast_in_dim3A_1481, %add3A_1504] : memref<400x128xf32, #tpu.memory_space<vmem>>[vector<16xi32>, vector<16xi32>], vector<16xf32>,
        %add3A_1506 = arith.addf %add3A_1478, %gather3A_1505 : vector<16xf32>
        %add3A_1507 = arith.constant 376 : i32
        %add3A_1508 = arith.addi %add3A_1507, %scan3A_196 : i32
        %broadcast_in_dim3A_1509 = vector.broadcast %add3A_1508 : i32 to vector<16xi32>
        %gather3A_1510 = tpu.vector_load_idx %arg11[%broadcast_in_dim3A_1509] : memref<400xi32, #tpu.memory_space<vmem>>[vector<16xi32>], vector<16xi32>,
        %add3A_1511 = arith.constant 0 : i32
        %add3A_1512 = vector.broadcast %add3A_1511 : i32 to vector<16xi32>
        %add3A_1513 = arith.addi %iota3A, %add3A_1512 : vector<16xi32>
        %add3A_1514 = arith.addi %gather3A_1510, %add3A_1513 : vector<16xi32>
        %gather3A_1515 = tpu.vector_load_idx %arg6[%broadcast_in_dim3A_1509, %add3A_1514] : memref<400x128xf32, #tpu.memory_space<vmem>>[vector<16xi32>, vector<16xi32>], vector<16xf32>,
        %add3A_1516 = arith.addf %add3A_1488, %gather3A_1515 : vector<16xf32>
        %add3A_1517 = arith.constant 16 : i32
        %add3A_1518 = vector.broadcast %add3A_1517 : i32 to vector<16xi32>
        %add3A_1519 = arith.addi %iota3A, %add3A_1518 : vector<16xi32>
        %add3A_1520 = arith.addi %gather3A_1510, %add3A_1519 : vector<16xi32>
        %gather3A_1521 = tpu.vector_load_idx %arg6[%broadcast_in_dim3A_1509, %add3A_1520] : memref<400x128xf32, #tpu.memory_space<vmem>>[vector<16xi32>, vector<16xi32>], vector<16xf32>,
        %add3A_1522 = arith.addf %add3A_1494, %gather3A_1521 : vector<16xf32>
        %add3A_1523 = arith.constant 32 : i32
        %add3A_1524 = vector.broadcast %add3A_1523 : i32 to vector<16xi32>
        %add3A_1525 = arith.addi %iota3A, %add3A_1524 : vector<16xi32>
        %add3A_1526 = arith.addi %gather3A_1510, %add3A_1525 : vector<16xi32>
        %gather3A_1527 = tpu.vector_load_idx %arg6[%broadcast_in_dim3A_1509, %add3A_1526] : memref<400x128xf32, #tpu.memory_space<vmem>>[vector<16xi32>, vector<16xi32>], vector<16xf32>,
        %add3A_1528 = arith.addf %add3A_1500, %gather3A_1527 : vector<16xf32>
        %add3A_1529 = arith.constant 48 : i32
        %add3A_1530 = vector.broadcast %add3A_1529 : i32 to vector<16xi32>
        %add3A_1531 = arith.addi %iota3A, %add3A_1530 : vector<16xi32>
        %add3A_1532 = arith.addi %gather3A_1510, %add3A_1531 : vector<16xi32>
        %gather3A_1533 = tpu.vector_load_idx %arg6[%broadcast_in_dim3A_1509, %add3A_1532] : memref<400x128xf32, #tpu.memory_space<vmem>>[vector<16xi32>, vector<16xi32>], vector<16xf32>,
        %add3A_1534 = arith.addf %add3A_1506, %gather3A_1533 : vector<16xf32>
        %add3A_1535 = arith.constant 384 : i32
        %add3A_1536 = arith.addi %add3A_1535, %scan3A_196 : i32
        %broadcast_in_dim3A_1537 = vector.broadcast %add3A_1536 : i32 to vector<16xi32>
        %gather3A_1538 = tpu.vector_load_idx %arg11[%broadcast_in_dim3A_1537] : memref<400xi32, #tpu.memory_space<vmem>>[vector<16xi32>], vector<16xi32>,
        %add3A_1539 = arith.constant 0 : i32
        %add3A_1540 = vector.broadcast %add3A_1539 : i32 to vector<16xi32>
        %add3A_1541 = arith.addi %iota3A, %add3A_1540 : vector<16xi32>
        %add3A_1542 = arith.addi %gather3A_1538, %add3A_1541 : vector<16xi32>
        %gather3A_1543 = tpu.vector_load_idx %arg6[%broadcast_in_dim3A_1537, %add3A_1542] : memref<400x128xf32, #tpu.memory_space<vmem>>[vector<16xi32>, vector<16xi32>], vector<16xf32>,
        %add3A_1544 = arith.addf %add3A_1516, %gather3A_1543 : vector<16xf32>
        %add3A_1545 = arith.constant 16 : i32
        %add3A_1546 = vector.broadcast %add3A_1545 : i32 to vector<16xi32>
        %add3A_1547 = arith.addi %iota3A, %add3A_1546 : vector<16xi32>
        %add3A_1548 = arith.addi %gather3A_1538, %add3A_1547 : vector<16xi32>
        %gather3A_1549 = tpu.vector_load_idx %arg6[%broadcast_in_dim3A_1537, %add3A_1548] : memref<400x128xf32, #tpu.memory_space<vmem>>[vector<16xi32>, vector<16xi32>], vector<16xf32>,
        %add3A_1550 = arith.addf %add3A_1522, %gather3A_1549 : vector<16xf32>
        %add3A_1551 = arith.constant 32 : i32
        %add3A_1552 = vector.broadcast %add3A_1551 : i32 to vector<16xi32>
        %add3A_1553 = arith.addi %iota3A, %add3A_1552 : vector<16xi32>
        %add3A_1554 = arith.addi %gather3A_1538, %add3A_1553 : vector<16xi32>
        %gather3A_1555 = tpu.vector_load_idx %arg6[%broadcast_in_dim3A_1537, %add3A_1554] : memref<400x128xf32, #tpu.memory_space<vmem>>[vector<16xi32>, vector<16xi32>], vector<16xf32>,
        %add3A_1556 = arith.addf %add3A_1528, %gather3A_1555 : vector<16xf32>
        %add3A_1557 = arith.constant 48 : i32
        %add3A_1558 = vector.broadcast %add3A_1557 : i32 to vector<16xi32>
        %add3A_1559 = arith.addi %iota3A, %add3A_1558 : vector<16xi32>
        %add3A_1560 = arith.addi %gather3A_1538, %add3A_1559 : vector<16xi32>
        %gather3A_1561 = tpu.vector_load_idx %arg6[%broadcast_in_dim3A_1537, %add3A_1560] : memref<400x128xf32, #tpu.memory_space<vmem>>[vector<16xi32>, vector<16xi32>], vector<16xf32>,
        %add3A_1562 = arith.addf %add3A_1534, %gather3A_1561 : vector<16xf32>
        %add3A_1563 = arith.constant 392 : i32
        %add3A_1564 = arith.addi %add3A_1563, %scan3A_196 : i32
        %broadcast_in_dim3A_1565 = vector.broadcast %add3A_1564 : i32 to vector<16xi32>
        %gather3A_1566 = tpu.vector_load_idx %arg11[%broadcast_in_dim3A_1565] : memref<400xi32, #tpu.memory_space<vmem>>[vector<16xi32>], vector<16xi32>,
        %add3A_1567 = arith.constant 0 : i32
        %add3A_1568 = vector.broadcast %add3A_1567 : i32 to vector<16xi32>
        %add3A_1569 = arith.addi %iota3A, %add3A_1568 : vector<16xi32>
        %add3A_1570 = arith.addi %gather3A_1566, %add3A_1569 : vector<16xi32>
        %gather3A_1571 = tpu.vector_load_idx %arg6[%broadcast_in_dim3A_1565, %add3A_1570] : memref<400x128xf32, #tpu.memory_space<vmem>>[vector<16xi32>, vector<16xi32>], vector<16xf32>,
        %add3A_1572 = arith.addf %add3A_1544, %gather3A_1571 : vector<16xf32>
        %add3A_1573 = arith.constant 16 : i32
        %add3A_1574 = vector.broadcast %add3A_1573 : i32 to vector<16xi32>
        %add3A_1575 = arith.addi %iota3A, %add3A_1574 : vector<16xi32>
        %add3A_1576 = arith.addi %gather3A_1566, %add3A_1575 : vector<16xi32>
        %gather3A_1577 = tpu.vector_load_idx %arg6[%broadcast_in_dim3A_1565, %add3A_1576] : memref<400x128xf32, #tpu.memory_space<vmem>>[vector<16xi32>, vector<16xi32>], vector<16xf32>,
        %add3A_1578 = arith.addf %add3A_1550, %gather3A_1577 : vector<16xf32>
        %add3A_1579 = arith.constant 32 : i32
        %add3A_1580 = vector.broadcast %add3A_1579 : i32 to vector<16xi32>
        %add3A_1581 = arith.addi %iota3A, %add3A_1580 : vector<16xi32>
        %add3A_1582 = arith.addi %gather3A_1566, %add3A_1581 : vector<16xi32>
        %gather3A_1583 = tpu.vector_load_idx %arg6[%broadcast_in_dim3A_1565, %add3A_1582] : memref<400x128xf32, #tpu.memory_space<vmem>>[vector<16xi32>, vector<16xi32>], vector<16xf32>,
        %add3A_1584 = arith.addf %add3A_1556, %gather3A_1583 : vector<16xf32>
        %add3A_1585 = arith.constant 48 : i32
        %add3A_1586 = vector.broadcast %add3A_1585 : i32 to vector<16xi32>
        %add3A_1587 = arith.addi %iota3A, %add3A_1586 : vector<16xi32>
        %add3A_1588 = arith.addi %gather3A_1566, %add3A_1587 : vector<16xi32>
        %gather3A_1589 = tpu.vector_load_idx %arg6[%broadcast_in_dim3A_1565, %add3A_1588] : memref<400x128xf32, #tpu.memory_space<vmem>>[vector<16xi32>, vector<16xi32>], vector<16xf32>,
        %add3A_1590 = arith.addf %add3A_1562, %gather3A_1589 : vector<16xf32>
        %add3A_1591 = arith.constant 0 : i32
        %add3A_1592 = vector.broadcast %add3A_1591 : i32 to vector<16xi32>
        %add3A_1593 = arith.addi %iota3A, %add3A_1592 : vector<16xi32>
        %add3A_1594 = arith.addi %mul3A_49, %scan3A_196 : i32
        %broadcast_in_dim3A_1595 = vector.broadcast %add3A_1594 : i32 to vector<16xi32>
        %mul3A_1596 = arith.constant 2.000000e-02 : f32
        %mul3A_1597 = vector.broadcast %mul3A_1596 : f32 to vector<16xf32>
        %mul3A_1598 = arith.mulf %add3A_1572, %mul3A_1597 : vector<16xf32>
        tpu.vector_store_idx %arg8[%add3A_1593, %broadcast_in_dim3A_1595], %mul3A_1598 : memref<64x128xf32, #tpu.memory_space<vmem>>[vector<16xi32>, vector<16xi32>], vector<16xf32>,
        %add3A_1599 = arith.constant 16 : i32
        %add3A_1600 = vector.broadcast %add3A_1599 : i32 to vector<16xi32>
        %add3A_1601 = arith.addi %iota3A, %add3A_1600 : vector<16xi32>
        %add3A_1602 = arith.addi %mul3A_49, %scan3A_196 : i32
        %broadcast_in_dim3A_1603 = vector.broadcast %add3A_1602 : i32 to vector<16xi32>
        %mul3A_1604 = arith.constant 2.000000e-02 : f32
        %mul3A_1605 = vector.broadcast %mul3A_1604 : f32 to vector<16xf32>
        %mul3A_1606 = arith.mulf %add3A_1578, %mul3A_1605 : vector<16xf32>
        tpu.vector_store_idx %arg8[%add3A_1601, %broadcast_in_dim3A_1603], %mul3A_1606 : memref<64x128xf32, #tpu.memory_space<vmem>>[vector<16xi32>, vector<16xi32>], vector<16xf32>,
        %add3A_1607 = arith.constant 32 : i32
        %add3A_1608 = vector.broadcast %add3A_1607 : i32 to vector<16xi32>
        %add3A_1609 = arith.addi %iota3A, %add3A_1608 : vector<16xi32>
        %add3A_1610 = arith.addi %mul3A_49, %scan3A_196 : i32
        %broadcast_in_dim3A_1611 = vector.broadcast %add3A_1610 : i32 to vector<16xi32>
        %mul3A_1612 = arith.constant 2.000000e-02 : f32
        %mul3A_1613 = vector.broadcast %mul3A_1612 : f32 to vector<16xf32>
        %mul3A_1614 = arith.mulf %add3A_1584, %mul3A_1613 : vector<16xf32>
        tpu.vector_store_idx %arg8[%add3A_1609, %broadcast_in_dim3A_1611], %mul3A_1614 : memref<64x128xf32, #tpu.memory_space<vmem>>[vector<16xi32>, vector<16xi32>], vector<16xf32>,
        %add3A_1615 = arith.constant 48 : i32
        %add3A_1616 = vector.broadcast %add3A_1615 : i32 to vector<16xi32>
        %add3A_1617 = arith.addi %iota3A, %add3A_1616 : vector<16xi32>
        %add3A_1618 = arith.addi %mul3A_49, %scan3A_196 : i32
        %broadcast_in_dim3A_1619 = vector.broadcast %add3A_1618 : i32 to vector<16xi32>
        %mul3A_1620 = arith.constant 2.000000e-02 : f32
        %mul3A_1621 = vector.broadcast %mul3A_1620 : f32 to vector<16xf32>
        %mul3A_1622 = arith.mulf %add3A_1590, %mul3A_1621 : vector<16xf32>
        tpu.vector_store_idx %arg8[%add3A_1617, %broadcast_in_dim3A_1619], %mul3A_1622 : memref<64x128xf32, #tpu.memory_space<vmem>>[vector<16xi32>, vector<16xi32>], vector<16xf32>,
      }
      %scan3A_55 = arith.constant 8 : i32
      %add3A_56 = arith.constant 2 : i32
      %add3A_57 = arith.addi %add3A_35, %add3A_56 : i32
      %lt3A_58 = arith.constant 64 : i32
      %lt3A_59 = arith.cmpi slt, %add3A_57, %lt3A_58 : i32
      %convert_element_type3A = arith.extui %lt3A_59 : i1 to i32
      %cond3A = arith.constant 0 : i32
      %cond3A_60 = arith.cmpi ne, %convert_element_type3A, %cond3A : i32
      scf.if %cond3A_60 {
        %add3A_196 = arith.constant 2 : i32
        %add3A_197 = arith.addi %add3A_35, %add3A_196 : i32
        %jit3A_198 = arith.constant 16 : i32
        %eq3A_199 = arith.constant 0 : i32
        %eq3A_200 = arith.cmpi eq, %jit3A_198, %eq3A_199 : i32
        %jit3A_201 = arith.constant 1 : i32
        %select_n3A_202 = arith.select %eq3A_200, %jit3A_201, %jit3A_198 : i32
        %rem3A_203 = arith.remsi %add3A_197, %select_n3A_202 : i32
        %ne3A_204 = arith.constant 0 : i32
        %ne3A_205 = arith.cmpi ne, %rem3A_203, %ne3A_204 : i32
        %lt3A_206 = arith.constant 0 : i32
        %lt3A_207 = arith.cmpi slt, %rem3A_203, %lt3A_206 : i32
        %lt3A_208 = arith.constant 0 : i32
        %lt3A_209 = arith.cmpi slt, %select_n3A_202, %lt3A_208 : i32
        %ne3A_210 = arith.xori %lt3A_207, %lt3A_209 : i1
        %and3A_211 = arith.andi %ne3A_210, %ne3A_205 : i1
        %add3A_212 = arith.addi %rem3A_203, %select_n3A_202 : i32
        %select_n3A_213 = arith.select %and3A_211, %add3A_212, %rem3A_203 : i32
        %mul3A_214 = arith.constant 8 : i32
        %mul3A_215 = arith.muli %select_n3A_213, %mul3A_214 : i32
        %scan3A_216 = arith.constant 0 : i32
        %scan3A_217 = arith.constant 0 : i32
        %scan3A_218 = arith.constant 25 : i32
        %scan3A_219 = arith.addi %scan3A_217, %scan3A_218 : i32
        %scan3A_220 = arith.constant 1 : i32
        scf.for %scan3A_225 = %scan3A_217 to %scan3A_219 step %scan3A_220  : i32 {
          %mul3A_226 = arith.constant 2 : i32
          %mul3A_227 = arith.muli %mul3A_226, %scan3A_225 : i32
          %broadcast_in_dim3A = vector.broadcast %mul3A_227 : i32 to vector<16xi32>
          %add3A_228 = arith.addi %shift_right_logical3A_4, %broadcast_in_dim3A : vector<16xi32>
          %broadcast_in_dim3A_229 = vector.broadcast %mul3A_215 : i32 to vector<16xi32>
          %add3A_230 = arith.addi %and3A_6, %broadcast_in_dim3A_229 : vector<16xi32>
          %gather3A = tpu.vector_load_idx %arg5[%add3A_228, %add3A_230] : memref<50x128xi32, #tpu.memory_space<vmem>>[vector<16xi32>, vector<16xi32>], vector<16xi32>,
          %shift_right_logical3A_231 = arith.constant 13 : i32
          %shift_right_logical3A_232 = vector.broadcast %shift_right_logical3A_231 : i32 to vector<16xi32>
          %shift_right_logical3A_233 = arith.shrui %gather3A, %shift_right_logical3A_232 : vector<16xi32>
          %and3A_234 = arith.constant 4095 : i32
          %and3A_235 = vector.broadcast %and3A_234 : i32 to vector<16xi32>
          %and3A_236 = arith.andi %gather3A, %and3A_235 : vector<16xi32>
          %shift_right_logical3A_237 = arith.constant 12 : i32
          %shift_right_logical3A_238 = vector.broadcast %shift_right_logical3A_237 : i32 to vector<16xi32>
          %shift_right_logical3A_239 = arith.shrui %gather3A, %shift_right_logical3A_238 : vector<16xi32>
          %and3A_240 = arith.constant 1 : i32
          %and3A_241 = vector.broadcast %and3A_240 : i32 to vector<16xi32>
          %and3A_242 = arith.andi %shift_right_logical3A_239, %and3A_241 : vector<16xi32>
          %mul3A_243 = arith.constant 4096 : i32
          %mul3A_244 = vector.broadcast %mul3A_243 : i32 to vector<16xi32>
          %mul3A_245 = arith.muli %shift_right_logical3A_233, %mul3A_244 : vector<16xi32>
          %add3A_246 = arith.addi %mul3A_245, %and3A_236 : vector<16xi32>
          %mul3A_247 = arith.constant 16 : i32
          %mul3A_248 = arith.muli %scan3A_225, %mul3A_247 : i32
          %swap3A = arith.index_cast %mul3A_248 : i32 to index
          %swap3A_249 = tpu.vector_load %arg9[%swap3A] {strides = array<i32>} : memref<400xi32, #tpu.memory_space<vmem>>, vector<16xi32>,
          tpu.vector_store %arg9[%swap3A], %add3A_246 {strides = array<i32>} : memref<400xi32, #tpu.memory_space<vmem>>, vector<16xi32>,
          %mul3A_250 = arith.constant 64 : i32
          %mul3A_251 = vector.broadcast %mul3A_250 : i32 to vector<16xi32>
          %mul3A_252 = arith.muli %and3A_242, %mul3A_251 : vector<16xi32>
          %mul3A_253 = arith.constant 16 : i32
          %mul3A_254 = arith.muli %scan3A_225, %mul3A_253 : i32
          %swap3A_255 = arith.index_cast %mul3A_254 : i32 to index
          %swap3A_256 = tpu.vector_load %arg11[%swap3A_255] {strides = array<i32>} : memref<400xi32, #tpu.memory_space<vmem>>, vector<16xi32>,
          tpu.vector_store %arg11[%swap3A_255], %mul3A_252 {strides = array<i32>} : memref<400xi32, #tpu.memory_space<vmem>>, vector<16xi32>,
        }
        %scan3A_221 = arith.constant 25 : i32
        %dma_start3A_222 = arith.constant 0 : i32
        %dma_start3A_223 = arith.constant 0 : i32
        %dma_start3A_224 = tpu.memref_slice %arg3[%dma_start3A_222, %dma_start3A_223] : memref<503808x128xf32, #tpu.memory_space<hbm>> -> memref<503808x128xf32, #tpu.memory_space<hbm>>
        tpu.enqueue_indirect_dma source(%dma_start3A_224 : memref<503808x128xf32, #tpu.memory_space<hbm>>) target(%arg6 : memref<400x128xf32, #tpu.memory_space<vmem>>) offsets(%arg9 : memref<400xi32, #tpu.memory_space<vmem>>) semaphore(%arg13 : memref<!tpu.dma_semaphore, #tpu.memory_space<semaphore_mem>>)
      } else {
      }
      %jit3A_61 = arith.constant 16 : i32
      %eq3A_62 = arith.constant 0 : i32
      %eq3A_63 = arith.cmpi eq, %jit3A_61, %eq3A_62 : i32
      %jit3A_64 = arith.constant 1 : i32
      %select_n3A_65 = arith.select %eq3A_63, %jit3A_64, %jit3A_61 : i32
      %rem3A_66 = arith.remsi %add3A_35, %select_n3A_65 : i32
      %ne3A_67 = arith.constant 0 : i32
      %ne3A_68 = arith.cmpi ne, %rem3A_66, %ne3A_67 : i32
      %lt3A_69 = arith.constant 0 : i32
      %lt3A_70 = arith.cmpi slt, %rem3A_66, %lt3A_69 : i32
      %lt3A_71 = arith.constant 0 : i32
      %lt3A_72 = arith.cmpi slt, %select_n3A_65, %lt3A_71 : i32
      %ne3A_73 = arith.xori %lt3A_70, %lt3A_72 : i1
      %and3A_74 = arith.andi %ne3A_73, %ne3A_68 : i1
      %add3A_75 = arith.addi %rem3A_66, %select_n3A_65 : i32
      %select_n3A_76 = arith.select %and3A_74, %add3A_75, %rem3A_66 : i32
      %eq3A_77 = arith.constant 13 : i32
      %eq3A_78 = arith.cmpi eq, %select_n3A_76, %eq3A_77 : i32
      %add3A_79 = arith.constant 16 : i32
      %add3A_80 = arith.addi %add3A_35, %add3A_79 : i32
      %sub3A = arith.constant 2 : i32
      %sub3A_81 = arith.subi %add3A_80, %sub3A : i32
      %lt3A_82 = arith.constant 64 : i32
      %lt3A_83 = arith.cmpi slt, %sub3A_81, %lt3A_82 : i32
      %and3A_84 = arith.andi %eq3A_78, %lt3A_83 : i1
      %convert_element_type3A_85 = arith.extui %and3A_84 : i1 to i32
      %cond3A_86 = arith.constant 0 : i32
      %cond3A_87 = arith.cmpi ne, %convert_element_type3A_85, %cond3A_86 : i32
      scf.if %cond3A_87 {
        %jit3A_196 = arith.constant 16 : i32
        %div3A = arith.divsi %add3A_35, %jit3A_196 : i32
        %sign3A = arith.constant 0 : i32
        %sign3A_197 = arith.cmpi sgt, %add3A_35, %sign3A : i32
        %sign3A_198 = arith.extui %sign3A_197 : i1 to i32
        %sign3A_199 = arith.constant 0 : i32
        %sign3A_200 = arith.cmpi slt, %add3A_35, %sign3A_199 : i32
        %sign3A_201 = arith.extui %sign3A_200 : i1 to i32
        %sign3A_202 = arith.subi %sign3A_198, %sign3A_201 : i32
        %sign3A_203 = arith.constant 0 : i32
        %sign3A_204 = arith.cmpi sgt, %jit3A_196, %sign3A_203 : i32
        %sign3A_205 = arith.extui %sign3A_204 : i1 to i32
        %sign3A_206 = arith.constant 0 : i32
        %sign3A_207 = arith.cmpi slt, %jit3A_196, %sign3A_206 : i32
        %sign3A_208 = arith.extui %sign3A_207 : i1 to i32
        %sign3A_209 = arith.subi %sign3A_205, %sign3A_208 : i32
        %ne3A_210 = arith.cmpi ne, %sign3A_202, %sign3A_209 : i32
        %rem3A_211 = arith.remsi %add3A_35, %jit3A_196 : i32
        %ne3A_212 = arith.constant 0 : i32
        %ne3A_213 = arith.cmpi ne, %rem3A_211, %ne3A_212 : i32
        %and3A_214 = arith.andi %ne3A_210, %ne3A_213 : i1
        %sub3A_215 = arith.constant 1 : i32
        %sub3A_216 = arith.subi %div3A, %sub3A_215 : i32
        %select_n3A_217 = arith.select %and3A_214, %sub3A_216, %div3A : i32
        %add3A_218 = arith.constant 1 : i32
        %add3A_219 = arith.addi %select_n3A_217, %add3A_218 : i32
        %mul3A_220 = arith.constant 128 : i32
        %mul3A_221 = arith.muli %add3A_219, %mul3A_220 : i32
        %add3A_222 = arith.addi %mul3A_2, %mul3A_221 : i32
        %multiple_of3A_223 = tpu.assume_multiple %add3A_222, 128 : i32
        "tpu.region"() ({
          %run_scoped3A = tpu.sem_alloc : memref<!tpu.dma_semaphore, #tpu.memory_space<semaphore_mem>>
          %dma_start3A_224 = arith.constant 0 : i32
          %dma_start3A_225 = tpu.memref_slice %arg2[%dma_start3A_224, %multiple_of3A_223] : memref<50x16384xi32, #tpu.memory_space<hbm>> -> memref<50x128xi32, #tpu.memory_space<hbm>>
          %dma_start3A_226 = arith.constant 0 : i32
          %dma_start3A_227 = tpu.memref_slice %arg2[%dma_start3A_226, %multiple_of3A_223] : memref<50x16384xi32, #tpu.memory_space<hbm>> -> memref<50x128xi32, #tpu.memory_space<hbm>>
          tpu.enqueue_dma source(%dma_start3A_227 : memref<50x128xi32, #tpu.memory_space<hbm>>) target(%arg5 : memref<50x128xi32, #tpu.memory_space<vmem>>) target_semaphore(%run_scoped3A : memref<!tpu.dma_semaphore, #tpu.memory_space<semaphore_mem>>)
          %dma_wait3A_228 = arith.constant 0 : i32
          %dma_wait3A_229 = tpu.memref_slice %arg2[%dma_wait3A_228, %multiple_of3A_223] : memref<50x16384xi32, #tpu.memory_space<hbm>> -> memref<50x128xi32, #tpu.memory_space<hbm>>
          %dma_wait3A_230 = arith.constant 0 : i32
          %dma_wait3A_231 = tpu.memref_slice %arg2[%dma_wait3A_230, %multiple_of3A_223] : memref<50x16384xi32, #tpu.memory_space<hbm>> -> memref<50x128xi32, #tpu.memory_space<hbm>>
          tpu.wait_dma2 semaphore(%run_scoped3A : memref<!tpu.dma_semaphore, #tpu.memory_space<semaphore_mem>>) src(%dma_wait3A_231 : memref<50x128xi32, #tpu.memory_space<hbm>>) dst(%arg5 : memref<50x128xi32, #tpu.memory_space<vmem>>)
          tpu.yield
        }) : () -> ()
      } else {
      }
      %jit3A_88 = arith.constant 16 : i32
      %eq3A_89 = arith.constant 0 : i32
      %eq3A_90 = arith.cmpi eq, %jit3A_88, %eq3A_89 : i32
      %jit3A_91 = arith.constant 1 : i32
      %select_n3A_92 = arith.select %eq3A_90, %jit3A_91, %jit3A_88 : i32
      %rem3A_93 = arith.remsi %add3A_35, %select_n3A_92 : i32
      %ne3A_94 = arith.constant 0 : i32
      %ne3A_95 = arith.cmpi ne, %rem3A_93, %ne3A_94 : i32
      %lt3A_96 = arith.constant 0 : i32
      %lt3A_97 = arith.cmpi slt, %rem3A_93, %lt3A_96 : i32
      %lt3A_98 = arith.constant 0 : i32
      %lt3A_99 = arith.cmpi slt, %select_n3A_92, %lt3A_98 : i32
      %ne3A_100 = arith.xori %lt3A_97, %lt3A_99 : i1
      %and3A_101 = arith.andi %ne3A_100, %ne3A_95 : i1
      %add3A_102 = arith.addi %rem3A_93, %select_n3A_92 : i32
      %select_n3A_103 = arith.select %and3A_101, %add3A_102, %rem3A_93 : i32
      %eq3A_104 = arith.constant 15 : i32
      %eq3A_105 = arith.cmpi eq, %select_n3A_103, %eq3A_104 : i32
      %convert_element_type3A_106 = arith.extui %eq3A_105 : i1 to i32
      %cond3A_107 = arith.constant 0 : i32
      %cond3A_108 = arith.cmpi ne, %convert_element_type3A_106, %cond3A_107 : i32
      scf.if %cond3A_108 {
        %sub3A_196 = arith.constant 15 : i32
        %sub3A_197 = arith.subi %add3A_35, %sub3A_196 : i32
        %mul3A_198 = arith.constant 8 : i32
        %mul3A_199 = arith.muli %sub3A_197, %mul3A_198 : i32
        %add3A_200 = arith.addi %mul3A_2, %mul3A_199 : i32
        %multiple_of3A_201 = tpu.assume_multiple %add3A_200, 128 : i32
        "tpu.region"() ({
          %run_scoped3A = tpu.sem_alloc : memref<!tpu.dma_semaphore, #tpu.memory_space<semaphore_mem>>
          %dma_start3A_202 = arith.constant 0 : i32
          %dma_start3A_203 = tpu.memref_slice %arg4[%dma_start3A_202, %multiple_of3A_201] : memref<64x16384xf32, #tpu.memory_space<hbm>> -> memref<64x128xf32, #tpu.memory_space<hbm>>
          %dma_start3A_204 = arith.constant 0 : i32
          %dma_start3A_205 = tpu.memref_slice %arg4[%dma_start3A_204, %multiple_of3A_201] : memref<64x16384xf32, #tpu.memory_space<hbm>> -> memref<64x128xf32, #tpu.memory_space<hbm>>
          tpu.enqueue_dma source(%arg8 : memref<64x128xf32, #tpu.memory_space<vmem>>) target(%dma_start3A_205 : memref<64x128xf32, #tpu.memory_space<hbm>>) target_semaphore(%run_scoped3A : memref<!tpu.dma_semaphore, #tpu.memory_space<semaphore_mem>>)
          %dma_wait3A_206 = arith.constant 0 : i32
          %dma_wait3A_207 = tpu.memref_slice %arg4[%dma_wait3A_206, %multiple_of3A_201] : memref<64x16384xf32, #tpu.memory_space<hbm>> -> memref<64x128xf32, #tpu.memory_space<hbm>>
          %dma_wait3A_208 = arith.constant 0 : i32
          %dma_wait3A_209 = tpu.memref_slice %arg4[%dma_wait3A_208, %multiple_of3A_201] : memref<64x16384xf32, #tpu.memory_space<hbm>> -> memref<64x128xf32, #tpu.memory_space<hbm>>
          tpu.wait_dma2 semaphore(%run_scoped3A : memref<!tpu.dma_semaphore, #tpu.memory_space<semaphore_mem>>) src(%arg8 : memref<64x128xf32, #tpu.memory_space<vmem>>) dst(%dma_wait3A_209 : memref<64x128xf32, #tpu.memory_space<hbm>>)
          tpu.yield
        }) : () -> ()
      } else {
      }
      %mul3A_109 = arith.constant 2 : i32
      %mul3A_110 = arith.muli %scan3A_31, %mul3A_109 : i32
      %add3A_111 = arith.constant 1 : i32
      %add3A_112 = arith.addi %mul3A_110, %add3A_111 : i32
      %dma_wait3A_113 = arith.constant 0 : i32
      %dma_wait3A_114 = arith.constant 0 : i32
      %dma_wait3A_115 = tpu.memref_slice %arg3[%dma_wait3A_113, %dma_wait3A_114] : memref<503808x128xf32, #tpu.memory_space<hbm>> -> memref<503808x128xf32, #tpu.memory_space<hbm>>
      tpu.wait_indirect_dma semaphore(%arg14 : memref<!tpu.dma_semaphore, #tpu.memory_space<semaphore_mem>>) src(%dma_wait3A_115 : memref<503808x128xf32, #tpu.memory_space<hbm>>) dst(%arg7 : memref<400x128xf32, #tpu.memory_space<vmem>>)
      %jit3A_116 = arith.constant 16 : i32
      %eq3A_117 = arith.constant 0 : i32
      %eq3A_118 = arith.cmpi eq, %jit3A_116, %eq3A_117 : i32
      %jit3A_119 = arith.constant 1 : i32
      %select_n3A_120 = arith.select %eq3A_118, %jit3A_119, %jit3A_116 : i32
      %rem3A_121 = arith.remsi %add3A_112, %select_n3A_120 : i32
      %ne3A_122 = arith.constant 0 : i32
      %ne3A_123 = arith.cmpi ne, %rem3A_121, %ne3A_122 : i32
      %lt3A_124 = arith.constant 0 : i32
      %lt3A_125 = arith.cmpi slt, %rem3A_121, %lt3A_124 : i32
      %lt3A_126 = arith.constant 0 : i32
      %lt3A_127 = arith.cmpi slt, %select_n3A_120, %lt3A_126 : i32
      %ne3A_128 = arith.xori %lt3A_125, %lt3A_127 : i1
      %and3A_129 = arith.andi %ne3A_128, %ne3A_123 : i1
      %add3A_130 = arith.addi %rem3A_121, %select_n3A_120 : i32
      %select_n3A_131 = arith.select %and3A_129, %add3A_130, %rem3A_121 : i32
      %mul3A_132 = arith.constant 8 : i32
      %mul3A_133 = arith.muli %select_n3A_131, %mul3A_132 : i32
      %scan3A_134 = arith.constant 0 : i32
      %scan3A_135 = arith.constant 0 : i32
      %scan3A_136 = arith.constant 8 : i32
      %scan3A_137 = arith.addi %scan3A_135, %scan3A_136 : i32
      %scan3A_138 = arith.constant 1 : i32
      scf.for %scan3A_196 = %scan3A_135 to %scan3A_137 step %scan3A_138  : i32 {
        %add3A_197 = arith.constant 0 : i32
        %add3A_198 = arith.addi %add3A_197, %scan3A_196 : i32
        %broadcast_in_dim3A = vector.broadcast %add3A_198 : i32 to vector<16xi32>
        %gather3A = tpu.vector_load_idx %arg12[%broadcast_in_dim3A] : memref<400xi32, #tpu.memory_space<vmem>>[vector<16xi32>], vector<16xi32>,
        %add3A_199 = arith.constant 0 : i32
        %add3A_200 = vector.broadcast %add3A_199 : i32 to vector<16xi32>
        %add3A_201 = arith.addi %iota3A, %add3A_200 : vector<16xi32>
        %add3A_202 = arith.addi %gather3A, %add3A_201 : vector<16xi32>
        %gather3A_203 = tpu.vector_load_idx %arg7[%broadcast_in_dim3A, %add3A_202] : memref<400x128xf32, #tpu.memory_space<vmem>>[vector<16xi32>, vector<16xi32>], vector<16xf32>,
        %add3A_204 = arith.constant 16 : i32
        %add3A_205 = vector.broadcast %add3A_204 : i32 to vector<16xi32>
        %add3A_206 = arith.addi %iota3A, %add3A_205 : vector<16xi32>
        %add3A_207 = arith.addi %gather3A, %add3A_206 : vector<16xi32>
        %gather3A_208 = tpu.vector_load_idx %arg7[%broadcast_in_dim3A, %add3A_207] : memref<400x128xf32, #tpu.memory_space<vmem>>[vector<16xi32>, vector<16xi32>], vector<16xf32>,
        %add3A_209 = arith.constant 32 : i32
        %add3A_210 = vector.broadcast %add3A_209 : i32 to vector<16xi32>
        %add3A_211 = arith.addi %iota3A, %add3A_210 : vector<16xi32>
        %add3A_212 = arith.addi %gather3A, %add3A_211 : vector<16xi32>
        %gather3A_213 = tpu.vector_load_idx %arg7[%broadcast_in_dim3A, %add3A_212] : memref<400x128xf32, #tpu.memory_space<vmem>>[vector<16xi32>, vector<16xi32>], vector<16xf32>,
        %add3A_214 = arith.constant 48 : i32
        %add3A_215 = vector.broadcast %add3A_214 : i32 to vector<16xi32>
        %add3A_216 = arith.addi %iota3A, %add3A_215 : vector<16xi32>
        %add3A_217 = arith.addi %gather3A, %add3A_216 : vector<16xi32>
        %gather3A_218 = tpu.vector_load_idx %arg7[%broadcast_in_dim3A, %add3A_217] : memref<400x128xf32, #tpu.memory_space<vmem>>[vector<16xi32>, vector<16xi32>], vector<16xf32>,
        %add3A_219 = arith.constant 8 : i32
        %add3A_220 = arith.addi %add3A_219, %scan3A_196 : i32
        %broadcast_in_dim3A_221 = vector.broadcast %add3A_220 : i32 to vector<16xi32>
        %gather3A_222 = tpu.vector_load_idx %arg12[%broadcast_in_dim3A_221] : memref<400xi32, #tpu.memory_space<vmem>>[vector<16xi32>], vector<16xi32>,
        %add3A_223 = arith.constant 0 : i32
        %add3A_224 = vector.broadcast %add3A_223 : i32 to vector<16xi32>
        %add3A_225 = arith.addi %iota3A, %add3A_224 : vector<16xi32>
        %add3A_226 = arith.addi %gather3A_222, %add3A_225 : vector<16xi32>
        %gather3A_227 = tpu.vector_load_idx %arg7[%broadcast_in_dim3A_221, %add3A_226] : memref<400x128xf32, #tpu.memory_space<vmem>>[vector<16xi32>, vector<16xi32>], vector<16xf32>,
        %add3A_228 = arith.addf %gather3A_203, %gather3A_227 : vector<16xf32>
        %add3A_229 = arith.constant 16 : i32
        %add3A_230 = vector.broadcast %add3A_229 : i32 to vector<16xi32>
        %add3A_231 = arith.addi %iota3A, %add3A_230 : vector<16xi32>
        %add3A_232 = arith.addi %gather3A_222, %add3A_231 : vector<16xi32>
        %gather3A_233 = tpu.vector_load_idx %arg7[%broadcast_in_dim3A_221, %add3A_232] : memref<400x128xf32, #tpu.memory_space<vmem>>[vector<16xi32>, vector<16xi32>], vector<16xf32>,
        %add3A_234 = arith.addf %gather3A_208, %gather3A_233 : vector<16xf32>
        %add3A_235 = arith.constant 32 : i32
        %add3A_236 = vector.broadcast %add3A_235 : i32 to vector<16xi32>
        %add3A_237 = arith.addi %iota3A, %add3A_236 : vector<16xi32>
        %add3A_238 = arith.addi %gather3A_222, %add3A_237 : vector<16xi32>
        %gather3A_239 = tpu.vector_load_idx %arg7[%broadcast_in_dim3A_221, %add3A_238] : memref<400x128xf32, #tpu.memory_space<vmem>>[vector<16xi32>, vector<16xi32>], vector<16xf32>,
        %add3A_240 = arith.addf %gather3A_213, %gather3A_239 : vector<16xf32>
        %add3A_241 = arith.constant 48 : i32
        %add3A_242 = vector.broadcast %add3A_241 : i32 to vector<16xi32>
        %add3A_243 = arith.addi %iota3A, %add3A_242 : vector<16xi32>
        %add3A_244 = arith.addi %gather3A_222, %add3A_243 : vector<16xi32>
        %gather3A_245 = tpu.vector_load_idx %arg7[%broadcast_in_dim3A_221, %add3A_244] : memref<400x128xf32, #tpu.memory_space<vmem>>[vector<16xi32>, vector<16xi32>], vector<16xf32>,
        %add3A_246 = arith.addf %gather3A_218, %gather3A_245 : vector<16xf32>
        %add3A_247 = arith.constant 16 : i32
        %add3A_248 = arith.addi %add3A_247, %scan3A_196 : i32
        %broadcast_in_dim3A_249 = vector.broadcast %add3A_248 : i32 to vector<16xi32>
        %gather3A_250 = tpu.vector_load_idx %arg12[%broadcast_in_dim3A_249] : memref<400xi32, #tpu.memory_space<vmem>>[vector<16xi32>], vector<16xi32>,
        %add3A_251 = arith.constant 0 : i32
        %add3A_252 = vector.broadcast %add3A_251 : i32 to vector<16xi32>
        %add3A_253 = arith.addi %iota3A, %add3A_252 : vector<16xi32>
        %add3A_254 = arith.addi %gather3A_250, %add3A_253 : vector<16xi32>
        %gather3A_255 = tpu.vector_load_idx %arg7[%broadcast_in_dim3A_249, %add3A_254] : memref<400x128xf32, #tpu.memory_space<vmem>>[vector<16xi32>, vector<16xi32>], vector<16xf32>,
        %add3A_256 = arith.addf %add3A_228, %gather3A_255 : vector<16xf32>
        %add3A_257 = arith.constant 16 : i32
        %add3A_258 = vector.broadcast %add3A_257 : i32 to vector<16xi32>
        %add3A_259 = arith.addi %iota3A, %add3A_258 : vector<16xi32>
        %add3A_260 = arith.addi %gather3A_250, %add3A_259 : vector<16xi32>
        %gather3A_261 = tpu.vector_load_idx %arg7[%broadcast_in_dim3A_249, %add3A_260] : memref<400x128xf32, #tpu.memory_space<vmem>>[vector<16xi32>, vector<16xi32>], vector<16xf32>,
        %add3A_262 = arith.addf %add3A_234, %gather3A_261 : vector<16xf32>
        %add3A_263 = arith.constant 32 : i32
        %add3A_264 = vector.broadcast %add3A_263 : i32 to vector<16xi32>
        %add3A_265 = arith.addi %iota3A, %add3A_264 : vector<16xi32>
        %add3A_266 = arith.addi %gather3A_250, %add3A_265 : vector<16xi32>
        %gather3A_267 = tpu.vector_load_idx %arg7[%broadcast_in_dim3A_249, %add3A_266] : memref<400x128xf32, #tpu.memory_space<vmem>>[vector<16xi32>, vector<16xi32>], vector<16xf32>,
        %add3A_268 = arith.addf %add3A_240, %gather3A_267 : vector<16xf32>
        %add3A_269 = arith.constant 48 : i32
        %add3A_270 = vector.broadcast %add3A_269 : i32 to vector<16xi32>
        %add3A_271 = arith.addi %iota3A, %add3A_270 : vector<16xi32>
        %add3A_272 = arith.addi %gather3A_250, %add3A_271 : vector<16xi32>
        %gather3A_273 = tpu.vector_load_idx %arg7[%broadcast_in_dim3A_249, %add3A_272] : memref<400x128xf32, #tpu.memory_space<vmem>>[vector<16xi32>, vector<16xi32>], vector<16xf32>,
        %add3A_274 = arith.addf %add3A_246, %gather3A_273 : vector<16xf32>
        %add3A_275 = arith.constant 24 : i32
        %add3A_276 = arith.addi %add3A_275, %scan3A_196 : i32
        %broadcast_in_dim3A_277 = vector.broadcast %add3A_276 : i32 to vector<16xi32>
        %gather3A_278 = tpu.vector_load_idx %arg12[%broadcast_in_dim3A_277] : memref<400xi32, #tpu.memory_space<vmem>>[vector<16xi32>], vector<16xi32>,
        %add3A_279 = arith.constant 0 : i32
        %add3A_280 = vector.broadcast %add3A_279 : i32 to vector<16xi32>
        %add3A_281 = arith.addi %iota3A, %add3A_280 : vector<16xi32>
        %add3A_282 = arith.addi %gather3A_278, %add3A_281 : vector<16xi32>
        %gather3A_283 = tpu.vector_load_idx %arg7[%broadcast_in_dim3A_277, %add3A_282] : memref<400x128xf32, #tpu.memory_space<vmem>>[vector<16xi32>, vector<16xi32>], vector<16xf32>,
        %add3A_284 = arith.addf %add3A_256, %gather3A_283 : vector<16xf32>
        %add3A_285 = arith.constant 16 : i32
        %add3A_286 = vector.broadcast %add3A_285 : i32 to vector<16xi32>
        %add3A_287 = arith.addi %iota3A, %add3A_286 : vector<16xi32>
        %add3A_288 = arith.addi %gather3A_278, %add3A_287 : vector<16xi32>
        %gather3A_289 = tpu.vector_load_idx %arg7[%broadcast_in_dim3A_277, %add3A_288] : memref<400x128xf32, #tpu.memory_space<vmem>>[vector<16xi32>, vector<16xi32>], vector<16xf32>,
        %add3A_290 = arith.addf %add3A_262, %gather3A_289 : vector<16xf32>
        %add3A_291 = arith.constant 32 : i32
        %add3A_292 = vector.broadcast %add3A_291 : i32 to vector<16xi32>
        %add3A_293 = arith.addi %iota3A, %add3A_292 : vector<16xi32>
        %add3A_294 = arith.addi %gather3A_278, %add3A_293 : vector<16xi32>
        %gather3A_295 = tpu.vector_load_idx %arg7[%broadcast_in_dim3A_277, %add3A_294] : memref<400x128xf32, #tpu.memory_space<vmem>>[vector<16xi32>, vector<16xi32>], vector<16xf32>,
        %add3A_296 = arith.addf %add3A_268, %gather3A_295 : vector<16xf32>
        %add3A_297 = arith.constant 48 : i32
        %add3A_298 = vector.broadcast %add3A_297 : i32 to vector<16xi32>
        %add3A_299 = arith.addi %iota3A, %add3A_298 : vector<16xi32>
        %add3A_300 = arith.addi %gather3A_278, %add3A_299 : vector<16xi32>
        %gather3A_301 = tpu.vector_load_idx %arg7[%broadcast_in_dim3A_277, %add3A_300] : memref<400x128xf32, #tpu.memory_space<vmem>>[vector<16xi32>, vector<16xi32>], vector<16xf32>,
        %add3A_302 = arith.addf %add3A_274, %gather3A_301 : vector<16xf32>
        %add3A_303 = arith.constant 32 : i32
        %add3A_304 = arith.addi %add3A_303, %scan3A_196 : i32
        %broadcast_in_dim3A_305 = vector.broadcast %add3A_304 : i32 to vector<16xi32>
        %gather3A_306 = tpu.vector_load_idx %arg12[%broadcast_in_dim3A_305] : memref<400xi32, #tpu.memory_space<vmem>>[vector<16xi32>], vector<16xi32>,
        %add3A_307 = arith.constant 0 : i32
        %add3A_308 = vector.broadcast %add3A_307 : i32 to vector<16xi32>
        %add3A_309 = arith.addi %iota3A, %add3A_308 : vector<16xi32>
        %add3A_310 = arith.addi %gather3A_306, %add3A_309 : vector<16xi32>
        %gather3A_311 = tpu.vector_load_idx %arg7[%broadcast_in_dim3A_305, %add3A_310] : memref<400x128xf32, #tpu.memory_space<vmem>>[vector<16xi32>, vector<16xi32>], vector<16xf32>,
        %add3A_312 = arith.addf %add3A_284, %gather3A_311 : vector<16xf32>
        %add3A_313 = arith.constant 16 : i32
        %add3A_314 = vector.broadcast %add3A_313 : i32 to vector<16xi32>
        %add3A_315 = arith.addi %iota3A, %add3A_314 : vector<16xi32>
        %add3A_316 = arith.addi %gather3A_306, %add3A_315 : vector<16xi32>
        %gather3A_317 = tpu.vector_load_idx %arg7[%broadcast_in_dim3A_305, %add3A_316] : memref<400x128xf32, #tpu.memory_space<vmem>>[vector<16xi32>, vector<16xi32>], vector<16xf32>,
        %add3A_318 = arith.addf %add3A_290, %gather3A_317 : vector<16xf32>
        %add3A_319 = arith.constant 32 : i32
        %add3A_320 = vector.broadcast %add3A_319 : i32 to vector<16xi32>
        %add3A_321 = arith.addi %iota3A, %add3A_320 : vector<16xi32>
        %add3A_322 = arith.addi %gather3A_306, %add3A_321 : vector<16xi32>
        %gather3A_323 = tpu.vector_load_idx %arg7[%broadcast_in_dim3A_305, %add3A_322] : memref<400x128xf32, #tpu.memory_space<vmem>>[vector<16xi32>, vector<16xi32>], vector<16xf32>,
        %add3A_324 = arith.addf %add3A_296, %gather3A_323 : vector<16xf32>
        %add3A_325 = arith.constant 48 : i32
        %add3A_326 = vector.broadcast %add3A_325 : i32 to vector<16xi32>
        %add3A_327 = arith.addi %iota3A, %add3A_326 : vector<16xi32>
        %add3A_328 = arith.addi %gather3A_306, %add3A_327 : vector<16xi32>
        %gather3A_329 = tpu.vector_load_idx %arg7[%broadcast_in_dim3A_305, %add3A_328] : memref<400x128xf32, #tpu.memory_space<vmem>>[vector<16xi32>, vector<16xi32>], vector<16xf32>,
        %add3A_330 = arith.addf %add3A_302, %gather3A_329 : vector<16xf32>
        %add3A_331 = arith.constant 40 : i32
        %add3A_332 = arith.addi %add3A_331, %scan3A_196 : i32
        %broadcast_in_dim3A_333 = vector.broadcast %add3A_332 : i32 to vector<16xi32>
        %gather3A_334 = tpu.vector_load_idx %arg12[%broadcast_in_dim3A_333] : memref<400xi32, #tpu.memory_space<vmem>>[vector<16xi32>], vector<16xi32>,
        %add3A_335 = arith.constant 0 : i32
        %add3A_336 = vector.broadcast %add3A_335 : i32 to vector<16xi32>
        %add3A_337 = arith.addi %iota3A, %add3A_336 : vector<16xi32>
        %add3A_338 = arith.addi %gather3A_334, %add3A_337 : vector<16xi32>
        %gather3A_339 = tpu.vector_load_idx %arg7[%broadcast_in_dim3A_333, %add3A_338] : memref<400x128xf32, #tpu.memory_space<vmem>>[vector<16xi32>, vector<16xi32>], vector<16xf32>,
        %add3A_340 = arith.addf %add3A_312, %gather3A_339 : vector<16xf32>
        %add3A_341 = arith.constant 16 : i32
        %add3A_342 = vector.broadcast %add3A_341 : i32 to vector<16xi32>
        %add3A_343 = arith.addi %iota3A, %add3A_342 : vector<16xi32>
        %add3A_344 = arith.addi %gather3A_334, %add3A_343 : vector<16xi32>
        %gather3A_345 = tpu.vector_load_idx %arg7[%broadcast_in_dim3A_333, %add3A_344] : memref<400x128xf32, #tpu.memory_space<vmem>>[vector<16xi32>, vector<16xi32>], vector<16xf32>,
        %add3A_346 = arith.addf %add3A_318, %gather3A_345 : vector<16xf32>
        %add3A_347 = arith.constant 32 : i32
        %add3A_348 = vector.broadcast %add3A_347 : i32 to vector<16xi32>
        %add3A_349 = arith.addi %iota3A, %add3A_348 : vector<16xi32>
        %add3A_350 = arith.addi %gather3A_334, %add3A_349 : vector<16xi32>
        %gather3A_351 = tpu.vector_load_idx %arg7[%broadcast_in_dim3A_333, %add3A_350] : memref<400x128xf32, #tpu.memory_space<vmem>>[vector<16xi32>, vector<16xi32>], vector<16xf32>,
        %add3A_352 = arith.addf %add3A_324, %gather3A_351 : vector<16xf32>
        %add3A_353 = arith.constant 48 : i32
        %add3A_354 = vector.broadcast %add3A_353 : i32 to vector<16xi32>
        %add3A_355 = arith.addi %iota3A, %add3A_354 : vector<16xi32>
        %add3A_356 = arith.addi %gather3A_334, %add3A_355 : vector<16xi32>
        %gather3A_357 = tpu.vector_load_idx %arg7[%broadcast_in_dim3A_333, %add3A_356] : memref<400x128xf32, #tpu.memory_space<vmem>>[vector<16xi32>, vector<16xi32>], vector<16xf32>,
        %add3A_358 = arith.addf %add3A_330, %gather3A_357 : vector<16xf32>
        %add3A_359 = arith.constant 48 : i32
        %add3A_360 = arith.addi %add3A_359, %scan3A_196 : i32
        %broadcast_in_dim3A_361 = vector.broadcast %add3A_360 : i32 to vector<16xi32>
        %gather3A_362 = tpu.vector_load_idx %arg12[%broadcast_in_dim3A_361] : memref<400xi32, #tpu.memory_space<vmem>>[vector<16xi32>], vector<16xi32>,
        %add3A_363 = arith.constant 0 : i32
        %add3A_364 = vector.broadcast %add3A_363 : i32 to vector<16xi32>
        %add3A_365 = arith.addi %iota3A, %add3A_364 : vector<16xi32>
        %add3A_366 = arith.addi %gather3A_362, %add3A_365 : vector<16xi32>
        %gather3A_367 = tpu.vector_load_idx %arg7[%broadcast_in_dim3A_361, %add3A_366] : memref<400x128xf32, #tpu.memory_space<vmem>>[vector<16xi32>, vector<16xi32>], vector<16xf32>,
        %add3A_368 = arith.addf %add3A_340, %gather3A_367 : vector<16xf32>
        %add3A_369 = arith.constant 16 : i32
        %add3A_370 = vector.broadcast %add3A_369 : i32 to vector<16xi32>
        %add3A_371 = arith.addi %iota3A, %add3A_370 : vector<16xi32>
        %add3A_372 = arith.addi %gather3A_362, %add3A_371 : vector<16xi32>
        %gather3A_373 = tpu.vector_load_idx %arg7[%broadcast_in_dim3A_361, %add3A_372] : memref<400x128xf32, #tpu.memory_space<vmem>>[vector<16xi32>, vector<16xi32>], vector<16xf32>,
        %add3A_374 = arith.addf %add3A_346, %gather3A_373 : vector<16xf32>
        %add3A_375 = arith.constant 32 : i32
        %add3A_376 = vector.broadcast %add3A_375 : i32 to vector<16xi32>
        %add3A_377 = arith.addi %iota3A, %add3A_376 : vector<16xi32>
        %add3A_378 = arith.addi %gather3A_362, %add3A_377 : vector<16xi32>
        %gather3A_379 = tpu.vector_load_idx %arg7[%broadcast_in_dim3A_361, %add3A_378] : memref<400x128xf32, #tpu.memory_space<vmem>>[vector<16xi32>, vector<16xi32>], vector<16xf32>,
        %add3A_380 = arith.addf %add3A_352, %gather3A_379 : vector<16xf32>
        %add3A_381 = arith.constant 48 : i32
        %add3A_382 = vector.broadcast %add3A_381 : i32 to vector<16xi32>
        %add3A_383 = arith.addi %iota3A, %add3A_382 : vector<16xi32>
        %add3A_384 = arith.addi %gather3A_362, %add3A_383 : vector<16xi32>
        %gather3A_385 = tpu.vector_load_idx %arg7[%broadcast_in_dim3A_361, %add3A_384] : memref<400x128xf32, #tpu.memory_space<vmem>>[vector<16xi32>, vector<16xi32>], vector<16xf32>,
        %add3A_386 = arith.addf %add3A_358, %gather3A_385 : vector<16xf32>
        %add3A_387 = arith.constant 56 : i32
        %add3A_388 = arith.addi %add3A_387, %scan3A_196 : i32
        %broadcast_in_dim3A_389 = vector.broadcast %add3A_388 : i32 to vector<16xi32>
        %gather3A_390 = tpu.vector_load_idx %arg12[%broadcast_in_dim3A_389] : memref<400xi32, #tpu.memory_space<vmem>>[vector<16xi32>], vector<16xi32>,
        %add3A_391 = arith.constant 0 : i32
        %add3A_392 = vector.broadcast %add3A_391 : i32 to vector<16xi32>
        %add3A_393 = arith.addi %iota3A, %add3A_392 : vector<16xi32>
        %add3A_394 = arith.addi %gather3A_390, %add3A_393 : vector<16xi32>
        %gather3A_395 = tpu.vector_load_idx %arg7[%broadcast_in_dim3A_389, %add3A_394] : memref<400x128xf32, #tpu.memory_space<vmem>>[vector<16xi32>, vector<16xi32>], vector<16xf32>,
        %add3A_396 = arith.addf %add3A_368, %gather3A_395 : vector<16xf32>
        %add3A_397 = arith.constant 16 : i32
        %add3A_398 = vector.broadcast %add3A_397 : i32 to vector<16xi32>
        %add3A_399 = arith.addi %iota3A, %add3A_398 : vector<16xi32>
        %add3A_400 = arith.addi %gather3A_390, %add3A_399 : vector<16xi32>
        %gather3A_401 = tpu.vector_load_idx %arg7[%broadcast_in_dim3A_389, %add3A_400] : memref<400x128xf32, #tpu.memory_space<vmem>>[vector<16xi32>, vector<16xi32>], vector<16xf32>,
        %add3A_402 = arith.addf %add3A_374, %gather3A_401 : vector<16xf32>
        %add3A_403 = arith.constant 32 : i32
        %add3A_404 = vector.broadcast %add3A_403 : i32 to vector<16xi32>
        %add3A_405 = arith.addi %iota3A, %add3A_404 : vector<16xi32>
        %add3A_406 = arith.addi %gather3A_390, %add3A_405 : vector<16xi32>
        %gather3A_407 = tpu.vector_load_idx %arg7[%broadcast_in_dim3A_389, %add3A_406] : memref<400x128xf32, #tpu.memory_space<vmem>>[vector<16xi32>, vector<16xi32>], vector<16xf32>,
        %add3A_408 = arith.addf %add3A_380, %gather3A_407 : vector<16xf32>
        %add3A_409 = arith.constant 48 : i32
        %add3A_410 = vector.broadcast %add3A_409 : i32 to vector<16xi32>
        %add3A_411 = arith.addi %iota3A, %add3A_410 : vector<16xi32>
        %add3A_412 = arith.addi %gather3A_390, %add3A_411 : vector<16xi32>
        %gather3A_413 = tpu.vector_load_idx %arg7[%broadcast_in_dim3A_389, %add3A_412] : memref<400x128xf32, #tpu.memory_space<vmem>>[vector<16xi32>, vector<16xi32>], vector<16xf32>,
        %add3A_414 = arith.addf %add3A_386, %gather3A_413 : vector<16xf32>
        %add3A_415 = arith.constant 64 : i32
        %add3A_416 = arith.addi %add3A_415, %scan3A_196 : i32
        %broadcast_in_dim3A_417 = vector.broadcast %add3A_416 : i32 to vector<16xi32>
        %gather3A_418 = tpu.vector_load_idx %arg12[%broadcast_in_dim3A_417] : memref<400xi32, #tpu.memory_space<vmem>>[vector<16xi32>], vector<16xi32>,
        %add3A_419 = arith.constant 0 : i32
        %add3A_420 = vector.broadcast %add3A_419 : i32 to vector<16xi32>
        %add3A_421 = arith.addi %iota3A, %add3A_420 : vector<16xi32>
        %add3A_422 = arith.addi %gather3A_418, %add3A_421 : vector<16xi32>
        %gather3A_423 = tpu.vector_load_idx %arg7[%broadcast_in_dim3A_417, %add3A_422] : memref<400x128xf32, #tpu.memory_space<vmem>>[vector<16xi32>, vector<16xi32>], vector<16xf32>,
        %add3A_424 = arith.addf %add3A_396, %gather3A_423 : vector<16xf32>
        %add3A_425 = arith.constant 16 : i32
        %add3A_426 = vector.broadcast %add3A_425 : i32 to vector<16xi32>
        %add3A_427 = arith.addi %iota3A, %add3A_426 : vector<16xi32>
        %add3A_428 = arith.addi %gather3A_418, %add3A_427 : vector<16xi32>
        %gather3A_429 = tpu.vector_load_idx %arg7[%broadcast_in_dim3A_417, %add3A_428] : memref<400x128xf32, #tpu.memory_space<vmem>>[vector<16xi32>, vector<16xi32>], vector<16xf32>,
        %add3A_430 = arith.addf %add3A_402, %gather3A_429 : vector<16xf32>
        %add3A_431 = arith.constant 32 : i32
        %add3A_432 = vector.broadcast %add3A_431 : i32 to vector<16xi32>
        %add3A_433 = arith.addi %iota3A, %add3A_432 : vector<16xi32>
        %add3A_434 = arith.addi %gather3A_418, %add3A_433 : vector<16xi32>
        %gather3A_435 = tpu.vector_load_idx %arg7[%broadcast_in_dim3A_417, %add3A_434] : memref<400x128xf32, #tpu.memory_space<vmem>>[vector<16xi32>, vector<16xi32>], vector<16xf32>,
        %add3A_436 = arith.addf %add3A_408, %gather3A_435 : vector<16xf32>
        %add3A_437 = arith.constant 48 : i32
        %add3A_438 = vector.broadcast %add3A_437 : i32 to vector<16xi32>
        %add3A_439 = arith.addi %iota3A, %add3A_438 : vector<16xi32>
        %add3A_440 = arith.addi %gather3A_418, %add3A_439 : vector<16xi32>
        %gather3A_441 = tpu.vector_load_idx %arg7[%broadcast_in_dim3A_417, %add3A_440] : memref<400x128xf32, #tpu.memory_space<vmem>>[vector<16xi32>, vector<16xi32>], vector<16xf32>,
        %add3A_442 = arith.addf %add3A_414, %gather3A_441 : vector<16xf32>
        %add3A_443 = arith.constant 72 : i32
        %add3A_444 = arith.addi %add3A_443, %scan3A_196 : i32
        %broadcast_in_dim3A_445 = vector.broadcast %add3A_444 : i32 to vector<16xi32>
        %gather3A_446 = tpu.vector_load_idx %arg12[%broadcast_in_dim3A_445] : memref<400xi32, #tpu.memory_space<vmem>>[vector<16xi32>], vector<16xi32>,
        %add3A_447 = arith.constant 0 : i32
        %add3A_448 = vector.broadcast %add3A_447 : i32 to vector<16xi32>
        %add3A_449 = arith.addi %iota3A, %add3A_448 : vector<16xi32>
        %add3A_450 = arith.addi %gather3A_446, %add3A_449 : vector<16xi32>
        %gather3A_451 = tpu.vector_load_idx %arg7[%broadcast_in_dim3A_445, %add3A_450] : memref<400x128xf32, #tpu.memory_space<vmem>>[vector<16xi32>, vector<16xi32>], vector<16xf32>,
        %add3A_452 = arith.addf %add3A_424, %gather3A_451 : vector<16xf32>
        %add3A_453 = arith.constant 16 : i32
        %add3A_454 = vector.broadcast %add3A_453 : i32 to vector<16xi32>
        %add3A_455 = arith.addi %iota3A, %add3A_454 : vector<16xi32>
        %add3A_456 = arith.addi %gather3A_446, %add3A_455 : vector<16xi32>
        %gather3A_457 = tpu.vector_load_idx %arg7[%broadcast_in_dim3A_445, %add3A_456] : memref<400x128xf32, #tpu.memory_space<vmem>>[vector<16xi32>, vector<16xi32>], vector<16xf32>,
        %add3A_458 = arith.addf %add3A_430, %gather3A_457 : vector<16xf32>
        %add3A_459 = arith.constant 32 : i32
        %add3A_460 = vector.broadcast %add3A_459 : i32 to vector<16xi32>
        %add3A_461 = arith.addi %iota3A, %add3A_460 : vector<16xi32>
        %add3A_462 = arith.addi %gather3A_446, %add3A_461 : vector<16xi32>
        %gather3A_463 = tpu.vector_load_idx %arg7[%broadcast_in_dim3A_445, %add3A_462] : memref<400x128xf32, #tpu.memory_space<vmem>>[vector<16xi32>, vector<16xi32>], vector<16xf32>,
        %add3A_464 = arith.addf %add3A_436, %gather3A_463 : vector<16xf32>
        %add3A_465 = arith.constant 48 : i32
        %add3A_466 = vector.broadcast %add3A_465 : i32 to vector<16xi32>
        %add3A_467 = arith.addi %iota3A, %add3A_466 : vector<16xi32>
        %add3A_468 = arith.addi %gather3A_446, %add3A_467 : vector<16xi32>
        %gather3A_469 = tpu.vector_load_idx %arg7[%broadcast_in_dim3A_445, %add3A_468] : memref<400x128xf32, #tpu.memory_space<vmem>>[vector<16xi32>, vector<16xi32>], vector<16xf32>,
        %add3A_470 = arith.addf %add3A_442, %gather3A_469 : vector<16xf32>
        %add3A_471 = arith.constant 80 : i32
        %add3A_472 = arith.addi %add3A_471, %scan3A_196 : i32
        %broadcast_in_dim3A_473 = vector.broadcast %add3A_472 : i32 to vector<16xi32>
        %gather3A_474 = tpu.vector_load_idx %arg12[%broadcast_in_dim3A_473] : memref<400xi32, #tpu.memory_space<vmem>>[vector<16xi32>], vector<16xi32>,
        %add3A_475 = arith.constant 0 : i32
        %add3A_476 = vector.broadcast %add3A_475 : i32 to vector<16xi32>
        %add3A_477 = arith.addi %iota3A, %add3A_476 : vector<16xi32>
        %add3A_478 = arith.addi %gather3A_474, %add3A_477 : vector<16xi32>
        %gather3A_479 = tpu.vector_load_idx %arg7[%broadcast_in_dim3A_473, %add3A_478] : memref<400x128xf32, #tpu.memory_space<vmem>>[vector<16xi32>, vector<16xi32>], vector<16xf32>,
        %add3A_480 = arith.addf %add3A_452, %gather3A_479 : vector<16xf32>
        %add3A_481 = arith.constant 16 : i32
        %add3A_482 = vector.broadcast %add3A_481 : i32 to vector<16xi32>
        %add3A_483 = arith.addi %iota3A, %add3A_482 : vector<16xi32>
        %add3A_484 = arith.addi %gather3A_474, %add3A_483 : vector<16xi32>
        %gather3A_485 = tpu.vector_load_idx %arg7[%broadcast_in_dim3A_473, %add3A_484] : memref<400x128xf32, #tpu.memory_space<vmem>>[vector<16xi32>, vector<16xi32>], vector<16xf32>,
        %add3A_486 = arith.addf %add3A_458, %gather3A_485 : vector<16xf32>
        %add3A_487 = arith.constant 32 : i32
        %add3A_488 = vector.broadcast %add3A_487 : i32 to vector<16xi32>
        %add3A_489 = arith.addi %iota3A, %add3A_488 : vector<16xi32>
        %add3A_490 = arith.addi %gather3A_474, %add3A_489 : vector<16xi32>
        %gather3A_491 = tpu.vector_load_idx %arg7[%broadcast_in_dim3A_473, %add3A_490] : memref<400x128xf32, #tpu.memory_space<vmem>>[vector<16xi32>, vector<16xi32>], vector<16xf32>,
        %add3A_492 = arith.addf %add3A_464, %gather3A_491 : vector<16xf32>
        %add3A_493 = arith.constant 48 : i32
        %add3A_494 = vector.broadcast %add3A_493 : i32 to vector<16xi32>
        %add3A_495 = arith.addi %iota3A, %add3A_494 : vector<16xi32>
        %add3A_496 = arith.addi %gather3A_474, %add3A_495 : vector<16xi32>
        %gather3A_497 = tpu.vector_load_idx %arg7[%broadcast_in_dim3A_473, %add3A_496] : memref<400x128xf32, #tpu.memory_space<vmem>>[vector<16xi32>, vector<16xi32>], vector<16xf32>,
        %add3A_498 = arith.addf %add3A_470, %gather3A_497 : vector<16xf32>
        %add3A_499 = arith.constant 88 : i32
        %add3A_500 = arith.addi %add3A_499, %scan3A_196 : i32
        %broadcast_in_dim3A_501 = vector.broadcast %add3A_500 : i32 to vector<16xi32>
        %gather3A_502 = tpu.vector_load_idx %arg12[%broadcast_in_dim3A_501] : memref<400xi32, #tpu.memory_space<vmem>>[vector<16xi32>], vector<16xi32>,
        %add3A_503 = arith.constant 0 : i32
        %add3A_504 = vector.broadcast %add3A_503 : i32 to vector<16xi32>
        %add3A_505 = arith.addi %iota3A, %add3A_504 : vector<16xi32>
        %add3A_506 = arith.addi %gather3A_502, %add3A_505 : vector<16xi32>
        %gather3A_507 = tpu.vector_load_idx %arg7[%broadcast_in_dim3A_501, %add3A_506] : memref<400x128xf32, #tpu.memory_space<vmem>>[vector<16xi32>, vector<16xi32>], vector<16xf32>,
        %add3A_508 = arith.addf %add3A_480, %gather3A_507 : vector<16xf32>
        %add3A_509 = arith.constant 16 : i32
        %add3A_510 = vector.broadcast %add3A_509 : i32 to vector<16xi32>
        %add3A_511 = arith.addi %iota3A, %add3A_510 : vector<16xi32>
        %add3A_512 = arith.addi %gather3A_502, %add3A_511 : vector<16xi32>
        %gather3A_513 = tpu.vector_load_idx %arg7[%broadcast_in_dim3A_501, %add3A_512] : memref<400x128xf32, #tpu.memory_space<vmem>>[vector<16xi32>, vector<16xi32>], vector<16xf32>,
        %add3A_514 = arith.addf %add3A_486, %gather3A_513 : vector<16xf32>
        %add3A_515 = arith.constant 32 : i32
        %add3A_516 = vector.broadcast %add3A_515 : i32 to vector<16xi32>
        %add3A_517 = arith.addi %iota3A, %add3A_516 : vector<16xi32>
        %add3A_518 = arith.addi %gather3A_502, %add3A_517 : vector<16xi32>
        %gather3A_519 = tpu.vector_load_idx %arg7[%broadcast_in_dim3A_501, %add3A_518] : memref<400x128xf32, #tpu.memory_space<vmem>>[vector<16xi32>, vector<16xi32>], vector<16xf32>,
        %add3A_520 = arith.addf %add3A_492, %gather3A_519 : vector<16xf32>
        %add3A_521 = arith.constant 48 : i32
        %add3A_522 = vector.broadcast %add3A_521 : i32 to vector<16xi32>
        %add3A_523 = arith.addi %iota3A, %add3A_522 : vector<16xi32>
        %add3A_524 = arith.addi %gather3A_502, %add3A_523 : vector<16xi32>
        %gather3A_525 = tpu.vector_load_idx %arg7[%broadcast_in_dim3A_501, %add3A_524] : memref<400x128xf32, #tpu.memory_space<vmem>>[vector<16xi32>, vector<16xi32>], vector<16xf32>,
        %add3A_526 = arith.addf %add3A_498, %gather3A_525 : vector<16xf32>
        %add3A_527 = arith.constant 96 : i32
        %add3A_528 = arith.addi %add3A_527, %scan3A_196 : i32
        %broadcast_in_dim3A_529 = vector.broadcast %add3A_528 : i32 to vector<16xi32>
        %gather3A_530 = tpu.vector_load_idx %arg12[%broadcast_in_dim3A_529] : memref<400xi32, #tpu.memory_space<vmem>>[vector<16xi32>], vector<16xi32>,
        %add3A_531 = arith.constant 0 : i32
        %add3A_532 = vector.broadcast %add3A_531 : i32 to vector<16xi32>
        %add3A_533 = arith.addi %iota3A, %add3A_532 : vector<16xi32>
        %add3A_534 = arith.addi %gather3A_530, %add3A_533 : vector<16xi32>
        %gather3A_535 = tpu.vector_load_idx %arg7[%broadcast_in_dim3A_529, %add3A_534] : memref<400x128xf32, #tpu.memory_space<vmem>>[vector<16xi32>, vector<16xi32>], vector<16xf32>,
        %add3A_536 = arith.addf %add3A_508, %gather3A_535 : vector<16xf32>
        %add3A_537 = arith.constant 16 : i32
        %add3A_538 = vector.broadcast %add3A_537 : i32 to vector<16xi32>
        %add3A_539 = arith.addi %iota3A, %add3A_538 : vector<16xi32>
        %add3A_540 = arith.addi %gather3A_530, %add3A_539 : vector<16xi32>
        %gather3A_541 = tpu.vector_load_idx %arg7[%broadcast_in_dim3A_529, %add3A_540] : memref<400x128xf32, #tpu.memory_space<vmem>>[vector<16xi32>, vector<16xi32>], vector<16xf32>,
        %add3A_542 = arith.addf %add3A_514, %gather3A_541 : vector<16xf32>
        %add3A_543 = arith.constant 32 : i32
        %add3A_544 = vector.broadcast %add3A_543 : i32 to vector<16xi32>
        %add3A_545 = arith.addi %iota3A, %add3A_544 : vector<16xi32>
        %add3A_546 = arith.addi %gather3A_530, %add3A_545 : vector<16xi32>
        %gather3A_547 = tpu.vector_load_idx %arg7[%broadcast_in_dim3A_529, %add3A_546] : memref<400x128xf32, #tpu.memory_space<vmem>>[vector<16xi32>, vector<16xi32>], vector<16xf32>,
        %add3A_548 = arith.addf %add3A_520, %gather3A_547 : vector<16xf32>
        %add3A_549 = arith.constant 48 : i32
        %add3A_550 = vector.broadcast %add3A_549 : i32 to vector<16xi32>
        %add3A_551 = arith.addi %iota3A, %add3A_550 : vector<16xi32>
        %add3A_552 = arith.addi %gather3A_530, %add3A_551 : vector<16xi32>
        %gather3A_553 = tpu.vector_load_idx %arg7[%broadcast_in_dim3A_529, %add3A_552] : memref<400x128xf32, #tpu.memory_space<vmem>>[vector<16xi32>, vector<16xi32>], vector<16xf32>,
        %add3A_554 = arith.addf %add3A_526, %gather3A_553 : vector<16xf32>
        %add3A_555 = arith.constant 104 : i32
        %add3A_556 = arith.addi %add3A_555, %scan3A_196 : i32
        %broadcast_in_dim3A_557 = vector.broadcast %add3A_556 : i32 to vector<16xi32>
        %gather3A_558 = tpu.vector_load_idx %arg12[%broadcast_in_dim3A_557] : memref<400xi32, #tpu.memory_space<vmem>>[vector<16xi32>], vector<16xi32>,
        %add3A_559 = arith.constant 0 : i32
        %add3A_560 = vector.broadcast %add3A_559 : i32 to vector<16xi32>
        %add3A_561 = arith.addi %iota3A, %add3A_560 : vector<16xi32>
        %add3A_562 = arith.addi %gather3A_558, %add3A_561 : vector<16xi32>
        %gather3A_563 = tpu.vector_load_idx %arg7[%broadcast_in_dim3A_557, %add3A_562] : memref<400x128xf32, #tpu.memory_space<vmem>>[vector<16xi32>, vector<16xi32>], vector<16xf32>,
        %add3A_564 = arith.addf %add3A_536, %gather3A_563 : vector<16xf32>
        %add3A_565 = arith.constant 16 : i32
        %add3A_566 = vector.broadcast %add3A_565 : i32 to vector<16xi32>
        %add3A_567 = arith.addi %iota3A, %add3A_566 : vector<16xi32>
        %add3A_568 = arith.addi %gather3A_558, %add3A_567 : vector<16xi32>
        %gather3A_569 = tpu.vector_load_idx %arg7[%broadcast_in_dim3A_557, %add3A_568] : memref<400x128xf32, #tpu.memory_space<vmem>>[vector<16xi32>, vector<16xi32>], vector<16xf32>,
        %add3A_570 = arith.addf %add3A_542, %gather3A_569 : vector<16xf32>
        %add3A_571 = arith.constant 32 : i32
        %add3A_572 = vector.broadcast %add3A_571 : i32 to vector<16xi32>
        %add3A_573 = arith.addi %iota3A, %add3A_572 : vector<16xi32>
        %add3A_574 = arith.addi %gather3A_558, %add3A_573 : vector<16xi32>
        %gather3A_575 = tpu.vector_load_idx %arg7[%broadcast_in_dim3A_557, %add3A_574] : memref<400x128xf32, #tpu.memory_space<vmem>>[vector<16xi32>, vector<16xi32>], vector<16xf32>,
        %add3A_576 = arith.addf %add3A_548, %gather3A_575 : vector<16xf32>
        %add3A_577 = arith.constant 48 : i32
        %add3A_578 = vector.broadcast %add3A_577 : i32 to vector<16xi32>
        %add3A_579 = arith.addi %iota3A, %add3A_578 : vector<16xi32>
        %add3A_580 = arith.addi %gather3A_558, %add3A_579 : vector<16xi32>
        %gather3A_581 = tpu.vector_load_idx %arg7[%broadcast_in_dim3A_557, %add3A_580] : memref<400x128xf32, #tpu.memory_space<vmem>>[vector<16xi32>, vector<16xi32>], vector<16xf32>,
        %add3A_582 = arith.addf %add3A_554, %gather3A_581 : vector<16xf32>
        %add3A_583 = arith.constant 112 : i32
        %add3A_584 = arith.addi %add3A_583, %scan3A_196 : i32
        %broadcast_in_dim3A_585 = vector.broadcast %add3A_584 : i32 to vector<16xi32>
        %gather3A_586 = tpu.vector_load_idx %arg12[%broadcast_in_dim3A_585] : memref<400xi32, #tpu.memory_space<vmem>>[vector<16xi32>], vector<16xi32>,
        %add3A_587 = arith.constant 0 : i32
        %add3A_588 = vector.broadcast %add3A_587 : i32 to vector<16xi32>
        %add3A_589 = arith.addi %iota3A, %add3A_588 : vector<16xi32>
        %add3A_590 = arith.addi %gather3A_586, %add3A_589 : vector<16xi32>
        %gather3A_591 = tpu.vector_load_idx %arg7[%broadcast_in_dim3A_585, %add3A_590] : memref<400x128xf32, #tpu.memory_space<vmem>>[vector<16xi32>, vector<16xi32>], vector<16xf32>,
        %add3A_592 = arith.addf %add3A_564, %gather3A_591 : vector<16xf32>
        %add3A_593 = arith.constant 16 : i32
        %add3A_594 = vector.broadcast %add3A_593 : i32 to vector<16xi32>
        %add3A_595 = arith.addi %iota3A, %add3A_594 : vector<16xi32>
        %add3A_596 = arith.addi %gather3A_586, %add3A_595 : vector<16xi32>
        %gather3A_597 = tpu.vector_load_idx %arg7[%broadcast_in_dim3A_585, %add3A_596] : memref<400x128xf32, #tpu.memory_space<vmem>>[vector<16xi32>, vector<16xi32>], vector<16xf32>,
        %add3A_598 = arith.addf %add3A_570, %gather3A_597 : vector<16xf32>
        %add3A_599 = arith.constant 32 : i32
        %add3A_600 = vector.broadcast %add3A_599 : i32 to vector<16xi32>
        %add3A_601 = arith.addi %iota3A, %add3A_600 : vector<16xi32>
        %add3A_602 = arith.addi %gather3A_586, %add3A_601 : vector<16xi32>
        %gather3A_603 = tpu.vector_load_idx %arg7[%broadcast_in_dim3A_585, %add3A_602] : memref<400x128xf32, #tpu.memory_space<vmem>>[vector<16xi32>, vector<16xi32>], vector<16xf32>,
        %add3A_604 = arith.addf %add3A_576, %gather3A_603 : vector<16xf32>
        %add3A_605 = arith.constant 48 : i32
        %add3A_606 = vector.broadcast %add3A_605 : i32 to vector<16xi32>
        %add3A_607 = arith.addi %iota3A, %add3A_606 : vector<16xi32>
        %add3A_608 = arith.addi %gather3A_586, %add3A_607 : vector<16xi32>
        %gather3A_609 = tpu.vector_load_idx %arg7[%broadcast_in_dim3A_585, %add3A_608] : memref<400x128xf32, #tpu.memory_space<vmem>>[vector<16xi32>, vector<16xi32>], vector<16xf32>,
        %add3A_610 = arith.addf %add3A_582, %gather3A_609 : vector<16xf32>
        %add3A_611 = arith.constant 120 : i32
        %add3A_612 = arith.addi %add3A_611, %scan3A_196 : i32
        %broadcast_in_dim3A_613 = vector.broadcast %add3A_612 : i32 to vector<16xi32>
        %gather3A_614 = tpu.vector_load_idx %arg12[%broadcast_in_dim3A_613] : memref<400xi32, #tpu.memory_space<vmem>>[vector<16xi32>], vector<16xi32>,
        %add3A_615 = arith.constant 0 : i32
        %add3A_616 = vector.broadcast %add3A_615 : i32 to vector<16xi32>
        %add3A_617 = arith.addi %iota3A, %add3A_616 : vector<16xi32>
        %add3A_618 = arith.addi %gather3A_614, %add3A_617 : vector<16xi32>
        %gather3A_619 = tpu.vector_load_idx %arg7[%broadcast_in_dim3A_613, %add3A_618] : memref<400x128xf32, #tpu.memory_space<vmem>>[vector<16xi32>, vector<16xi32>], vector<16xf32>,
        %add3A_620 = arith.addf %add3A_592, %gather3A_619 : vector<16xf32>
        %add3A_621 = arith.constant 16 : i32
        %add3A_622 = vector.broadcast %add3A_621 : i32 to vector<16xi32>
        %add3A_623 = arith.addi %iota3A, %add3A_622 : vector<16xi32>
        %add3A_624 = arith.addi %gather3A_614, %add3A_623 : vector<16xi32>
        %gather3A_625 = tpu.vector_load_idx %arg7[%broadcast_in_dim3A_613, %add3A_624] : memref<400x128xf32, #tpu.memory_space<vmem>>[vector<16xi32>, vector<16xi32>], vector<16xf32>,
        %add3A_626 = arith.addf %add3A_598, %gather3A_625 : vector<16xf32>
        %add3A_627 = arith.constant 32 : i32
        %add3A_628 = vector.broadcast %add3A_627 : i32 to vector<16xi32>
        %add3A_629 = arith.addi %iota3A, %add3A_628 : vector<16xi32>
        %add3A_630 = arith.addi %gather3A_614, %add3A_629 : vector<16xi32>
        %gather3A_631 = tpu.vector_load_idx %arg7[%broadcast_in_dim3A_613, %add3A_630] : memref<400x128xf32, #tpu.memory_space<vmem>>[vector<16xi32>, vector<16xi32>], vector<16xf32>,
        %add3A_632 = arith.addf %add3A_604, %gather3A_631 : vector<16xf32>
        %add3A_633 = arith.constant 48 : i32
        %add3A_634 = vector.broadcast %add3A_633 : i32 to vector<16xi32>
        %add3A_635 = arith.addi %iota3A, %add3A_634 : vector<16xi32>
        %add3A_636 = arith.addi %gather3A_614, %add3A_635 : vector<16xi32>
        %gather3A_637 = tpu.vector_load_idx %arg7[%broadcast_in_dim3A_613, %add3A_636] : memref<400x128xf32, #tpu.memory_space<vmem>>[vector<16xi32>, vector<16xi32>], vector<16xf32>,
        %add3A_638 = arith.addf %add3A_610, %gather3A_637 : vector<16xf32>
        %add3A_639 = arith.constant 128 : i32
        %add3A_640 = arith.addi %add3A_639, %scan3A_196 : i32
        %broadcast_in_dim3A_641 = vector.broadcast %add3A_640 : i32 to vector<16xi32>
        %gather3A_642 = tpu.vector_load_idx %arg12[%broadcast_in_dim3A_641] : memref<400xi32, #tpu.memory_space<vmem>>[vector<16xi32>], vector<16xi32>,
        %add3A_643 = arith.constant 0 : i32
        %add3A_644 = vector.broadcast %add3A_643 : i32 to vector<16xi32>
        %add3A_645 = arith.addi %iota3A, %add3A_644 : vector<16xi32>
        %add3A_646 = arith.addi %gather3A_642, %add3A_645 : vector<16xi32>
        %gather3A_647 = tpu.vector_load_idx %arg7[%broadcast_in_dim3A_641, %add3A_646] : memref<400x128xf32, #tpu.memory_space<vmem>>[vector<16xi32>, vector<16xi32>], vector<16xf32>,
        %add3A_648 = arith.addf %add3A_620, %gather3A_647 : vector<16xf32>
        %add3A_649 = arith.constant 16 : i32
        %add3A_650 = vector.broadcast %add3A_649 : i32 to vector<16xi32>
        %add3A_651 = arith.addi %iota3A, %add3A_650 : vector<16xi32>
        %add3A_652 = arith.addi %gather3A_642, %add3A_651 : vector<16xi32>
        %gather3A_653 = tpu.vector_load_idx %arg7[%broadcast_in_dim3A_641, %add3A_652] : memref<400x128xf32, #tpu.memory_space<vmem>>[vector<16xi32>, vector<16xi32>], vector<16xf32>,
        %add3A_654 = arith.addf %add3A_626, %gather3A_653 : vector<16xf32>
        %add3A_655 = arith.constant 32 : i32
        %add3A_656 = vector.broadcast %add3A_655 : i32 to vector<16xi32>
        %add3A_657 = arith.addi %iota3A, %add3A_656 : vector<16xi32>
        %add3A_658 = arith.addi %gather3A_642, %add3A_657 : vector<16xi32>
        %gather3A_659 = tpu.vector_load_idx %arg7[%broadcast_in_dim3A_641, %add3A_658] : memref<400x128xf32, #tpu.memory_space<vmem>>[vector<16xi32>, vector<16xi32>], vector<16xf32>,
        %add3A_660 = arith.addf %add3A_632, %gather3A_659 : vector<16xf32>
        %add3A_661 = arith.constant 48 : i32
        %add3A_662 = vector.broadcast %add3A_661 : i32 to vector<16xi32>
        %add3A_663 = arith.addi %iota3A, %add3A_662 : vector<16xi32>
        %add3A_664 = arith.addi %gather3A_642, %add3A_663 : vector<16xi32>
        %gather3A_665 = tpu.vector_load_idx %arg7[%broadcast_in_dim3A_641, %add3A_664] : memref<400x128xf32, #tpu.memory_space<vmem>>[vector<16xi32>, vector<16xi32>], vector<16xf32>,
        %add3A_666 = arith.addf %add3A_638, %gather3A_665 : vector<16xf32>
        %add3A_667 = arith.constant 136 : i32
        %add3A_668 = arith.addi %add3A_667, %scan3A_196 : i32
        %broadcast_in_dim3A_669 = vector.broadcast %add3A_668 : i32 to vector<16xi32>
        %gather3A_670 = tpu.vector_load_idx %arg12[%broadcast_in_dim3A_669] : memref<400xi32, #tpu.memory_space<vmem>>[vector<16xi32>], vector<16xi32>,
        %add3A_671 = arith.constant 0 : i32
        %add3A_672 = vector.broadcast %add3A_671 : i32 to vector<16xi32>
        %add3A_673 = arith.addi %iota3A, %add3A_672 : vector<16xi32>
        %add3A_674 = arith.addi %gather3A_670, %add3A_673 : vector<16xi32>
        %gather3A_675 = tpu.vector_load_idx %arg7[%broadcast_in_dim3A_669, %add3A_674] : memref<400x128xf32, #tpu.memory_space<vmem>>[vector<16xi32>, vector<16xi32>], vector<16xf32>,
        %add3A_676 = arith.addf %add3A_648, %gather3A_675 : vector<16xf32>
        %add3A_677 = arith.constant 16 : i32
        %add3A_678 = vector.broadcast %add3A_677 : i32 to vector<16xi32>
        %add3A_679 = arith.addi %iota3A, %add3A_678 : vector<16xi32>
        %add3A_680 = arith.addi %gather3A_670, %add3A_679 : vector<16xi32>
        %gather3A_681 = tpu.vector_load_idx %arg7[%broadcast_in_dim3A_669, %add3A_680] : memref<400x128xf32, #tpu.memory_space<vmem>>[vector<16xi32>, vector<16xi32>], vector<16xf32>,
        %add3A_682 = arith.addf %add3A_654, %gather3A_681 : vector<16xf32>
        %add3A_683 = arith.constant 32 : i32
        %add3A_684 = vector.broadcast %add3A_683 : i32 to vector<16xi32>
        %add3A_685 = arith.addi %iota3A, %add3A_684 : vector<16xi32>
        %add3A_686 = arith.addi %gather3A_670, %add3A_685 : vector<16xi32>
        %gather3A_687 = tpu.vector_load_idx %arg7[%broadcast_in_dim3A_669, %add3A_686] : memref<400x128xf32, #tpu.memory_space<vmem>>[vector<16xi32>, vector<16xi32>], vector<16xf32>,
        %add3A_688 = arith.addf %add3A_660, %gather3A_687 : vector<16xf32>
        %add3A_689 = arith.constant 48 : i32
        %add3A_690 = vector.broadcast %add3A_689 : i32 to vector<16xi32>
        %add3A_691 = arith.addi %iota3A, %add3A_690 : vector<16xi32>
        %add3A_692 = arith.addi %gather3A_670, %add3A_691 : vector<16xi32>
        %gather3A_693 = tpu.vector_load_idx %arg7[%broadcast_in_dim3A_669, %add3A_692] : memref<400x128xf32, #tpu.memory_space<vmem>>[vector<16xi32>, vector<16xi32>], vector<16xf32>,
        %add3A_694 = arith.addf %add3A_666, %gather3A_693 : vector<16xf32>
        %add3A_695 = arith.constant 144 : i32
        %add3A_696 = arith.addi %add3A_695, %scan3A_196 : i32
        %broadcast_in_dim3A_697 = vector.broadcast %add3A_696 : i32 to vector<16xi32>
        %gather3A_698 = tpu.vector_load_idx %arg12[%broadcast_in_dim3A_697] : memref<400xi32, #tpu.memory_space<vmem>>[vector<16xi32>], vector<16xi32>,
        %add3A_699 = arith.constant 0 : i32
        %add3A_700 = vector.broadcast %add3A_699 : i32 to vector<16xi32>
        %add3A_701 = arith.addi %iota3A, %add3A_700 : vector<16xi32>
        %add3A_702 = arith.addi %gather3A_698, %add3A_701 : vector<16xi32>
        %gather3A_703 = tpu.vector_load_idx %arg7[%broadcast_in_dim3A_697, %add3A_702] : memref<400x128xf32, #tpu.memory_space<vmem>>[vector<16xi32>, vector<16xi32>], vector<16xf32>,
        %add3A_704 = arith.addf %add3A_676, %gather3A_703 : vector<16xf32>
        %add3A_705 = arith.constant 16 : i32
        %add3A_706 = vector.broadcast %add3A_705 : i32 to vector<16xi32>
        %add3A_707 = arith.addi %iota3A, %add3A_706 : vector<16xi32>
        %add3A_708 = arith.addi %gather3A_698, %add3A_707 : vector<16xi32>
        %gather3A_709 = tpu.vector_load_idx %arg7[%broadcast_in_dim3A_697, %add3A_708] : memref<400x128xf32, #tpu.memory_space<vmem>>[vector<16xi32>, vector<16xi32>], vector<16xf32>,
        %add3A_710 = arith.addf %add3A_682, %gather3A_709 : vector<16xf32>
        %add3A_711 = arith.constant 32 : i32
        %add3A_712 = vector.broadcast %add3A_711 : i32 to vector<16xi32>
        %add3A_713 = arith.addi %iota3A, %add3A_712 : vector<16xi32>
        %add3A_714 = arith.addi %gather3A_698, %add3A_713 : vector<16xi32>
        %gather3A_715 = tpu.vector_load_idx %arg7[%broadcast_in_dim3A_697, %add3A_714] : memref<400x128xf32, #tpu.memory_space<vmem>>[vector<16xi32>, vector<16xi32>], vector<16xf32>,
        %add3A_716 = arith.addf %add3A_688, %gather3A_715 : vector<16xf32>
        %add3A_717 = arith.constant 48 : i32
        %add3A_718 = vector.broadcast %add3A_717 : i32 to vector<16xi32>
        %add3A_719 = arith.addi %iota3A, %add3A_718 : vector<16xi32>
        %add3A_720 = arith.addi %gather3A_698, %add3A_719 : vector<16xi32>
        %gather3A_721 = tpu.vector_load_idx %arg7[%broadcast_in_dim3A_697, %add3A_720] : memref<400x128xf32, #tpu.memory_space<vmem>>[vector<16xi32>, vector<16xi32>], vector<16xf32>,
        %add3A_722 = arith.addf %add3A_694, %gather3A_721 : vector<16xf32>
        %add3A_723 = arith.constant 152 : i32
        %add3A_724 = arith.addi %add3A_723, %scan3A_196 : i32
        %broadcast_in_dim3A_725 = vector.broadcast %add3A_724 : i32 to vector<16xi32>
        %gather3A_726 = tpu.vector_load_idx %arg12[%broadcast_in_dim3A_725] : memref<400xi32, #tpu.memory_space<vmem>>[vector<16xi32>], vector<16xi32>,
        %add3A_727 = arith.constant 0 : i32
        %add3A_728 = vector.broadcast %add3A_727 : i32 to vector<16xi32>
        %add3A_729 = arith.addi %iota3A, %add3A_728 : vector<16xi32>
        %add3A_730 = arith.addi %gather3A_726, %add3A_729 : vector<16xi32>
        %gather3A_731 = tpu.vector_load_idx %arg7[%broadcast_in_dim3A_725, %add3A_730] : memref<400x128xf32, #tpu.memory_space<vmem>>[vector<16xi32>, vector<16xi32>], vector<16xf32>,
        %add3A_732 = arith.addf %add3A_704, %gather3A_731 : vector<16xf32>
        %add3A_733 = arith.constant 16 : i32
        %add3A_734 = vector.broadcast %add3A_733 : i32 to vector<16xi32>
        %add3A_735 = arith.addi %iota3A, %add3A_734 : vector<16xi32>
        %add3A_736 = arith.addi %gather3A_726, %add3A_735 : vector<16xi32>
        %gather3A_737 = tpu.vector_load_idx %arg7[%broadcast_in_dim3A_725, %add3A_736] : memref<400x128xf32, #tpu.memory_space<vmem>>[vector<16xi32>, vector<16xi32>], vector<16xf32>,
        %add3A_738 = arith.addf %add3A_710, %gather3A_737 : vector<16xf32>
        %add3A_739 = arith.constant 32 : i32
        %add3A_740 = vector.broadcast %add3A_739 : i32 to vector<16xi32>
        %add3A_741 = arith.addi %iota3A, %add3A_740 : vector<16xi32>
        %add3A_742 = arith.addi %gather3A_726, %add3A_741 : vector<16xi32>
        %gather3A_743 = tpu.vector_load_idx %arg7[%broadcast_in_dim3A_725, %add3A_742] : memref<400x128xf32, #tpu.memory_space<vmem>>[vector<16xi32>, vector<16xi32>], vector<16xf32>,
        %add3A_744 = arith.addf %add3A_716, %gather3A_743 : vector<16xf32>
        %add3A_745 = arith.constant 48 : i32
        %add3A_746 = vector.broadcast %add3A_745 : i32 to vector<16xi32>
        %add3A_747 = arith.addi %iota3A, %add3A_746 : vector<16xi32>
        %add3A_748 = arith.addi %gather3A_726, %add3A_747 : vector<16xi32>
        %gather3A_749 = tpu.vector_load_idx %arg7[%broadcast_in_dim3A_725, %add3A_748] : memref<400x128xf32, #tpu.memory_space<vmem>>[vector<16xi32>, vector<16xi32>], vector<16xf32>,
        %add3A_750 = arith.addf %add3A_722, %gather3A_749 : vector<16xf32>
        %add3A_751 = arith.constant 160 : i32
        %add3A_752 = arith.addi %add3A_751, %scan3A_196 : i32
        %broadcast_in_dim3A_753 = vector.broadcast %add3A_752 : i32 to vector<16xi32>
        %gather3A_754 = tpu.vector_load_idx %arg12[%broadcast_in_dim3A_753] : memref<400xi32, #tpu.memory_space<vmem>>[vector<16xi32>], vector<16xi32>,
        %add3A_755 = arith.constant 0 : i32
        %add3A_756 = vector.broadcast %add3A_755 : i32 to vector<16xi32>
        %add3A_757 = arith.addi %iota3A, %add3A_756 : vector<16xi32>
        %add3A_758 = arith.addi %gather3A_754, %add3A_757 : vector<16xi32>
        %gather3A_759 = tpu.vector_load_idx %arg7[%broadcast_in_dim3A_753, %add3A_758] : memref<400x128xf32, #tpu.memory_space<vmem>>[vector<16xi32>, vector<16xi32>], vector<16xf32>,
        %add3A_760 = arith.addf %add3A_732, %gather3A_759 : vector<16xf32>
        %add3A_761 = arith.constant 16 : i32
        %add3A_762 = vector.broadcast %add3A_761 : i32 to vector<16xi32>
        %add3A_763 = arith.addi %iota3A, %add3A_762 : vector<16xi32>
        %add3A_764 = arith.addi %gather3A_754, %add3A_763 : vector<16xi32>
        %gather3A_765 = tpu.vector_load_idx %arg7[%broadcast_in_dim3A_753, %add3A_764] : memref<400x128xf32, #tpu.memory_space<vmem>>[vector<16xi32>, vector<16xi32>], vector<16xf32>,
        %add3A_766 = arith.addf %add3A_738, %gather3A_765 : vector<16xf32>
        %add3A_767 = arith.constant 32 : i32
        %add3A_768 = vector.broadcast %add3A_767 : i32 to vector<16xi32>
        %add3A_769 = arith.addi %iota3A, %add3A_768 : vector<16xi32>
        %add3A_770 = arith.addi %gather3A_754, %add3A_769 : vector<16xi32>
        %gather3A_771 = tpu.vector_load_idx %arg7[%broadcast_in_dim3A_753, %add3A_770] : memref<400x128xf32, #tpu.memory_space<vmem>>[vector<16xi32>, vector<16xi32>], vector<16xf32>,
        %add3A_772 = arith.addf %add3A_744, %gather3A_771 : vector<16xf32>
        %add3A_773 = arith.constant 48 : i32
        %add3A_774 = vector.broadcast %add3A_773 : i32 to vector<16xi32>
        %add3A_775 = arith.addi %iota3A, %add3A_774 : vector<16xi32>
        %add3A_776 = arith.addi %gather3A_754, %add3A_775 : vector<16xi32>
        %gather3A_777 = tpu.vector_load_idx %arg7[%broadcast_in_dim3A_753, %add3A_776] : memref<400x128xf32, #tpu.memory_space<vmem>>[vector<16xi32>, vector<16xi32>], vector<16xf32>,
        %add3A_778 = arith.addf %add3A_750, %gather3A_777 : vector<16xf32>
        %add3A_779 = arith.constant 168 : i32
        %add3A_780 = arith.addi %add3A_779, %scan3A_196 : i32
        %broadcast_in_dim3A_781 = vector.broadcast %add3A_780 : i32 to vector<16xi32>
        %gather3A_782 = tpu.vector_load_idx %arg12[%broadcast_in_dim3A_781] : memref<400xi32, #tpu.memory_space<vmem>>[vector<16xi32>], vector<16xi32>,
        %add3A_783 = arith.constant 0 : i32
        %add3A_784 = vector.broadcast %add3A_783 : i32 to vector<16xi32>
        %add3A_785 = arith.addi %iota3A, %add3A_784 : vector<16xi32>
        %add3A_786 = arith.addi %gather3A_782, %add3A_785 : vector<16xi32>
        %gather3A_787 = tpu.vector_load_idx %arg7[%broadcast_in_dim3A_781, %add3A_786] : memref<400x128xf32, #tpu.memory_space<vmem>>[vector<16xi32>, vector<16xi32>], vector<16xf32>,
        %add3A_788 = arith.addf %add3A_760, %gather3A_787 : vector<16xf32>
        %add3A_789 = arith.constant 16 : i32
        %add3A_790 = vector.broadcast %add3A_789 : i32 to vector<16xi32>
        %add3A_791 = arith.addi %iota3A, %add3A_790 : vector<16xi32>
        %add3A_792 = arith.addi %gather3A_782, %add3A_791 : vector<16xi32>
        %gather3A_793 = tpu.vector_load_idx %arg7[%broadcast_in_dim3A_781, %add3A_792] : memref<400x128xf32, #tpu.memory_space<vmem>>[vector<16xi32>, vector<16xi32>], vector<16xf32>,
        %add3A_794 = arith.addf %add3A_766, %gather3A_793 : vector<16xf32>
        %add3A_795 = arith.constant 32 : i32
        %add3A_796 = vector.broadcast %add3A_795 : i32 to vector<16xi32>
        %add3A_797 = arith.addi %iota3A, %add3A_796 : vector<16xi32>
        %add3A_798 = arith.addi %gather3A_782, %add3A_797 : vector<16xi32>
        %gather3A_799 = tpu.vector_load_idx %arg7[%broadcast_in_dim3A_781, %add3A_798] : memref<400x128xf32, #tpu.memory_space<vmem>>[vector<16xi32>, vector<16xi32>], vector<16xf32>,
        %add3A_800 = arith.addf %add3A_772, %gather3A_799 : vector<16xf32>
        %add3A_801 = arith.constant 48 : i32
        %add3A_802 = vector.broadcast %add3A_801 : i32 to vector<16xi32>
        %add3A_803 = arith.addi %iota3A, %add3A_802 : vector<16xi32>
        %add3A_804 = arith.addi %gather3A_782, %add3A_803 : vector<16xi32>
        %gather3A_805 = tpu.vector_load_idx %arg7[%broadcast_in_dim3A_781, %add3A_804] : memref<400x128xf32, #tpu.memory_space<vmem>>[vector<16xi32>, vector<16xi32>], vector<16xf32>,
        %add3A_806 = arith.addf %add3A_778, %gather3A_805 : vector<16xf32>
        %add3A_807 = arith.constant 176 : i32
        %add3A_808 = arith.addi %add3A_807, %scan3A_196 : i32
        %broadcast_in_dim3A_809 = vector.broadcast %add3A_808 : i32 to vector<16xi32>
        %gather3A_810 = tpu.vector_load_idx %arg12[%broadcast_in_dim3A_809] : memref<400xi32, #tpu.memory_space<vmem>>[vector<16xi32>], vector<16xi32>,
        %add3A_811 = arith.constant 0 : i32
        %add3A_812 = vector.broadcast %add3A_811 : i32 to vector<16xi32>
        %add3A_813 = arith.addi %iota3A, %add3A_812 : vector<16xi32>
        %add3A_814 = arith.addi %gather3A_810, %add3A_813 : vector<16xi32>
        %gather3A_815 = tpu.vector_load_idx %arg7[%broadcast_in_dim3A_809, %add3A_814] : memref<400x128xf32, #tpu.memory_space<vmem>>[vector<16xi32>, vector<16xi32>], vector<16xf32>,
        %add3A_816 = arith.addf %add3A_788, %gather3A_815 : vector<16xf32>
        %add3A_817 = arith.constant 16 : i32
        %add3A_818 = vector.broadcast %add3A_817 : i32 to vector<16xi32>
        %add3A_819 = arith.addi %iota3A, %add3A_818 : vector<16xi32>
        %add3A_820 = arith.addi %gather3A_810, %add3A_819 : vector<16xi32>
        %gather3A_821 = tpu.vector_load_idx %arg7[%broadcast_in_dim3A_809, %add3A_820] : memref<400x128xf32, #tpu.memory_space<vmem>>[vector<16xi32>, vector<16xi32>], vector<16xf32>,
        %add3A_822 = arith.addf %add3A_794, %gather3A_821 : vector<16xf32>
        %add3A_823 = arith.constant 32 : i32
        %add3A_824 = vector.broadcast %add3A_823 : i32 to vector<16xi32>
        %add3A_825 = arith.addi %iota3A, %add3A_824 : vector<16xi32>
        %add3A_826 = arith.addi %gather3A_810, %add3A_825 : vector<16xi32>
        %gather3A_827 = tpu.vector_load_idx %arg7[%broadcast_in_dim3A_809, %add3A_826] : memref<400x128xf32, #tpu.memory_space<vmem>>[vector<16xi32>, vector<16xi32>], vector<16xf32>,
        %add3A_828 = arith.addf %add3A_800, %gather3A_827 : vector<16xf32>
        %add3A_829 = arith.constant 48 : i32
        %add3A_830 = vector.broadcast %add3A_829 : i32 to vector<16xi32>
        %add3A_831 = arith.addi %iota3A, %add3A_830 : vector<16xi32>
        %add3A_832 = arith.addi %gather3A_810, %add3A_831 : vector<16xi32>
        %gather3A_833 = tpu.vector_load_idx %arg7[%broadcast_in_dim3A_809, %add3A_832] : memref<400x128xf32, #tpu.memory_space<vmem>>[vector<16xi32>, vector<16xi32>], vector<16xf32>,
        %add3A_834 = arith.addf %add3A_806, %gather3A_833 : vector<16xf32>
        %add3A_835 = arith.constant 184 : i32
        %add3A_836 = arith.addi %add3A_835, %scan3A_196 : i32
        %broadcast_in_dim3A_837 = vector.broadcast %add3A_836 : i32 to vector<16xi32>
        %gather3A_838 = tpu.vector_load_idx %arg12[%broadcast_in_dim3A_837] : memref<400xi32, #tpu.memory_space<vmem>>[vector<16xi32>], vector<16xi32>,
        %add3A_839 = arith.constant 0 : i32
        %add3A_840 = vector.broadcast %add3A_839 : i32 to vector<16xi32>
        %add3A_841 = arith.addi %iota3A, %add3A_840 : vector<16xi32>
        %add3A_842 = arith.addi %gather3A_838, %add3A_841 : vector<16xi32>
        %gather3A_843 = tpu.vector_load_idx %arg7[%broadcast_in_dim3A_837, %add3A_842] : memref<400x128xf32, #tpu.memory_space<vmem>>[vector<16xi32>, vector<16xi32>], vector<16xf32>,
        %add3A_844 = arith.addf %add3A_816, %gather3A_843 : vector<16xf32>
        %add3A_845 = arith.constant 16 : i32
        %add3A_846 = vector.broadcast %add3A_845 : i32 to vector<16xi32>
        %add3A_847 = arith.addi %iota3A, %add3A_846 : vector<16xi32>
        %add3A_848 = arith.addi %gather3A_838, %add3A_847 : vector<16xi32>
        %gather3A_849 = tpu.vector_load_idx %arg7[%broadcast_in_dim3A_837, %add3A_848] : memref<400x128xf32, #tpu.memory_space<vmem>>[vector<16xi32>, vector<16xi32>], vector<16xf32>,
        %add3A_850 = arith.addf %add3A_822, %gather3A_849 : vector<16xf32>
        %add3A_851 = arith.constant 32 : i32
        %add3A_852 = vector.broadcast %add3A_851 : i32 to vector<16xi32>
        %add3A_853 = arith.addi %iota3A, %add3A_852 : vector<16xi32>
        %add3A_854 = arith.addi %gather3A_838, %add3A_853 : vector<16xi32>
        %gather3A_855 = tpu.vector_load_idx %arg7[%broadcast_in_dim3A_837, %add3A_854] : memref<400x128xf32, #tpu.memory_space<vmem>>[vector<16xi32>, vector<16xi32>], vector<16xf32>,
        %add3A_856 = arith.addf %add3A_828, %gather3A_855 : vector<16xf32>
        %add3A_857 = arith.constant 48 : i32
        %add3A_858 = vector.broadcast %add3A_857 : i32 to vector<16xi32>
        %add3A_859 = arith.addi %iota3A, %add3A_858 : vector<16xi32>
        %add3A_860 = arith.addi %gather3A_838, %add3A_859 : vector<16xi32>
        %gather3A_861 = tpu.vector_load_idx %arg7[%broadcast_in_dim3A_837, %add3A_860] : memref<400x128xf32, #tpu.memory_space<vmem>>[vector<16xi32>, vector<16xi32>], vector<16xf32>,
        %add3A_862 = arith.addf %add3A_834, %gather3A_861 : vector<16xf32>
        %add3A_863 = arith.constant 192 : i32
        %add3A_864 = arith.addi %add3A_863, %scan3A_196 : i32
        %broadcast_in_dim3A_865 = vector.broadcast %add3A_864 : i32 to vector<16xi32>
        %gather3A_866 = tpu.vector_load_idx %arg12[%broadcast_in_dim3A_865] : memref<400xi32, #tpu.memory_space<vmem>>[vector<16xi32>], vector<16xi32>,
        %add3A_867 = arith.constant 0 : i32
        %add3A_868 = vector.broadcast %add3A_867 : i32 to vector<16xi32>
        %add3A_869 = arith.addi %iota3A, %add3A_868 : vector<16xi32>
        %add3A_870 = arith.addi %gather3A_866, %add3A_869 : vector<16xi32>
        %gather3A_871 = tpu.vector_load_idx %arg7[%broadcast_in_dim3A_865, %add3A_870] : memref<400x128xf32, #tpu.memory_space<vmem>>[vector<16xi32>, vector<16xi32>], vector<16xf32>,
        %add3A_872 = arith.addf %add3A_844, %gather3A_871 : vector<16xf32>
        %add3A_873 = arith.constant 16 : i32
        %add3A_874 = vector.broadcast %add3A_873 : i32 to vector<16xi32>
        %add3A_875 = arith.addi %iota3A, %add3A_874 : vector<16xi32>
        %add3A_876 = arith.addi %gather3A_866, %add3A_875 : vector<16xi32>
        %gather3A_877 = tpu.vector_load_idx %arg7[%broadcast_in_dim3A_865, %add3A_876] : memref<400x128xf32, #tpu.memory_space<vmem>>[vector<16xi32>, vector<16xi32>], vector<16xf32>,
        %add3A_878 = arith.addf %add3A_850, %gather3A_877 : vector<16xf32>
        %add3A_879 = arith.constant 32 : i32
        %add3A_880 = vector.broadcast %add3A_879 : i32 to vector<16xi32>
        %add3A_881 = arith.addi %iota3A, %add3A_880 : vector<16xi32>
        %add3A_882 = arith.addi %gather3A_866, %add3A_881 : vector<16xi32>
        %gather3A_883 = tpu.vector_load_idx %arg7[%broadcast_in_dim3A_865, %add3A_882] : memref<400x128xf32, #tpu.memory_space<vmem>>[vector<16xi32>, vector<16xi32>], vector<16xf32>,
        %add3A_884 = arith.addf %add3A_856, %gather3A_883 : vector<16xf32>
        %add3A_885 = arith.constant 48 : i32
        %add3A_886 = vector.broadcast %add3A_885 : i32 to vector<16xi32>
        %add3A_887 = arith.addi %iota3A, %add3A_886 : vector<16xi32>
        %add3A_888 = arith.addi %gather3A_866, %add3A_887 : vector<16xi32>
        %gather3A_889 = tpu.vector_load_idx %arg7[%broadcast_in_dim3A_865, %add3A_888] : memref<400x128xf32, #tpu.memory_space<vmem>>[vector<16xi32>, vector<16xi32>], vector<16xf32>,
        %add3A_890 = arith.addf %add3A_862, %gather3A_889 : vector<16xf32>
        %add3A_891 = arith.constant 200 : i32
        %add3A_892 = arith.addi %add3A_891, %scan3A_196 : i32
        %broadcast_in_dim3A_893 = vector.broadcast %add3A_892 : i32 to vector<16xi32>
        %gather3A_894 = tpu.vector_load_idx %arg12[%broadcast_in_dim3A_893] : memref<400xi32, #tpu.memory_space<vmem>>[vector<16xi32>], vector<16xi32>,
        %add3A_895 = arith.constant 0 : i32
        %add3A_896 = vector.broadcast %add3A_895 : i32 to vector<16xi32>
        %add3A_897 = arith.addi %iota3A, %add3A_896 : vector<16xi32>
        %add3A_898 = arith.addi %gather3A_894, %add3A_897 : vector<16xi32>
        %gather3A_899 = tpu.vector_load_idx %arg7[%broadcast_in_dim3A_893, %add3A_898] : memref<400x128xf32, #tpu.memory_space<vmem>>[vector<16xi32>, vector<16xi32>], vector<16xf32>,
        %add3A_900 = arith.addf %add3A_872, %gather3A_899 : vector<16xf32>
        %add3A_901 = arith.constant 16 : i32
        %add3A_902 = vector.broadcast %add3A_901 : i32 to vector<16xi32>
        %add3A_903 = arith.addi %iota3A, %add3A_902 : vector<16xi32>
        %add3A_904 = arith.addi %gather3A_894, %add3A_903 : vector<16xi32>
        %gather3A_905 = tpu.vector_load_idx %arg7[%broadcast_in_dim3A_893, %add3A_904] : memref<400x128xf32, #tpu.memory_space<vmem>>[vector<16xi32>, vector<16xi32>], vector<16xf32>,
        %add3A_906 = arith.addf %add3A_878, %gather3A_905 : vector<16xf32>
        %add3A_907 = arith.constant 32 : i32
        %add3A_908 = vector.broadcast %add3A_907 : i32 to vector<16xi32>
        %add3A_909 = arith.addi %iota3A, %add3A_908 : vector<16xi32>
        %add3A_910 = arith.addi %gather3A_894, %add3A_909 : vector<16xi32>
        %gather3A_911 = tpu.vector_load_idx %arg7[%broadcast_in_dim3A_893, %add3A_910] : memref<400x128xf32, #tpu.memory_space<vmem>>[vector<16xi32>, vector<16xi32>], vector<16xf32>,
        %add3A_912 = arith.addf %add3A_884, %gather3A_911 : vector<16xf32>
        %add3A_913 = arith.constant 48 : i32
        %add3A_914 = vector.broadcast %add3A_913 : i32 to vector<16xi32>
        %add3A_915 = arith.addi %iota3A, %add3A_914 : vector<16xi32>
        %add3A_916 = arith.addi %gather3A_894, %add3A_915 : vector<16xi32>
        %gather3A_917 = tpu.vector_load_idx %arg7[%broadcast_in_dim3A_893, %add3A_916] : memref<400x128xf32, #tpu.memory_space<vmem>>[vector<16xi32>, vector<16xi32>], vector<16xf32>,
        %add3A_918 = arith.addf %add3A_890, %gather3A_917 : vector<16xf32>
        %add3A_919 = arith.constant 208 : i32
        %add3A_920 = arith.addi %add3A_919, %scan3A_196 : i32
        %broadcast_in_dim3A_921 = vector.broadcast %add3A_920 : i32 to vector<16xi32>
        %gather3A_922 = tpu.vector_load_idx %arg12[%broadcast_in_dim3A_921] : memref<400xi32, #tpu.memory_space<vmem>>[vector<16xi32>], vector<16xi32>,
        %add3A_923 = arith.constant 0 : i32
        %add3A_924 = vector.broadcast %add3A_923 : i32 to vector<16xi32>
        %add3A_925 = arith.addi %iota3A, %add3A_924 : vector<16xi32>
        %add3A_926 = arith.addi %gather3A_922, %add3A_925 : vector<16xi32>
        %gather3A_927 = tpu.vector_load_idx %arg7[%broadcast_in_dim3A_921, %add3A_926] : memref<400x128xf32, #tpu.memory_space<vmem>>[vector<16xi32>, vector<16xi32>], vector<16xf32>,
        %add3A_928 = arith.addf %add3A_900, %gather3A_927 : vector<16xf32>
        %add3A_929 = arith.constant 16 : i32
        %add3A_930 = vector.broadcast %add3A_929 : i32 to vector<16xi32>
        %add3A_931 = arith.addi %iota3A, %add3A_930 : vector<16xi32>
        %add3A_932 = arith.addi %gather3A_922, %add3A_931 : vector<16xi32>
        %gather3A_933 = tpu.vector_load_idx %arg7[%broadcast_in_dim3A_921, %add3A_932] : memref<400x128xf32, #tpu.memory_space<vmem>>[vector<16xi32>, vector<16xi32>], vector<16xf32>,
        %add3A_934 = arith.addf %add3A_906, %gather3A_933 : vector<16xf32>
        %add3A_935 = arith.constant 32 : i32
        %add3A_936 = vector.broadcast %add3A_935 : i32 to vector<16xi32>
        %add3A_937 = arith.addi %iota3A, %add3A_936 : vector<16xi32>
        %add3A_938 = arith.addi %gather3A_922, %add3A_937 : vector<16xi32>
        %gather3A_939 = tpu.vector_load_idx %arg7[%broadcast_in_dim3A_921, %add3A_938] : memref<400x128xf32, #tpu.memory_space<vmem>>[vector<16xi32>, vector<16xi32>], vector<16xf32>,
        %add3A_940 = arith.addf %add3A_912, %gather3A_939 : vector<16xf32>
        %add3A_941 = arith.constant 48 : i32
        %add3A_942 = vector.broadcast %add3A_941 : i32 to vector<16xi32>
        %add3A_943 = arith.addi %iota3A, %add3A_942 : vector<16xi32>
        %add3A_944 = arith.addi %gather3A_922, %add3A_943 : vector<16xi32>
        %gather3A_945 = tpu.vector_load_idx %arg7[%broadcast_in_dim3A_921, %add3A_944] : memref<400x128xf32, #tpu.memory_space<vmem>>[vector<16xi32>, vector<16xi32>], vector<16xf32>,
        %add3A_946 = arith.addf %add3A_918, %gather3A_945 : vector<16xf32>
        %add3A_947 = arith.constant 216 : i32
        %add3A_948 = arith.addi %add3A_947, %scan3A_196 : i32
        %broadcast_in_dim3A_949 = vector.broadcast %add3A_948 : i32 to vector<16xi32>
        %gather3A_950 = tpu.vector_load_idx %arg12[%broadcast_in_dim3A_949] : memref<400xi32, #tpu.memory_space<vmem>>[vector<16xi32>], vector<16xi32>,
        %add3A_951 = arith.constant 0 : i32
        %add3A_952 = vector.broadcast %add3A_951 : i32 to vector<16xi32>
        %add3A_953 = arith.addi %iota3A, %add3A_952 : vector<16xi32>
        %add3A_954 = arith.addi %gather3A_950, %add3A_953 : vector<16xi32>
        %gather3A_955 = tpu.vector_load_idx %arg7[%broadcast_in_dim3A_949, %add3A_954] : memref<400x128xf32, #tpu.memory_space<vmem>>[vector<16xi32>, vector<16xi32>], vector<16xf32>,
        %add3A_956 = arith.addf %add3A_928, %gather3A_955 : vector<16xf32>
        %add3A_957 = arith.constant 16 : i32
        %add3A_958 = vector.broadcast %add3A_957 : i32 to vector<16xi32>
        %add3A_959 = arith.addi %iota3A, %add3A_958 : vector<16xi32>
        %add3A_960 = arith.addi %gather3A_950, %add3A_959 : vector<16xi32>
        %gather3A_961 = tpu.vector_load_idx %arg7[%broadcast_in_dim3A_949, %add3A_960] : memref<400x128xf32, #tpu.memory_space<vmem>>[vector<16xi32>, vector<16xi32>], vector<16xf32>,
        %add3A_962 = arith.addf %add3A_934, %gather3A_961 : vector<16xf32>
        %add3A_963 = arith.constant 32 : i32
        %add3A_964 = vector.broadcast %add3A_963 : i32 to vector<16xi32>
        %add3A_965 = arith.addi %iota3A, %add3A_964 : vector<16xi32>
        %add3A_966 = arith.addi %gather3A_950, %add3A_965 : vector<16xi32>
        %gather3A_967 = tpu.vector_load_idx %arg7[%broadcast_in_dim3A_949, %add3A_966] : memref<400x128xf32, #tpu.memory_space<vmem>>[vector<16xi32>, vector<16xi32>], vector<16xf32>,
        %add3A_968 = arith.addf %add3A_940, %gather3A_967 : vector<16xf32>
        %add3A_969 = arith.constant 48 : i32
        %add3A_970 = vector.broadcast %add3A_969 : i32 to vector<16xi32>
        %add3A_971 = arith.addi %iota3A, %add3A_970 : vector<16xi32>
        %add3A_972 = arith.addi %gather3A_950, %add3A_971 : vector<16xi32>
        %gather3A_973 = tpu.vector_load_idx %arg7[%broadcast_in_dim3A_949, %add3A_972] : memref<400x128xf32, #tpu.memory_space<vmem>>[vector<16xi32>, vector<16xi32>], vector<16xf32>,
        %add3A_974 = arith.addf %add3A_946, %gather3A_973 : vector<16xf32>
        %add3A_975 = arith.constant 224 : i32
        %add3A_976 = arith.addi %add3A_975, %scan3A_196 : i32
        %broadcast_in_dim3A_977 = vector.broadcast %add3A_976 : i32 to vector<16xi32>
        %gather3A_978 = tpu.vector_load_idx %arg12[%broadcast_in_dim3A_977] : memref<400xi32, #tpu.memory_space<vmem>>[vector<16xi32>], vector<16xi32>,
        %add3A_979 = arith.constant 0 : i32
        %add3A_980 = vector.broadcast %add3A_979 : i32 to vector<16xi32>
        %add3A_981 = arith.addi %iota3A, %add3A_980 : vector<16xi32>
        %add3A_982 = arith.addi %gather3A_978, %add3A_981 : vector<16xi32>
        %gather3A_983 = tpu.vector_load_idx %arg7[%broadcast_in_dim3A_977, %add3A_982] : memref<400x128xf32, #tpu.memory_space<vmem>>[vector<16xi32>, vector<16xi32>], vector<16xf32>,
        %add3A_984 = arith.addf %add3A_956, %gather3A_983 : vector<16xf32>
        %add3A_985 = arith.constant 16 : i32
        %add3A_986 = vector.broadcast %add3A_985 : i32 to vector<16xi32>
        %add3A_987 = arith.addi %iota3A, %add3A_986 : vector<16xi32>
        %add3A_988 = arith.addi %gather3A_978, %add3A_987 : vector<16xi32>
        %gather3A_989 = tpu.vector_load_idx %arg7[%broadcast_in_dim3A_977, %add3A_988] : memref<400x128xf32, #tpu.memory_space<vmem>>[vector<16xi32>, vector<16xi32>], vector<16xf32>,
        %add3A_990 = arith.addf %add3A_962, %gather3A_989 : vector<16xf32>
        %add3A_991 = arith.constant 32 : i32
        %add3A_992 = vector.broadcast %add3A_991 : i32 to vector<16xi32>
        %add3A_993 = arith.addi %iota3A, %add3A_992 : vector<16xi32>
        %add3A_994 = arith.addi %gather3A_978, %add3A_993 : vector<16xi32>
        %gather3A_995 = tpu.vector_load_idx %arg7[%broadcast_in_dim3A_977, %add3A_994] : memref<400x128xf32, #tpu.memory_space<vmem>>[vector<16xi32>, vector<16xi32>], vector<16xf32>,
        %add3A_996 = arith.addf %add3A_968, %gather3A_995 : vector<16xf32>
        %add3A_997 = arith.constant 48 : i32
        %add3A_998 = vector.broadcast %add3A_997 : i32 to vector<16xi32>
        %add3A_999 = arith.addi %iota3A, %add3A_998 : vector<16xi32>
        %add3A_1000 = arith.addi %gather3A_978, %add3A_999 : vector<16xi32>
        %gather3A_1001 = tpu.vector_load_idx %arg7[%broadcast_in_dim3A_977, %add3A_1000] : memref<400x128xf32, #tpu.memory_space<vmem>>[vector<16xi32>, vector<16xi32>], vector<16xf32>,
        %add3A_1002 = arith.addf %add3A_974, %gather3A_1001 : vector<16xf32>
        %add3A_1003 = arith.constant 232 : i32
        %add3A_1004 = arith.addi %add3A_1003, %scan3A_196 : i32
        %broadcast_in_dim3A_1005 = vector.broadcast %add3A_1004 : i32 to vector<16xi32>
        %gather3A_1006 = tpu.vector_load_idx %arg12[%broadcast_in_dim3A_1005] : memref<400xi32, #tpu.memory_space<vmem>>[vector<16xi32>], vector<16xi32>,
        %add3A_1007 = arith.constant 0 : i32
        %add3A_1008 = vector.broadcast %add3A_1007 : i32 to vector<16xi32>
        %add3A_1009 = arith.addi %iota3A, %add3A_1008 : vector<16xi32>
        %add3A_1010 = arith.addi %gather3A_1006, %add3A_1009 : vector<16xi32>
        %gather3A_1011 = tpu.vector_load_idx %arg7[%broadcast_in_dim3A_1005, %add3A_1010] : memref<400x128xf32, #tpu.memory_space<vmem>>[vector<16xi32>, vector<16xi32>], vector<16xf32>,
        %add3A_1012 = arith.addf %add3A_984, %gather3A_1011 : vector<16xf32>
        %add3A_1013 = arith.constant 16 : i32
        %add3A_1014 = vector.broadcast %add3A_1013 : i32 to vector<16xi32>
        %add3A_1015 = arith.addi %iota3A, %add3A_1014 : vector<16xi32>
        %add3A_1016 = arith.addi %gather3A_1006, %add3A_1015 : vector<16xi32>
        %gather3A_1017 = tpu.vector_load_idx %arg7[%broadcast_in_dim3A_1005, %add3A_1016] : memref<400x128xf32, #tpu.memory_space<vmem>>[vector<16xi32>, vector<16xi32>], vector<16xf32>,
        %add3A_1018 = arith.addf %add3A_990, %gather3A_1017 : vector<16xf32>
        %add3A_1019 = arith.constant 32 : i32
        %add3A_1020 = vector.broadcast %add3A_1019 : i32 to vector<16xi32>
        %add3A_1021 = arith.addi %iota3A, %add3A_1020 : vector<16xi32>
        %add3A_1022 = arith.addi %gather3A_1006, %add3A_1021 : vector<16xi32>
        %gather3A_1023 = tpu.vector_load_idx %arg7[%broadcast_in_dim3A_1005, %add3A_1022] : memref<400x128xf32, #tpu.memory_space<vmem>>[vector<16xi32>, vector<16xi32>], vector<16xf32>,
        %add3A_1024 = arith.addf %add3A_996, %gather3A_1023 : vector<16xf32>
        %add3A_1025 = arith.constant 48 : i32
        %add3A_1026 = vector.broadcast %add3A_1025 : i32 to vector<16xi32>
        %add3A_1027 = arith.addi %iota3A, %add3A_1026 : vector<16xi32>
        %add3A_1028 = arith.addi %gather3A_1006, %add3A_1027 : vector<16xi32>
        %gather3A_1029 = tpu.vector_load_idx %arg7[%broadcast_in_dim3A_1005, %add3A_1028] : memref<400x128xf32, #tpu.memory_space<vmem>>[vector<16xi32>, vector<16xi32>], vector<16xf32>,
        %add3A_1030 = arith.addf %add3A_1002, %gather3A_1029 : vector<16xf32>
        %add3A_1031 = arith.constant 240 : i32
        %add3A_1032 = arith.addi %add3A_1031, %scan3A_196 : i32
        %broadcast_in_dim3A_1033 = vector.broadcast %add3A_1032 : i32 to vector<16xi32>
        %gather3A_1034 = tpu.vector_load_idx %arg12[%broadcast_in_dim3A_1033] : memref<400xi32, #tpu.memory_space<vmem>>[vector<16xi32>], vector<16xi32>,
        %add3A_1035 = arith.constant 0 : i32
        %add3A_1036 = vector.broadcast %add3A_1035 : i32 to vector<16xi32>
        %add3A_1037 = arith.addi %iota3A, %add3A_1036 : vector<16xi32>
        %add3A_1038 = arith.addi %gather3A_1034, %add3A_1037 : vector<16xi32>
        %gather3A_1039 = tpu.vector_load_idx %arg7[%broadcast_in_dim3A_1033, %add3A_1038] : memref<400x128xf32, #tpu.memory_space<vmem>>[vector<16xi32>, vector<16xi32>], vector<16xf32>,
        %add3A_1040 = arith.addf %add3A_1012, %gather3A_1039 : vector<16xf32>
        %add3A_1041 = arith.constant 16 : i32
        %add3A_1042 = vector.broadcast %add3A_1041 : i32 to vector<16xi32>
        %add3A_1043 = arith.addi %iota3A, %add3A_1042 : vector<16xi32>
        %add3A_1044 = arith.addi %gather3A_1034, %add3A_1043 : vector<16xi32>
        %gather3A_1045 = tpu.vector_load_idx %arg7[%broadcast_in_dim3A_1033, %add3A_1044] : memref<400x128xf32, #tpu.memory_space<vmem>>[vector<16xi32>, vector<16xi32>], vector<16xf32>,
        %add3A_1046 = arith.addf %add3A_1018, %gather3A_1045 : vector<16xf32>
        %add3A_1047 = arith.constant 32 : i32
        %add3A_1048 = vector.broadcast %add3A_1047 : i32 to vector<16xi32>
        %add3A_1049 = arith.addi %iota3A, %add3A_1048 : vector<16xi32>
        %add3A_1050 = arith.addi %gather3A_1034, %add3A_1049 : vector<16xi32>
        %gather3A_1051 = tpu.vector_load_idx %arg7[%broadcast_in_dim3A_1033, %add3A_1050] : memref<400x128xf32, #tpu.memory_space<vmem>>[vector<16xi32>, vector<16xi32>], vector<16xf32>,
        %add3A_1052 = arith.addf %add3A_1024, %gather3A_1051 : vector<16xf32>
        %add3A_1053 = arith.constant 48 : i32
        %add3A_1054 = vector.broadcast %add3A_1053 : i32 to vector<16xi32>
        %add3A_1055 = arith.addi %iota3A, %add3A_1054 : vector<16xi32>
        %add3A_1056 = arith.addi %gather3A_1034, %add3A_1055 : vector<16xi32>
        %gather3A_1057 = tpu.vector_load_idx %arg7[%broadcast_in_dim3A_1033, %add3A_1056] : memref<400x128xf32, #tpu.memory_space<vmem>>[vector<16xi32>, vector<16xi32>], vector<16xf32>,
        %add3A_1058 = arith.addf %add3A_1030, %gather3A_1057 : vector<16xf32>
        %add3A_1059 = arith.constant 248 : i32
        %add3A_1060 = arith.addi %add3A_1059, %scan3A_196 : i32
        %broadcast_in_dim3A_1061 = vector.broadcast %add3A_1060 : i32 to vector<16xi32>
        %gather3A_1062 = tpu.vector_load_idx %arg12[%broadcast_in_dim3A_1061] : memref<400xi32, #tpu.memory_space<vmem>>[vector<16xi32>], vector<16xi32>,
        %add3A_1063 = arith.constant 0 : i32
        %add3A_1064 = vector.broadcast %add3A_1063 : i32 to vector<16xi32>
        %add3A_1065 = arith.addi %iota3A, %add3A_1064 : vector<16xi32>
        %add3A_1066 = arith.addi %gather3A_1062, %add3A_1065 : vector<16xi32>
        %gather3A_1067 = tpu.vector_load_idx %arg7[%broadcast_in_dim3A_1061, %add3A_1066] : memref<400x128xf32, #tpu.memory_space<vmem>>[vector<16xi32>, vector<16xi32>], vector<16xf32>,
        %add3A_1068 = arith.addf %add3A_1040, %gather3A_1067 : vector<16xf32>
        %add3A_1069 = arith.constant 16 : i32
        %add3A_1070 = vector.broadcast %add3A_1069 : i32 to vector<16xi32>
        %add3A_1071 = arith.addi %iota3A, %add3A_1070 : vector<16xi32>
        %add3A_1072 = arith.addi %gather3A_1062, %add3A_1071 : vector<16xi32>
        %gather3A_1073 = tpu.vector_load_idx %arg7[%broadcast_in_dim3A_1061, %add3A_1072] : memref<400x128xf32, #tpu.memory_space<vmem>>[vector<16xi32>, vector<16xi32>], vector<16xf32>,
        %add3A_1074 = arith.addf %add3A_1046, %gather3A_1073 : vector<16xf32>
        %add3A_1075 = arith.constant 32 : i32
        %add3A_1076 = vector.broadcast %add3A_1075 : i32 to vector<16xi32>
        %add3A_1077 = arith.addi %iota3A, %add3A_1076 : vector<16xi32>
        %add3A_1078 = arith.addi %gather3A_1062, %add3A_1077 : vector<16xi32>
        %gather3A_1079 = tpu.vector_load_idx %arg7[%broadcast_in_dim3A_1061, %add3A_1078] : memref<400x128xf32, #tpu.memory_space<vmem>>[vector<16xi32>, vector<16xi32>], vector<16xf32>,
        %add3A_1080 = arith.addf %add3A_1052, %gather3A_1079 : vector<16xf32>
        %add3A_1081 = arith.constant 48 : i32
        %add3A_1082 = vector.broadcast %add3A_1081 : i32 to vector<16xi32>
        %add3A_1083 = arith.addi %iota3A, %add3A_1082 : vector<16xi32>
        %add3A_1084 = arith.addi %gather3A_1062, %add3A_1083 : vector<16xi32>
        %gather3A_1085 = tpu.vector_load_idx %arg7[%broadcast_in_dim3A_1061, %add3A_1084] : memref<400x128xf32, #tpu.memory_space<vmem>>[vector<16xi32>, vector<16xi32>], vector<16xf32>,
        %add3A_1086 = arith.addf %add3A_1058, %gather3A_1085 : vector<16xf32>
        %add3A_1087 = arith.constant 256 : i32
        %add3A_1088 = arith.addi %add3A_1087, %scan3A_196 : i32
        %broadcast_in_dim3A_1089 = vector.broadcast %add3A_1088 : i32 to vector<16xi32>
        %gather3A_1090 = tpu.vector_load_idx %arg12[%broadcast_in_dim3A_1089] : memref<400xi32, #tpu.memory_space<vmem>>[vector<16xi32>], vector<16xi32>,
        %add3A_1091 = arith.constant 0 : i32
        %add3A_1092 = vector.broadcast %add3A_1091 : i32 to vector<16xi32>
        %add3A_1093 = arith.addi %iota3A, %add3A_1092 : vector<16xi32>
        %add3A_1094 = arith.addi %gather3A_1090, %add3A_1093 : vector<16xi32>
        %gather3A_1095 = tpu.vector_load_idx %arg7[%broadcast_in_dim3A_1089, %add3A_1094] : memref<400x128xf32, #tpu.memory_space<vmem>>[vector<16xi32>, vector<16xi32>], vector<16xf32>,
        %add3A_1096 = arith.addf %add3A_1068, %gather3A_1095 : vector<16xf32>
        %add3A_1097 = arith.constant 16 : i32
        %add3A_1098 = vector.broadcast %add3A_1097 : i32 to vector<16xi32>
        %add3A_1099 = arith.addi %iota3A, %add3A_1098 : vector<16xi32>
        %add3A_1100 = arith.addi %gather3A_1090, %add3A_1099 : vector<16xi32>
        %gather3A_1101 = tpu.vector_load_idx %arg7[%broadcast_in_dim3A_1089, %add3A_1100] : memref<400x128xf32, #tpu.memory_space<vmem>>[vector<16xi32>, vector<16xi32>], vector<16xf32>,
        %add3A_1102 = arith.addf %add3A_1074, %gather3A_1101 : vector<16xf32>
        %add3A_1103 = arith.constant 32 : i32
        %add3A_1104 = vector.broadcast %add3A_1103 : i32 to vector<16xi32>
        %add3A_1105 = arith.addi %iota3A, %add3A_1104 : vector<16xi32>
        %add3A_1106 = arith.addi %gather3A_1090, %add3A_1105 : vector<16xi32>
        %gather3A_1107 = tpu.vector_load_idx %arg7[%broadcast_in_dim3A_1089, %add3A_1106] : memref<400x128xf32, #tpu.memory_space<vmem>>[vector<16xi32>, vector<16xi32>], vector<16xf32>,
        %add3A_1108 = arith.addf %add3A_1080, %gather3A_1107 : vector<16xf32>
        %add3A_1109 = arith.constant 48 : i32
        %add3A_1110 = vector.broadcast %add3A_1109 : i32 to vector<16xi32>
        %add3A_1111 = arith.addi %iota3A, %add3A_1110 : vector<16xi32>
        %add3A_1112 = arith.addi %gather3A_1090, %add3A_1111 : vector<16xi32>
        %gather3A_1113 = tpu.vector_load_idx %arg7[%broadcast_in_dim3A_1089, %add3A_1112] : memref<400x128xf32, #tpu.memory_space<vmem>>[vector<16xi32>, vector<16xi32>], vector<16xf32>,
        %add3A_1114 = arith.addf %add3A_1086, %gather3A_1113 : vector<16xf32>
        %add3A_1115 = arith.constant 264 : i32
        %add3A_1116 = arith.addi %add3A_1115, %scan3A_196 : i32
        %broadcast_in_dim3A_1117 = vector.broadcast %add3A_1116 : i32 to vector<16xi32>
        %gather3A_1118 = tpu.vector_load_idx %arg12[%broadcast_in_dim3A_1117] : memref<400xi32, #tpu.memory_space<vmem>>[vector<16xi32>], vector<16xi32>,
        %add3A_1119 = arith.constant 0 : i32
        %add3A_1120 = vector.broadcast %add3A_1119 : i32 to vector<16xi32>
        %add3A_1121 = arith.addi %iota3A, %add3A_1120 : vector<16xi32>
        %add3A_1122 = arith.addi %gather3A_1118, %add3A_1121 : vector<16xi32>
        %gather3A_1123 = tpu.vector_load_idx %arg7[%broadcast_in_dim3A_1117, %add3A_1122] : memref<400x128xf32, #tpu.memory_space<vmem>>[vector<16xi32>, vector<16xi32>], vector<16xf32>,
        %add3A_1124 = arith.addf %add3A_1096, %gather3A_1123 : vector<16xf32>
        %add3A_1125 = arith.constant 16 : i32
        %add3A_1126 = vector.broadcast %add3A_1125 : i32 to vector<16xi32>
        %add3A_1127 = arith.addi %iota3A, %add3A_1126 : vector<16xi32>
        %add3A_1128 = arith.addi %gather3A_1118, %add3A_1127 : vector<16xi32>
        %gather3A_1129 = tpu.vector_load_idx %arg7[%broadcast_in_dim3A_1117, %add3A_1128] : memref<400x128xf32, #tpu.memory_space<vmem>>[vector<16xi32>, vector<16xi32>], vector<16xf32>,
        %add3A_1130 = arith.addf %add3A_1102, %gather3A_1129 : vector<16xf32>
        %add3A_1131 = arith.constant 32 : i32
        %add3A_1132 = vector.broadcast %add3A_1131 : i32 to vector<16xi32>
        %add3A_1133 = arith.addi %iota3A, %add3A_1132 : vector<16xi32>
        %add3A_1134 = arith.addi %gather3A_1118, %add3A_1133 : vector<16xi32>
        %gather3A_1135 = tpu.vector_load_idx %arg7[%broadcast_in_dim3A_1117, %add3A_1134] : memref<400x128xf32, #tpu.memory_space<vmem>>[vector<16xi32>, vector<16xi32>], vector<16xf32>,
        %add3A_1136 = arith.addf %add3A_1108, %gather3A_1135 : vector<16xf32>
        %add3A_1137 = arith.constant 48 : i32
        %add3A_1138 = vector.broadcast %add3A_1137 : i32 to vector<16xi32>
        %add3A_1139 = arith.addi %iota3A, %add3A_1138 : vector<16xi32>
        %add3A_1140 = arith.addi %gather3A_1118, %add3A_1139 : vector<16xi32>
        %gather3A_1141 = tpu.vector_load_idx %arg7[%broadcast_in_dim3A_1117, %add3A_1140] : memref<400x128xf32, #tpu.memory_space<vmem>>[vector<16xi32>, vector<16xi32>], vector<16xf32>,
        %add3A_1142 = arith.addf %add3A_1114, %gather3A_1141 : vector<16xf32>
        %add3A_1143 = arith.constant 272 : i32
        %add3A_1144 = arith.addi %add3A_1143, %scan3A_196 : i32
        %broadcast_in_dim3A_1145 = vector.broadcast %add3A_1144 : i32 to vector<16xi32>
        %gather3A_1146 = tpu.vector_load_idx %arg12[%broadcast_in_dim3A_1145] : memref<400xi32, #tpu.memory_space<vmem>>[vector<16xi32>], vector<16xi32>,
        %add3A_1147 = arith.constant 0 : i32
        %add3A_1148 = vector.broadcast %add3A_1147 : i32 to vector<16xi32>
        %add3A_1149 = arith.addi %iota3A, %add3A_1148 : vector<16xi32>
        %add3A_1150 = arith.addi %gather3A_1146, %add3A_1149 : vector<16xi32>
        %gather3A_1151 = tpu.vector_load_idx %arg7[%broadcast_in_dim3A_1145, %add3A_1150] : memref<400x128xf32, #tpu.memory_space<vmem>>[vector<16xi32>, vector<16xi32>], vector<16xf32>,
        %add3A_1152 = arith.addf %add3A_1124, %gather3A_1151 : vector<16xf32>
        %add3A_1153 = arith.constant 16 : i32
        %add3A_1154 = vector.broadcast %add3A_1153 : i32 to vector<16xi32>
        %add3A_1155 = arith.addi %iota3A, %add3A_1154 : vector<16xi32>
        %add3A_1156 = arith.addi %gather3A_1146, %add3A_1155 : vector<16xi32>
        %gather3A_1157 = tpu.vector_load_idx %arg7[%broadcast_in_dim3A_1145, %add3A_1156] : memref<400x128xf32, #tpu.memory_space<vmem>>[vector<16xi32>, vector<16xi32>], vector<16xf32>,
        %add3A_1158 = arith.addf %add3A_1130, %gather3A_1157 : vector<16xf32>
        %add3A_1159 = arith.constant 32 : i32
        %add3A_1160 = vector.broadcast %add3A_1159 : i32 to vector<16xi32>
        %add3A_1161 = arith.addi %iota3A, %add3A_1160 : vector<16xi32>
        %add3A_1162 = arith.addi %gather3A_1146, %add3A_1161 : vector<16xi32>
        %gather3A_1163 = tpu.vector_load_idx %arg7[%broadcast_in_dim3A_1145, %add3A_1162] : memref<400x128xf32, #tpu.memory_space<vmem>>[vector<16xi32>, vector<16xi32>], vector<16xf32>,
        %add3A_1164 = arith.addf %add3A_1136, %gather3A_1163 : vector<16xf32>
        %add3A_1165 = arith.constant 48 : i32
        %add3A_1166 = vector.broadcast %add3A_1165 : i32 to vector<16xi32>
        %add3A_1167 = arith.addi %iota3A, %add3A_1166 : vector<16xi32>
        %add3A_1168 = arith.addi %gather3A_1146, %add3A_1167 : vector<16xi32>
        %gather3A_1169 = tpu.vector_load_idx %arg7[%broadcast_in_dim3A_1145, %add3A_1168] : memref<400x128xf32, #tpu.memory_space<vmem>>[vector<16xi32>, vector<16xi32>], vector<16xf32>,
        %add3A_1170 = arith.addf %add3A_1142, %gather3A_1169 : vector<16xf32>
        %add3A_1171 = arith.constant 280 : i32
        %add3A_1172 = arith.addi %add3A_1171, %scan3A_196 : i32
        %broadcast_in_dim3A_1173 = vector.broadcast %add3A_1172 : i32 to vector<16xi32>
        %gather3A_1174 = tpu.vector_load_idx %arg12[%broadcast_in_dim3A_1173] : memref<400xi32, #tpu.memory_space<vmem>>[vector<16xi32>], vector<16xi32>,
        %add3A_1175 = arith.constant 0 : i32
        %add3A_1176 = vector.broadcast %add3A_1175 : i32 to vector<16xi32>
        %add3A_1177 = arith.addi %iota3A, %add3A_1176 : vector<16xi32>
        %add3A_1178 = arith.addi %gather3A_1174, %add3A_1177 : vector<16xi32>
        %gather3A_1179 = tpu.vector_load_idx %arg7[%broadcast_in_dim3A_1173, %add3A_1178] : memref<400x128xf32, #tpu.memory_space<vmem>>[vector<16xi32>, vector<16xi32>], vector<16xf32>,
        %add3A_1180 = arith.addf %add3A_1152, %gather3A_1179 : vector<16xf32>
        %add3A_1181 = arith.constant 16 : i32
        %add3A_1182 = vector.broadcast %add3A_1181 : i32 to vector<16xi32>
        %add3A_1183 = arith.addi %iota3A, %add3A_1182 : vector<16xi32>
        %add3A_1184 = arith.addi %gather3A_1174, %add3A_1183 : vector<16xi32>
        %gather3A_1185 = tpu.vector_load_idx %arg7[%broadcast_in_dim3A_1173, %add3A_1184] : memref<400x128xf32, #tpu.memory_space<vmem>>[vector<16xi32>, vector<16xi32>], vector<16xf32>,
        %add3A_1186 = arith.addf %add3A_1158, %gather3A_1185 : vector<16xf32>
        %add3A_1187 = arith.constant 32 : i32
        %add3A_1188 = vector.broadcast %add3A_1187 : i32 to vector<16xi32>
        %add3A_1189 = arith.addi %iota3A, %add3A_1188 : vector<16xi32>
        %add3A_1190 = arith.addi %gather3A_1174, %add3A_1189 : vector<16xi32>
        %gather3A_1191 = tpu.vector_load_idx %arg7[%broadcast_in_dim3A_1173, %add3A_1190] : memref<400x128xf32, #tpu.memory_space<vmem>>[vector<16xi32>, vector<16xi32>], vector<16xf32>,
        %add3A_1192 = arith.addf %add3A_1164, %gather3A_1191 : vector<16xf32>
        %add3A_1193 = arith.constant 48 : i32
        %add3A_1194 = vector.broadcast %add3A_1193 : i32 to vector<16xi32>
        %add3A_1195 = arith.addi %iota3A, %add3A_1194 : vector<16xi32>
        %add3A_1196 = arith.addi %gather3A_1174, %add3A_1195 : vector<16xi32>
        %gather3A_1197 = tpu.vector_load_idx %arg7[%broadcast_in_dim3A_1173, %add3A_1196] : memref<400x128xf32, #tpu.memory_space<vmem>>[vector<16xi32>, vector<16xi32>], vector<16xf32>,
        %add3A_1198 = arith.addf %add3A_1170, %gather3A_1197 : vector<16xf32>
        %add3A_1199 = arith.constant 288 : i32
        %add3A_1200 = arith.addi %add3A_1199, %scan3A_196 : i32
        %broadcast_in_dim3A_1201 = vector.broadcast %add3A_1200 : i32 to vector<16xi32>
        %gather3A_1202 = tpu.vector_load_idx %arg12[%broadcast_in_dim3A_1201] : memref<400xi32, #tpu.memory_space<vmem>>[vector<16xi32>], vector<16xi32>,
        %add3A_1203 = arith.constant 0 : i32
        %add3A_1204 = vector.broadcast %add3A_1203 : i32 to vector<16xi32>
        %add3A_1205 = arith.addi %iota3A, %add3A_1204 : vector<16xi32>
        %add3A_1206 = arith.addi %gather3A_1202, %add3A_1205 : vector<16xi32>
        %gather3A_1207 = tpu.vector_load_idx %arg7[%broadcast_in_dim3A_1201, %add3A_1206] : memref<400x128xf32, #tpu.memory_space<vmem>>[vector<16xi32>, vector<16xi32>], vector<16xf32>,
        %add3A_1208 = arith.addf %add3A_1180, %gather3A_1207 : vector<16xf32>
        %add3A_1209 = arith.constant 16 : i32
        %add3A_1210 = vector.broadcast %add3A_1209 : i32 to vector<16xi32>
        %add3A_1211 = arith.addi %iota3A, %add3A_1210 : vector<16xi32>
        %add3A_1212 = arith.addi %gather3A_1202, %add3A_1211 : vector<16xi32>
        %gather3A_1213 = tpu.vector_load_idx %arg7[%broadcast_in_dim3A_1201, %add3A_1212] : memref<400x128xf32, #tpu.memory_space<vmem>>[vector<16xi32>, vector<16xi32>], vector<16xf32>,
        %add3A_1214 = arith.addf %add3A_1186, %gather3A_1213 : vector<16xf32>
        %add3A_1215 = arith.constant 32 : i32
        %add3A_1216 = vector.broadcast %add3A_1215 : i32 to vector<16xi32>
        %add3A_1217 = arith.addi %iota3A, %add3A_1216 : vector<16xi32>
        %add3A_1218 = arith.addi %gather3A_1202, %add3A_1217 : vector<16xi32>
        %gather3A_1219 = tpu.vector_load_idx %arg7[%broadcast_in_dim3A_1201, %add3A_1218] : memref<400x128xf32, #tpu.memory_space<vmem>>[vector<16xi32>, vector<16xi32>], vector<16xf32>,
        %add3A_1220 = arith.addf %add3A_1192, %gather3A_1219 : vector<16xf32>
        %add3A_1221 = arith.constant 48 : i32
        %add3A_1222 = vector.broadcast %add3A_1221 : i32 to vector<16xi32>
        %add3A_1223 = arith.addi %iota3A, %add3A_1222 : vector<16xi32>
        %add3A_1224 = arith.addi %gather3A_1202, %add3A_1223 : vector<16xi32>
        %gather3A_1225 = tpu.vector_load_idx %arg7[%broadcast_in_dim3A_1201, %add3A_1224] : memref<400x128xf32, #tpu.memory_space<vmem>>[vector<16xi32>, vector<16xi32>], vector<16xf32>,
        %add3A_1226 = arith.addf %add3A_1198, %gather3A_1225 : vector<16xf32>
        %add3A_1227 = arith.constant 296 : i32
        %add3A_1228 = arith.addi %add3A_1227, %scan3A_196 : i32
        %broadcast_in_dim3A_1229 = vector.broadcast %add3A_1228 : i32 to vector<16xi32>
        %gather3A_1230 = tpu.vector_load_idx %arg12[%broadcast_in_dim3A_1229] : memref<400xi32, #tpu.memory_space<vmem>>[vector<16xi32>], vector<16xi32>,
        %add3A_1231 = arith.constant 0 : i32
        %add3A_1232 = vector.broadcast %add3A_1231 : i32 to vector<16xi32>
        %add3A_1233 = arith.addi %iota3A, %add3A_1232 : vector<16xi32>
        %add3A_1234 = arith.addi %gather3A_1230, %add3A_1233 : vector<16xi32>
        %gather3A_1235 = tpu.vector_load_idx %arg7[%broadcast_in_dim3A_1229, %add3A_1234] : memref<400x128xf32, #tpu.memory_space<vmem>>[vector<16xi32>, vector<16xi32>], vector<16xf32>,
        %add3A_1236 = arith.addf %add3A_1208, %gather3A_1235 : vector<16xf32>
        %add3A_1237 = arith.constant 16 : i32
        %add3A_1238 = vector.broadcast %add3A_1237 : i32 to vector<16xi32>
        %add3A_1239 = arith.addi %iota3A, %add3A_1238 : vector<16xi32>
        %add3A_1240 = arith.addi %gather3A_1230, %add3A_1239 : vector<16xi32>
        %gather3A_1241 = tpu.vector_load_idx %arg7[%broadcast_in_dim3A_1229, %add3A_1240] : memref<400x128xf32, #tpu.memory_space<vmem>>[vector<16xi32>, vector<16xi32>], vector<16xf32>,
        %add3A_1242 = arith.addf %add3A_1214, %gather3A_1241 : vector<16xf32>
        %add3A_1243 = arith.constant 32 : i32
        %add3A_1244 = vector.broadcast %add3A_1243 : i32 to vector<16xi32>
        %add3A_1245 = arith.addi %iota3A, %add3A_1244 : vector<16xi32>
        %add3A_1246 = arith.addi %gather3A_1230, %add3A_1245 : vector<16xi32>
        %gather3A_1247 = tpu.vector_load_idx %arg7[%broadcast_in_dim3A_1229, %add3A_1246] : memref<400x128xf32, #tpu.memory_space<vmem>>[vector<16xi32>, vector<16xi32>], vector<16xf32>,
        %add3A_1248 = arith.addf %add3A_1220, %gather3A_1247 : vector<16xf32>
        %add3A_1249 = arith.constant 48 : i32
        %add3A_1250 = vector.broadcast %add3A_1249 : i32 to vector<16xi32>
        %add3A_1251 = arith.addi %iota3A, %add3A_1250 : vector<16xi32>
        %add3A_1252 = arith.addi %gather3A_1230, %add3A_1251 : vector<16xi32>
        %gather3A_1253 = tpu.vector_load_idx %arg7[%broadcast_in_dim3A_1229, %add3A_1252] : memref<400x128xf32, #tpu.memory_space<vmem>>[vector<16xi32>, vector<16xi32>], vector<16xf32>,
        %add3A_1254 = arith.addf %add3A_1226, %gather3A_1253 : vector<16xf32>
        %add3A_1255 = arith.constant 304 : i32
        %add3A_1256 = arith.addi %add3A_1255, %scan3A_196 : i32
        %broadcast_in_dim3A_1257 = vector.broadcast %add3A_1256 : i32 to vector<16xi32>
        %gather3A_1258 = tpu.vector_load_idx %arg12[%broadcast_in_dim3A_1257] : memref<400xi32, #tpu.memory_space<vmem>>[vector<16xi32>], vector<16xi32>,
        %add3A_1259 = arith.constant 0 : i32
        %add3A_1260 = vector.broadcast %add3A_1259 : i32 to vector<16xi32>
        %add3A_1261 = arith.addi %iota3A, %add3A_1260 : vector<16xi32>
        %add3A_1262 = arith.addi %gather3A_1258, %add3A_1261 : vector<16xi32>
        %gather3A_1263 = tpu.vector_load_idx %arg7[%broadcast_in_dim3A_1257, %add3A_1262] : memref<400x128xf32, #tpu.memory_space<vmem>>[vector<16xi32>, vector<16xi32>], vector<16xf32>,
        %add3A_1264 = arith.addf %add3A_1236, %gather3A_1263 : vector<16xf32>
        %add3A_1265 = arith.constant 16 : i32
        %add3A_1266 = vector.broadcast %add3A_1265 : i32 to vector<16xi32>
        %add3A_1267 = arith.addi %iota3A, %add3A_1266 : vector<16xi32>
        %add3A_1268 = arith.addi %gather3A_1258, %add3A_1267 : vector<16xi32>
        %gather3A_1269 = tpu.vector_load_idx %arg7[%broadcast_in_dim3A_1257, %add3A_1268] : memref<400x128xf32, #tpu.memory_space<vmem>>[vector<16xi32>, vector<16xi32>], vector<16xf32>,
        %add3A_1270 = arith.addf %add3A_1242, %gather3A_1269 : vector<16xf32>
        %add3A_1271 = arith.constant 32 : i32
        %add3A_1272 = vector.broadcast %add3A_1271 : i32 to vector<16xi32>
        %add3A_1273 = arith.addi %iota3A, %add3A_1272 : vector<16xi32>
        %add3A_1274 = arith.addi %gather3A_1258, %add3A_1273 : vector<16xi32>
        %gather3A_1275 = tpu.vector_load_idx %arg7[%broadcast_in_dim3A_1257, %add3A_1274] : memref<400x128xf32, #tpu.memory_space<vmem>>[vector<16xi32>, vector<16xi32>], vector<16xf32>,
        %add3A_1276 = arith.addf %add3A_1248, %gather3A_1275 : vector<16xf32>
        %add3A_1277 = arith.constant 48 : i32
        %add3A_1278 = vector.broadcast %add3A_1277 : i32 to vector<16xi32>
        %add3A_1279 = arith.addi %iota3A, %add3A_1278 : vector<16xi32>
        %add3A_1280 = arith.addi %gather3A_1258, %add3A_1279 : vector<16xi32>
        %gather3A_1281 = tpu.vector_load_idx %arg7[%broadcast_in_dim3A_1257, %add3A_1280] : memref<400x128xf32, #tpu.memory_space<vmem>>[vector<16xi32>, vector<16xi32>], vector<16xf32>,
        %add3A_1282 = arith.addf %add3A_1254, %gather3A_1281 : vector<16xf32>
        %add3A_1283 = arith.constant 312 : i32
        %add3A_1284 = arith.addi %add3A_1283, %scan3A_196 : i32
        %broadcast_in_dim3A_1285 = vector.broadcast %add3A_1284 : i32 to vector<16xi32>
        %gather3A_1286 = tpu.vector_load_idx %arg12[%broadcast_in_dim3A_1285] : memref<400xi32, #tpu.memory_space<vmem>>[vector<16xi32>], vector<16xi32>,
        %add3A_1287 = arith.constant 0 : i32
        %add3A_1288 = vector.broadcast %add3A_1287 : i32 to vector<16xi32>
        %add3A_1289 = arith.addi %iota3A, %add3A_1288 : vector<16xi32>
        %add3A_1290 = arith.addi %gather3A_1286, %add3A_1289 : vector<16xi32>
        %gather3A_1291 = tpu.vector_load_idx %arg7[%broadcast_in_dim3A_1285, %add3A_1290] : memref<400x128xf32, #tpu.memory_space<vmem>>[vector<16xi32>, vector<16xi32>], vector<16xf32>,
        %add3A_1292 = arith.addf %add3A_1264, %gather3A_1291 : vector<16xf32>
        %add3A_1293 = arith.constant 16 : i32
        %add3A_1294 = vector.broadcast %add3A_1293 : i32 to vector<16xi32>
        %add3A_1295 = arith.addi %iota3A, %add3A_1294 : vector<16xi32>
        %add3A_1296 = arith.addi %gather3A_1286, %add3A_1295 : vector<16xi32>
        %gather3A_1297 = tpu.vector_load_idx %arg7[%broadcast_in_dim3A_1285, %add3A_1296] : memref<400x128xf32, #tpu.memory_space<vmem>>[vector<16xi32>, vector<16xi32>], vector<16xf32>,
        %add3A_1298 = arith.addf %add3A_1270, %gather3A_1297 : vector<16xf32>
        %add3A_1299 = arith.constant 32 : i32
        %add3A_1300 = vector.broadcast %add3A_1299 : i32 to vector<16xi32>
        %add3A_1301 = arith.addi %iota3A, %add3A_1300 : vector<16xi32>
        %add3A_1302 = arith.addi %gather3A_1286, %add3A_1301 : vector<16xi32>
        %gather3A_1303 = tpu.vector_load_idx %arg7[%broadcast_in_dim3A_1285, %add3A_1302] : memref<400x128xf32, #tpu.memory_space<vmem>>[vector<16xi32>, vector<16xi32>], vector<16xf32>,
        %add3A_1304 = arith.addf %add3A_1276, %gather3A_1303 : vector<16xf32>
        %add3A_1305 = arith.constant 48 : i32
        %add3A_1306 = vector.broadcast %add3A_1305 : i32 to vector<16xi32>
        %add3A_1307 = arith.addi %iota3A, %add3A_1306 : vector<16xi32>
        %add3A_1308 = arith.addi %gather3A_1286, %add3A_1307 : vector<16xi32>
        %gather3A_1309 = tpu.vector_load_idx %arg7[%broadcast_in_dim3A_1285, %add3A_1308] : memref<400x128xf32, #tpu.memory_space<vmem>>[vector<16xi32>, vector<16xi32>], vector<16xf32>,
        %add3A_1310 = arith.addf %add3A_1282, %gather3A_1309 : vector<16xf32>
        %add3A_1311 = arith.constant 320 : i32
        %add3A_1312 = arith.addi %add3A_1311, %scan3A_196 : i32
        %broadcast_in_dim3A_1313 = vector.broadcast %add3A_1312 : i32 to vector<16xi32>
        %gather3A_1314 = tpu.vector_load_idx %arg12[%broadcast_in_dim3A_1313] : memref<400xi32, #tpu.memory_space<vmem>>[vector<16xi32>], vector<16xi32>,
        %add3A_1315 = arith.constant 0 : i32
        %add3A_1316 = vector.broadcast %add3A_1315 : i32 to vector<16xi32>
        %add3A_1317 = arith.addi %iota3A, %add3A_1316 : vector<16xi32>
        %add3A_1318 = arith.addi %gather3A_1314, %add3A_1317 : vector<16xi32>
        %gather3A_1319 = tpu.vector_load_idx %arg7[%broadcast_in_dim3A_1313, %add3A_1318] : memref<400x128xf32, #tpu.memory_space<vmem>>[vector<16xi32>, vector<16xi32>], vector<16xf32>,
        %add3A_1320 = arith.addf %add3A_1292, %gather3A_1319 : vector<16xf32>
        %add3A_1321 = arith.constant 16 : i32
        %add3A_1322 = vector.broadcast %add3A_1321 : i32 to vector<16xi32>
        %add3A_1323 = arith.addi %iota3A, %add3A_1322 : vector<16xi32>
        %add3A_1324 = arith.addi %gather3A_1314, %add3A_1323 : vector<16xi32>
        %gather3A_1325 = tpu.vector_load_idx %arg7[%broadcast_in_dim3A_1313, %add3A_1324] : memref<400x128xf32, #tpu.memory_space<vmem>>[vector<16xi32>, vector<16xi32>], vector<16xf32>,
        %add3A_1326 = arith.addf %add3A_1298, %gather3A_1325 : vector<16xf32>
        %add3A_1327 = arith.constant 32 : i32
        %add3A_1328 = vector.broadcast %add3A_1327 : i32 to vector<16xi32>
        %add3A_1329 = arith.addi %iota3A, %add3A_1328 : vector<16xi32>
        %add3A_1330 = arith.addi %gather3A_1314, %add3A_1329 : vector<16xi32>
        %gather3A_1331 = tpu.vector_load_idx %arg7[%broadcast_in_dim3A_1313, %add3A_1330] : memref<400x128xf32, #tpu.memory_space<vmem>>[vector<16xi32>, vector<16xi32>], vector<16xf32>,
        %add3A_1332 = arith.addf %add3A_1304, %gather3A_1331 : vector<16xf32>
        %add3A_1333 = arith.constant 48 : i32
        %add3A_1334 = vector.broadcast %add3A_1333 : i32 to vector<16xi32>
        %add3A_1335 = arith.addi %iota3A, %add3A_1334 : vector<16xi32>
        %add3A_1336 = arith.addi %gather3A_1314, %add3A_1335 : vector<16xi32>
        %gather3A_1337 = tpu.vector_load_idx %arg7[%broadcast_in_dim3A_1313, %add3A_1336] : memref<400x128xf32, #tpu.memory_space<vmem>>[vector<16xi32>, vector<16xi32>], vector<16xf32>,
        %add3A_1338 = arith.addf %add3A_1310, %gather3A_1337 : vector<16xf32>
        %add3A_1339 = arith.constant 328 : i32
        %add3A_1340 = arith.addi %add3A_1339, %scan3A_196 : i32
        %broadcast_in_dim3A_1341 = vector.broadcast %add3A_1340 : i32 to vector<16xi32>
        %gather3A_1342 = tpu.vector_load_idx %arg12[%broadcast_in_dim3A_1341] : memref<400xi32, #tpu.memory_space<vmem>>[vector<16xi32>], vector<16xi32>,
        %add3A_1343 = arith.constant 0 : i32
        %add3A_1344 = vector.broadcast %add3A_1343 : i32 to vector<16xi32>
        %add3A_1345 = arith.addi %iota3A, %add3A_1344 : vector<16xi32>
        %add3A_1346 = arith.addi %gather3A_1342, %add3A_1345 : vector<16xi32>
        %gather3A_1347 = tpu.vector_load_idx %arg7[%broadcast_in_dim3A_1341, %add3A_1346] : memref<400x128xf32, #tpu.memory_space<vmem>>[vector<16xi32>, vector<16xi32>], vector<16xf32>,
        %add3A_1348 = arith.addf %add3A_1320, %gather3A_1347 : vector<16xf32>
        %add3A_1349 = arith.constant 16 : i32
        %add3A_1350 = vector.broadcast %add3A_1349 : i32 to vector<16xi32>
        %add3A_1351 = arith.addi %iota3A, %add3A_1350 : vector<16xi32>
        %add3A_1352 = arith.addi %gather3A_1342, %add3A_1351 : vector<16xi32>
        %gather3A_1353 = tpu.vector_load_idx %arg7[%broadcast_in_dim3A_1341, %add3A_1352] : memref<400x128xf32, #tpu.memory_space<vmem>>[vector<16xi32>, vector<16xi32>], vector<16xf32>,
        %add3A_1354 = arith.addf %add3A_1326, %gather3A_1353 : vector<16xf32>
        %add3A_1355 = arith.constant 32 : i32
        %add3A_1356 = vector.broadcast %add3A_1355 : i32 to vector<16xi32>
        %add3A_1357 = arith.addi %iota3A, %add3A_1356 : vector<16xi32>
        %add3A_1358 = arith.addi %gather3A_1342, %add3A_1357 : vector<16xi32>
        %gather3A_1359 = tpu.vector_load_idx %arg7[%broadcast_in_dim3A_1341, %add3A_1358] : memref<400x128xf32, #tpu.memory_space<vmem>>[vector<16xi32>, vector<16xi32>], vector<16xf32>,
        %add3A_1360 = arith.addf %add3A_1332, %gather3A_1359 : vector<16xf32>
        %add3A_1361 = arith.constant 48 : i32
        %add3A_1362 = vector.broadcast %add3A_1361 : i32 to vector<16xi32>
        %add3A_1363 = arith.addi %iota3A, %add3A_1362 : vector<16xi32>
        %add3A_1364 = arith.addi %gather3A_1342, %add3A_1363 : vector<16xi32>
        %gather3A_1365 = tpu.vector_load_idx %arg7[%broadcast_in_dim3A_1341, %add3A_1364] : memref<400x128xf32, #tpu.memory_space<vmem>>[vector<16xi32>, vector<16xi32>], vector<16xf32>,
        %add3A_1366 = arith.addf %add3A_1338, %gather3A_1365 : vector<16xf32>
        %add3A_1367 = arith.constant 336 : i32
        %add3A_1368 = arith.addi %add3A_1367, %scan3A_196 : i32
        %broadcast_in_dim3A_1369 = vector.broadcast %add3A_1368 : i32 to vector<16xi32>
        %gather3A_1370 = tpu.vector_load_idx %arg12[%broadcast_in_dim3A_1369] : memref<400xi32, #tpu.memory_space<vmem>>[vector<16xi32>], vector<16xi32>,
        %add3A_1371 = arith.constant 0 : i32
        %add3A_1372 = vector.broadcast %add3A_1371 : i32 to vector<16xi32>
        %add3A_1373 = arith.addi %iota3A, %add3A_1372 : vector<16xi32>
        %add3A_1374 = arith.addi %gather3A_1370, %add3A_1373 : vector<16xi32>
        %gather3A_1375 = tpu.vector_load_idx %arg7[%broadcast_in_dim3A_1369, %add3A_1374] : memref<400x128xf32, #tpu.memory_space<vmem>>[vector<16xi32>, vector<16xi32>], vector<16xf32>,
        %add3A_1376 = arith.addf %add3A_1348, %gather3A_1375 : vector<16xf32>
        %add3A_1377 = arith.constant 16 : i32
        %add3A_1378 = vector.broadcast %add3A_1377 : i32 to vector<16xi32>
        %add3A_1379 = arith.addi %iota3A, %add3A_1378 : vector<16xi32>
        %add3A_1380 = arith.addi %gather3A_1370, %add3A_1379 : vector<16xi32>
        %gather3A_1381 = tpu.vector_load_idx %arg7[%broadcast_in_dim3A_1369, %add3A_1380] : memref<400x128xf32, #tpu.memory_space<vmem>>[vector<16xi32>, vector<16xi32>], vector<16xf32>,
        %add3A_1382 = arith.addf %add3A_1354, %gather3A_1381 : vector<16xf32>
        %add3A_1383 = arith.constant 32 : i32
        %add3A_1384 = vector.broadcast %add3A_1383 : i32 to vector<16xi32>
        %add3A_1385 = arith.addi %iota3A, %add3A_1384 : vector<16xi32>
        %add3A_1386 = arith.addi %gather3A_1370, %add3A_1385 : vector<16xi32>
        %gather3A_1387 = tpu.vector_load_idx %arg7[%broadcast_in_dim3A_1369, %add3A_1386] : memref<400x128xf32, #tpu.memory_space<vmem>>[vector<16xi32>, vector<16xi32>], vector<16xf32>,
        %add3A_1388 = arith.addf %add3A_1360, %gather3A_1387 : vector<16xf32>
        %add3A_1389 = arith.constant 48 : i32
        %add3A_1390 = vector.broadcast %add3A_1389 : i32 to vector<16xi32>
        %add3A_1391 = arith.addi %iota3A, %add3A_1390 : vector<16xi32>
        %add3A_1392 = arith.addi %gather3A_1370, %add3A_1391 : vector<16xi32>
        %gather3A_1393 = tpu.vector_load_idx %arg7[%broadcast_in_dim3A_1369, %add3A_1392] : memref<400x128xf32, #tpu.memory_space<vmem>>[vector<16xi32>, vector<16xi32>], vector<16xf32>,
        %add3A_1394 = arith.addf %add3A_1366, %gather3A_1393 : vector<16xf32>
        %add3A_1395 = arith.constant 344 : i32
        %add3A_1396 = arith.addi %add3A_1395, %scan3A_196 : i32
        %broadcast_in_dim3A_1397 = vector.broadcast %add3A_1396 : i32 to vector<16xi32>
        %gather3A_1398 = tpu.vector_load_idx %arg12[%broadcast_in_dim3A_1397] : memref<400xi32, #tpu.memory_space<vmem>>[vector<16xi32>], vector<16xi32>,
        %add3A_1399 = arith.constant 0 : i32
        %add3A_1400 = vector.broadcast %add3A_1399 : i32 to vector<16xi32>
        %add3A_1401 = arith.addi %iota3A, %add3A_1400 : vector<16xi32>
        %add3A_1402 = arith.addi %gather3A_1398, %add3A_1401 : vector<16xi32>
        %gather3A_1403 = tpu.vector_load_idx %arg7[%broadcast_in_dim3A_1397, %add3A_1402] : memref<400x128xf32, #tpu.memory_space<vmem>>[vector<16xi32>, vector<16xi32>], vector<16xf32>,
        %add3A_1404 = arith.addf %add3A_1376, %gather3A_1403 : vector<16xf32>
        %add3A_1405 = arith.constant 16 : i32
        %add3A_1406 = vector.broadcast %add3A_1405 : i32 to vector<16xi32>
        %add3A_1407 = arith.addi %iota3A, %add3A_1406 : vector<16xi32>
        %add3A_1408 = arith.addi %gather3A_1398, %add3A_1407 : vector<16xi32>
        %gather3A_1409 = tpu.vector_load_idx %arg7[%broadcast_in_dim3A_1397, %add3A_1408] : memref<400x128xf32, #tpu.memory_space<vmem>>[vector<16xi32>, vector<16xi32>], vector<16xf32>,
        %add3A_1410 = arith.addf %add3A_1382, %gather3A_1409 : vector<16xf32>
        %add3A_1411 = arith.constant 32 : i32
        %add3A_1412 = vector.broadcast %add3A_1411 : i32 to vector<16xi32>
        %add3A_1413 = arith.addi %iota3A, %add3A_1412 : vector<16xi32>
        %add3A_1414 = arith.addi %gather3A_1398, %add3A_1413 : vector<16xi32>
        %gather3A_1415 = tpu.vector_load_idx %arg7[%broadcast_in_dim3A_1397, %add3A_1414] : memref<400x128xf32, #tpu.memory_space<vmem>>[vector<16xi32>, vector<16xi32>], vector<16xf32>,
        %add3A_1416 = arith.addf %add3A_1388, %gather3A_1415 : vector<16xf32>
        %add3A_1417 = arith.constant 48 : i32
        %add3A_1418 = vector.broadcast %add3A_1417 : i32 to vector<16xi32>
        %add3A_1419 = arith.addi %iota3A, %add3A_1418 : vector<16xi32>
        %add3A_1420 = arith.addi %gather3A_1398, %add3A_1419 : vector<16xi32>
        %gather3A_1421 = tpu.vector_load_idx %arg7[%broadcast_in_dim3A_1397, %add3A_1420] : memref<400x128xf32, #tpu.memory_space<vmem>>[vector<16xi32>, vector<16xi32>], vector<16xf32>,
        %add3A_1422 = arith.addf %add3A_1394, %gather3A_1421 : vector<16xf32>
        %add3A_1423 = arith.constant 352 : i32
        %add3A_1424 = arith.addi %add3A_1423, %scan3A_196 : i32
        %broadcast_in_dim3A_1425 = vector.broadcast %add3A_1424 : i32 to vector<16xi32>
        %gather3A_1426 = tpu.vector_load_idx %arg12[%broadcast_in_dim3A_1425] : memref<400xi32, #tpu.memory_space<vmem>>[vector<16xi32>], vector<16xi32>,
        %add3A_1427 = arith.constant 0 : i32
        %add3A_1428 = vector.broadcast %add3A_1427 : i32 to vector<16xi32>
        %add3A_1429 = arith.addi %iota3A, %add3A_1428 : vector<16xi32>
        %add3A_1430 = arith.addi %gather3A_1426, %add3A_1429 : vector<16xi32>
        %gather3A_1431 = tpu.vector_load_idx %arg7[%broadcast_in_dim3A_1425, %add3A_1430] : memref<400x128xf32, #tpu.memory_space<vmem>>[vector<16xi32>, vector<16xi32>], vector<16xf32>,
        %add3A_1432 = arith.addf %add3A_1404, %gather3A_1431 : vector<16xf32>
        %add3A_1433 = arith.constant 16 : i32
        %add3A_1434 = vector.broadcast %add3A_1433 : i32 to vector<16xi32>
        %add3A_1435 = arith.addi %iota3A, %add3A_1434 : vector<16xi32>
        %add3A_1436 = arith.addi %gather3A_1426, %add3A_1435 : vector<16xi32>
        %gather3A_1437 = tpu.vector_load_idx %arg7[%broadcast_in_dim3A_1425, %add3A_1436] : memref<400x128xf32, #tpu.memory_space<vmem>>[vector<16xi32>, vector<16xi32>], vector<16xf32>,
        %add3A_1438 = arith.addf %add3A_1410, %gather3A_1437 : vector<16xf32>
        %add3A_1439 = arith.constant 32 : i32
        %add3A_1440 = vector.broadcast %add3A_1439 : i32 to vector<16xi32>
        %add3A_1441 = arith.addi %iota3A, %add3A_1440 : vector<16xi32>
        %add3A_1442 = arith.addi %gather3A_1426, %add3A_1441 : vector<16xi32>
        %gather3A_1443 = tpu.vector_load_idx %arg7[%broadcast_in_dim3A_1425, %add3A_1442] : memref<400x128xf32, #tpu.memory_space<vmem>>[vector<16xi32>, vector<16xi32>], vector<16xf32>,
        %add3A_1444 = arith.addf %add3A_1416, %gather3A_1443 : vector<16xf32>
        %add3A_1445 = arith.constant 48 : i32
        %add3A_1446 = vector.broadcast %add3A_1445 : i32 to vector<16xi32>
        %add3A_1447 = arith.addi %iota3A, %add3A_1446 : vector<16xi32>
        %add3A_1448 = arith.addi %gather3A_1426, %add3A_1447 : vector<16xi32>
        %gather3A_1449 = tpu.vector_load_idx %arg7[%broadcast_in_dim3A_1425, %add3A_1448] : memref<400x128xf32, #tpu.memory_space<vmem>>[vector<16xi32>, vector<16xi32>], vector<16xf32>,
        %add3A_1450 = arith.addf %add3A_1422, %gather3A_1449 : vector<16xf32>
        %add3A_1451 = arith.constant 360 : i32
        %add3A_1452 = arith.addi %add3A_1451, %scan3A_196 : i32
        %broadcast_in_dim3A_1453 = vector.broadcast %add3A_1452 : i32 to vector<16xi32>
        %gather3A_1454 = tpu.vector_load_idx %arg12[%broadcast_in_dim3A_1453] : memref<400xi32, #tpu.memory_space<vmem>>[vector<16xi32>], vector<16xi32>,
        %add3A_1455 = arith.constant 0 : i32
        %add3A_1456 = vector.broadcast %add3A_1455 : i32 to vector<16xi32>
        %add3A_1457 = arith.addi %iota3A, %add3A_1456 : vector<16xi32>
        %add3A_1458 = arith.addi %gather3A_1454, %add3A_1457 : vector<16xi32>
        %gather3A_1459 = tpu.vector_load_idx %arg7[%broadcast_in_dim3A_1453, %add3A_1458] : memref<400x128xf32, #tpu.memory_space<vmem>>[vector<16xi32>, vector<16xi32>], vector<16xf32>,
        %add3A_1460 = arith.addf %add3A_1432, %gather3A_1459 : vector<16xf32>
        %add3A_1461 = arith.constant 16 : i32
        %add3A_1462 = vector.broadcast %add3A_1461 : i32 to vector<16xi32>
        %add3A_1463 = arith.addi %iota3A, %add3A_1462 : vector<16xi32>
        %add3A_1464 = arith.addi %gather3A_1454, %add3A_1463 : vector<16xi32>
        %gather3A_1465 = tpu.vector_load_idx %arg7[%broadcast_in_dim3A_1453, %add3A_1464] : memref<400x128xf32, #tpu.memory_space<vmem>>[vector<16xi32>, vector<16xi32>], vector<16xf32>,
        %add3A_1466 = arith.addf %add3A_1438, %gather3A_1465 : vector<16xf32>
        %add3A_1467 = arith.constant 32 : i32
        %add3A_1468 = vector.broadcast %add3A_1467 : i32 to vector<16xi32>
        %add3A_1469 = arith.addi %iota3A, %add3A_1468 : vector<16xi32>
        %add3A_1470 = arith.addi %gather3A_1454, %add3A_1469 : vector<16xi32>
        %gather3A_1471 = tpu.vector_load_idx %arg7[%broadcast_in_dim3A_1453, %add3A_1470] : memref<400x128xf32, #tpu.memory_space<vmem>>[vector<16xi32>, vector<16xi32>], vector<16xf32>,
        %add3A_1472 = arith.addf %add3A_1444, %gather3A_1471 : vector<16xf32>
        %add3A_1473 = arith.constant 48 : i32
        %add3A_1474 = vector.broadcast %add3A_1473 : i32 to vector<16xi32>
        %add3A_1475 = arith.addi %iota3A, %add3A_1474 : vector<16xi32>
        %add3A_1476 = arith.addi %gather3A_1454, %add3A_1475 : vector<16xi32>
        %gather3A_1477 = tpu.vector_load_idx %arg7[%broadcast_in_dim3A_1453, %add3A_1476] : memref<400x128xf32, #tpu.memory_space<vmem>>[vector<16xi32>, vector<16xi32>], vector<16xf32>,
        %add3A_1478 = arith.addf %add3A_1450, %gather3A_1477 : vector<16xf32>
        %add3A_1479 = arith.constant 368 : i32
        %add3A_1480 = arith.addi %add3A_1479, %scan3A_196 : i32
        %broadcast_in_dim3A_1481 = vector.broadcast %add3A_1480 : i32 to vector<16xi32>
        %gather3A_1482 = tpu.vector_load_idx %arg12[%broadcast_in_dim3A_1481] : memref<400xi32, #tpu.memory_space<vmem>>[vector<16xi32>], vector<16xi32>,
        %add3A_1483 = arith.constant 0 : i32
        %add3A_1484 = vector.broadcast %add3A_1483 : i32 to vector<16xi32>
        %add3A_1485 = arith.addi %iota3A, %add3A_1484 : vector<16xi32>
        %add3A_1486 = arith.addi %gather3A_1482, %add3A_1485 : vector<16xi32>
        %gather3A_1487 = tpu.vector_load_idx %arg7[%broadcast_in_dim3A_1481, %add3A_1486] : memref<400x128xf32, #tpu.memory_space<vmem>>[vector<16xi32>, vector<16xi32>], vector<16xf32>,
        %add3A_1488 = arith.addf %add3A_1460, %gather3A_1487 : vector<16xf32>
        %add3A_1489 = arith.constant 16 : i32
        %add3A_1490 = vector.broadcast %add3A_1489 : i32 to vector<16xi32>
        %add3A_1491 = arith.addi %iota3A, %add3A_1490 : vector<16xi32>
        %add3A_1492 = arith.addi %gather3A_1482, %add3A_1491 : vector<16xi32>
        %gather3A_1493 = tpu.vector_load_idx %arg7[%broadcast_in_dim3A_1481, %add3A_1492] : memref<400x128xf32, #tpu.memory_space<vmem>>[vector<16xi32>, vector<16xi32>], vector<16xf32>,
        %add3A_1494 = arith.addf %add3A_1466, %gather3A_1493 : vector<16xf32>
        %add3A_1495 = arith.constant 32 : i32
        %add3A_1496 = vector.broadcast %add3A_1495 : i32 to vector<16xi32>
        %add3A_1497 = arith.addi %iota3A, %add3A_1496 : vector<16xi32>
        %add3A_1498 = arith.addi %gather3A_1482, %add3A_1497 : vector<16xi32>
        %gather3A_1499 = tpu.vector_load_idx %arg7[%broadcast_in_dim3A_1481, %add3A_1498] : memref<400x128xf32, #tpu.memory_space<vmem>>[vector<16xi32>, vector<16xi32>], vector<16xf32>,
        %add3A_1500 = arith.addf %add3A_1472, %gather3A_1499 : vector<16xf32>
        %add3A_1501 = arith.constant 48 : i32
        %add3A_1502 = vector.broadcast %add3A_1501 : i32 to vector<16xi32>
        %add3A_1503 = arith.addi %iota3A, %add3A_1502 : vector<16xi32>
        %add3A_1504 = arith.addi %gather3A_1482, %add3A_1503 : vector<16xi32>
        %gather3A_1505 = tpu.vector_load_idx %arg7[%broadcast_in_dim3A_1481, %add3A_1504] : memref<400x128xf32, #tpu.memory_space<vmem>>[vector<16xi32>, vector<16xi32>], vector<16xf32>,
        %add3A_1506 = arith.addf %add3A_1478, %gather3A_1505 : vector<16xf32>
        %add3A_1507 = arith.constant 376 : i32
        %add3A_1508 = arith.addi %add3A_1507, %scan3A_196 : i32
        %broadcast_in_dim3A_1509 = vector.broadcast %add3A_1508 : i32 to vector<16xi32>
        %gather3A_1510 = tpu.vector_load_idx %arg12[%broadcast_in_dim3A_1509] : memref<400xi32, #tpu.memory_space<vmem>>[vector<16xi32>], vector<16xi32>,
        %add3A_1511 = arith.constant 0 : i32
        %add3A_1512 = vector.broadcast %add3A_1511 : i32 to vector<16xi32>
        %add3A_1513 = arith.addi %iota3A, %add3A_1512 : vector<16xi32>
        %add3A_1514 = arith.addi %gather3A_1510, %add3A_1513 : vector<16xi32>
        %gather3A_1515 = tpu.vector_load_idx %arg7[%broadcast_in_dim3A_1509, %add3A_1514] : memref<400x128xf32, #tpu.memory_space<vmem>>[vector<16xi32>, vector<16xi32>], vector<16xf32>,
        %add3A_1516 = arith.addf %add3A_1488, %gather3A_1515 : vector<16xf32>
        %add3A_1517 = arith.constant 16 : i32
        %add3A_1518 = vector.broadcast %add3A_1517 : i32 to vector<16xi32>
        %add3A_1519 = arith.addi %iota3A, %add3A_1518 : vector<16xi32>
        %add3A_1520 = arith.addi %gather3A_1510, %add3A_1519 : vector<16xi32>
        %gather3A_1521 = tpu.vector_load_idx %arg7[%broadcast_in_dim3A_1509, %add3A_1520] : memref<400x128xf32, #tpu.memory_space<vmem>>[vector<16xi32>, vector<16xi32>], vector<16xf32>,
        %add3A_1522 = arith.addf %add3A_1494, %gather3A_1521 : vector<16xf32>
        %add3A_1523 = arith.constant 32 : i32
        %add3A_1524 = vector.broadcast %add3A_1523 : i32 to vector<16xi32>
        %add3A_1525 = arith.addi %iota3A, %add3A_1524 : vector<16xi32>
        %add3A_1526 = arith.addi %gather3A_1510, %add3A_1525 : vector<16xi32>
        %gather3A_1527 = tpu.vector_load_idx %arg7[%broadcast_in_dim3A_1509, %add3A_1526] : memref<400x128xf32, #tpu.memory_space<vmem>>[vector<16xi32>, vector<16xi32>], vector<16xf32>,
        %add3A_1528 = arith.addf %add3A_1500, %gather3A_1527 : vector<16xf32>
        %add3A_1529 = arith.constant 48 : i32
        %add3A_1530 = vector.broadcast %add3A_1529 : i32 to vector<16xi32>
        %add3A_1531 = arith.addi %iota3A, %add3A_1530 : vector<16xi32>
        %add3A_1532 = arith.addi %gather3A_1510, %add3A_1531 : vector<16xi32>
        %gather3A_1533 = tpu.vector_load_idx %arg7[%broadcast_in_dim3A_1509, %add3A_1532] : memref<400x128xf32, #tpu.memory_space<vmem>>[vector<16xi32>, vector<16xi32>], vector<16xf32>,
        %add3A_1534 = arith.addf %add3A_1506, %gather3A_1533 : vector<16xf32>
        %add3A_1535 = arith.constant 384 : i32
        %add3A_1536 = arith.addi %add3A_1535, %scan3A_196 : i32
        %broadcast_in_dim3A_1537 = vector.broadcast %add3A_1536 : i32 to vector<16xi32>
        %gather3A_1538 = tpu.vector_load_idx %arg12[%broadcast_in_dim3A_1537] : memref<400xi32, #tpu.memory_space<vmem>>[vector<16xi32>], vector<16xi32>,
        %add3A_1539 = arith.constant 0 : i32
        %add3A_1540 = vector.broadcast %add3A_1539 : i32 to vector<16xi32>
        %add3A_1541 = arith.addi %iota3A, %add3A_1540 : vector<16xi32>
        %add3A_1542 = arith.addi %gather3A_1538, %add3A_1541 : vector<16xi32>
        %gather3A_1543 = tpu.vector_load_idx %arg7[%broadcast_in_dim3A_1537, %add3A_1542] : memref<400x128xf32, #tpu.memory_space<vmem>>[vector<16xi32>, vector<16xi32>], vector<16xf32>,
        %add3A_1544 = arith.addf %add3A_1516, %gather3A_1543 : vector<16xf32>
        %add3A_1545 = arith.constant 16 : i32
        %add3A_1546 = vector.broadcast %add3A_1545 : i32 to vector<16xi32>
        %add3A_1547 = arith.addi %iota3A, %add3A_1546 : vector<16xi32>
        %add3A_1548 = arith.addi %gather3A_1538, %add3A_1547 : vector<16xi32>
        %gather3A_1549 = tpu.vector_load_idx %arg7[%broadcast_in_dim3A_1537, %add3A_1548] : memref<400x128xf32, #tpu.memory_space<vmem>>[vector<16xi32>, vector<16xi32>], vector<16xf32>,
        %add3A_1550 = arith.addf %add3A_1522, %gather3A_1549 : vector<16xf32>
        %add3A_1551 = arith.constant 32 : i32
        %add3A_1552 = vector.broadcast %add3A_1551 : i32 to vector<16xi32>
        %add3A_1553 = arith.addi %iota3A, %add3A_1552 : vector<16xi32>
        %add3A_1554 = arith.addi %gather3A_1538, %add3A_1553 : vector<16xi32>
        %gather3A_1555 = tpu.vector_load_idx %arg7[%broadcast_in_dim3A_1537, %add3A_1554] : memref<400x128xf32, #tpu.memory_space<vmem>>[vector<16xi32>, vector<16xi32>], vector<16xf32>,
        %add3A_1556 = arith.addf %add3A_1528, %gather3A_1555 : vector<16xf32>
        %add3A_1557 = arith.constant 48 : i32
        %add3A_1558 = vector.broadcast %add3A_1557 : i32 to vector<16xi32>
        %add3A_1559 = arith.addi %iota3A, %add3A_1558 : vector<16xi32>
        %add3A_1560 = arith.addi %gather3A_1538, %add3A_1559 : vector<16xi32>
        %gather3A_1561 = tpu.vector_load_idx %arg7[%broadcast_in_dim3A_1537, %add3A_1560] : memref<400x128xf32, #tpu.memory_space<vmem>>[vector<16xi32>, vector<16xi32>], vector<16xf32>,
        %add3A_1562 = arith.addf %add3A_1534, %gather3A_1561 : vector<16xf32>
        %add3A_1563 = arith.constant 392 : i32
        %add3A_1564 = arith.addi %add3A_1563, %scan3A_196 : i32
        %broadcast_in_dim3A_1565 = vector.broadcast %add3A_1564 : i32 to vector<16xi32>
        %gather3A_1566 = tpu.vector_load_idx %arg12[%broadcast_in_dim3A_1565] : memref<400xi32, #tpu.memory_space<vmem>>[vector<16xi32>], vector<16xi32>,
        %add3A_1567 = arith.constant 0 : i32
        %add3A_1568 = vector.broadcast %add3A_1567 : i32 to vector<16xi32>
        %add3A_1569 = arith.addi %iota3A, %add3A_1568 : vector<16xi32>
        %add3A_1570 = arith.addi %gather3A_1566, %add3A_1569 : vector<16xi32>
        %gather3A_1571 = tpu.vector_load_idx %arg7[%broadcast_in_dim3A_1565, %add3A_1570] : memref<400x128xf32, #tpu.memory_space<vmem>>[vector<16xi32>, vector<16xi32>], vector<16xf32>,
        %add3A_1572 = arith.addf %add3A_1544, %gather3A_1571 : vector<16xf32>
        %add3A_1573 = arith.constant 16 : i32
        %add3A_1574 = vector.broadcast %add3A_1573 : i32 to vector<16xi32>
        %add3A_1575 = arith.addi %iota3A, %add3A_1574 : vector<16xi32>
        %add3A_1576 = arith.addi %gather3A_1566, %add3A_1575 : vector<16xi32>
        %gather3A_1577 = tpu.vector_load_idx %arg7[%broadcast_in_dim3A_1565, %add3A_1576] : memref<400x128xf32, #tpu.memory_space<vmem>>[vector<16xi32>, vector<16xi32>], vector<16xf32>,
        %add3A_1578 = arith.addf %add3A_1550, %gather3A_1577 : vector<16xf32>
        %add3A_1579 = arith.constant 32 : i32
        %add3A_1580 = vector.broadcast %add3A_1579 : i32 to vector<16xi32>
        %add3A_1581 = arith.addi %iota3A, %add3A_1580 : vector<16xi32>
        %add3A_1582 = arith.addi %gather3A_1566, %add3A_1581 : vector<16xi32>
        %gather3A_1583 = tpu.vector_load_idx %arg7[%broadcast_in_dim3A_1565, %add3A_1582] : memref<400x128xf32, #tpu.memory_space<vmem>>[vector<16xi32>, vector<16xi32>], vector<16xf32>,
        %add3A_1584 = arith.addf %add3A_1556, %gather3A_1583 : vector<16xf32>
        %add3A_1585 = arith.constant 48 : i32
        %add3A_1586 = vector.broadcast %add3A_1585 : i32 to vector<16xi32>
        %add3A_1587 = arith.addi %iota3A, %add3A_1586 : vector<16xi32>
        %add3A_1588 = arith.addi %gather3A_1566, %add3A_1587 : vector<16xi32>
        %gather3A_1589 = tpu.vector_load_idx %arg7[%broadcast_in_dim3A_1565, %add3A_1588] : memref<400x128xf32, #tpu.memory_space<vmem>>[vector<16xi32>, vector<16xi32>], vector<16xf32>,
        %add3A_1590 = arith.addf %add3A_1562, %gather3A_1589 : vector<16xf32>
        %add3A_1591 = arith.constant 0 : i32
        %add3A_1592 = vector.broadcast %add3A_1591 : i32 to vector<16xi32>
        %add3A_1593 = arith.addi %iota3A, %add3A_1592 : vector<16xi32>
        %add3A_1594 = arith.addi %mul3A_133, %scan3A_196 : i32
        %broadcast_in_dim3A_1595 = vector.broadcast %add3A_1594 : i32 to vector<16xi32>
        %mul3A_1596 = arith.constant 2.000000e-02 : f32
        %mul3A_1597 = vector.broadcast %mul3A_1596 : f32 to vector<16xf32>
        %mul3A_1598 = arith.mulf %add3A_1572, %mul3A_1597 : vector<16xf32>
        tpu.vector_store_idx %arg8[%add3A_1593, %broadcast_in_dim3A_1595], %mul3A_1598 : memref<64x128xf32, #tpu.memory_space<vmem>>[vector<16xi32>, vector<16xi32>], vector<16xf32>,
        %add3A_1599 = arith.constant 16 : i32
        %add3A_1600 = vector.broadcast %add3A_1599 : i32 to vector<16xi32>
        %add3A_1601 = arith.addi %iota3A, %add3A_1600 : vector<16xi32>
        %add3A_1602 = arith.addi %mul3A_133, %scan3A_196 : i32
        %broadcast_in_dim3A_1603 = vector.broadcast %add3A_1602 : i32 to vector<16xi32>
        %mul3A_1604 = arith.constant 2.000000e-02 : f32
        %mul3A_1605 = vector.broadcast %mul3A_1604 : f32 to vector<16xf32>
        %mul3A_1606 = arith.mulf %add3A_1578, %mul3A_1605 : vector<16xf32>
        tpu.vector_store_idx %arg8[%add3A_1601, %broadcast_in_dim3A_1603], %mul3A_1606 : memref<64x128xf32, #tpu.memory_space<vmem>>[vector<16xi32>, vector<16xi32>], vector<16xf32>,
        %add3A_1607 = arith.constant 32 : i32
        %add3A_1608 = vector.broadcast %add3A_1607 : i32 to vector<16xi32>
        %add3A_1609 = arith.addi %iota3A, %add3A_1608 : vector<16xi32>
        %add3A_1610 = arith.addi %mul3A_133, %scan3A_196 : i32
        %broadcast_in_dim3A_1611 = vector.broadcast %add3A_1610 : i32 to vector<16xi32>
        %mul3A_1612 = arith.constant 2.000000e-02 : f32
        %mul3A_1613 = vector.broadcast %mul3A_1612 : f32 to vector<16xf32>
        %mul3A_1614 = arith.mulf %add3A_1584, %mul3A_1613 : vector<16xf32>
        tpu.vector_store_idx %arg8[%add3A_1609, %broadcast_in_dim3A_1611], %mul3A_1614 : memref<64x128xf32, #tpu.memory_space<vmem>>[vector<16xi32>, vector<16xi32>], vector<16xf32>,
        %add3A_1615 = arith.constant 48 : i32
        %add3A_1616 = vector.broadcast %add3A_1615 : i32 to vector<16xi32>
        %add3A_1617 = arith.addi %iota3A, %add3A_1616 : vector<16xi32>
        %add3A_1618 = arith.addi %mul3A_133, %scan3A_196 : i32
        %broadcast_in_dim3A_1619 = vector.broadcast %add3A_1618 : i32 to vector<16xi32>
        %mul3A_1620 = arith.constant 2.000000e-02 : f32
        %mul3A_1621 = vector.broadcast %mul3A_1620 : f32 to vector<16xf32>
        %mul3A_1622 = arith.mulf %add3A_1590, %mul3A_1621 : vector<16xf32>
        tpu.vector_store_idx %arg8[%add3A_1617, %broadcast_in_dim3A_1619], %mul3A_1622 : memref<64x128xf32, #tpu.memory_space<vmem>>[vector<16xi32>, vector<16xi32>], vector<16xf32>,
      }
      %scan3A_139 = arith.constant 8 : i32
      %add3A_140 = arith.constant 2 : i32
      %add3A_141 = arith.addi %add3A_112, %add3A_140 : i32
      %lt3A_142 = arith.constant 64 : i32
      %lt3A_143 = arith.cmpi slt, %add3A_141, %lt3A_142 : i32
      %convert_element_type3A_144 = arith.extui %lt3A_143 : i1 to i32
      %cond3A_145 = arith.constant 0 : i32
      %cond3A_146 = arith.cmpi ne, %convert_element_type3A_144, %cond3A_145 : i32
      scf.if %cond3A_146 {
        %add3A_196 = arith.constant 2 : i32
        %add3A_197 = arith.addi %add3A_112, %add3A_196 : i32
        %jit3A_198 = arith.constant 16 : i32
        %eq3A_199 = arith.constant 0 : i32
        %eq3A_200 = arith.cmpi eq, %jit3A_198, %eq3A_199 : i32
        %jit3A_201 = arith.constant 1 : i32
        %select_n3A_202 = arith.select %eq3A_200, %jit3A_201, %jit3A_198 : i32
        %rem3A_203 = arith.remsi %add3A_197, %select_n3A_202 : i32
        %ne3A_204 = arith.constant 0 : i32
        %ne3A_205 = arith.cmpi ne, %rem3A_203, %ne3A_204 : i32
        %lt3A_206 = arith.constant 0 : i32
        %lt3A_207 = arith.cmpi slt, %rem3A_203, %lt3A_206 : i32
        %lt3A_208 = arith.constant 0 : i32
        %lt3A_209 = arith.cmpi slt, %select_n3A_202, %lt3A_208 : i32
        %ne3A_210 = arith.xori %lt3A_207, %lt3A_209 : i1
        %and3A_211 = arith.andi %ne3A_210, %ne3A_205 : i1
        %add3A_212 = arith.addi %rem3A_203, %select_n3A_202 : i32
        %select_n3A_213 = arith.select %and3A_211, %add3A_212, %rem3A_203 : i32
        %mul3A_214 = arith.constant 8 : i32
        %mul3A_215 = arith.muli %select_n3A_213, %mul3A_214 : i32
        %scan3A_216 = arith.constant 0 : i32
        %scan3A_217 = arith.constant 0 : i32
        %scan3A_218 = arith.constant 25 : i32
        %scan3A_219 = arith.addi %scan3A_217, %scan3A_218 : i32
        %scan3A_220 = arith.constant 1 : i32
        scf.for %scan3A_225 = %scan3A_217 to %scan3A_219 step %scan3A_220  : i32 {
          %mul3A_226 = arith.constant 2 : i32
          %mul3A_227 = arith.muli %mul3A_226, %scan3A_225 : i32
          %broadcast_in_dim3A = vector.broadcast %mul3A_227 : i32 to vector<16xi32>
          %add3A_228 = arith.addi %shift_right_logical3A_4, %broadcast_in_dim3A : vector<16xi32>
          %broadcast_in_dim3A_229 = vector.broadcast %mul3A_215 : i32 to vector<16xi32>
          %add3A_230 = arith.addi %and3A_6, %broadcast_in_dim3A_229 : vector<16xi32>
          %gather3A = tpu.vector_load_idx %arg5[%add3A_228, %add3A_230] : memref<50x128xi32, #tpu.memory_space<vmem>>[vector<16xi32>, vector<16xi32>], vector<16xi32>,
          %shift_right_logical3A_231 = arith.constant 13 : i32
          %shift_right_logical3A_232 = vector.broadcast %shift_right_logical3A_231 : i32 to vector<16xi32>
          %shift_right_logical3A_233 = arith.shrui %gather3A, %shift_right_logical3A_232 : vector<16xi32>
          %and3A_234 = arith.constant 4095 : i32
          %and3A_235 = vector.broadcast %and3A_234 : i32 to vector<16xi32>
          %and3A_236 = arith.andi %gather3A, %and3A_235 : vector<16xi32>
          %shift_right_logical3A_237 = arith.constant 12 : i32
          %shift_right_logical3A_238 = vector.broadcast %shift_right_logical3A_237 : i32 to vector<16xi32>
          %shift_right_logical3A_239 = arith.shrui %gather3A, %shift_right_logical3A_238 : vector<16xi32>
          %and3A_240 = arith.constant 1 : i32
          %and3A_241 = vector.broadcast %and3A_240 : i32 to vector<16xi32>
          %and3A_242 = arith.andi %shift_right_logical3A_239, %and3A_241 : vector<16xi32>
          %mul3A_243 = arith.constant 4096 : i32
          %mul3A_244 = vector.broadcast %mul3A_243 : i32 to vector<16xi32>
          %mul3A_245 = arith.muli %shift_right_logical3A_233, %mul3A_244 : vector<16xi32>
          %add3A_246 = arith.addi %mul3A_245, %and3A_236 : vector<16xi32>
          %mul3A_247 = arith.constant 16 : i32
          %mul3A_248 = arith.muli %scan3A_225, %mul3A_247 : i32
          %swap3A = arith.index_cast %mul3A_248 : i32 to index
          %swap3A_249 = tpu.vector_load %arg10[%swap3A] {strides = array<i32>} : memref<400xi32, #tpu.memory_space<vmem>>, vector<16xi32>,
          tpu.vector_store %arg10[%swap3A], %add3A_246 {strides = array<i32>} : memref<400xi32, #tpu.memory_space<vmem>>, vector<16xi32>,
          %mul3A_250 = arith.constant 64 : i32
          %mul3A_251 = vector.broadcast %mul3A_250 : i32 to vector<16xi32>
          %mul3A_252 = arith.muli %and3A_242, %mul3A_251 : vector<16xi32>
          %mul3A_253 = arith.constant 16 : i32
          %mul3A_254 = arith.muli %scan3A_225, %mul3A_253 : i32
          %swap3A_255 = arith.index_cast %mul3A_254 : i32 to index
          %swap3A_256 = tpu.vector_load %arg12[%swap3A_255] {strides = array<i32>} : memref<400xi32, #tpu.memory_space<vmem>>, vector<16xi32>,
          tpu.vector_store %arg12[%swap3A_255], %mul3A_252 {strides = array<i32>} : memref<400xi32, #tpu.memory_space<vmem>>, vector<16xi32>,
        }
        %scan3A_221 = arith.constant 25 : i32
        %dma_start3A_222 = arith.constant 0 : i32
        %dma_start3A_223 = arith.constant 0 : i32
        %dma_start3A_224 = tpu.memref_slice %arg3[%dma_start3A_222, %dma_start3A_223] : memref<503808x128xf32, #tpu.memory_space<hbm>> -> memref<503808x128xf32, #tpu.memory_space<hbm>>
        tpu.enqueue_indirect_dma source(%dma_start3A_224 : memref<503808x128xf32, #tpu.memory_space<hbm>>) target(%arg7 : memref<400x128xf32, #tpu.memory_space<vmem>>) offsets(%arg10 : memref<400xi32, #tpu.memory_space<vmem>>) semaphore(%arg14 : memref<!tpu.dma_semaphore, #tpu.memory_space<semaphore_mem>>)
      } else {
      }
      %jit3A_147 = arith.constant 16 : i32
      %eq3A_148 = arith.constant 0 : i32
      %eq3A_149 = arith.cmpi eq, %jit3A_147, %eq3A_148 : i32
      %jit3A_150 = arith.constant 1 : i32
      %select_n3A_151 = arith.select %eq3A_149, %jit3A_150, %jit3A_147 : i32
      %rem3A_152 = arith.remsi %add3A_112, %select_n3A_151 : i32
      %ne3A_153 = arith.constant 0 : i32
      %ne3A_154 = arith.cmpi ne, %rem3A_152, %ne3A_153 : i32
      %lt3A_155 = arith.constant 0 : i32
      %lt3A_156 = arith.cmpi slt, %rem3A_152, %lt3A_155 : i32
      %lt3A_157 = arith.constant 0 : i32
      %lt3A_158 = arith.cmpi slt, %select_n3A_151, %lt3A_157 : i32
      %ne3A_159 = arith.xori %lt3A_156, %lt3A_158 : i1
      %and3A_160 = arith.andi %ne3A_159, %ne3A_154 : i1
      %add3A_161 = arith.addi %rem3A_152, %select_n3A_151 : i32
      %select_n3A_162 = arith.select %and3A_160, %add3A_161, %rem3A_152 : i32
      %eq3A_163 = arith.constant 13 : i32
      %eq3A_164 = arith.cmpi eq, %select_n3A_162, %eq3A_163 : i32
      %add3A_165 = arith.constant 16 : i32
      %add3A_166 = arith.addi %add3A_112, %add3A_165 : i32
      %sub3A_167 = arith.constant 2 : i32
      %sub3A_168 = arith.subi %add3A_166, %sub3A_167 : i32
      %lt3A_169 = arith.constant 64 : i32
      %lt3A_170 = arith.cmpi slt, %sub3A_168, %lt3A_169 : i32
      %and3A_171 = arith.andi %eq3A_164, %lt3A_170 : i1
      %convert_element_type3A_172 = arith.extui %and3A_171 : i1 to i32
      %cond3A_173 = arith.constant 0 : i32
      %cond3A_174 = arith.cmpi ne, %convert_element_type3A_172, %cond3A_173 : i32
      scf.if %cond3A_174 {
        %jit3A_196 = arith.constant 16 : i32
        %div3A = arith.divsi %add3A_112, %jit3A_196 : i32
        %sign3A = arith.constant 0 : i32
        %sign3A_197 = arith.cmpi sgt, %add3A_112, %sign3A : i32
        %sign3A_198 = arith.extui %sign3A_197 : i1 to i32
        %sign3A_199 = arith.constant 0 : i32
        %sign3A_200 = arith.cmpi slt, %add3A_112, %sign3A_199 : i32
        %sign3A_201 = arith.extui %sign3A_200 : i1 to i32
        %sign3A_202 = arith.subi %sign3A_198, %sign3A_201 : i32
        %sign3A_203 = arith.constant 0 : i32
        %sign3A_204 = arith.cmpi sgt, %jit3A_196, %sign3A_203 : i32
        %sign3A_205 = arith.extui %sign3A_204 : i1 to i32
        %sign3A_206 = arith.constant 0 : i32
        %sign3A_207 = arith.cmpi slt, %jit3A_196, %sign3A_206 : i32
        %sign3A_208 = arith.extui %sign3A_207 : i1 to i32
        %sign3A_209 = arith.subi %sign3A_205, %sign3A_208 : i32
        %ne3A_210 = arith.cmpi ne, %sign3A_202, %sign3A_209 : i32
        %rem3A_211 = arith.remsi %add3A_112, %jit3A_196 : i32
        %ne3A_212 = arith.constant 0 : i32
        %ne3A_213 = arith.cmpi ne, %rem3A_211, %ne3A_212 : i32
        %and3A_214 = arith.andi %ne3A_210, %ne3A_213 : i1
        %sub3A_215 = arith.constant 1 : i32
        %sub3A_216 = arith.subi %div3A, %sub3A_215 : i32
        %select_n3A_217 = arith.select %and3A_214, %sub3A_216, %div3A : i32
        %add3A_218 = arith.constant 1 : i32
        %add3A_219 = arith.addi %select_n3A_217, %add3A_218 : i32
        %mul3A_220 = arith.constant 128 : i32
        %mul3A_221 = arith.muli %add3A_219, %mul3A_220 : i32
        %add3A_222 = arith.addi %mul3A_2, %mul3A_221 : i32
        %multiple_of3A_223 = tpu.assume_multiple %add3A_222, 128 : i32
        "tpu.region"() ({
          %run_scoped3A = tpu.sem_alloc : memref<!tpu.dma_semaphore, #tpu.memory_space<semaphore_mem>>
          %dma_start3A_224 = arith.constant 0 : i32
          %dma_start3A_225 = tpu.memref_slice %arg2[%dma_start3A_224, %multiple_of3A_223] : memref<50x16384xi32, #tpu.memory_space<hbm>> -> memref<50x128xi32, #tpu.memory_space<hbm>>
          %dma_start3A_226 = arith.constant 0 : i32
          %dma_start3A_227 = tpu.memref_slice %arg2[%dma_start3A_226, %multiple_of3A_223] : memref<50x16384xi32, #tpu.memory_space<hbm>> -> memref<50x128xi32, #tpu.memory_space<hbm>>
          tpu.enqueue_dma source(%dma_start3A_227 : memref<50x128xi32, #tpu.memory_space<hbm>>) target(%arg5 : memref<50x128xi32, #tpu.memory_space<vmem>>) target_semaphore(%run_scoped3A : memref<!tpu.dma_semaphore, #tpu.memory_space<semaphore_mem>>)
          %dma_wait3A_228 = arith.constant 0 : i32
          %dma_wait3A_229 = tpu.memref_slice %arg2[%dma_wait3A_228, %multiple_of3A_223] : memref<50x16384xi32, #tpu.memory_space<hbm>> -> memref<50x128xi32, #tpu.memory_space<hbm>>
          %dma_wait3A_230 = arith.constant 0 : i32
          %dma_wait3A_231 = tpu.memref_slice %arg2[%dma_wait3A_230, %multiple_of3A_223] : memref<50x16384xi32, #tpu.memory_space<hbm>> -> memref<50x128xi32, #tpu.memory_space<hbm>>
          tpu.wait_dma2 semaphore(%run_scoped3A : memref<!tpu.dma_semaphore, #tpu.memory_space<semaphore_mem>>) src(%dma_wait3A_231 : memref<50x128xi32, #tpu.memory_space<hbm>>) dst(%arg5 : memref<50x128xi32, #tpu.memory_space<vmem>>)
          tpu.yield
        }) : () -> ()
      } else {
      }
      %jit3A_175 = arith.constant 16 : i32
      %eq3A_176 = arith.constant 0 : i32
      %eq3A_177 = arith.cmpi eq, %jit3A_175, %eq3A_176 : i32
      %jit3A_178 = arith.constant 1 : i32
      %select_n3A_179 = arith.select %eq3A_177, %jit3A_178, %jit3A_175 : i32
      %rem3A_180 = arith.remsi %add3A_112, %select_n3A_179 : i32
      %ne3A_181 = arith.constant 0 : i32
      %ne3A_182 = arith.cmpi ne, %rem3A_180, %ne3A_181 : i32
      %lt3A_183 = arith.constant 0 : i32
      %lt3A_184 = arith.cmpi slt, %rem3A_180, %lt3A_183 : i32
      %lt3A_185 = arith.constant 0 : i32
      %lt3A_186 = arith.cmpi slt, %select_n3A_179, %lt3A_185 : i32
      %ne3A_187 = arith.xori %lt3A_184, %lt3A_186 : i1
      %and3A_188 = arith.andi %ne3A_187, %ne3A_182 : i1
      %add3A_189 = arith.addi %rem3A_180, %select_n3A_179 : i32
      %select_n3A_190 = arith.select %and3A_188, %add3A_189, %rem3A_180 : i32
      %eq3A_191 = arith.constant 15 : i32
      %eq3A_192 = arith.cmpi eq, %select_n3A_190, %eq3A_191 : i32
      %convert_element_type3A_193 = arith.extui %eq3A_192 : i1 to i32
      %cond3A_194 = arith.constant 0 : i32
      %cond3A_195 = arith.cmpi ne, %convert_element_type3A_193, %cond3A_194 : i32
      scf.if %cond3A_195 {
        %sub3A_196 = arith.constant 15 : i32
        %sub3A_197 = arith.subi %add3A_112, %sub3A_196 : i32
        %mul3A_198 = arith.constant 8 : i32
        %mul3A_199 = arith.muli %sub3A_197, %mul3A_198 : i32
        %add3A_200 = arith.addi %mul3A_2, %mul3A_199 : i32
        %multiple_of3A_201 = tpu.assume_multiple %add3A_200, 128 : i32
        "tpu.region"() ({
          %run_scoped3A = tpu.sem_alloc : memref<!tpu.dma_semaphore, #tpu.memory_space<semaphore_mem>>
          %dma_start3A_202 = arith.constant 0 : i32
          %dma_start3A_203 = tpu.memref_slice %arg4[%dma_start3A_202, %multiple_of3A_201] : memref<64x16384xf32, #tpu.memory_space<hbm>> -> memref<64x128xf32, #tpu.memory_space<hbm>>
          %dma_start3A_204 = arith.constant 0 : i32
          %dma_start3A_205 = tpu.memref_slice %arg4[%dma_start3A_204, %multiple_of3A_201] : memref<64x16384xf32, #tpu.memory_space<hbm>> -> memref<64x128xf32, #tpu.memory_space<hbm>>
          tpu.enqueue_dma source(%arg8 : memref<64x128xf32, #tpu.memory_space<vmem>>) target(%dma_start3A_205 : memref<64x128xf32, #tpu.memory_space<hbm>>) target_semaphore(%run_scoped3A : memref<!tpu.dma_semaphore, #tpu.memory_space<semaphore_mem>>)
          %dma_wait3A_206 = arith.constant 0 : i32
          %dma_wait3A_207 = tpu.memref_slice %arg4[%dma_wait3A_206, %multiple_of3A_201] : memref<64x16384xf32, #tpu.memory_space<hbm>> -> memref<64x128xf32, #tpu.memory_space<hbm>>
          %dma_wait3A_208 = arith.constant 0 : i32
          %dma_wait3A_209 = tpu.memref_slice %arg4[%dma_wait3A_208, %multiple_of3A_201] : memref<64x16384xf32, #tpu.memory_space<hbm>> -> memref<64x128xf32, #tpu.memory_space<hbm>>
          tpu.wait_dma2 semaphore(%run_scoped3A : memref<!tpu.dma_semaphore, #tpu.memory_space<semaphore_mem>>) src(%arg8 : memref<64x128xf32, #tpu.memory_space<vmem>>) dst(%dma_wait3A_209 : memref<64x128xf32, #tpu.memory_space<hbm>>)
          tpu.yield
        }) : () -> ()
      } else {
      }
    }
    %scan3A_30 = arith.constant 32 : i32
    return
  }
}

module attributes {stable_mosaic.version = 14 : i64} {
  func.func @_mm_body(%arg0: i32, %arg1: memref<64x1000xf32, #tpu.memory_space<vmem>>, %arg2: memref<64x2048xf32, #tpu.memory_space<vmem>>, %arg3: memref<1000x128xf32, #tpu.memory_space<vmem>>, %arg4: memref<1000x2048xf32, #tpu.memory_space<vmem>>) attributes {dimension_semantics = [#tpu.dimension_semantics<arbitrary>], iteration_bounds = array<i64: 8>, scalar_prefetch = 0 : i64, scratch_operands = 0 : i64, tpu.core_type = #tpu.core_type<tc>, window_params = [{pipeline_mode = #tpu.pipeline_mode<synchronous>, transform_indices = @transform_0, window_bounds = array<i64: 64, 1000>}, {transform_indices = @transform_1, window_bounds = array<i64: 64, 2048>}, {pipeline_mode = #tpu.pipeline_mode<synchronous>, transform_indices = @transform_2, window_bounds = array<i64: 1000, 128>}, {transform_indices = @transform_3, window_bounds = array<i64: 1000, 2048>}]} {
    %get3A = arith.constant 0 : index
    %get3A_0 = arith.constant 0 : index
    %get3A_1 = vector.load %arg1[%get3A, %get3A_0] : memref<64x1000xf32, #tpu.memory_space<vmem>>, vector<64x1000xf32>
    %get3A_2 = arith.constant 0 : index
    %get3A_3 = arith.constant 0 : index
    %get3A_4 = vector.load %arg2[%get3A_2, %get3A_3] : memref<64x2048xf32, #tpu.memory_space<vmem>>, vector<64x2048xf32>
    %dot_general3A = arith.constant dense<0.000000e+00> : vector<1000x2048xf32>
    %dot_general3A_5 = tpu.matmul %get3A_1, %get3A_4, %dot_general3A {dimension_numbers = #tpu.dot_dimension_numbers<[0], [0], [1], [1], [0, 1, 1, 1], [], []>, transpose_lhs_hint = false} : vector<64x1000xf32>, vector<64x2048xf32>, vector<1000x2048xf32> -> vector<1000x2048xf32>
    %get3A_6 = arith.constant 0 : index
    %get3A_7 = arith.constant 0 : index
    %get3A_8 = vector.load %arg3[%get3A_6, %get3A_7] : memref<1000x128xf32, #tpu.memory_space<vmem>>, vector<1000x128xf32>
    %slice3A = vector.extract_strided_slice %get3A_8 {offsets = [0, 0], sizes = [1000, 1], strides = [1, 1]} : vector<1000x128xf32> to vector<1000x1xf32>
    %add3A = vector.broadcast %slice3A : vector<1000x1xf32> to vector<1000x2048xf32>
    %add3A_9 = arith.addf %dot_general3A_5, %add3A : vector<1000x2048xf32>
    %swap3A = arith.constant 0 : index
    %swap3A_10 = arith.constant 0 : index
    %swap3A_11 = vector.load %arg4[%swap3A, %swap3A_10] : memref<1000x2048xf32, #tpu.memory_space<vmem>>, vector<1000x2048xf32>
    tpu.vector_store %arg4[%swap3A, %swap3A_10], %add3A_9 {strides = array<i32>} : memref<1000x2048xf32, #tpu.memory_space<vmem>>, vector<1000x2048xf32>,
    return
  }
  func.func @transform_0(%arg0: i32) -> (i32, i32) {
    %c0_i32 = arith.constant 0 : i32
    %c0_i32_0 = arith.constant 0 : i32
    %c0_i32_1 = arith.constant 0 : i32
    return %c0_i32, %c0_i32_0 : i32, i32
  }
  func.func @transform_1(%arg0: i32) -> (i32, i32) {
    %c0_i32 = arith.constant 0 : i32
    %c0_i32_0 = arith.constant 0 : i32
    return %c0_i32, %arg0 : i32, i32
  }
  func.func @transform_2(%arg0: i32) -> (i32, i32) {
    %c0_i32 = arith.constant 0 : i32
    %c0_i32_0 = arith.constant 0 : i32
    %c0_i32_1 = arith.constant 0 : i32
    return %c0_i32, %c0_i32_0 : i32, i32
  }
  func.func @transform_3(%arg0: i32) -> (i32, i32) {
    %c0_i32 = arith.constant 0 : i32
    %c0_i32_0 = arith.constant 0 : i32
    return %c0_i32, %arg0 : i32, i32
  }
}

module attributes {stable_mosaic.version = 14 : i64} {
  func.func @_repack_body(%arg0: i32, %arg1: memref<64x8192xf32, #tpu.memory_space<vmem>>, %arg2: memref<4096x128xf32, #tpu.memory_space<vmem>>) attributes {dimension_semantics = [#tpu.dimension_semantics<arbitrary>], iteration_bounds = array<i64: 123>, scalar_prefetch = 0 : i64, scratch_operands = 0 : i64, tpu.core_type = #tpu.core_type<tc>, window_params = [{transform_indices = @transform_0, window_bounds = array<i64: 64, 8192>}, {transform_indices = @transform_1, window_bounds = array<i64: 4096, 128>}]} {
    %get3A = arith.constant 0 : index
    %get3A_0 = arith.constant 0 : index
    %get3A_1 = vector.load %arg1[%get3A, %get3A_0] : memref<64x8192xf32, #tpu.memory_space<vmem>>, vector<64x8192xf32>
    %slice3A = vector.extract_strided_slice %get3A_1 {offsets = [0, 0], sizes = [64, 4096], strides = [1, 1]} : vector<64x8192xf32> to vector<64x4096xf32>
    %slice3A_2 = vector.extract_strided_slice %get3A_1 {offsets = [0, 4096], sizes = [64, 4096], strides = [1, 1]} : vector<64x8192xf32> to vector<64x4096xf32>
    %concatenate3A = tpu.concatenate %slice3A, %slice3A_2 in 0 : vector<64x4096xf32>, vector<64x4096xf32> -> vector<128x4096xf32>
    %iota3A = tpu.iota {dimensions = array<i32: 0>} : vector<128x128xi32>
    %iota3A_3 = tpu.iota {dimensions = array<i32: 1>} : vector<128x128xi32>
    %add3A = arith.constant 0 : i32
    %add3A_4 = vector.broadcast %add3A : i32 to vector<128x128xi32>
    %add3A_5 = arith.addi %iota3A, %add3A_4 : vector<128x128xi32>
    %eq3A = arith.cmpi eq, %add3A_5, %iota3A_3 : vector<128x128xi32>
    %convert_element_type3A = arith.extui %eq3A : vector<128x128xi1> to vector<128x128xi32>
    %convert_element_type3A_6 = arith.sitofp %convert_element_type3A : vector<128x128xi32> to vector<128x128xf32>
    %dot_general3A = arith.constant dense<0.000000e+00> : vector<4096x128xf32>
    %dot_general3A_7 = tpu.matmul %concatenate3A, %convert_element_type3A_6, %dot_general3A {dimension_numbers = #tpu.dot_dimension_numbers<[0], [0], [1], [1], [0, 1, 1, 1], [], []>, transpose_lhs_hint = false} : vector<128x4096xf32>, vector<128x128xf32>, vector<4096x128xf32> -> vector<4096x128xf32>
    %swap3A = arith.constant 0 : index
    %swap3A_8 = arith.constant 0 : index
    %swap3A_9 = vector.load %arg2[%swap3A, %swap3A_8] : memref<4096x128xf32, #tpu.memory_space<vmem>>, vector<4096x128xf32>
    tpu.vector_store %arg2[%swap3A, %swap3A_8], %dot_general3A_7 {strides = array<i32>} : memref<4096x128xf32, #tpu.memory_space<vmem>>, vector<4096x128xf32>,
    return
  }
  func.func @transform_0(%arg0: i32) -> (i32, i32) {
    %c0_i32 = arith.constant 0 : i32
    %c0_i32_0 = arith.constant 0 : i32
    return %c0_i32, %arg0 : i32, i32
  }
  func.func @transform_1(%arg0: i32) -> (i32, i32) {
    %c0_i32 = arith.constant 0 : i32
    %c0_i32_0 = arith.constant 0 : i32
    return %arg0, %c0_i32 : i32, i32
  }
}

</mosaic_0001>

<sc_bundles>
// kernel: kernel.5.cloned.1.call-start
scs
__scs_entry_jumppad:
0x0: {  	(pc) =	sbr.rel $0x88, $3  }
0x1: {  	(tag) =	ssettag $0x0;
	lr =	simm.s32 $0x1  }
0x2: {  	[smem:$0x3F9D] =	sst lr;
	_ =	strace $0xD0000000  }
0x3: {  	_ = 	snop  }
0x4: {  	_ = 	snop  }
0x5: {  	_ = 	snop  }
0x6: {  	_ = 	snop  }
0x7: {  	_ = 	snop  }
__scs_overlays_trampoline_lowered:
0x8: {  	[smem:$0x3FAC] =	sst s0  }
0x9: {  	[smem:$0x3FAD] =	sst s1  }
0xa: {  	[smem:$0x3FAE] =	sst s2  }
0xb: {  	[smem:$0x3FAF] =	sst s3  }
0xc: {  	[smem:$0x3FB0] =	sst s4  }
0xd: {  	[smem:$0x3FB1] =	sst s5  }
0xe: {  	[smem:$0x3FB2] =	sst s6  }
0xf: {  	[smem:$0x3FB3] =	sst s7  }
0x10: {  	[smem:$0x3FB4] =	sst s8  }
0x11: {  	[smem:$0x3FB5] =	sst s9;
	s0 =	simm.s32 @!p0 $0x0  }
0x12: {  	s1 =	sld [smem:$0x3F9B];
	s0 =	simm.s32 @p0 $0x1  }
0x13: {  	[smem:$0x3FB6] =	sst s0;
	s0 =	simm.s32 @!p1 $0x0  }
0x14: {  	s2 =	sld [smem:$0x3F9A];
	s0 =	simm.s32 @p1 $0x1  }
0x15: {  	[smem:$0x3FB7] =	sst s0;
	s0 =	simm.s32 @!p2 $0x0  }
0x16: {  	s3 =	sld [smem:$0x3FDB];
	s0 =	simm.s32 @p2 $0x1  }
0x17: {  	s4 =	simm.s32 $0x1BF5;
	[smem:$0x3FB9] =	sst s0  }
0x18: {  	s0 =	sld [smem:$0x3F9C];
	_ =	swait.ge [sflag:s4], $0x0  }
0x19: {  	s7 =	sld [smem:$0x3F9D]  }
0x1a: {  	s8 =	sadd.s32 $0xFFFFE003, lr  }
0x1b: {  	s9 =	sadd.s32 $0xFFFFFEF7, lr;
	s5 =	simm.s32 $0xFFFFFFFF;
	p2 =	slt.u32 s8, $0xFFFFF086  }
0x1c: {  	p1 =	slt.u32 s9, $0xF7A;
	s5 =	simm.s32 @!p2 $0x0  }
0x1d: {  	s5 =	simm.s32 @p1 $0x1;
	p0 =	seq.s32 s7, s2  }
0x1e: {  	s7 =	smul.u32 @!p0 $0xF7A, s2;
	p2 =	seq.s32 @!p0 s5, $0x0  }
0x1f: {  	s9 =	smul.u32 $0xF7A, s1;
	s8 =	simm.s32 @!p0 $0x1BF5;
	p2 =	por !p2, p0  }
0x20: {  	[sflag:s8] =	ssyncset.s32 @!p0 $0xFFFFF086;
	s6 =	sadd.s32 @!p0 s3, s7;
	s7 =	simm.s32 @!p0 $0x108  }
0x21: {  	s3 =	sadd.s32 s3, s9;
	s6 =	sadd.s32 @!p0 $0x88, s6;
	s7 =	simm.s32 @p2 $0x1082  }
0x22: {  	[simem:s7], [sflag:s8] =	dma.local @!p0 [hbm:s6], $0xF7A  }
0x23: {  	s9 =	sor.u32 $0xD0000000, s2;
	s6 =	simm.s32 $0x108;
	_ =	swait.ge @!p0 [sflag:s8], $0x0  }
0x24: {  	s3 =	sadd.s32 $0x88, s3;
	s6 =	simm.s32 @!p1 $0x1082;
	[sflag:s4] =	ssyncset.s32 $0xFFFFF086  }
0x25: {  	[simem:s6], [sflag:s4] =	dma.local [hbm:s3], $0xF7A  }
0x26: {  	[smem:$0x3F9D] =	sst s1;
	(tag) =	ssettag s2;
	_ =	strace s9  }
0x27: {  	s1 =	sld [smem:$0x3FAD]  }
0x28: {  	s2 =	sld [smem:$0x3FAE]  }
0x29: {  	s4 =	sld [smem:$0x3FB0]  }
0x2a: {  	p0 =	seq.s32 s5, $0x0;
	s5 =	sld [smem:$0x3FB1]  }
0x2b: {  	s6 =	sld [smem:$0x3FB2]  }
0x2c: {  	s7 =	sld [smem:$0x3FB3]  }
0x2d: {  	s3 =	simm.s32 $0x108;
	s8 =	sld [smem:$0x3FB4]  }
0x2e: {  	s3 =	simm.s32 @!p0 $0x1082;
	s9 =	sld [smem:$0x3FB5]  }
0x2f: {  	lr =	sadd.s32 s0, s3;
	s0 =	sld [smem:$0x3FAC]  }
0x30: {  	s3 =	sld [smem:$0x3FAF]  }
0x31: {  	[smem:$0x3FB8] =	sst s10  }
0x32: {  	s10 =	sld [smem:$0x3FB6];
	_ =	sdelay $0x3  }
0x33: {  	p0 =	seq.s32 s10, $0x1;
	s10 =	sld [smem:$0x3FB8];
	_ =	sdelay $0x3  }
0x34: {  	[smem:$0x3FB8] =	sst s10  }
0x35: {  	s10 =	sld [smem:$0x3FB7];
	_ =	sdelay $0x3  }
0x36: {  	p1 =	seq.s32 s10, $0x1;
	s10 =	sld [smem:$0x3FB8];
	_ =	sdelay $0x3  }
0x37: {  	[smem:$0x3FB8] =	sst s10  }
0x38: {  	s10 =	sld [smem:$0x3FB9]  }
0x39: {  	_ = 	snop;
	(pc) =	sbr.ind lr, $3  }
0x3a: {  	_ = 	snop  }
0x3b: {  	_ = 	snop  }
0x3c: {  	p2 =	seq.s32 s10, $0x1;
	s10 =	sld [smem:$0x3FB8]  }
0x3d: {  	_ =	shalt  }
0x3e: {  	_ =	shalt  }
0x3f: {  	_ =	shalt  }
0x40: {  	_ =	shalt  }
0x41: {  	_ =	shalt  }
0x42: {  	_ =	shalt  }
0x43: {  	_ =	shalt  }
0x44: {  	_ =	shalt  }
0x45: {  	_ =	shalt  }
0x46: {  	_ =	shalt  }
0x47: {  	_ =	shalt  }
0x48: {  	_ =	shalt  }
0x49: {  	_ =	shalt  }
0x4a: {  	_ =	shalt  }
0x4b: {  	_ =	shalt  }
0x4c: {  	_ =	shalt  }
0x4d: {  	_ =	shalt  }
0x4e: {  	_ =	shalt  }
0x4f: {  	_ =	shalt  }
0x50: {  	_ =	shalt  }
0x51: {  	_ =	shalt  }
0x52: {  	_ =	shalt  }
0x53: {  	_ =	shalt  }
0x54: {  	_ =	shalt  }
0x55: {  	_ =	shalt  }
0x56: {  	_ =	shalt  }
0x57: {  	_ =	shalt  }
0x58: {  	_ =	shalt  }
0x59: {  	_ =	shalt  }
0x5a: {  	_ =	shalt  }
0x5b: {  	_ =	shalt  }
0x5c: {  	_ =	shalt  }
0x5d: {  	_ =	shalt  }
0x5e: {  	_ =	shalt  }
0x5f: {  	_ =	shalt  }
0x60: {  	_ =	shalt  }
0x61: {  	_ =	shalt  }
0x62: {  	_ =	shalt  }
0x63: {  	_ =	shalt  }
0x64: {  	_ =	shalt  }
0x65: {  	_ =	shalt  }
0x66: {  	_ =	shalt  }
0x67: {  	_ =	shalt  }
0x68: {  	_ =	shalt  }
0x69: {  	_ =	shalt  }
0x6a: {  	_ =	shalt  }
0x6b: {  	_ =	shalt  }
0x6c: {  	_ =	shalt  }
0x6d: {  	_ =	shalt  }
0x6e: {  	_ =	shalt  }
0x6f: {  	_ =	shalt  }
0x70: {  	_ =	shalt  }
0x71: {  	_ =	shalt  }
0x72: {  	_ =	shalt  }
0x73: {  	_ =	shalt  }
0x74: {  	_ =	shalt  }
0x75: {  	_ =	shalt  }
0x76: {  	_ =	shalt  }
0x77: {  	_ =	shalt  }
0x78: {  	_ =	shalt  }
0x79: {  	_ =	shalt  }
0x7a: {  	_ =	shalt  }
0x7b: {  	_ =	shalt  }
0x7c: {  	_ =	shalt  }
0x7d: {  	_ =	shalt  }
0x7e: {  	_ =	shalt  }
0x7f: {  	_ =	shalt  }
0x80: {  	_ =	shalt  }
0x81: {  	_ =	shalt  }
0x82: {  	_ =	shalt  }
0x83: {  	_ =	shalt  }
0x84: {  	_ =	shalt  }
0x85: {  	_ =	shalt  }
0x86: {  	_ =	shalt  }
0x87: {  	_ =	shalt  }
.Lfunc_end0:
.L_simem_size_0:
called_computation_lowered:
.L_overlay_start_0:
0x88: {  	s2 =	sld [smem:$0x3FD9]  }
0x89: {  	s3 =	sld [smem:$0x3FFE];
	_ =	sdelay $0x1  }
0x8a: {  	s1 =	srdreg.scid  }
0x8b: {  	s0 =	sand.u32 $0x1, s1  }
0x8c: {  	s17 =	sshll.u32 s0, $0xA;
	s2 =	sadd.s32 s3, s2  }
0x8d: {  	s2 =	sadd.s32 s2, s17  }
0x8e: {  	[smem:$0x3FC4] =	sst s2  }
0x8f: {  	_ = 	snop  }
0x90: {  	s2 =	sld [smem:$0x3FC9]  }
0x91: {  	s18 =	sld [smem:$0x3FD0];
	(tm) =	ssettm $0x1  }
0x92: {  	s4 =	sld [smem:$0x3FFB];
	_ =	sdelay $0x3  }
0x93: {  	_ =	strace s4  }
0x94: {  	s4 =	sld [smem:$0x3FFC];
	_ =	sdelay $0x3  }
0x95: {  	_ =	strace s4  }
0x96: {  	s4 =	sld [smem:$0x3FFD];
	_ =	sdelay $0x3  }
0x97: {  	_ =	strace s4  }
0x98: {  	_ =	strace $0x8FFFFFFF  }
0x99: {  	s19 =	sld [smem:$0x3FDB];
	_ =	sdelay $0x1  }
0x9a: {  	s5 =	simm.s32 $_scs_section_size  }
0x9b: {  	s6 =	simm.s32 $_size__tile_overlayer_lowered;
	s7 =	simm.s32 $_tile_overlayer_lowered  }
0x9c: {  	s22 =	simm.s32 $0x1BFF;
	s21 =	sshll.u32 s7, $0x1;
	s4 =	sadd.s32 s5, s19  }
0x9d: {  	s8 =	simm.s32 $0x0;
	s20 =	sshll.u32 s6, $0x1;
	s6 =	sadd.s32 s21, s4  }
0x9e: {  	[timem:s8], [sflag:s22] =	dma.local [hbm:s6], s20  }
0x9f: {  	_ =	swait.ge [sflag:s22], s20  }
0xa0: {  	s5 =	ssub.s32 $0x0, s20;
	[sflag:s22] =	ssyncset.done $0x0  }
0xa1: {  	[sflag:s22] =	ssyncadd.s32 s5;
	_ =	sdelay $0x1  }
0xa2: {  	s23 =	simm.s32 $0x1B8B  }
0xa3: {  	_ =	swait.ge [sflag:s23], $0x1  }
0xa4: {  	[sflag:s23] =	ssyncset.done $0x0  }
0xa5: {  	s25 =	simm.s32 $0x1B8E;
	s24 =	sld [smem:$0x3FFE];
	[sflag:s23] =	ssyncadd.s32 $0xFFFFFFFF  }
0xa6: {  	s26 =	simm.s32 $execute0_lowered;
	[smem:$0x3FD2] =	sst s25  }
0xa7: {  	s6 =	sshll.u32 s26, $0x1;
	_ =	strace $0x80000046;
	[dreg:$0x1] =	wrdreg $0xFFFFFFFF  }
0xa8: {  	s28 =	simm.s32 $_size_execute0_lowered;
	s4 =	sadd.s32 s4, s6;
	[dreg:$0x0] =	wrdreg $0x0  }
0xa9: {  	s6 =	sshll.u32 s28, $0x1;
	[dreg:$0x2] =	wrdreg s4  }
0xaa: {  	[dreg:$0x3] =	wrdreg s6  }
0xab: {  	[dreg:$0x4] =	wrdreg $0xC0  }
0xac: {  	_ =	task [dreg:s8], $0x5FFFF  }
0xad: {  	[dreg:$0x1] =	wrdreg $0xFFFFFFFF  }
0xae: {  	[dreg:$0x0] =	wrdreg $0x60  }
0xaf: {  	[dreg:$0x2] =	wrdreg s2  }
0xb0: {  	[dreg:$0x3] =	wrdreg s24  }
0xb1: {  	[dreg:$0x4] =	wrdreg s18  }
0xb2: {  	[dreg:$0x5] =	wrdreg $0x9  }
0xb3: {  	_ =	task.clear_ibuf [dreg:s8], $0x6FFFF;
	_ =	strace $0x90000046  }
0xb4: {  	s29 =	simm.s32 $0x9;
	_ =	strace $0x80000048  }
0xb5: {  	_ =	swait.ge [sflag:s29], $0x1  }
0xb6: {  	[sflag:s29] =	ssyncadd.s32 $0xFFFFFFFF  }
0xb7: {  	_ =	strace $0x90000048  }
0xb8: {  	_ =	sfence  }
0xb9: {  	s30 =	sld [smem:$0x0];
	_ =	sdelay $0x2  }
0xba: {  	s31 =	sshll.u32 s1, $0xD;
	s1 =	sshrl.u32 s1, $0x2  }
0xbb: {  	s3 =	sand.u32 $0x4000, s31;
	s1 =	sadd.s32 s1, s30  }
0xbc: {  	s0 =	sor.u32 s3, s0;
	s1 =	sshll.u32 s1, $0x11  }
0xbd: {  	s0 =	sor.u32 s1, s0  }
0xbe: {  	s0 =	sadd.s32 $0x8F2B, s0  }
0xbf: {  	[sflag:s0] =	ssyncadd.remote.s32 $0x1  }
0xc0: {  	_ =	sfence.sel $0xFFFF  }
0xc1: {  	[dreg:$0x0] =	wrdreg $0xFFFFFFFF;
	(pc) =	sbr.abs _section_cstart, $3  }
0xc2: {  	[dreg:$0x1] =	wrdreg $0xFFFFFFFF  }
0xc3: {  	_ =	task.clear_ibuf [dreg:s8], $0x2FFFF;
	_ =	strace $0x9FFFFFFF  }
0xc4: {  	(tm) =	ssettm $0x7FFFFFFF  }
0xc5: {  	_ =	shalt  }
tec
execute0_lowered:
.L_overlay_start_1:
0x0: {  	(tag) =	ssettag $0x1  }
0x1: {  	s0 =	rddreg [dreg:$0x0]  }
0x2: {  	s1 =	rddreg [dreg:$0x1]  }
0x3: {  	s2 =	rddreg [dreg:$0x2];
	s4 =	srdreg.scid;
	s3 =	simm.s32 $0x0  }
0x4: {  	s5 =	stileid.u32;
	s10 =	simm.s32 $0x400;
	s11 =	simm.s32 $0x20000  }
0x5: {  	s12 =	simm.s32 $0x1800;
	s13 =	simm.s32 $0x3;
	s14 =	simm.s32 $0x190  }
0x6: {  	s15 =	simm.s32 $0x1CC00;
	s16 =	simm.s32 $0x1C00;
	s17 =	simm.s32 $0x1CE00  }
0x7: {  	s18 =	simm.s32 $0xE400;
	s19 =	simm.s32 $0x1;
	s20 =	simm.s32 $0x1D000  }
0x8: {  	s21 =	simm.s32 $0x1AC00;
	s22 =	simm.s32 $0x2;
	s23 =	simm.s32 $0x1D200  }
0x9: {  	s24 =	simm.s32 $0x4;
	s25 =	simm.s32 $0x0;
	s4 =	sand.u32 $0x1, s4  }
.Ltmp0:
0xa: {  	v0 =	vlaneseq.u32;
	[smem:$0x7FF] =	sst s3;
	s5 =	sshll.u32 s5, $0xA;
	(pc) =	sbr.rel .LBB2_1-.Ltmp0, $4  }
0xb: {  	v1 =	vshrl.u32 v0, $0x3;
	v2 =	vand.u32 $0x7, v0;
	s6 =	sshll.u32 s4, $0x9;
	_ =	strace $0x80000047;
	s7 =	ssub.s32 $0x2, s4  }
0xc: {  	v3 =	vor.u32 $0x8, v0;
	v4 =	vmul.u32 $0x80, v0;
	v5 =	vor.u32 $0x10, v0;
	s4 =	sadd.s32 $0xA00, s1;
	s8 =	sor.u32 s6, s5;
	s30 =	sshrl.u32 s7, $0x1  }
0xd: {  	v6 =	vor.u32 $0x20, v0;
	v7 =	vor.u32 $0x30, v0;
	v1 =	vmul.u32 $0x80, v1;
	s5 =	sadd.s32 s0, s8;
	s31 =	ssub.s32 s7, s30;
	s8 =	sadd.s32 $0xFFFFF90, s8  }
0xe: {  	v8 =	vor.u32 $0x800, v4;
	v9 =	vor.u32 $0x1000, v4;
	v10 =	vor.u32 $0x1800, v4;
	s6 =	sadd.s32 $0x18000, s5;
	s7 =	sadd.s32 $0x80, s5;
	s9 =	smax.u32 s31, $0x1  }
.LBB2_21:
0xf: {  	s25 =	sadd.s32 $0x1, s25  }
0x10: {  	p0 =	sne.s32 s25, s9  }
.Ltmp1:
0x11: {  	_ = 	snop;
	(pc) =	sbr.rel @!p0 .LBB2_22-.Ltmp1, $1  }
0x12: {  	_ =	sdelay $0x3  }
.LBB2_1:
0x13: {  	v11 =	vmov s3  }
0x14: {  	v11 =	vshll.u32 v11, $0x7  }
0x15: {  	[tilespmem:s3], [sflag:$0x3] =	stream.strided.gather [hbm4b:s5+s10], $0x1800, s11, s10, $0x38;
	v11 =	vor.u32 v1, v11;
	[tilespmem:$0x1D400] =	vst v63  }
0x16: {  	v11 =	vor.u32 v2, v11  }
0x17: {  	[tilespmem:s12], [sflag:$0x3] =	stream.linear.gather [hbm4b:s6+s3], $0x100, $0x38;
	[tilespmem:$0x1D400] =	vst v63  }
0x18: {  	_ =	swait.ge [sflag:s13], $0x1900  }
0x19: {  	[sflag:s13] =	ssyncset.done $0x0  }
0x1a: {  	[sflag:s13] =	ssyncadd.s32 $0xFFFFE700  }
0x1b: {  	v11 =	vld.idx.msk [tilespmem:v11+s3+$0x0], $0xffff  }
0x1c: {  	s0 =	simm.s32 $0x2  }
0x1d: {  	v12 =	vmov s0  }
0x1e: {  	v12 =	vshll.u32 v12, $0x7  }
0x1f: {  	v12 =	vor.u32 v1, v12  }
0x20: {  	v12 =	vor.u32 v2, v12;
	v13 =	vshrl.u32 v11, $0x1  }
0x21: {  	v14 =	vand.u32 $0xFFF, v11;
	v13 =	vand.u32 $0x7FFFF000, v13  }
0x22: {  	v11 =	vshrl.u32 v11, $0x6;
	v13 =	vor.u32 v14, v13  }
0x23: {  	v11 =	vand.u32 $0x40, v11;
	[tilespmem:s15+$0x0] =	vst v13  }
0x24: {  	[tilespmem:s20+$0x0] =	vst v11  }
0x25: {  	v11 =	vld.idx.msk [tilespmem:v12+s3+$0x0], $0xffff  }
0x26: {  	s31 =	simm.s32 $0x4  }
0x27: {  	v13 =	vmov s31  }
0x28: {  	s28 =	simm.s32 $0x6;
	s26 =	simm.s32 $0x1CC00;
	s0 =	simm.s32 $0x1D000;
	v12 =	vshll.u32 v13, $0x7  }
.LBB2_2:
0x29: {  	p0 =	sne.s32 s28, $0x30;
	v12 =	vor.u32 v1, v12  }
0x2a: {  	v13 =	vshrl.u32 v11, $0x1;
	v14 =	vshrl.u32 v11, $0x6;
	v12 =	vor.u32 v2, v12  }
0x2b: {  	v11 =	vand.u32 $0xFFF, v11;
	v13 =	vand.u32 $0x7FFFF000, v13  }
0x2c: {  	s26 =	sadd.s32 $0x10, s26;
	v11 =	vor.u32 v11, v13  }
0x2d: {  	s0 =	sadd.s32 $0x10, s0;
	[tilespmem:s26+$0x0] =	vst v11;
	v11 =	vand.u32 $0x40, v14  }
0x2e: {  	[tilespmem:s0+$0x0] =	vst v11  }
.Ltmp2:
0x2f: {  	v11 =	vld.idx.msk [tilespmem:v12+s3+$0x0], $0xffff;
	(pc) =	sbr.rel @p0 .LBB2_2-.Ltmp2, $3  }
0x30: {  	_ =	sdelay $0x1  }
0x31: {  	v12 =	vmov s28  }
0x32: {  	s28 =	sadd.s32 $0x2, s28;
	v12 =	vshll.u32 v12, $0x7  }
0x33: {  	v12 =	vor.u32 v1, v12  }
0x34: {  	v13 =	vshrl.u32 v11, $0x1;
	v12 =	vor.u32 v2, v12  }
0x35: {  	v14 =	vand.u32 $0xFFF, v11;
	v13 =	vand.u32 $0x7FFFF000, v13  }
0x36: {  	v11 =	vshrl.u32 v11, $0x6;
	s1 =	sadd.s32 $0x10, s26;
	v13 =	vor.u32 v14, v13  }
0x37: {  	s0 =	sadd.s32 $0x10, s0;
	v11 =	vand.u32 $0x40, v11;
	[tilespmem:s1+$0x0] =	vst v13  }
0x38: {  	[tilespmem:s0+$0x0] =	vst v11  }
0x39: {  	v11 =	vld.idx.msk [tilespmem:v12+s3+$0x0], $0xffff;
	_ =	sdelay $0x1  }
0x3a: {  	s29 =	simm.s32 $0x0  }
0x3b: {  	v12 =	vmov s29  }
0x3c: {  	v12 =	vshll.u32 v12, $0x7  }
0x3d: {  	v12 =	vor.u32 v1, v12;
	v13 =	vshrl.u32 v11, $0x1  }
0x3e: {  	v12 =	vor.u32 v3, v12;
	v14 =	vand.u32 $0xFFF, v11;
	v13 =	vand.u32 $0x7FFFF000, v13  }
0x3f: {  	s1 =	sadd.s32 $0x10, s1;
	v11 =	vshrl.u32 v11, $0x6;
	v13 =	vor.u32 v14, v13  }
0x40: {  	s0 =	sadd.s32 $0x10, s0;
	v11 =	vand.u32 $0x40, v11;
	[tilespmem:s1+$0x0] =	vst v13  }
0x41: {  	[tilespmem:s0+$0x0] =	vst v11  }
0x42: {  	[tilespmem:s16], [sflag:$0x1] =	stream.indirect.gather [hbm4b:s4+s14], $0x80, s15, s14, $0xb8;
	[tilespmem:$0x1D400] =	vst v63  }
0x43: {  	v11 =	vld.idx.msk [tilespmem:v12+s3+$0x0], $0xffff  }
0x44: {  	s30 =	simm.s32 $0x2  }
0x45: {  	v12 =	vmov s30  }
0x46: {  	v12 =	vshll.u32 v12, $0x7  }
0x47: {  	v12 =	vor.u32 v1, v12  }
0x48: {  	v12 =	vor.u32 v3, v12;
	v13 =	vshrl.u32 v11, $0x1  }
0x49: {  	v14 =	vand.u32 $0xFFF, v11;
	v13 =	vand.u32 $0x7FFFF000, v13  }
0x4a: {  	s26 =	simm.s32 $0x1CE00;
	v11 =	vshrl.u32 v11, $0x6;
	v13 =	vor.u32 v14, v13  }
0x4b: {  	s28 =	simm.s32 $0x1D200;
	v11 =	vand.u32 $0x40, v11;
	[tilespmem:s26+$0x0] =	vst v13  }
0x4c: {  	[tilespmem:s28+$0x0] =	vst v11  }
0x4d: {  	v11 =	vld.idx.msk [tilespmem:v12+s3+$0x0], $0xffff  }
0x4e: {  	s31 =	simm.s32 $0x4  }
0x4f: {  	v13 =	vmov s31  }
0x50: {  	s0 =	simm.s32 $0x6;
	v12 =	vshll.u32 v13, $0x7  }
.LBB2_4:
0x51: {  	p0 =	sne.s32 s0, $0x30;
	v12 =	vor.u32 v1, v12  }
0x52: {  	v13 =	vshrl.u32 v11, $0x1;
	v14 =	vshrl.u32 v11, $0x6;
	v12 =	vor.u32 v3, v12  }
0x53: {  	v11 =	vand.u32 $0xFFF, v11;
	v13 =	vand.u32 $0x7FFFF000, v13  }
0x54: {  	s26 =	sadd.s32 $0x10, s26;
	v11 =	vor.u32 v11, v13  }
0x55: {  	s28 =	sadd.s32 $0x10, s28;
	[tilespmem:s26+$0x0] =	vst v11;
	v11 =	vand.u32 $0x40, v14  }
0x56: {  	[tilespmem:s28+$0x0] =	vst v11  }
.Ltmp3:
0x57: {  	v11 =	vld.idx.msk [tilespmem:v12+s3+$0x0], $0xffff;
	(pc) =	sbr.rel @p0 .LBB2_4-.Ltmp3, $3  }
0x58: {  	_ =	sdelay $0x1  }
0x59: {  	v12 =	vmov s0  }
0x5a: {  	s0 =	sadd.s32 $0x2, s0;
	v12 =	vshll.u32 v12, $0x7  }
0x5b: {  	v12 =	vor.u32 v1, v12  }
0x5c: {  	v13 =	vshrl.u32 v11, $0x1;
	v12 =	vor.u32 v3, v12  }
0x5d: {  	v14 =	vand.u32 $0xFFF, v11;
	v13 =	vand.u32 $0x7FFFF000, v13  }
0x5e: {  	v11 =	vshrl.u32 v11, $0x6;
	s0 =	sadd.s32 $0x10, s26;
	v13 =	vor.u32 v14, v13  }
0x5f: {  	s1 =	sadd.s32 $0x10, s28;
	v11 =	vand.u32 $0x40, v11;
	[tilespmem:s0+$0x0] =	vst v13  }
0x60: {  	[tilespmem:s1+$0x0] =	vst v11  }
0x61: {  	v11 =	vld.idx.msk [tilespmem:v12+s3+$0x0], $0xffff;
	_ =	sdelay $0x4  }
0x62: {  	v12 =	vshrl.u32 v11, $0x1  }
.Ltmp4:
0x63: {  	v63 =	vand.u32 $0xFFF, v11;
	v12 =	vand.u32 $0x7FFFF000, v12;
	(pc) =	sbr.rel .LBB2_6-.Ltmp4, $4  }
0x64: {  	s0 =	sadd.s32 $0x10, s0;
	v11 =	vshrl.u32 v11, $0x6;
	v12 =	vor.u32 v63, v12  }
0x65: {  	s31 =	sadd.s32 $0x10, s1;
	v11 =	vand.u32 $0x40, v11;
	[tilespmem:s0+$0x0] =	vst v12  }
0x66: {  	s26 =	simm.s32 $0x0;
	s28 =	simm.s32 $0x0;
	[tilespmem:s31+$0x0] =	vst v11  }
0x67: {  	[tilespmem:s18], [sflag:$0x2] =	stream.indirect.gather [hbm4b:s4+s14], $0x80, s17, s14, $0xb8;
	[tilespmem:$0x1D400] =	vst v63  }
.LBB2_19:
0x68: {  	p0 =	sne.s32 s30, $0xE  }
0x69: {  	s0 =	sadd.s32 @!p0 s29, s8  }
0x6a: {  	s1 =	simm.s32 @!p0 $0x400;
	s0 =	sand.u32 @!p0 $0xFFFFF80, s0  }
0x6b: {  	s29 =	simm.s32 @!p0 $0x20000;
	s30 =	simm.s32 @!p0 $0x1AC00;
	s0 =	sadd.s32 @!p0 s2, s0  }
0x6c: {  	[hbm4b:s0+s1] =	stream.strided.scatter @!p0 [tilespmem:s30], [sflag:$0x3], $0x2000, s29, s1, $0x38;
	[tilespmem:$0x1D400] =	vst v63  }
0x6d: {  	s0 =	simm.s32 @!p0 $0x3  }
0x6e: {  	_ =	swait.ge @!p0 [sflag:s0], $0x2000  }
0x6f: {  	[sflag:s0] =	ssyncset.done @!p0 $0x0  }
0x70: {  	[sflag:s0] =	ssyncadd.s32 @!p0 $0xFFFFE000  }
.LBB2_20:
0x71: {  	s28 =	sadd.s32 $0x1, s28  }
0x72: {  	p0 =	sne.s32 s28, $0x20  }
.Ltmp5:
0x73: {  	_ = 	snop;
	(pc) =	sbr.rel @!p0 .LBB2_21-.Ltmp5, $2  }
0x74: {  	_ =	sdelay $0x2  }
0x75: {  	s26 =	sadd.s32 $0x1, s26  }
.LBB2_6:
0x76: {  	s0 =	sshll.u32 s26, $0x4  }
0x77: {  	s30 =	sand.u32 $0x70, s0  }
0x78: {  	s0 =	sor.u32 $0x8, s30  }
0x79: {  	[dreg:$0x4] =	wrdreg s0  }
0x7a: {  	_ =	swait.ge [sflag:s19], $0xC800  }
0x7b: {  	[sflag:s19] =	ssyncset.done $0x0  }
0x7c: {  	s29 =	sshll.u32 s28, $0x4;
	s31 =	simm.s32 $0x0;
	[sflag:s19] =	ssyncadd.s32 $0xFFFF3800  }
.LBB2_7:
0x7d: {  	v11 =	vmov s31  }
0x7e: {  	s0 =	sadd.s32 $0x8, s31  }
0x7f: {  	s1 =	sadd.s32 $0x10, s31;
	v13 =	vmov s0  }
0x80: {  	v19 =	vmov s1;
	s1 =	sadd.s32 $0x18, s31  }
0x81: {  	v24 =	vmov s1;
	s1 =	sadd.s32 $0x20, s31  }
0x82: {  	v28 =	vmov s1;
	v12 =	vld.idx.msk [tilespmem:v11+s20+$0x0], $0xffff;
	_ =	sdelay $0x1  }
0x83: {  	s1 =	sadd.s32 $0x28, s31;
	v17 =	vld.idx.msk [tilespmem:v13+s20+$0x0], $0xffff  }
0x84: {  	v33 =	vmov s1;
	v11 =	vshll.u32 v11, $0x7;
	v55 =	vld.idx.msk [tilespmem:v19+s20+$0x0], $0xffff  }
0x85: {  	v13 =	vshll.u32 v13, $0x7;
	v19 =	vshll.u32 v19, $0x7;
	v25 =	vld.idx.msk [tilespmem:v24+s20+$0x0], $0xffff;
	v24 =	vshll.u32 v24, $0x7  }
0x86: {  	v38 =	vld.idx.msk [tilespmem:v28+s20+$0x0], $0xffff;
	v28 =	vshll.u32 v28, $0x7;
	v14 =	vadd.s32 v0, v12;
	v16 =	vadd.s32 v5, v12  }
0x87: {  	v18 =	vadd.s32 v6, v12;
	v12 =	vadd.s32 v7, v12;
	v15 =	vand.u32 $0xFFFFFF80, v14  }
0x88: {  	v14 =	vand.u32 $0x7F, v14;
	v48 =	vand.u32 $0xFFFFFF80, v16;
	v16 =	vand.u32 $0x7F, v16  }
0x89: {  	v49 =	vand.u32 $0xFFFFFF80, v18;
	v18 =	vand.u32 $0x7F, v18;
	v50 =	vand.u32 $0xFFFFFF80, v12  }
0x8a: {  	v20 =	vadd.s32 v0, v17;
	v12 =	vand.u32 $0x7F, v12;
	v54 =	vadd.s32 v5, v17  }
0x8b: {  	v22 =	vadd.s32 v6, v17;
	v17 =	vadd.s32 v7, v17;
	v59 =	vadd.s32 v0, v55  }
0x8c: {  	v61 =	vadd.s32 v5, v55;
	v26 =	vadd.s32 v6, v55;
	v15 =	vadd.s32 v11, v15  }
0x8d: {  	v21 =	vand.u32 $0xFFFFFF80, v20;
	v51 =	vand.u32 $0x7F, v20;
	v56 =	vand.u32 $0xFFFFFF80, v54  }
0x8e: {  	v23 =	vand.u32 $0xFFFFFF80, v22;
	v22 =	vand.u32 $0x7F, v22;
	v58 =	vand.u32 $0xFFFFFF80, v17  }
0x8f: {  	v17 =	vand.u32 $0x7F, v17;
	v60 =	vand.u32 $0xFFFFFF80, v59;
	v62 =	vand.u32 $0xFFFFFF80, v61  }
0x90: {  	v27 =	vand.u32 $0xFFFFFF80, v26;
	v26 =	vand.u32 $0x7F, v26;
	v20 =	vadd.s32 v7, v55  }
0x91: {  	v35 =	vadd.s32 v0, v25;
	v39 =	vadd.s32 v5, v25;
	v29 =	vadd.s32 v6, v25  }
0x92: {  	v25 =	vadd.s32 v7, v25;
	v14 =	vor.u32 v14, v15;
	v15 =	vadd.s32 v11, v48  }
0x93: {  	v52 =	vadd.s32 v13, v21;
	v21 =	vadd.s32 v13, v56;
	v23 =	vadd.s32 v13, v23  }
0x94: {  	v13 =	vadd.s32 v13, v58;
	v27 =	vadd.s32 v19, v27;
	v34 =	vand.u32 $0xFFFFFF80, v20  }
0x95: {  	v20 =	vand.u32 $0x7F, v20;
	v36 =	vand.u32 $0xFFFFFF80, v35;
	v37 =	vand.u32 $0x7F, v35  }
0x96: {  	v30 =	vand.u32 $0xFFFFFF80, v39;
	v31 =	vand.u32 $0xFFFFFF80, v29;
	v29 =	vand.u32 $0x7F, v29  }
0x97: {  	v40 =	vand.u32 $0xFFFFFF80, v25;
	v41 =	vadd.s32 v0, v38;
	v32 =	vadd.s32 v5, v38  }
0x98: {  	v46 =	vadd.s32 v6, v38;
	v15 =	vor.u32 v16, v15;
	v16 =	vadd.s32 v11, v49  }
0x99: {  	v11 =	vadd.s32 v11, v50;
	v53 =	vor.u32 v51, v52;
	v57 =	vor.u32 v22, v23  }
0x9a: {  	v13 =	vor.u32 v17, v13;
	v22 =	vand.u32 $0x7F, v59;
	v17 =	vadd.s32 v19, v60  }
0x9b: {  	v23 =	vand.u32 $0x7F, v61;
	v63 =	vor.u32 v26, v27;
	v26 =	vadd.s32 v24, v36  }
0x9c: {  	v30 =	vadd.s32 v24, v30;
	v31 =	vadd.s32 v24, v31;
	v42 =	vand.u32 $0xFFFFFF80, v41;
	v51 =	vld.idx.msk [tilespmem:v33+s20+$0x0], $0xffff  }
0x9d: {  	v44 =	vand.u32 $0xFFFFFF80, v32;
	v45 =	vand.u32 $0x7F, v32;
	v16 =	vor.u32 v18, v16;
	v14 =	vld.idx.msk [tilespmem:v14+s16+$0x0], $0xffff  }
0x9e: {  	v11 =	vor.u32 v12, v11;
	v18 =	vand.u32 $0x7F, v54;
	v17 =	vor.u32 v22, v17;
	v15 =	vld.idx.msk [tilespmem:v15+s16+$0x0], $0xffff  }
0x9f: {  	s1 =	sadd.s32 $0x30, s31;
	v22 =	vadd.s32 v19, v62;
	v19 =	vadd.s32 v19, v34;
	v29 =	vor.u32 v29, v31;
	v12 =	vld.idx.msk [tilespmem:v53+s16+$0x0], $0xffff  }
0xa0: {  	v31 =	vand.u32 $0x7F, v41;
	v54 =	vmov s1;
	v18 =	vor.u32 v18, v21;
	v21 =	vld.idx.msk [tilespmem:v57+s16+$0x0], $0xffff  }
0xa1: {  	v19 =	vor.u32 v20, v19;
	v20 =	vor.u32 v37, v26;
	v26 =	vand.u32 $0x7F, v39;
	v13 =	vld.idx.msk [tilespmem:v13+s16+$0x0], $0xffff  }
0xa2: {  	v22 =	vor.u32 v23, v22;
	v26 =	vor.u32 v26, v30;
	v30 =	vadd.s32 v28, v42;
	v23 =	vld.idx.msk [tilespmem:v63+s16+$0x0], $0xffff  }
0xa3: {  	v47 =	vand.u32 $0xFFFFFF80, v46;
	v43 =	vor.u32 v31, v30;
	v30 =	vadd.s32 v28, v44;
	v16 =	vld.idx.msk [tilespmem:v16+s16+$0x0], $0xffff  }
0xa4: {  	v32 =	vand.u32 $0x7F, v46;
	v31 =	vadd.s32 v28, v47;
	v30 =	vor.u32 v45, v30;
	v11 =	vld.idx.msk [tilespmem:v11+s16+$0x0], $0xffff  }
0xa5: {  	v25 =	vand.u32 $0x7F, v25;
	v24 =	vadd.s32 v24, v40;
	v31 =	vor.u32 v32, v31;
	v17 =	vld.idx.msk [tilespmem:v17+s16+$0x0], $0xffff  }
0xa6: {  	v27 =	vadd.s32 v7, v38;
	v60 =	vshll.u32 v33, $0x7;
	v24 =	vor.u32 v25, v24;
	v63 =	vld.idx.msk [tilespmem:v54+s20+$0x0], $0xffff  }
0xa7: {  	v48 =	vand.u32 $0xFFFFFF80, v27;
	v27 =	vand.u32 $0x7F, v27;
	s1 =	sadd.s32 $0x38, s31;
	v58 =	vadd.s32 v0, v51;
	v18 =	vld.idx.msk [tilespmem:v18+s16+$0x0], $0xffff  }
0xa8: {  	v33 =	vmov s1;
	v28 =	vadd.s32 v28, v48;
	v59 =	vand.u32 $0xFFFFFF80, v58;
	v19 =	vld.idx.msk [tilespmem:v19+s16+$0x0], $0xffff  }
0xa9: {  	v27 =	vor.u32 v27, v28;
	v62 =	vadd.s32 v5, v51;
	v61 =	vadd.s32 v60, v59;
	v50 =	vld.idx.msk [tilespmem:v30+s16+$0x0], $0xffff  }
0xaa: {  	v12 =	vadd.f32 v12, v14;
	v53 =	vld.idx.msk [tilespmem:v31+s16+$0x0], $0xffff;
	v30 =	vand.u32 $0x7F, v62;
	v31 =	vadd.s32 v6, v51  }
0xab: {  	v29 =	vld.idx.msk [tilespmem:v29+s16+$0x0], $0xffff;
	v16 =	vadd.f32 v21, v16;
	v11 =	vadd.f32 v13, v11;
	v32 =	vand.u32 $0xFFFFFF80, v31  }
0xac: {  	v22 =	vld.idx.msk [tilespmem:v22+s16+$0x0], $0xffff;
	v21 =	vand.u32 $0x7F, v31;
	v35 =	vadd.s32 v0, v63;
	v47 =	vadd.s32 v5, v63  }
0xad: {  	v20 =	vld.idx.msk [tilespmem:v20+s16+$0x0], $0xffff;
	v49 =	vadd.f32 v18, v15;
	v12 =	vadd.f32 v17, v12;
	v15 =	vand.u32 $0x7F, v58  }
0xae: {  	v24 =	vld.idx.msk [tilespmem:v24+s16+$0x0], $0xffff;
	v18 =	vadd.s32 v7, v51;
	v36 =	vand.u32 $0xFFFFFF80, v35;
	v17 =	vshll.u32 v54, $0x7  }
0xaf: {  	v48 =	vld.idx.msk [tilespmem:v33+s20+$0x0], $0xffff;
	v37 =	vand.u32 $0x7F, v35;
	v16 =	vadd.f32 v23, v16;
	v11 =	vadd.f32 v19, v11  }
0xb0: {  	v26 =	vld.idx.msk [tilespmem:v26+s16+$0x0], $0xffff;
	v15 =	vor.u32 v15, v61;
	v34 =	vand.u32 $0xFFFFFF80, v18;
	v18 =	vand.u32 $0x7F, v18  }
0xb1: {  	v25 =	vld.idx.msk [tilespmem:v43+s16+$0x0], $0xffff;
	v38 =	vadd.s32 v17, v36;
	v23 =	vadd.s32 v7, v63;
	v52 =	vadd.f32 v22, v49  }
0xb2: {  	v12 =	vadd.f32 v20, v12;
	v20 =	vadd.s32 v60, v32;
	v39 =	vor.u32 v37, v38  }
0xb3: {  	v49 =	vand.u32 $0xFFFFFF80, v47;
	v54 =	vand.u32 $0xFFFFFF80, v23;
	v23 =	vand.u32 $0x7F, v23  }
0xb4: {  	v56 =	vld.idx.msk [tilespmem:v27+s16+$0x0], $0xffff;
	v22 =	vshll.u32 v33, $0x7;
	v16 =	vadd.f32 v29, v16;
	v57 =	vadd.f32 v24, v11  }
0xb5: {  	v29 =	vand.u32 $0xFFFFFF80, v62;
	v20 =	vor.u32 v21, v20;
	v21 =	vand.u32 $0x7F, v47  }
0xb6: {  	s1 =	sadd.s32 $0x40, s31;
	v24 =	vadd.s32 v7, v48;
	v55 =	vadd.f32 v26, v52;
	v13 =	vadd.f32 v25, v12  }
0xb7: {  	v19 =	vadd.s32 v60, v29;
	v25 =	vadd.s32 v17, v49;
	v52 =	vmov s1  }
0xb8: {  	v40 =	vand.u32 $0xFFFFFF80, v24;
	v24 =	vand.u32 $0x7F, v24;
	v11 =	vadd.f32 v53, v16  }
0xb9: {  	v14 =	vadd.f32 v56, v57;
	v19 =	vor.u32 v30, v19;
	v16 =	vadd.s32 v60, v34  }
0xba: {  	s1 =	sadd.s32 $0x48, s31;
	v21 =	vor.u32 v21, v25;
	v57 =	vadd.s32 v5, v48;
	v60 =	vadd.s32 v6, v48  }
0xbb: {  	v62 =	vmov s1;
	v28 =	vshll.u32 v52, $0x7;
	v12 =	vadd.f32 v50, v55  }
0xbc: {  	v16 =	vor.u32 v18, v16;
	v50 =	vadd.s32 v6, v63;
	v55 =	vadd.s32 v0, v48  }
0xbd: {  	s1 =	sadd.s32 $0x50, s31;
	v59 =	vand.u32 $0xFFFFFF80, v57;
	v61 =	vand.u32 $0xFFFFFF80, v60;
	v30 =	vand.u32 $0x7F, v60  }
0xbe: {  	v15 =	vld.idx.msk [tilespmem:v15+s16+$0x0], $0xffff;
	v32 =	vshll.u32 v62, $0x7;
	v37 =	vmov s1;
	v51 =	vand.u32 $0xFFFFFF80, v50  }
0xbf: {  	v26 =	vand.u32 $0x7F, v50;
	v56 =	vand.u32 $0xFFFFFF80, v55;
	v27 =	vadd.s32 v17, v51;
	v20 =	vld.idx.msk [tilespmem:v20+s16+$0x0], $0xffff  }
0xc0: {  	v31 =	vadd.s32 v22, v61;
	v17 =	vadd.s32 v17, v54;
	v53 =	vor.u32 v26, v27;
	v58 =	vld.idx.msk [tilespmem:v52+s20+$0x0], $0xffff  }
0xc1: {  	v17 =	vor.u32 v23, v17;
	v26 =	vand.u32 $0x7F, v55;
	v23 =	vadd.s32 v22, v56  }
0xc2: {  	v27 =	vand.u32 $0x7F, v57;
	v23 =	vor.u32 v26, v23;
	v26 =	vadd.s32 v22, v59  }
0xc3: {  	v63 =	vor.u32 v30, v31;
	v22 =	vadd.s32 v22, v40;
	v44 =	vld.idx.msk [tilespmem:v62+s20+$0x0], $0xffff;
	v26 =	vor.u32 v27, v26  }
0xc4: {  	v22 =	vor.u32 v24, v22;
	v13 =	vadd.f32 v15, v13;
	v11 =	vadd.f32 v20, v11  }
0xc5: {  	v41 =	vadd.s32 v0, v58;
	v45 =	vadd.s32 v5, v58;
	v46 =	vadd.s32 v6, v58  }
0xc6: {  	v29 =	vadd.s32 v7, v58;
	v42 =	vand.u32 $0xFFFFFF80, v41;
	v43 =	vand.u32 $0x7F, v41  }
0xc7: {  	v18 =	vld.idx.msk [tilespmem:v39+s16+$0x0], $0xffff;
	v34 =	vand.u32 $0xFFFFFF80, v45;
	v35 =	vand.u32 $0xFFFFFF80, v46;
	v33 =	vand.u32 $0x7F, v46  }
0xc8: {  	v19 =	vld.idx.msk [tilespmem:v19+s16+$0x0], $0xffff;
	v47 =	vand.u32 $0xFFFFFF80, v29;
	v29 =	vand.u32 $0x7F, v29;
	v48 =	vadd.s32 v0, v44  }
0xc9: {  	v25 =	vld.idx.msk [tilespmem:v53+s16+$0x0], $0xffff;
	v36 =	vadd.s32 v5, v44;
	v53 =	vadd.s32 v6, v44;
	v31 =	vadd.s32 v7, v44  }
0xca: {  	v21 =	vld.idx.msk [tilespmem:v21+s16+$0x0], $0xffff;
	v30 =	vadd.s32 v28, v42;
	v34 =	vadd.s32 v28, v34;
	v35 =	vadd.s32 v28, v35  }
0xcb: {  	s1 =	sadd.s32 $0x58, s31;
	v16 =	vld.idx.msk [tilespmem:v16+s16+$0x0], $0xffff;
	v28 =	vadd.s32 v28, v47;
	v49 =	vand.u32 $0xFFFFFF80, v48;
	v51 =	vand.u32 $0xFFFFFF80, v36  }
0xcc: {  	v27 =	vld.idx.msk [tilespmem:v63+s16+$0x0], $0xffff;
	v57 =	vand.u32 $0xFFFFFF80, v31;
	v59 =	vand.u32 $0x7F, v31;
	v31 =	vmov s1  }
0xcd: {  	v17 =	vld.idx.msk [tilespmem:v17+s16+$0x0], $0xffff;
	v52 =	vand.u32 $0x7F, v36;
	v54 =	vand.u32 $0xFFFFFF80, v53;
	v24 =	vor.u32 v43, v30  }
0xce: {  	v23 =	vld.idx.msk [tilespmem:v23+s16+$0x0], $0xffff;
	v30 =	vand.u32 $0x7F, v45;
	v33 =	vor.u32 v33, v35;
	v35 =	vand.u32 $0x7F, v48  }
0xcf: {  	v26 =	vld.idx.msk [tilespmem:v26+s16+$0x0], $0xffff;
	v28 =	vor.u32 v29, v28;
	v30 =	vor.u32 v30, v34;
	v34 =	vadd.s32 v32, v49  }
0xd0: {  	v22 =	vld.idx.msk [tilespmem:v22+s16+$0x0], $0xffff;
	v36 =	vand.u32 $0x7F, v53;
	s1 =	sadd.s32 $0x60, s31;
	v50 =	vor.u32 v35, v34;
	v35 =	vadd.s32 v32, v54  }
0xd1: {  	v60 =	vadd.s32 v32, v57;
	v40 =	vmov s1;
	v56 =	vor.u32 v36, v35;
	v36 =	vld.idx.msk [tilespmem:v31+s20+$0x0], $0xffff  }
0xd2: {  	v12 =	vadd.f32 v19, v12;
	v62 =	vor.u32 v59, v60;
	v34 =	vadd.s32 v32, v51;
	v24 =	vld.idx.msk [tilespmem:v24+s16+$0x0], $0xffff  }
0xd3: {  	v13 =	vadd.f32 v18, v13;
	v14 =	vadd.f32 v16, v14;
	v34 =	vor.u32 v52, v34;
	v55 =	vld.idx.msk [tilespmem:v33+s16+$0x0], $0xffff  }
0xd4: {  	v12 =	vadd.f32 v21, v12;
	s1 =	sadd.s32 $0x68, s31;
	v11 =	vadd.f32 v25, v11;
	v58 =	vld.idx.msk [tilespmem:v28+s16+$0x0], $0xffff  }
0xd5: {  	v14 =	vadd.f32 v17, v14;
	v13 =	vadd.f32 v23, v13;
	v52 =	vmov s1;
	v28 =	vld.idx.msk [tilespmem:v37+s20+$0x0], $0xffff  }
0xd6: {  	v23 =	vshll.u32 v40, $0x7;
	s1 =	sadd.s32 $0x70, s31;
	v12 =	vadd.f32 v26, v12;
	v11 =	vadd.f32 v27, v11;
	v48 =	vld.idx.msk [tilespmem:v40+s20+$0x0], $0xffff  }
0xd7: {  	v14 =	vadd.f32 v22, v14;
	v22 =	vshll.u32 v31, $0x7;
	v20 =	vld.idx.msk [tilespmem:v62+s16+$0x0], $0xffff;
	v62 =	vmov s1  }
0xd8: {  	v63 =	vld.idx.msk [tilespmem:v34+s16+$0x0], $0xffff;
	v34 =	vshll.u32 v37, $0x7;
	v42 =	vadd.s32 v0, v36;
	v47 =	vadd.s32 v5, v36  }
0xd9: {  	v61 =	vld.idx.msk [tilespmem:v50+s16+$0x0], $0xffff;
	v50 =	vadd.s32 v6, v36;
	v21 =	vadd.s32 v7, v36;
	v13 =	vadd.f32 v24, v13  }
0xda: {  	v11 =	vadd.f32 v55, v11;
	v14 =	vadd.f32 v58, v14;
	v32 =	vadd.s32 v0, v28  }
0xdb: {  	v30 =	vld.idx.msk [tilespmem:v30+s16+$0x0], $0xffff;
	v35 =	vadd.s32 v5, v28;
	v38 =	vadd.s32 v6, v28;
	v17 =	vadd.s32 v7, v28  }
0xdc: {  	v43 =	vand.u32 $0xFFFFFF80, v42;
	v44 =	vand.u32 $0x7F, v42;
	v49 =	vand.u32 $0xFFFFFF80, v47  }
0xdd: {  	v51 =	vand.u32 $0xFFFFFF80, v50;
	v26 =	vand.u32 $0x7F, v50;
	v54 =	vand.u32 $0xFFFFFF80, v21  }
0xde: {  	v21 =	vand.u32 $0x7F, v21;
	v55 =	vadd.s32 v0, v48;
	v57 =	vadd.s32 v5, v48  }
0xdf: {  	v60 =	vadd.s32 v6, v48;
	v24 =	vadd.s32 v7, v48;
	v28 =	vshll.u32 v52, $0x7  }
0xe0: {  	v12 =	vadd.f32 v30, v12;
	v33 =	vand.u32 $0xFFFFFF80, v32;
	v15 =	vand.u32 $0x7F, v32  }
0xe1: {  	v37 =	vand.u32 $0xFFFFFF80, v35;
	v19 =	vand.u32 $0x7F, v35;
	v39 =	vand.u32 $0xFFFFFF80, v38  }
0xe2: {  	v41 =	vand.u32 $0xFFFFFF80, v17;
	v17 =	vand.u32 $0x7F, v17;
	v45 =	vadd.s32 v22, v43  }
0xe3: {  	v25 =	vadd.s32 v22, v49;
	v27 =	vadd.s32 v22, v51;
	v22 =	vadd.s32 v22, v54  }
0xe4: {  	v29 =	vld.idx.msk [tilespmem:v56+s16+$0x0], $0xffff;
	v56 =	vand.u32 $0xFFFFFF80, v55;
	v59 =	vand.u32 $0xFFFFFF80, v57;
	v30 =	vand.u32 $0x7F, v60  }
0xe5: {  	v32 =	vshll.u32 v62, $0x7;
	v13 =	vadd.f32 v61, v13;
	v16 =	vadd.s32 v34, v33  }
0xe6: {  	v14 =	vadd.f32 v20, v14;
	v20 =	vand.u32 $0x7F, v38;
	v18 =	vadd.s32 v34, v41  }
0xe7: {  	v46 =	vor.u32 v44, v45;
	v53 =	vor.u32 v26, v27;
	v21 =	vor.u32 v21, v22  }
0xe8: {  	s1 =	sadd.s32 $0x78, s31;
	v26 =	vand.u32 $0x7F, v55;
	v22 =	vadd.s32 v23, v56;
	v27 =	vand.u32 $0x7F, v57  }
0xe9: {  	v61 =	vand.u32 $0xFFFFFF80, v60;
	v55 =	vmov s1;
	v12 =	vadd.f32 v63, v12  }
0xea: {  	v58 =	vld.idx.msk [tilespmem:v52+s20+$0x0], $0xffff;
	v11 =	vadd.f32 v29, v11;
	v15 =	vor.u32 v15, v16;
	v16 =	vadd.s32 v34, v37  }
0xeb: {  	v17 =	vor.u32 v17, v18;
	v22 =	vor.u32 v26, v22;
	v26 =	vadd.s32 v23, v59  }
0xec: {  	v31 =	vadd.s32 v23, v61;
	v37 =	vand.u32 $0xFFFFFF80, v24;
	v24 =	vand.u32 $0x7F, v24  }
0xed: {  	v16 =	vor.u32 v19, v16;
	v19 =	vadd.s32 v34, v39;
	v26 =	vor.u32 v27, v26  }
0xee: {  	v63 =	vor.u32 v30, v31;
	v23 =	vadd.s32 v23, v37;
	v19 =	vor.u32 v20, v19  }
0xef: {  	v41 =	vld.idx.msk [tilespmem:v62+s20+$0x0], $0xffff;
	v20 =	vand.u32 $0x7F, v47;
	v38 =	vadd.s32 v0, v58;
	v23 =	vor.u32 v24, v23  }
0xf0: {  	v42 =	vadd.s32 v5, v58;
	v43 =	vadd.s32 v6, v58;
	v29 =	vadd.s32 v7, v58  }
0xf1: {  	v20 =	vor.u32 v20, v25;
	v39 =	vand.u32 $0xFFFFFF80, v38;
	v40 =	vand.u32 $0x7F, v38  }
0xf2: {  	v44 =	vand.u32 $0xFFFFFF80, v42;
	v45 =	vand.u32 $0xFFFFFF80, v43;
	v33 =	vand.u32 $0x7F, v43  }
0xf3: {  	v30 =	vadd.s32 v28, v39;
	v18 =	vld.idx.msk [tilespmem:v46+s16+$0x0], $0xffff;
	v34 =	vadd.s32 v28, v44;
	v35 =	vadd.s32 v28, v45  }
0xf4: {  	v25 =	vld.idx.msk [tilespmem:v53+s16+$0x0], $0xffff;
	v46 =	vand.u32 $0xFFFFFF80, v29;
	v29 =	vand.u32 $0x7F, v29;
	v47 =	vadd.s32 v0, v41  }
0xf5: {  	v21 =	vld.idx.msk [tilespmem:v21+s16+$0x0], $0xffff;
	v49 =	vadd.s32 v5, v41;
	v53 =	vadd.s32 v6, v41;
	v31 =	vadd.s32 v7, v41  }
0xf6: {  	v15 =	vld.idx.msk [tilespmem:v15+s16+$0x0], $0xffff;
	v24 =	vor.u32 v40, v30;
	v30 =	vand.u32 $0x7F, v42;
	v33 =	vor.u32 v33, v35  }
0xf7: {  	v17 =	vld.idx.msk [tilespmem:v17+s16+$0x0], $0xffff;
	v28 =	vadd.s32 v28, v46;
	v48 =	vand.u32 $0xFFFFFF80, v47;
	v35 =	vand.u32 $0x7F, v47  }
0xf8: {  	v22 =	vld.idx.msk [tilespmem:v22+s16+$0x0], $0xffff;
	v51 =	vand.u32 $0xFFFFFF80, v49;
	v52 =	vand.u32 $0x7F, v49;
	v54 =	vand.u32 $0xFFFFFF80, v53  }
0xf9: {  	v36 =	vand.u32 $0x7F, v53;
	v58 =	vand.u32 $0xFFFFFF80, v31;
	v60 =	vand.u32 $0x7F, v31;
	v16 =	vld.idx.msk [tilespmem:v16+s16+$0x0], $0xffff  }
0xfa: {  	v30 =	vor.u32 v30, v34;
	v34 =	vadd.s32 v32, v48;
	v28 =	vor.u32 v29, v28;
	v29 =	vld.idx.msk [tilespmem:v55+s20+$0x0], $0xffff  }
0xfb: {  	s1 =	sadd.s32 $0x80, s31;
	v61 =	vadd.s32 v32, v58;
	v19 =	vld.idx.msk [tilespmem:v19+s16+$0x0], $0xffff;
	v50 =	vor.u32 v35, v34;
	v34 =	vadd.s32 v32, v51  }
0xfc: {  	v27 =	vld.idx.msk [tilespmem:v63+s16+$0x0], $0xffff;
	v35 =	vadd.s32 v32, v54;
	v63 =	vor.u32 v60, v61;
	v32 =	vmov s1;
	s1 =	sadd.s32 $0x88, s31  }
0xfd: {  	v23 =	vld.idx.msk [tilespmem:v23+s16+$0x0], $0xffff;
	v34 =	vor.u32 v52, v34;
	v57 =	vor.u32 v36, v35;
	v41 =	vmov s1;
	s1 =	sadd.s32 $0x90, s31  }
0xfe: {  	v20 =	vld.idx.msk [tilespmem:v20+s16+$0x0], $0xffff;
	v35 =	vshll.u32 v55, $0x7;
	v52 =	vmov s1;
	v13 =	vadd.f32 v15, v13  }
0xff: {  	v56 =	vld.idx.msk [tilespmem:v33+s16+$0x0], $0xffff;
	v14 =	vadd.f32 v17, v14;
	v12 =	vadd.f32 v16, v12;
	v33 =	vadd.s32 v0, v29  }
0x100: {  	v26 =	vld.idx.msk [tilespmem:v26+s16+$0x0], $0xffff;
	v36 =	vadd.s32 v5, v29;
	v39 =	vadd.s32 v6, v29;
	v11 =	vadd.f32 v19, v11  }
0x101: {  	v24 =	vld.idx.msk [tilespmem:v24+s16+$0x0], $0xffff;
	v13 =	vadd.f32 v18, v13;
	v14 =	vadd.f32 v21, v14;
	v15 =	vand.u32 $0x7F, v33  }
0x102: {  	v59 =	vld.idx.msk [tilespmem:v28+s16+$0x0], $0xffff;
	v38 =	vand.u32 $0xFFFFFF80, v36;
	v18 =	vand.u32 $0x7F, v36;
	v40 =	vand.u32 $0xFFFFFF80, v39  }
0x103: {  	v12 =	vadd.f32 v20, v12;
	v28 =	vld.idx.msk [tilespmem:v34+s16+$0x0], $0xffff;
	v34 =	vand.u32 $0xFFFFFF80, v33;
	v11 =	vadd.f32 v25, v11  }
0x104: {  	v30 =	vld.idx.msk [tilespmem:v30+s16+$0x0], $0xffff;
	v20 =	vadd.s32 v7, v29;
	v13 =	vadd.f32 v22, v13;
	v14 =	vadd.f32 v23, v14  }
0x105: {  	v37 =	vld.idx.msk [tilespmem:v32+s20+$0x0], $0xffff;
	v16 =	vadd.s32 v35, v34;
	v42 =	vand.u32 $0xFFFFFF80, v20;
	v20 =	vand.u32 $0x7F, v20  }
0x106: {  	v62 =	vld.idx.msk [tilespmem:v50+s16+$0x0], $0xffff;
	v22 =	vshll.u32 v32, $0x7;
	v23 =	vshll.u32 v41, $0x7;
	v12 =	vadd.f32 v26, v12  }
0x107: {  	v19 =	vld.idx.msk [tilespmem:v63+s16+$0x0], $0xffff;
	v15 =	vor.u32 v15, v16;
	v16 =	vadd.s32 v35, v38;
	v11 =	vadd.f32 v27, v11  }
0x108: {  	v17 =	vadd.s32 v35, v42;
	v13 =	vadd.f32 v24, v13;
	v14 =	vadd.f32 v59, v14  }
0x109: {  	v16 =	vor.u32 v18, v16;
	v18 =	vadd.s32 v35, v40;
	v17 =	vor.u32 v20, v17  }
0x10a: {  	v48 =	vld.idx.msk [tilespmem:v41+s20+$0x0], $0xffff;
	v12 =	vadd.f32 v30, v12;
	v43 =	vadd.s32 v0, v37;
	v47 =	vadd.s32 v5, v37  }
0x10b: {  	v50 =	vadd.s32 v6, v37;
	v21 =	vadd.s32 v7, v37;
	v11 =	vadd.f32 v56, v11  }
0x10c: {  	v13 =	vadd.f32 v62, v13;
	v14 =	vadd.f32 v19, v14;
	v19 =	vand.u32 $0x7F, v39  }
0x10d: {  	v44 =	vand.u32 $0xFFFFFF80, v43;
	v45 =	vand.u32 $0x7F, v43;
	v49 =	vand.u32 $0xFFFFFF80, v47  }
0x10e: {  	v20 =	vand.u32 $0x7F, v47;
	v51 =	vand.u32 $0xFFFFFF80, v50;
	v26 =	vand.u32 $0x7F, v50  }
0x10f: {  	s1 =	sadd.s32 $0x98, s31;
	v31 =	vld.idx.msk [tilespmem:v57+s16+$0x0], $0xffff;
	v54 =	vand.u32 $0xFFFFFF80, v21;
	v21 =	vand.u32 $0x7F, v21;
	v55 =	vadd.s32 v0, v48  }
0x110: {  	v58 =	vld.idx.msk [tilespmem:v52+s20+$0x0], $0xffff;
	v57 =	vadd.s32 v5, v48;
	v60 =	vadd.s32 v6, v48;
	v62 =	vmov s1  }
0x111: {  	v24 =	vadd.s32 v7, v48;
	v12 =	vadd.f32 v28, v12;
	v18 =	vor.u32 v19, v18  }
0x112: {  	v46 =	vadd.s32 v22, v44;
	v25 =	vadd.s32 v22, v49;
	v27 =	vadd.s32 v22, v51  }
0x113: {  	v22 =	vadd.s32 v22, v54;
	v56 =	vand.u32 $0xFFFFFF80, v55;
	v59 =	vand.u32 $0xFFFFFF80, v57  }
0x114: {  	v61 =	vand.u32 $0xFFFFFF80, v60;
	v30 =	vand.u32 $0x7F, v60;
	v36 =	vand.u32 $0xFFFFFF80, v24  }
0x115: {  	v24 =	vand.u32 $0x7F, v24;
	v37 =	vadd.s32 v0, v58;
	v28 =	vshll.u32 v52, $0x7  }
0x116: {  	s1 =	sadd.s32 $0xA0, s31;
	v41 =	vadd.s32 v5, v58;
	v42 =	vadd.s32 v6, v58;
	v29 =	vadd.s32 v7, v58  }
0x117: {  	v32 =	vshll.u32 v62, $0x7;
	v54 =	vmov s1;
	v11 =	vadd.f32 v31, v11  }
0x118: {  	v19 =	vor.u32 v45, v46;
	v20 =	vor.u32 v20, v25;
	v53 =	vor.u32 v26, v27  }
0x119: {  	v21 =	vor.u32 v21, v22;
	v26 =	vand.u32 $0x7F, v55;
	v22 =	vadd.s32 v23, v56  }
0x11a: {  	v27 =	vand.u32 $0x7F, v57;
	v31 =	vadd.s32 v23, v61;
	v38 =	vand.u32 $0xFFFFFF80, v37  }
0x11b: {  	v15 =	vld.idx.msk [tilespmem:v15+s16+$0x0], $0xffff;
	v39 =	vand.u32 $0x7F, v37;
	v43 =	vand.u32 $0xFFFFFF80, v41;
	v44 =	vand.u32 $0xFFFFFF80, v42  }
0x11c: {  	v33 =	vand.u32 $0x7F, v42;
	v45 =	vand.u32 $0xFFFFFF80, v29;
	v29 =	vand.u32 $0x7F, v29;
	v16 =	vld.idx.msk [tilespmem:v16+s16+$0x0], $0xffff  }
0x11d: {  	v22 =	vor.u32 v26, v22;
	v26 =	vadd.s32 v23, v59;
	v63 =	vor.u32 v30, v31;
	v17 =	vld.idx.msk [tilespmem:v17+s16+$0x0], $0xffff  }
0x11e: {  	v23 =	vadd.s32 v23, v36;
	v30 =	vadd.s32 v28, v38;
	v34 =	vadd.s32 v28, v43;
	v40 =	vld.idx.msk [tilespmem:v62+s20+$0x0], $0xffff  }
0x11f: {  	v35 =	vadd.s32 v28, v44;
	v28 =	vadd.s32 v28, v45;
	v26 =	vor.u32 v27, v26;
	v18 =	vld.idx.msk [tilespmem:v18+s16+$0x0], $0xffff  }
0x120: {  	v23 =	vor.u32 v24, v23;
	v24 =	vor.u32 v39, v30;
	v30 =	vand.u32 $0x7F, v41;
	v19 =	vld.idx.msk [tilespmem:v19+s16+$0x0], $0xffff  }
0x121: {  	v33 =	vor.u32 v33, v35;
	v28 =	vor.u32 v29, v28;
	v20 =	vld.idx.msk [tilespmem:v20+s16+$0x0], $0xffff;
	v13 =	vadd.f32 v15, v13  }
0x122: {  	v30 =	vor.u32 v30, v34;
	v25 =	vld.idx.msk [tilespmem:v53+s16+$0x0], $0xffff;
	v12 =	vadd.f32 v16, v12;
	v14 =	vadd.f32 v17, v14  }
0x123: {  	v21 =	vld.idx.msk [tilespmem:v21+s16+$0x0], $0xffff;
	v46 =	vadd.s32 v0, v40;
	v48 =	vadd.s32 v5, v40;
	v52 =	vadd.s32 v6, v40  }
0x124: {  	v22 =	vld.idx.msk [tilespmem:v22+s16+$0x0], $0xffff;
	v31 =	vadd.s32 v7, v40;
	v47 =	vand.u32 $0xFFFFFF80, v46;
	v35 =	vand.u32 $0x7F, v46  }
0x125: {  	v26 =	vld.idx.msk [tilespmem:v26+s16+$0x0], $0xffff;
	v50 =	vand.u32 $0xFFFFFF80, v48;
	v51 =	vand.u32 $0x7F, v48;
	v53 =	vand.u32 $0xFFFFFF80, v52  }
0x126: {  	s1 =	sadd.s32 $0xA8, s31;
	v23 =	vld.idx.msk [tilespmem:v23+s16+$0x0], $0xffff;
	v36 =	vand.u32 $0x7F, v52;
	v57 =	vand.u32 $0xFFFFFF80, v31;
	v59 =	vand.u32 $0x7F, v31  }
0x127: {  	v58 =	vld.idx.msk [tilespmem:v28+s16+$0x0], $0xffff;
	v11 =	vadd.f32 v18, v11;
	v31 =	vmov s1;
	v34 =	vadd.s32 v32, v47  }
0x128: {  	v28 =	vld.idx.msk [tilespmem:v54+s20+$0x0], $0xffff;
	s1 =	sadd.s32 $0xB0, s31;
	v60 =	vadd.s32 v32, v57;
	v13 =	vadd.f32 v19, v13;
	v12 =	vadd.f32 v20, v12  }
0x129: {  	v14 =	vadd.f32 v21, v14;
	v41 =	vmov s1;
	v49 =	vor.u32 v35, v34  }
0x12a: {  	v27 =	vld.idx.msk [tilespmem:v63+s16+$0x0], $0xffff;
	s1 =	sadd.s32 $0xB8, s31;
	v34 =	vadd.s32 v32, v50;
	v35 =	vadd.s32 v32, v53;
	v62 =	vor.u32 v59, v60  }
0x12b: {  	v11 =	vadd.f32 v25, v11;
	v52 =	vmov s1;
	v34 =	vor.u32 v51, v34  }
0x12c: {  	v56 =	vor.u32 v36, v35;
	v13 =	vadd.f32 v22, v13;
	v12 =	vadd.f32 v26, v12  }
0x12d: {  	v24 =	vld.idx.msk [tilespmem:v24+s16+$0x0], $0xffff;
	v14 =	vadd.f32 v23, v14;
	v32 =	vadd.s32 v0, v28;
	v35 =	vadd.s32 v5, v28  }
0x12e: {  	v30 =	vld.idx.msk [tilespmem:v30+s16+$0x0], $0xffff;
	v39 =	vadd.s32 v6, v28;
	v20 =	vadd.s32 v7, v28;
	v22 =	vshll.u32 v31, $0x7  }
0x12f: {  	v55 =	vld.idx.msk [tilespmem:v33+s16+$0x0], $0xffff;
	v23 =	vshll.u32 v41, $0x7;
	v28 =	vshll.u32 v52, $0x7;
	v11 =	vadd.f32 v27, v11  }
0x130: {  	v33 =	vand.u32 $0xFFFFFF80, v32;
	v15 =	vand.u32 $0x7F, v32;
	v37 =	vand.u32 $0xFFFFFF80, v35  }
0x131: {  	v38 =	vand.u32 $0x7F, v35;
	v40 =	vand.u32 $0xFFFFFF80, v39;
	v19 =	vand.u32 $0x7F, v39;
	v36 =	vld.idx.msk [tilespmem:v31+s20+$0x0], $0xffff  }
0x132: {  	v42 =	vand.u32 $0xFFFFFF80, v20;
	v20 =	vand.u32 $0x7F, v20;
	v13 =	vadd.f32 v24, v13  }
0x133: {  	s1 =	sadd.s32 $0xC0, s31;
	v12 =	vadd.f32 v30, v12;
	v14 =	vadd.f32 v58, v14;
	v63 =	vld.idx.msk [tilespmem:v34+s16+$0x0], $0xffff;
	v34 =	vshll.u32 v54, $0x7  }
0x134: {  	v11 =	vadd.f32 v55, v11;
	v18 =	vld.idx.msk [tilespmem:v62+s16+$0x0], $0xffff;
	v62 =	vmov s1;
	v16 =	vadd.s32 v34, v33  }
0x135: {  	v32 =	vshll.u32 v62, $0x7;
	v17 =	vadd.s32 v34, v42;
	v15 =	vor.u32 v15, v16  }
0x136: {  	v48 =	vld.idx.msk [tilespmem:v41+s20+$0x0], $0xffff;
	v16 =	vadd.s32 v34, v37;
	v43 =	vadd.s32 v0, v36;
	v17 =	vor.u32 v20, v17  }
0x137: {  	v61 =	vld.idx.msk [tilespmem:v49+s16+$0x0], $0xffff;
	v47 =	vadd.s32 v5, v36;
	v50 =	vadd.s32 v6, v36;
	v21 =	vadd.s32 v7, v36  }
0x138: {  	v16 =	vor.u32 v38, v16;
	v44 =	vand.u32 $0xFFFFFF80, v43;
	v45 =	vand.u32 $0x7F, v43  }
0x139: {  	v49 =	vand.u32 $0xFFFFFF80, v47;
	v20 =	vand.u32 $0x7F, v47;
	v51 =	vand.u32 $0xFFFFFF80, v50  }
0x13a: {  	v26 =	vand.u32 $0x7F, v50;
	v54 =	vand.u32 $0xFFFFFF80, v21;
	v21 =	vand.u32 $0x7F, v21  }
0x13b: {  	v58 =	vld.idx.msk [tilespmem:v52+s20+$0x0], $0xffff;
	v55 =	vadd.s32 v0, v48;
	v57 =	vadd.s32 v5, v48;
	v60 =	vadd.s32 v6, v48  }
0x13c: {  	v24 =	vadd.s32 v7, v48;
	v13 =	vadd.f32 v61, v13;
	v14 =	vadd.f32 v18, v14  }
0x13d: {  	v29 =	vld.idx.msk [tilespmem:v56+s16+$0x0], $0xffff;
	v18 =	vadd.s32 v34, v40;
	v46 =	vadd.s32 v22, v44;
	v25 =	vadd.s32 v22, v49  }
0x13e: {  	v27 =	vadd.s32 v22, v51;
	v22 =	vadd.s32 v22, v54;
	v56 =	vand.u32 $0xFFFFFF80, v55  }
0x13f: {  	v59 =	vand.u32 $0xFFFFFF80, v57;
	v61 =	vand.u32 $0xFFFFFF80, v60;
	v30 =	vand.u32 $0x7F, v60  }
0x140: {  	s1 =	sadd.s32 $0xC8, s31;
	v36 =	vand.u32 $0xFFFFFF80, v24;
	v24 =	vand.u32 $0x7F, v24;
	v37 =	vadd.s32 v0, v58  }
0x141: {  	v41 =	vadd.s32 v5, v58;
	v42 =	vadd.s32 v6, v58;
	v54 =	vmov s1  }
0x142: {  	v12 =	vadd.f32 v63, v12;
	v11 =	vadd.f32 v29, v11;
	v18 =	vor.u32 v19, v18  }
0x143: {  	v19 =	vor.u32 v45, v46;
	v20 =	vor.u32 v20, v25;
	v53 =	vor.u32 v26, v27  }
0x144: {  	v21 =	vor.u32 v21, v22;
	v26 =	vand.u32 $0x7F, v55;
	v22 =	vadd.s32 v23, v56  }
0x145: {  	v27 =	vand.u32 $0x7F, v57;
	v31 =	vadd.s32 v23, v61;
	v38 =	vand.u32 $0xFFFFFF80, v37  }
0x146: {  	v39 =	vand.u32 $0x7F, v37;
	v43 =	vand.u32 $0xFFFFFF80, v41;
	v44 =	vand.u32 $0xFFFFFF80, v42  }
0x147: {  	v40 =	vld.idx.msk [tilespmem:v62+s20+$0x0], $0xffff;
	v33 =	vand.u32 $0x7F, v42;
	v29 =	vadd.s32 v7, v58;
	v22 =	vor.u32 v26, v22  }
0x148: {  	v26 =	vadd.s32 v23, v59;
	v63 =	vor.u32 v30, v31;
	v23 =	vadd.s32 v23, v36;
	v15 =	vld.idx.msk [tilespmem:v15+s16+$0x0], $0xffff  }
0x149: {  	v30 =	vadd.s32 v28, v38;
	v34 =	vadd.s32 v28, v43;
	v35 =	vadd.s32 v28, v44;
	v17 =	vld.idx.msk [tilespmem:v17+s16+$0x0], $0xffff  }
0x14a: {  	v45 =	vand.u32 $0xFFFFFF80, v29;
	v29 =	vand.u32 $0x7F, v29;
	v26 =	vor.u32 v27, v26;
	v16 =	vld.idx.msk [tilespmem:v16+s16+$0x0], $0xffff  }
0x14b: {  	v23 =	vor.u32 v24, v23;
	v24 =	vor.u32 v39, v30;
	v30 =	vand.u32 $0x7F, v41;
	v18 =	vld.idx.msk [tilespmem:v18+s16+$0x0], $0xffff  }
0x14c: {  	v33 =	vor.u32 v33, v35;
	v28 =	vadd.s32 v28, v45;
	v30 =	vor.u32 v30, v34;
	v19 =	vld.idx.msk [tilespmem:v19+s16+$0x0], $0xffff  }
0x14d: {  	v28 =	vor.u32 v29, v28;
	v46 =	vadd.s32 v0, v40;
	v48 =	vadd.s32 v5, v40;
	v20 =	vld.idx.msk [tilespmem:v20+s16+$0x0], $0xffff  }
0x14e: {  	v52 =	vadd.s32 v6, v40;
	v31 =	vadd.s32 v7, v40;
	v25 =	vld.idx.msk [tilespmem:v53+s16+$0x0], $0xffff;
	v47 =	vand.u32 $0xFFFFFF80, v46  }
0x14f: {  	v21 =	vld.idx.msk [tilespmem:v21+s16+$0x0], $0xffff;
	v35 =	vand.u32 $0x7F, v46;
	v50 =	vand.u32 $0xFFFFFF80, v48;
	v51 =	vand.u32 $0x7F, v48  }
0x150: {  	s1 =	sadd.s32 $0xD0, s31;
	v53 =	vand.u32 $0xFFFFFF80, v52;
	v36 =	vand.u32 $0x7F, v52;
	v57 =	vand.u32 $0xFFFFFF80, v31;
	v22 =	vld.idx.msk [tilespmem:v22+s16+$0x0], $0xffff  }
0x151: {  	v59 =	vand.u32 $0x7F, v31;
	v31 =	vmov s1;
	s1 =	sadd.s32 $0xD8, s31;
	v34 =	vadd.s32 v32, v47;
	v26 =	vld.idx.msk [tilespmem:v26+s16+$0x0], $0xffff  }
0x152: {  	v60 =	vadd.s32 v32, v57;
	v41 =	vmov s1;
	v49 =	vor.u32 v35, v34;
	v23 =	vld.idx.msk [tilespmem:v23+s16+$0x0], $0xffff  }
0x153: {  	v34 =	vadd.s32 v32, v50;
	v35 =	vadd.s32 v32, v53;
	v13 =	vadd.f32 v15, v13;
	v58 =	vld.idx.msk [tilespmem:v28+s16+$0x0], $0xffff  }
0x154: {  	v14 =	vadd.f32 v17, v14;
	v62 =	vor.u32 v59, v60;
	v12 =	vadd.f32 v16, v12;
	v28 =	vld.idx.msk [tilespmem:v54+s20+$0x0], $0xffff  }
0x155: {  	v27 =	vld.idx.msk [tilespmem:v63+s16+$0x0], $0xffff;
	s1 =	sadd.s32 $0xE0, s31;
	v34 =	vor.u32 v51, v34;
	v11 =	vadd.f32 v18, v11;
	v13 =	vadd.f32 v19, v13  }
0x156: {  	v24 =	vld.idx.msk [tilespmem:v24+s16+$0x0], $0xffff;
	v52 =	vmov s1;
	v12 =	vadd.f32 v20, v12;
	v14 =	vadd.f32 v21, v14  }
0x157: {  	v30 =	vld.idx.msk [tilespmem:v30+s16+$0x0], $0xffff;
	v56 =	vor.u32 v36, v35;
	v11 =	vadd.f32 v25, v11;
	v13 =	vadd.f32 v22, v13  }
0x158: {  	s1 =	sadd.s32 $0xE8, s31;
	v12 =	vadd.f32 v26, v12;
	v14 =	vadd.f32 v23, v14;
	v22 =	vshll.u32 v31, $0x7  }
0x159: {  	v18 =	vld.idx.msk [tilespmem:v62+s16+$0x0], $0xffff;
	v23 =	vshll.u32 v41, $0x7;
	v62 =	vmov s1;
	v32 =	vadd.s32 v0, v28  }
0x15a: {  	v63 =	vld.idx.msk [tilespmem:v34+s16+$0x0], $0xffff;
	v34 =	vshll.u32 v54, $0x7;
	v35 =	vadd.s32 v5, v28;
	v39 =	vadd.s32 v6, v28  }
0x15b: {  	v36 =	vld.idx.msk [tilespmem:v31+s20+$0x0], $0xffff;
	v20 =	vadd.s32 v7, v28;
	v11 =	vadd.f32 v27, v11;
	v13 =	vadd.f32 v24, v13  }
0x15c: {  	v28 =	vshll.u32 v52, $0x7;
	v12 =	vadd.f32 v30, v12;
	v14 =	vadd.f32 v58, v14  }
0x15d: {  	v55 =	vld.idx.msk [tilespmem:v33+s16+$0x0], $0xffff;
	v33 =	vand.u32 $0xFFFFFF80, v32;
	v15 =	vand.u32 $0x7F, v32;
	v37 =	vand.u32 $0xFFFFFF80, v35  }
0x15e: {  	v38 =	vand.u32 $0x7F, v35;
	v40 =	vand.u32 $0xFFFFFF80, v39;
	v19 =	vand.u32 $0x7F, v39  }
0x15f: {  	v42 =	vand.u32 $0xFFFFFF80, v20;
	v20 =	vand.u32 $0x7F, v20;
	v32 =	vshll.u32 v62, $0x7  }
0x160: {  	v16 =	vadd.s32 v34, v33;
	v43 =	vadd.s32 v0, v36;
	v17 =	vadd.s32 v34, v42  }
0x161: {  	v48 =	vld.idx.msk [tilespmem:v41+s20+$0x0], $0xffff;
	v47 =	vadd.s32 v5, v36;
	v50 =	vadd.s32 v6, v36;
	v21 =	vadd.s32 v7, v36  }
0x162: {  	v61 =	vld.idx.msk [tilespmem:v49+s16+$0x0], $0xffff;
	v11 =	vadd.f32 v55, v11;
	v15 =	vor.u32 v15, v16;
	v16 =	vadd.s32 v34, v37  }
0x163: {  	v44 =	vand.u32 $0xFFFFFF80, v43;
	v45 =	vand.u32 $0x7F, v43;
	v17 =	vor.u32 v20, v17  }
0x164: {  	v49 =	vand.u32 $0xFFFFFF80, v47;
	v20 =	vand.u32 $0x7F, v47;
	v51 =	vand.u32 $0xFFFFFF80, v50  }
0x165: {  	v26 =	vand.u32 $0x7F, v50;
	v54 =	vand.u32 $0xFFFFFF80, v21;
	v21 =	vand.u32 $0x7F, v21  }
0x166: {  	v55 =	vadd.s32 v0, v48;
	v57 =	vadd.s32 v5, v48;
	v60 =	vadd.s32 v6, v48  }
0x167: {  	v29 =	vld.idx.msk [tilespmem:v56+s16+$0x0], $0xffff;
	v24 =	vadd.s32 v7, v48;
	v13 =	vadd.f32 v61, v13;
	v14 =	vadd.f32 v18, v14  }
0x168: {  	v16 =	vor.u32 v38, v16;
	v18 =	vadd.s32 v34, v40;
	v46 =	vadd.s32 v22, v44  }
0x169: {  	v25 =	vadd.s32 v22, v49;
	v27 =	vadd.s32 v22, v51;
	v22 =	vadd.s32 v22, v54  }
0x16a: {  	v56 =	vand.u32 $0xFFFFFF80, v55;
	v59 =	vand.u32 $0xFFFFFF80, v57;
	v61 =	vand.u32 $0xFFFFFF80, v60  }
0x16b: {  	s1 =	sadd.s32 $0xF0, s31;
	v30 =	vand.u32 $0x7F, v60;
	v36 =	vand.u32 $0xFFFFFF80, v24;
	v24 =	vand.u32 $0x7F, v24  }
0x16c: {  	v58 =	vld.idx.msk [tilespmem:v52+s20+$0x0], $0xffff;
	v54 =	vmov s1;
	v12 =	vadd.f32 v63, v12;
	v11 =	vadd.f32 v29, v11  }
0x16d: {  	v18 =	vor.u32 v19, v18;
	v19 =	vor.u32 v45, v46;
	v20 =	vor.u32 v20, v25  }
0x16e: {  	v53 =	vor.u32 v26, v27;
	v21 =	vor.u32 v21, v22;
	v26 =	vand.u32 $0x7F, v55  }
0x16f: {  	v22 =	vadd.s32 v23, v56;
	v27 =	vand.u32 $0x7F, v57;
	v31 =	vadd.s32 v23, v61  }
0x170: {  	v22 =	vor.u32 v26, v22;
	v26 =	vadd.s32 v23, v59;
	v63 =	vor.u32 v30, v31  }
0x171: {  	v37 =	vadd.s32 v0, v58;
	v23 =	vadd.s32 v23, v36;
	v41 =	vadd.s32 v5, v58  }
0x172: {  	v40 =	vld.idx.msk [tilespmem:v62+s20+$0x0], $0xffff;
	v42 =	vadd.s32 v6, v58;
	v29 =	vadd.s32 v7, v58;
	v26 =	vor.u32 v27, v26  }
0x173: {  	v38 =	vand.u32 $0xFFFFFF80, v37;
	v23 =	vor.u32 v24, v23;
	v39 =	vand.u32 $0x7F, v37;
	v15 =	vld.idx.msk [tilespmem:v15+s16+$0x0], $0xffff  }
0x174: {  	v43 =	vand.u32 $0xFFFFFF80, v41;
	v44 =	vand.u32 $0xFFFFFF80, v42;
	v33 =	vand.u32 $0x7F, v42;
	v17 =	vld.idx.msk [tilespmem:v17+s16+$0x0], $0xffff  }
0x175: {  	v45 =	vand.u32 $0xFFFFFF80, v29;
	v29 =	vand.u32 $0x7F, v29;
	v30 =	vadd.s32 v28, v38;
	v16 =	vld.idx.msk [tilespmem:v16+s16+$0x0], $0xffff  }
0x176: {  	v34 =	vadd.s32 v28, v43;
	v35 =	vadd.s32 v28, v44;
	v28 =	vadd.s32 v28, v45;
	v18 =	vld.idx.msk [tilespmem:v18+s16+$0x0], $0xffff  }
0x177: {  	v24 =	vor.u32 v39, v30;
	v30 =	vand.u32 $0x7F, v41;
	v33 =	vor.u32 v33, v35;
	v19 =	vld.idx.msk [tilespmem:v19+s16+$0x0], $0xffff  }
0x178: {  	v46 =	vadd.s32 v0, v40;
	v48 =	vadd.s32 v5, v40;
	v28 =	vor.u32 v29, v28;
	v20 =	vld.idx.msk [tilespmem:v20+s16+$0x0], $0xffff  }
0x179: {  	v52 =	vadd.s32 v6, v40;
	v31 =	vadd.s32 v7, v40;
	v25 =	vld.idx.msk [tilespmem:v53+s16+$0x0], $0xffff;
	v30 =	vor.u32 v30, v34  }
0x17a: {  	v21 =	vld.idx.msk [tilespmem:v21+s16+$0x0], $0xffff;
	v47 =	vand.u32 $0xFFFFFF80, v46;
	v35 =	vand.u32 $0x7F, v46;
	v50 =	vand.u32 $0xFFFFFF80, v48  }
0x17b: {  	s1 =	sadd.s32 $0xF8, s31;
	v51 =	vand.u32 $0x7F, v48;
	v53 =	vand.u32 $0xFFFFFF80, v52;
	v36 =	vand.u32 $0x7F, v52;
	v22 =	vld.idx.msk [tilespmem:v22+s16+$0x0], $0xffff  }
0x17c: {  	v57 =	vand.u32 $0xFFFFFF80, v31;
	v59 =	vand.u32 $0x7F, v31;
	v31 =	vmov s1;
	s1 =	sadd.s32 $0x100, s31;
	v27 =	vld.idx.msk [tilespmem:v63+s16+$0x0], $0xffff  }
0x17d: {  	v34 =	vadd.s32 v32, v47;
	v60 =	vadd.s32 v32, v57;
	v41 =	vmov s1;
	v26 =	vld.idx.msk [tilespmem:v26+s16+$0x0], $0xffff  }
0x17e: {  	v49 =	vor.u32 v35, v34;
	v23 =	vld.idx.msk [tilespmem:v23+s16+$0x0], $0xffff;
	v34 =	vadd.s32 v32, v50;
	v35 =	vadd.s32 v32, v53  }
0x17f: {  	v62 =	vor.u32 v59, v60;
	v13 =	vadd.f32 v15, v13;
	v14 =	vadd.f32 v17, v14;
	v24 =	vld.idx.msk [tilespmem:v24+s16+$0x0], $0xffff  }
0x180: {  	s1 =	sadd.s32 $0x108, s31;
	v34 =	vor.u32 v51, v34;
	v12 =	vadd.f32 v16, v12;
	v58 =	vld.idx.msk [tilespmem:v28+s16+$0x0], $0xffff;
	v11 =	vadd.f32 v18, v11  }
0x181: {  	v52 =	vmov s1;
	v28 =	vld.idx.msk [tilespmem:v54+s20+$0x0], $0xffff;
	v13 =	vadd.f32 v19, v13;
	v14 =	vadd.f32 v21, v14  }
0x182: {  	v56 =	vor.u32 v36, v35;
	v30 =	vld.idx.msk [tilespmem:v30+s16+$0x0], $0xffff;
	v12 =	vadd.f32 v20, v12;
	v11 =	vadd.f32 v25, v11  }
0x183: {  	s1 =	sadd.s32 $0x110, s31;
	v36 =	vld.idx.msk [tilespmem:v31+s20+$0x0], $0xffff;
	v13 =	vadd.f32 v22, v13;
	v14 =	vadd.f32 v23, v14;
	v22 =	vshll.u32 v31, $0x7  }
0x184: {  	v18 =	vld.idx.msk [tilespmem:v62+s16+$0x0], $0xffff;
	v23 =	vshll.u32 v41, $0x7;
	v62 =	vmov s1;
	v12 =	vadd.f32 v26, v12  }
0x185: {  	v63 =	vld.idx.msk [tilespmem:v34+s16+$0x0], $0xffff;
	v34 =	vshll.u32 v54, $0x7;
	v11 =	vadd.f32 v27, v11;
	v13 =	vadd.f32 v24, v13  }
0x186: {  	v14 =	vadd.f32 v58, v14;
	v32 =	vadd.s32 v0, v28;
	v35 =	vadd.s32 v5, v28  }
0x187: {  	v55 =	vld.idx.msk [tilespmem:v33+s16+$0x0], $0xffff;
	v39 =	vadd.s32 v6, v28;
	v20 =	vadd.s32 v7, v28;
	v28 =	vshll.u32 v52, $0x7  }
0x188: {  	v12 =	vadd.f32 v30, v12;
	v33 =	vand.u32 $0xFFFFFF80, v32;
	v15 =	vand.u32 $0x7F, v32  }
0x189: {  	v37 =	vand.u32 $0xFFFFFF80, v35;
	v38 =	vand.u32 $0x7F, v35;
	v40 =	vand.u32 $0xFFFFFF80, v39  }
0x18a: {  	v19 =	vand.u32 $0x7F, v39;
	v42 =	vand.u32 $0xFFFFFF80, v20;
	v43 =	vadd.s32 v0, v36  }
0x18b: {  	v48 =	vld.idx.msk [tilespmem:v41+s20+$0x0], $0xffff;
	v20 =	vand.u32 $0x7F, v20;
	v47 =	vadd.s32 v5, v36;
	v50 =	vadd.s32 v6, v36  }
0x18c: {  	v61 =	vld.idx.msk [tilespmem:v49+s16+$0x0], $0xffff;
	v21 =	vadd.s32 v7, v36;
	v32 =	vshll.u32 v62, $0x7;
	v11 =	vadd.f32 v55, v11  }
0x18d: {  	v16 =	vadd.s32 v34, v33;
	v44 =	vand.u32 $0xFFFFFF80, v43;
	v17 =	vadd.s32 v34, v42  }
0x18e: {  	v45 =	vand.u32 $0x7F, v43;
	v49 =	vand.u32 $0xFFFFFF80, v47;
	v51 =	vand.u32 $0xFFFFFF80, v50  }
0x18f: {  	v26 =	vand.u32 $0x7F, v50;
	v54 =	vand.u32 $0xFFFFFF80, v21;
	v21 =	vand.u32 $0x7F, v21  }
0x190: {  	v55 =	vadd.s32 v0, v48;
	v57 =	vadd.s32 v5, v48;
	v60 =	vadd.s32 v6, v48  }
0x191: {  	v24 =	vadd.s32 v7, v48;
	v13 =	vadd.f32 v61, v13;
	v14 =	vadd.f32 v18, v14  }
0x192: {  	v29 =	vld.idx.msk [tilespmem:v56+s16+$0x0], $0xffff;
	v15 =	vor.u32 v15, v16;
	v16 =	vadd.s32 v34, v37;
	v18 =	vadd.s32 v34, v40  }
0x193: {  	v46 =	vadd.s32 v22, v44;
	v17 =	vor.u32 v20, v17;
	v20 =	vand.u32 $0x7F, v47  }
0x194: {  	v25 =	vadd.s32 v22, v49;
	v27 =	vadd.s32 v22, v51;
	v22 =	vadd.s32 v22, v54  }
0x195: {  	v56 =	vand.u32 $0xFFFFFF80, v55;
	v59 =	vand.u32 $0xFFFFFF80, v57;
	v61 =	vand.u32 $0xFFFFFF80, v60  }
0x196: {  	v30 =	vand.u32 $0x7F, v60;
	v40 =	vand.u32 $0xFFFFFF80, v24;
	v24 =	vand.u32 $0x7F, v24  }
0x197: {  	v58 =	vld.idx.msk [tilespmem:v52+s20+$0x0], $0xffff;
	v12 =	vadd.f32 v63, v12;
	v11 =	vadd.f32 v29, v11;
	v16 =	vor.u32 v38, v16  }
0x198: {  	v18 =	vor.u32 v19, v18;
	v19 =	vor.u32 v45, v46;
	v20 =	vor.u32 v20, v25  }
0x199: {  	v53 =	vor.u32 v26, v27;
	v21 =	vor.u32 v21, v22;
	v26 =	vand.u32 $0x7F, v55  }
0x19a: {  	v22 =	vadd.s32 v23, v56;
	v27 =	vand.u32 $0x7F, v57;
	v31 =	vadd.s32 v23, v61  }
0x19b: {  	v22 =	vor.u32 v26, v22;
	v26 =	vadd.s32 v23, v59;
	v63 =	vor.u32 v30, v31  }
0x19c: {  	s1 =	sadd.s32 $0x118, s31;
	v41 =	vadd.s32 v0, v58;
	v23 =	vadd.s32 v23, v40;
	v45 =	vadd.s32 v5, v58  }
0x19d: {  	v46 =	vadd.s32 v6, v58;
	v29 =	vadd.s32 v7, v58;
	v58 =	vmov s1  }
0x19e: {  	v44 =	vld.idx.msk [tilespmem:v62+s20+$0x0], $0xffff;
	v26 =	vor.u32 v27, v26;
	v42 =	vand.u32 $0xFFFFFF80, v41;
	v23 =	vor.u32 v24, v23  }
0x19f: {  	v43 =	vand.u32 $0x7F, v41;
	v47 =	vand.u32 $0xFFFFFF80, v45;
	v48 =	vand.u32 $0xFFFFFF80, v46  }
0x1a0: {  	v33 =	vand.u32 $0x7F, v46;
	v49 =	vand.u32 $0xFFFFFF80, v29;
	v29 =	vand.u32 $0x7F, v29  }
0x1a1: {  	s1 =	sadd.s32 $0x120, s31;
	v30 =	vadd.s32 v28, v42;
	v34 =	vadd.s32 v28, v47;
	v35 =	vadd.s32 v28, v48;
	v15 =	vld.idx.msk [tilespmem:v15+s16+$0x0], $0xffff  }
0x1a2: {  	v28 =	vadd.s32 v28, v49;
	v42 =	vmov s1;
	v17 =	vld.idx.msk [tilespmem:v17+s16+$0x0], $0xffff;
	v24 =	vor.u32 v43, v30  }
0x1a3: {  	v30 =	vand.u32 $0x7F, v45;
	v33 =	vor.u32 v33, v35;
	v50 =	vadd.s32 v0, v44;
	v16 =	vld.idx.msk [tilespmem:v16+s16+$0x0], $0xffff  }
0x1a4: {  	v52 =	vadd.s32 v5, v44;
	v28 =	vor.u32 v29, v28;
	v56 =	vadd.s32 v6, v44;
	v18 =	vld.idx.msk [tilespmem:v18+s16+$0x0], $0xffff  }
0x1a5: {  	v31 =	vadd.s32 v7, v44;
	v45 =	vshll.u32 v58, $0x7;
	v19 =	vld.idx.msk [tilespmem:v19+s16+$0x0], $0xffff;
	v30 =	vor.u32 v30, v34  }
0x1a6: {  	v20 =	vld.idx.msk [tilespmem:v20+s16+$0x0], $0xffff;
	v51 =	vand.u32 $0xFFFFFF80, v50;
	v35 =	vand.u32 $0x7F, v50;
	v54 =	vand.u32 $0xFFFFFF80, v52  }
0x1a7: {  	s1 =	sadd.s32 $0x128, s31;
	v25 =	vld.idx.msk [tilespmem:v53+s16+$0x0], $0xffff;
	v55 =	vand.u32 $0x7F, v52;
	v57 =	vand.u32 $0xFFFFFF80, v56;
	v36 =	vand.u32 $0x7F, v56  }
0x1a8: {  	v21 =	vld.idx.msk [tilespmem:v21+s16+$0x0], $0xffff;
	v61 =	vand.u32 $0xFFFFFF80, v31;
	v52 =	vmov s1;
	v34 =	vadd.s32 v32, v51  }
0x1a9: {  	v40 =	vld.idx.msk [tilespmem:v58+s20+$0x0], $0xffff;
	v53 =	vor.u32 v35, v34;
	v34 =	vadd.s32 v32, v54;
	v35 =	vadd.s32 v32, v57  }
0x1aa: {  	v27 =	vld.idx.msk [tilespmem:v63+s16+$0x0], $0xffff;
	v63 =	vand.u32 $0x7F, v31;
	v34 =	vor.u32 v55, v34;
	v60 =	vor.u32 v36, v35  }
0x1ab: {  	s1 =	sadd.s32 $0x130, s31;
	v22 =	vld.idx.msk [tilespmem:v22+s16+$0x0], $0xffff;
	v35 =	vadd.s32 v32, v61;
	v13 =	vadd.f32 v15, v13;
	v14 =	vadd.f32 v17, v14  }
0x1ac: {  	v23 =	vld.idx.msk [tilespmem:v23+s16+$0x0], $0xffff;
	v38 =	vor.u32 v63, v35;
	v63 =	vmov s1;
	v12 =	vadd.f32 v16, v12  }
0x1ad: {  	v62 =	vld.idx.msk [tilespmem:v28+s16+$0x0], $0xffff;
	v11 =	vadd.f32 v18, v11;
	v28 =	vshll.u32 v63, $0x7;
	v13 =	vadd.f32 v19, v13  }
0x1ae: {  	v47 =	vld.idx.msk [tilespmem:v42+s20+$0x0], $0xffff;
	v14 =	vadd.f32 v21, v14;
	v43 =	vadd.s32 v0, v40;
	v46 =	vadd.s32 v5, v40  }
0x1af: {  	v50 =	vadd.s32 v6, v40;
	v12 =	vadd.f32 v20, v12;
	v11 =	vadd.f32 v25, v11  }
0x1b0: {  	v44 =	vand.u32 $0xFFFFFF80, v43;
	v15 =	vand.u32 $0x7F, v43;
	v48 =	vand.u32 $0xFFFFFF80, v46  }
0x1b1: {  	v26 =	vld.idx.msk [tilespmem:v26+s16+$0x0], $0xffff;
	v49 =	vand.u32 $0x7F, v46;
	v51 =	vand.u32 $0xFFFFFF80, v50;
	v19 =	vand.u32 $0x7F, v50  }
0x1b2: {  	v20 =	vadd.s32 v7, v40;
	v13 =	vadd.f32 v22, v13;
	v14 =	vadd.f32 v23, v14  }
0x1b3: {  	v36 =	vld.idx.msk [tilespmem:v53+s16+$0x0], $0xffff;
	v16 =	vadd.s32 v45, v44;
	v53 =	vand.u32 $0xFFFFFF80, v20;
	v54 =	vadd.s32 v0, v47  }
0x1b4: {  	v24 =	vld.idx.msk [tilespmem:v24+s16+$0x0], $0xffff;
	v20 =	vand.u32 $0x7F, v20;
	v22 =	vshll.u32 v42, $0x7;
	v58 =	vadd.s32 v5, v47  }
0x1b5: {  	v61 =	vadd.s32 v6, v47;
	v21 =	vadd.s32 v7, v47;
	v23 =	vshll.u32 v52, $0x7  }
0x1b6: {  	v59 =	vld.idx.msk [tilespmem:v33+s16+$0x0], $0xffff;
	v12 =	vadd.f32 v26, v12;
	v11 =	vadd.f32 v27, v11;
	v15 =	vor.u32 v15, v16  }
0x1b7: {  	v30 =	vld.idx.msk [tilespmem:v30+s16+$0x0], $0xffff;
	v16 =	vadd.s32 v45, v48;
	v55 =	vand.u32 $0xFFFFFF80, v54;
	v17 =	vadd.s32 v45, v53  }
0x1b8: {  	v41 =	vld.idx.msk [tilespmem:v60+s16+$0x0], $0xffff;
	v56 =	vand.u32 $0x7F, v54;
	v60 =	vand.u32 $0xFFFFFF80, v58;
	v26 =	vand.u32 $0x7F, v61  }
0x1b9: {  	v39 =	vld.idx.msk [tilespmem:v34+s16+$0x0], $0xffff;
	v37 =	vand.u32 $0xFFFFFF80, v21;
	v21 =	vand.u32 $0x7F, v21;
	v13 =	vadd.f32 v24, v13  }
0x1ba: {  	v18 =	vld.idx.msk [tilespmem:v38+s16+$0x0], $0xffff;
	v14 =	vadd.f32 v62, v14;
	v16 =	vor.u32 v49, v16;
	v57 =	vadd.s32 v22, v55  }
0x1bb: {  	v17 =	vor.u32 v20, v17;
	v20 =	vand.u32 $0x7F, v58;
	v25 =	vadd.s32 v22, v60  }
0x1bc: {  	v62 =	vand.u32 $0xFFFFFF80, v61;
	v12 =	vadd.f32 v30, v12;
	v11 =	vadd.f32 v59, v11;
	v59 =	vld.idx.msk [tilespmem:v52+s20+$0x0], $0xffff  }
0x1bd: {  	v27 =	vadd.s32 v22, v62;
	v20 =	vor.u32 v20, v25;
	v22 =	vadd.s32 v22, v37  }
0x1be: {  	v13 =	vadd.f32 v36, v13;
	v36 =	vor.u32 v26, v27;
	v21 =	vor.u32 v21, v22  }
0x1bf: {  	s1 =	sadd.s32 $0x138, s31;
	v12 =	vadd.f32 v39, v12;
	v14 =	vadd.f32 v18, v14;
	v18 =	vadd.s32 v45, v51  }
0x1c0: {  	v11 =	vadd.f32 v41, v11;
	v45 =	vmov s1;
	v18 =	vor.u32 v19, v18  }
0x1c1: {  	v41 =	vld.idx.msk [tilespmem:v63+s20+$0x0], $0xffff;
	v19 =	vor.u32 v56, v57;
	v32 =	vshll.u32 v45, $0x7;
	v38 =	vadd.s32 v0, v59  }
0x1c2: {  	v40 =	vadd.s32 v5, v59;
	v43 =	vadd.s32 v6, v59;
	v24 =	vadd.s32 v7, v59  }
0x1c3: {  	v39 =	vand.u32 $0xFFFFFF80, v38;
	v26 =	vand.u32 $0x7F, v38;
	v42 =	vand.u32 $0xFFFFFF80, v40  }
0x1c4: {  	v27 =	vand.u32 $0x7F, v40;
	v44 =	vand.u32 $0xFFFFFF80, v43;
	v30 =	vand.u32 $0x7F, v43  }
0x1c5: {  	v47 =	vand.u32 $0xFFFFFF80, v24;
	v24 =	vand.u32 $0x7F, v24;
	v22 =	vadd.s32 v23, v39  }
0x1c6: {  	v15 =	vld.idx.msk [tilespmem:v15+s16+$0x0], $0xffff;
	s1 =	sadd.s32 $0x140, s31;
	v31 =	vadd.s32 v23, v44;
	v48 =	vadd.s32 v0, v41;
	v52 =	vadd.s32 v5, v41  }
0x1c7: {  	v53 =	vadd.s32 v6, v41;
	v29 =	vadd.s32 v7, v41;
	v41 =	vmov s1  }
0x1c8: {  	v16 =	vld.idx.msk [tilespmem:v16+s16+$0x0], $0xffff;
	v22 =	vor.u32 v26, v22;
	v26 =	vadd.s32 v23, v42;
	v46 =	vor.u32 v30, v31  }
0x1c9: {  	v17 =	vld.idx.msk [tilespmem:v17+s16+$0x0], $0xffff;
	v23 =	vadd.s32 v23, v47;
	v49 =	vand.u32 $0xFFFFFF80, v48;
	v50 =	vand.u32 $0x7F, v48  }
0x1ca: {  	v20 =	vld.idx.msk [tilespmem:v20+s16+$0x0], $0xffff;
	v54 =	vand.u32 $0xFFFFFF80, v52;
	v55 =	vand.u32 $0xFFFFFF80, v53;
	v33 =	vand.u32 $0x7F, v53  }
0x1cb: {  	v21 =	vld.idx.msk [tilespmem:v21+s16+$0x0], $0xffff;
	s1 =	sadd.s32 $0x148, s31;
	v56 =	vand.u32 $0xFFFFFF80, v29;
	v29 =	vand.u32 $0x7F, v29;
	v13 =	vadd.f32 v15, v13  }
0x1cc: {  	v51 =	vld.idx.msk [tilespmem:v45+s20+$0x0], $0xffff;
	v53 =	vmov s1;
	v26 =	vor.u32 v27, v26;
	v23 =	vor.u32 v24, v23  }
0x1cd: {  	v30 =	vadd.s32 v28, v49;
	v34 =	vadd.s32 v28, v54;
	v35 =	vadd.s32 v28, v55  }
0x1ce: {  	v28 =	vadd.s32 v28, v56;
	v12 =	vadd.f32 v16, v12;
	v14 =	vadd.f32 v17, v14  }
0x1cf: {  	v56 =	vshll.u32 v41, $0x7;
	v24 =	vor.u32 v50, v30;
	v30 =	vand.u32 $0x7F, v52  }
0x1d0: {  	v18 =	vld.idx.msk [tilespmem:v18+s16+$0x0], $0xffff;
	v33 =	vor.u32 v33, v35;
	v28 =	vor.u32 v29, v28;
	v30 =	vor.u32 v30, v34  }
0x1d1: {  	v19 =	vld.idx.msk [tilespmem:v19+s16+$0x0], $0xffff;
	v12 =	vadd.f32 v20, v12;
	v14 =	vadd.f32 v21, v14;
	v57 =	vadd.s32 v0, v51  }
0x1d2: {  	v25 =	vld.idx.msk [tilespmem:v36+s16+$0x0], $0xffff;
	v59 =	vadd.s32 v5, v51;
	v63 =	vadd.s32 v6, v51;
	v31 =	vadd.s32 v7, v51  }
0x1d3: {  	v22 =	vld.idx.msk [tilespmem:v22+s16+$0x0], $0xffff;
	v58 =	vand.u32 $0xFFFFFF80, v57;
	v35 =	vand.u32 $0x7F, v57;
	v61 =	vand.u32 $0xFFFFFF80, v59  }
0x1d4: {  	v27 =	vld.idx.msk [tilespmem:v46+s16+$0x0], $0xffff;
	v62 =	vand.u32 $0x7F, v59;
	v40 =	vand.u32 $0xFFFFFF80, v63;
	v36 =	vand.u32 $0x7F, v63  }
0x1d5: {  	s1 =	sadd.s32 $0x150, s31;
	v51 =	vld.idx.msk [tilespmem:v41+s20+$0x0], $0xffff;
	v44 =	vand.u32 $0xFFFFFF80, v31;
	v46 =	vand.u32 $0x7F, v31;
	v11 =	vadd.f32 v18, v11  }
0x1d6: {  	v26 =	vld.idx.msk [tilespmem:v26+s16+$0x0], $0xffff;
	v13 =	vadd.f32 v19, v13;
	v63 =	vmov s1;
	s1 =	sadd.s32 $0x158, s31;
	v34 =	vadd.s32 v32, v58  }
0x1d7: {  	v23 =	vld.idx.msk [tilespmem:v23+s16+$0x0], $0xffff;
	v47 =	vadd.s32 v32, v44;
	v41 =	vmov s1;
	v60 =	vor.u32 v35, v34  }
0x1d8: {  	v24 =	vld.idx.msk [tilespmem:v24+s16+$0x0], $0xffff;
	v34 =	vadd.s32 v32, v61;
	v35 =	vadd.s32 v32, v40;
	v11 =	vadd.f32 v25, v11  }
0x1d9: {  	v45 =	vld.idx.msk [tilespmem:v28+s16+$0x0], $0xffff;
	v49 =	vor.u32 v46, v47;
	v28 =	vshll.u32 v41, $0x7;
	v34 =	vor.u32 v62, v34  }
0x1da: {  	v42 =	vld.idx.msk [tilespmem:v33+s16+$0x0], $0xffff;
	v43 =	vor.u32 v36, v35;
	v13 =	vadd.f32 v22, v13;
	v11 =	vadd.f32 v27, v11  }
0x1db: {  	v58 =	vld.idx.msk [tilespmem:v53+s20+$0x0], $0xffff;
	v54 =	vadd.s32 v0, v51;
	v57 =	vadd.s32 v5, v51;
	v61 =	vadd.s32 v6, v51  }
0x1dc: {  	v20 =	vadd.s32 v7, v51;
	v22 =	vshll.u32 v53, $0x7;
	v12 =	vadd.f32 v26, v12  }
0x1dd: {  	v30 =	vld.idx.msk [tilespmem:v30+s16+$0x0], $0xffff;
	v14 =	vadd.f32 v23, v14;
	v55 =	vand.u32 $0xFFFFFF80, v54;
	v16 =	vand.u32 $0x7F, v54  }
0x1de: {  	v59 =	vand.u32 $0xFFFFFF80, v57;
	v62 =	vand.u32 $0xFFFFFF80, v61;
	v19 =	vand.u32 $0x7F, v61  }
0x1df: {  	v31 =	vand.u32 $0xFFFFFF80, v20;
	v20 =	vand.u32 $0x7F, v20;
	v23 =	vshll.u32 v63, $0x7  }
0x1e0: {  	v13 =	vadd.f32 v24, v13;
	v15 =	vadd.f32 v42, v11;
	v32 =	vadd.s32 v0, v58  }
0x1e1: {  	v17 =	vadd.s32 v56, v31;
	v36 =	vadd.s32 v5, v58;
	v39 =	vadd.s32 v6, v58  }
0x1e2: {  	v37 =	vld.idx.msk [tilespmem:v63+s20+$0x0], $0xffff;
	v21 =	vadd.s32 v7, v58;
	v12 =	vadd.f32 v30, v12;
	v14 =	vadd.f32 v45, v14  }
0x1e3: {  	v48 =	vld.idx.msk [tilespmem:v60+s16+$0x0], $0xffff;
	v60 =	vand.u32 $0x7F, v57;
	v33 =	vand.u32 $0xFFFFFF80, v32;
	v17 =	vor.u32 v20, v17  }
0x1e4: {  	v38 =	vand.u32 $0xFFFFFF80, v36;
	v20 =	vand.u32 $0x7F, v36;
	v40 =	vand.u32 $0xFFFFFF80, v39  }
0x1e5: {  	v26 =	vand.u32 $0x7F, v39;
	v50 =	vld.idx.msk [tilespmem:v34+s16+$0x0], $0xffff;
	v34 =	vand.u32 $0x7F, v32;
	v35 =	vadd.s32 v22, v33  }
0x1e6: {  	v52 =	vld.idx.msk [tilespmem:v43+s16+$0x0], $0xffff;
	v25 =	vadd.s32 v22, v38;
	v27 =	vadd.s32 v22, v40;
	v43 =	vand.u32 $0xFFFFFF80, v21  }
0x1e7: {  	v18 =	vld.idx.msk [tilespmem:v49+s16+$0x0], $0xffff;
	v21 =	vand.u32 $0x7F, v21;
	v20 =	vor.u32 v20, v25;
	v22 =	vadd.s32 v22, v43  }
0x1e8: {  	v42 =	vor.u32 v26, v27;
	v44 =	vadd.s32 v0, v37;
	v21 =	vor.u32 v21, v22  }
0x1e9: {  	v46 =	vadd.s32 v5, v37;
	v24 =	vadd.s32 v7, v37;
	v45 =	vand.u32 $0xFFFFFF80, v44  }
0x1ea: {  	v26 =	vand.u32 $0x7F, v44;
	v47 =	vand.u32 $0xFFFFFF80, v46;
	v27 =	vand.u32 $0x7F, v46  }
0x1eb: {  	v53 =	vand.u32 $0xFFFFFF80, v24;
	v24 =	vand.u32 $0x7F, v24;
	v13 =	vadd.f32 v48, v13  }
0x1ec: {  	v14 =	vadd.f32 v18, v14;
	v18 =	vadd.s32 v56, v62;
	v22 =	vadd.s32 v23, v45  }
0x1ed: {  	v29 =	vadd.s32 v23, v47;
	v11 =	vadd.f32 v50, v12;
	v12 =	vadd.f32 v52, v15  }
0x1ee: {  	v15 =	vadd.s32 v56, v55;
	v18 =	vor.u32 v19, v18;
	v19 =	vor.u32 v34, v35  }
0x1ef: {  	s1 =	sadd.s32 $0x160, s31;
	v48 =	vld.idx.msk [tilespmem:v41+s20+$0x0], $0xffff;
	v22 =	vor.u32 v26, v22;
	v49 =	vor.u32 v27, v29;
	v50 =	vadd.s32 v6, v37  }
0x1f0: {  	v17 =	vld.idx.msk [tilespmem:v17+s16+$0x0], $0xffff;
	v52 =	vmov s1;
	s1 =	sadd.s32 $0x168, s31;
	v15 =	vor.u32 v16, v15;
	v16 =	vadd.s32 v56, v59  }
0x1f1: {  	v51 =	vand.u32 $0xFFFFFF80, v50;
	v27 =	vand.u32 $0x7F, v50;
	v59 =	vmov s1  }
0x1f2: {  	v31 =	vshll.u32 v52, $0x7;
	v16 =	vor.u32 v60, v16;
	v29 =	vadd.s32 v23, v51  }
0x1f3: {  	v23 =	vadd.s32 v23, v53;
	v35 =	vshll.u32 v59, $0x7;
	v27 =	vor.u32 v27, v29  }
0x1f4: {  	v23 =	vor.u32 v24, v23;
	v54 =	vadd.s32 v0, v48;
	v57 =	vadd.s32 v5, v48  }
0x1f5: {  	v62 =	vadd.s32 v6, v48;
	v30 =	vadd.s32 v7, v48;
	v14 =	vadd.f32 v17, v14  }
0x1f6: {  	v21 =	vld.idx.msk [tilespmem:v21+s16+$0x0], $0xffff;
	v55 =	vand.u32 $0xFFFFFF80, v54;
	v56 =	vand.u32 $0x7F, v54;
	v58 =	vand.u32 $0xFFFFFF80, v57  }
0x1f7: {  	s1 =	sadd.s32 $0x170, s31;
	v34 =	vld.idx.msk [tilespmem:v52+s20+$0x0], $0xffff;
	v60 =	vand.u32 $0x7F, v57;
	v63 =	vand.u32 $0xFFFFFF80, v62;
	v32 =	vand.u32 $0x7F, v62  }
0x1f8: {  	v18 =	vld.idx.msk [tilespmem:v18+s16+$0x0], $0xffff;
	v40 =	vand.u32 $0xFFFFFF80, v30;
	v30 =	vand.u32 $0x7F, v30;
	v57 =	vmov s1  }
0x1f9: {  	v25 =	vld.idx.msk [tilespmem:v42+s16+$0x0], $0xffff;
	v24 =	vadd.s32 v28, v55;
	v61 =	vadd.s32 v28, v58;
	v33 =	vadd.s32 v28, v63  }
0x1fa: {  	v15 =	vld.idx.msk [tilespmem:v15+s16+$0x0], $0xffff;
	v28 =	vadd.s32 v28, v40;
	v24 =	vor.u32 v56, v24;
	v29 =	vor.u32 v60, v61  }
0x1fb: {  	v42 =	vld.idx.msk [tilespmem:v59+s20+$0x0], $0xffff;
	v32 =	vor.u32 v32, v33;
	v28 =	vor.u32 v30, v28;
	v14 =	vadd.f32 v21, v14  }
0x1fc: {  	v21 =	vshll.u32 v57, $0x7;
	v41 =	vadd.s32 v0, v34;
	v44 =	vadd.s32 v5, v34  }
0x1fd: {  	v20 =	vld.idx.msk [tilespmem:v20+s16+$0x0], $0xffff;
	v39 =	vadd.s32 v6, v34;
	v12 =	vadd.f32 v18, v12;
	v60 =	vadd.s32 v7, v34  }
0x1fe: {  	v16 =	vld.idx.msk [tilespmem:v16+s16+$0x0], $0xffff;
	v43 =	vand.u32 $0xFFFFFF80, v41;
	v30 =	vand.u32 $0x7F, v41;
	v38 =	vand.u32 $0xFFFFFF80, v44  }
0x1ff: {  	v19 =	vld.idx.msk [tilespmem:v19+s16+$0x0], $0xffff;
	v37 =	vand.u32 $0x7F, v44;
	v46 =	vand.u32 $0xFFFFFF80, v39;
	v47 =	vand.u32 $0x7F, v39  }
0x200: {  	v22 =	vld.idx.msk [tilespmem:v22+s16+$0x0], $0xffff;
	v48 =	vadd.s32 v0, v42;
	v13 =	vadd.f32 v15, v13;
	v61 =	vand.u32 $0xFFFFFF80, v60  }
0x201: {  	v26 =	vld.idx.msk [tilespmem:v49+s16+$0x0], $0xffff;
	v15 =	vand.u32 $0x7F, v60;
	v62 =	vadd.s32 v5, v42;
	v33 =	vadd.s32 v7, v42  }
0x202: {  	v23 =	vld.idx.msk [tilespmem:v23+s16+$0x0], $0xffff;
	v36 =	vadd.s32 v31, v43;
	v38 =	vadd.s32 v31, v38;
	v49 =	vand.u32 $0xFFFFFF80, v48  }
0x203: {  	s1 =	sadd.s32 $0x178, s31;
	v27 =	vld.idx.msk [tilespmem:v27+s16+$0x0], $0xffff;
	v51 =	vand.u32 $0x7F, v48;
	v11 =	vadd.f32 v16, v11;
	v12 =	vadd.f32 v25, v12  }
0x204: {  	v50 =	vld.idx.msk [tilespmem:v32+s16+$0x0], $0xffff;
	v16 =	vadd.s32 v31, v61;
	v17 =	vand.u32 $0x7F, v62;
	v32 =	vmov s1  }
0x205: {  	v63 =	vld.idx.msk [tilespmem:v57+s20+$0x0], $0xffff;
	v34 =	vand.u32 $0xFFFFFF80, v33;
	v30 =	vor.u32 v30, v36;
	v45 =	vor.u32 v37, v38  }
0x206: {  	v37 =	vadd.s32 v31, v46;
	v38 =	vadd.s32 v35, v49;
	v13 =	vadd.f32 v19, v13  }
0x207: {  	v24 =	vld.idx.msk [tilespmem:v24+s16+$0x0], $0xffff;
	v14 =	vadd.f32 v23, v14;
	v15 =	vor.u32 v15, v16;
	v37 =	vor.u32 v47, v37  }
0x208: {  	v29 =	vld.idx.msk [tilespmem:v29+s16+$0x0], $0xffff;
	s1 =	sadd.s32 $0x180, s31;
	v53 =	vor.u32 v51, v38;
	v11 =	vadd.f32 v20, v11;
	v12 =	vadd.f32 v27, v12  }
0x209: {  	v52 =	vld.idx.msk [tilespmem:v28+s16+$0x0], $0xffff;
	v47 =	vmov s1;
	v20 =	vshll.u32 v32, $0x7;
	v13 =	vadd.f32 v22, v13  }
0x20a: {  	s1 =	sadd.s32 $0x188, s31;
	v36 =	vadd.s32 v0, v63;
	v22 =	vand.u32 $0x7F, v33;
	v19 =	vadd.s32 v7, v63  }
0x20b: {  	v57 =	vmov s1;
	v28 =	vshll.u32 v47, $0x7;
	v11 =	vadd.f32 v26, v11  }
0x20c: {  	v23 =	vand.u32 $0x7F, v36;
	v49 =	vand.u32 $0xFFFFFF80, v19;
	v19 =	vand.u32 $0x7F, v19  }
0x20d: {  	v13 =	vadd.f32 v24, v13;
	v12 =	vadd.f32 v50, v12;
	v43 =	vld.idx.msk [tilespmem:v32+s20+$0x0], $0xffff;
	v32 =	vshll.u32 v57, $0x7  }
0x20e: {  	v54 =	vld.idx.msk [tilespmem:v30+s16+$0x0], $0xffff;
	v58 =	vadd.f32 v29, v11;
	v11 =	vadd.f32 v52, v14;
	v29 =	vand.u32 $0xFFFFFF80, v62  }
0x20f: {  	v55 =	vld.idx.msk [tilespmem:v45+s16+$0x0], $0xffff;
	v30 =	vadd.s32 v6, v42;
	v42 =	vadd.s32 v5, v63;
	v45 =	vadd.s32 v6, v63  }
0x210: {  	v56 =	vld.idx.msk [tilespmem:v37+s16+$0x0], $0xffff;
	v16 =	vadd.s32 v35, v29;
	v31 =	vand.u32 $0xFFFFFF80, v30;
	v37 =	vand.u32 $0xFFFFFF80, v36  }
0x211: {  	v44 =	vand.u32 $0xFFFFFF80, v42;
	v46 =	vand.u32 $0xFFFFFF80, v45;
	v26 =	vand.u32 $0x7F, v45  }
0x212: {  	v16 =	vor.u32 v17, v16;
	v17 =	vadd.s32 v35, v31;
	v24 =	vadd.s32 v21, v37  }
0x213: {  	v25 =	vadd.s32 v21, v44;
	v27 =	vadd.s32 v21, v46;
	v21 =	vadd.s32 v21, v49  }
0x214: {  	v18 =	vld.idx.msk [tilespmem:v53+s16+$0x0], $0xffff;
	v38 =	vor.u32 v23, v24;
	v23 =	vand.u32 $0x7F, v42;
	v48 =	vor.u32 v26, v27  }
0x215: {  	v53 =	vld.idx.msk [tilespmem:v47+s20+$0x0], $0xffff;
	v19 =	vor.u32 v19, v21;
	v23 =	vor.u32 v23, v25;
	v50 =	vadd.s32 v0, v43  }
0x216: {  	v52 =	vadd.s32 v5, v43;
	v24 =	vadd.s32 v7, v43;
	v59 =	vadd.f32 v54, v13  }
0x217: {  	v13 =	vadd.f32 v55, v58;
	v51 =	vand.u32 $0xFFFFFF80, v50;
	v26 =	vand.u32 $0x7F, v50  }
0x218: {  	v54 =	vand.u32 $0xFFFFFF80, v52;
	v55 =	vadd.s32 v6, v43;
	v27 =	vand.u32 $0x7F, v52  }
0x219: {  	v12 =	vadd.f32 v56, v12;
	v21 =	vadd.s32 v20, v51;
	v56 =	vand.u32 $0xFFFFFF80, v55  }
0x21a: {  	v60 =	vadd.s32 v0, v53;
	v39 =	vadd.s32 v5, v53;
	v40 =	vadd.s32 v6, v53  }
0x21b: {  	v63 =	vld.idx.msk [tilespmem:v57+s20+$0x0], $0xffff;
	v29 =	vadd.s32 v7, v53;
	v14 =	vadd.f32 v18, v59;
	v18 =	vand.u32 $0x7F, v30  }
0x21c: {  	v21 =	vor.u32 v26, v21;
	v26 =	vadd.s32 v20, v54;
	v30 =	vand.u32 $0x7F, v55  }
0x21d: {  	v31 =	vadd.s32 v20, v56;
	v59 =	vand.u32 $0xFFFFFF80, v24;
	v24 =	vand.u32 $0x7F, v24  }
0x21e: {  	v15 =	vld.idx.msk [tilespmem:v15+s16+$0x0], $0xffff;
	v61 =	vand.u32 $0xFFFFFF80, v60;
	v62 =	vand.u32 $0x7F, v60;
	v41 =	vand.u32 $0xFFFFFF80, v39  }
0x21f: {  	v16 =	vld.idx.msk [tilespmem:v16+s16+$0x0], $0xffff;
	v42 =	vand.u32 $0xFFFFFF80, v40;
	v33 =	vand.u32 $0x7F, v40;
	v43 =	vand.u32 $0xFFFFFF80, v29  }
0x220: {  	v29 =	vand.u32 $0x7F, v29;
	v44 =	vadd.s32 v0, v63;
	v17 =	vor.u32 v18, v17;
	v25 =	vld.idx.msk [tilespmem:v48+s16+$0x0], $0xffff  }
0x221: {  	v46 =	vadd.s32 v5, v63;
	v18 =	vadd.s32 v35, v34;
	v26 =	vor.u32 v27, v26;
	v19 =	vld.idx.msk [tilespmem:v19+s16+$0x0], $0xffff  }
0x222: {  	v50 =	vadd.s32 v6, v63;
	v58 =	vor.u32 v30, v31;
	v18 =	vor.u32 v22, v18;
	v22 =	vld.idx.msk [tilespmem:v38+s16+$0x0], $0xffff  }
0x223: {  	v20 =	vadd.s32 v20, v59;
	v30 =	vadd.s32 v28, v61;
	v34 =	vadd.s32 v28, v41;
	v23 =	vld.idx.msk [tilespmem:v23+s16+$0x0], $0xffff  }
0x224: {  	v35 =	vadd.s32 v28, v42;
	v28 =	vadd.s32 v28, v43;
	v20 =	vor.u32 v24, v20;
	v21 =	vld.idx.msk [tilespmem:v21+s16+$0x0], $0xffff  }
0x225: {  	v45 =	vand.u32 $0xFFFFFF80, v44;
	v48 =	vand.u32 $0xFFFFFF80, v46;
	v24 =	vor.u32 v62, v30;
	v17 =	vld.idx.msk [tilespmem:v17+s16+$0x0], $0xffff  }
0x226: {  	v49 =	vand.u32 $0x7F, v46;
	v51 =	vand.u32 $0xFFFFFF80, v50;
	v33 =	vor.u32 v33, v35;
	v26 =	vld.idx.msk [tilespmem:v26+s16+$0x0], $0xffff  }
0x227: {  	v31 =	vadd.s32 v7, v63;
	v30 =	vand.u32 $0x7F, v39;
	v28 =	vor.u32 v29, v28;
	v27 =	vld.idx.msk [tilespmem:v58+s16+$0x0], $0xffff  }
0x228: {  	v35 =	vand.u32 $0x7F, v44;
	v30 =	vor.u32 v30, v34;
	v34 =	vadd.s32 v32, v45;
	v18 =	vld.idx.msk [tilespmem:v18+s16+$0x0], $0xffff  }
0x229: {  	v36 =	vand.u32 $0x7F, v50;
	v47 =	vor.u32 v35, v34;
	v34 =	vadd.s32 v32, v48;
	v20 =	vld.idx.msk [tilespmem:v20+s16+$0x0], $0xffff  }
0x22a: {  	v52 =	vand.u32 $0xFFFFFF80, v31;
	v35 =	vadd.s32 v32, v51;
	v34 =	vor.u32 v49, v34;
	v24 =	vld.idx.msk [tilespmem:v24+s16+$0x0], $0xffff  }
0x22b: {  	v31 =	vand.u32 $0x7F, v31;
	v32 =	vadd.s32 v32, v52;
	v35 =	vor.u32 v36, v35;
	v54 =	vld.idx.msk [tilespmem:v33+s16+$0x0], $0xffff  }
0x22c: {  	v11 =	vadd.f32 v15, v11;
	v13 =	vadd.f32 v16, v13;
	v53 =	vor.u32 v31, v32;
	v55 =	vld.idx.msk [tilespmem:v28+s16+$0x0], $0xffff  }
0x22d: {  	s1 =	sadd.s32 s31, s30;
	v14 =	vadd.f32 v22, v14;
	v30 =	vld.idx.msk [tilespmem:v30+s16+$0x0], $0xffff;
	v12 =	vadd.f32 v17, v12  }
0x22e: {  	v57 =	vmov s1;
	v13 =	vadd.f32 v23, v13;
	v56 =	vld.idx.msk [tilespmem:v47+s16+$0x0], $0xffff;
	v11 =	vadd.f32 v18, v11  }
0x22f: {  	v22 =	vand.u32 $0x7F, v57;
	v14 =	vadd.f32 v21, v14;
	v58 =	vld.idx.msk [tilespmem:v34+s16+$0x0], $0xffff;
	v12 =	vadd.f32 v25, v12  }
0x230: {  	v22 =	vbroadcast v22, $0x0;
	v59 =	vld.idx.msk [tilespmem:v35+s16+$0x0], $0xffff;
	v13 =	vadd.f32 v26, v13;
	v11 =	vadd.f32 v19, v11  }
0x231: {  	v15 =	vld.idx.msk [tilespmem:v53+s16+$0x0], $0xffff;
	v14 =	vadd.f32 v24, v14;
	v12 =	vadd.f32 v27, v12  }
0x232: {  	v60 =	vor.u32 v4, v22;
	v13 =	vadd.f32 v30, v13;
	v11 =	vadd.f32 v20, v11  }
0x233: {  	v61 =	vor.u32 v8, v22;
	v14 =	vadd.f32 v56, v14;
	v12 =	vadd.f32 v54, v12  }
0x234: {  	v62 =	vor.u32 v9, v22;
	v13 =	vadd.f32 v58, v13;
	v11 =	vadd.f32 v55, v11  }
0x235: {  	p0 =	sne.s32 s31, $0x7;
	v63 =	vor.u32 v10, v22;
	v14 =	vmul.f32 $1.999999960e-02, v14;
	v12 =	vadd.f32 v59, v12  }
.Ltmp6:
0x236: {  	v13 =	vmul.f32 $1.999999960e-02, v13;
	v11 =	vadd.f32 v15, v11;
	(pc) =	sbr.rel @p0 .LBB2_7-.Ltmp6, $4  }
0x237: {  	[tilespmem:v60+s21+$0x0] =	vst.idx.msk $0xffff, v14;
	v12 =	vmul.f32 $1.999999960e-02, v12  }
0x238: {  	[tilespmem:v61+s21+$0x0] =	vst.idx.msk $0xffff, v13;
	v11 =	vmul.f32 $1.999999960e-02, v11  }
0x239: {  	[tilespmem:v62+s21+$0x0] =	vst.idx.msk $0xffff, v12  }
0x23a: {  	s31 =	sadd.s32 $0x1, s31;
	[tilespmem:v63+s21+$0x0] =	vst.idx.msk $0xffff, v11  }
0x23b: {  	p0 =	seq.s32 s28, $0x1F  }
.Ltmp7:
0x23c: {  	_ = 	snop;
	(pc) =	sbr.rel @p0 .LBB2_12-.Ltmp7, $1  }
0x23d: {  	_ =	sdelay $0x3  }
0x23e: {  	s0 =	simm.s32 $0x0  }
0x23f: {  	s1 =	sadd.s32 $0x10, s29;
	v11 =	vmov s0  }
0x240: {  	s1 =	sand.u32 $0x70, s1;
	v12 =	vshll.u32 v11, $0x7  }
0x241: {  	v11 =	vor.u32 s1, v2;
	v12 =	vor.u32 v1, v12  }
0x242: {  	v12 =	vor.u32 v11, v12;
	_ =	sdelay $0x4  }
0x243: {  	v12 =	vld.idx.msk [tilespmem:v12+s3+$0x0], $0xffff  }
0x244: {  	s1 =	simm.s32 $0x2  }
0x245: {  	v13 =	vmov s1  }
0x246: {  	v13 =	vshll.u32 v13, $0x7  }
0x247: {  	v13 =	vor.u32 v1, v13  }
0x248: {  	v13 =	vor.u32 v11, v13;
	v14 =	vshrl.u32 v12, $0x1  }
0x249: {  	v15 =	vand.u32 $0xFFF, v12;
	v14 =	vand.u32 $0x7FFFF000, v14  }
0x24a: {  	s30 =	simm.s32 $0x1CC00;
	v12 =	vshrl.u32 v12, $0x6;
	v14 =	vor.u32 v15, v14  }
0x24b: {  	s31 =	simm.s32 $0x1D000;
	v12 =	vand.u32 $0x40, v12;
	[tilespmem:s30+$0x0] =	vst v14  }
0x24c: {  	[tilespmem:s31+$0x0] =	vst v12  }
0x24d: {  	v12 =	vld.idx.msk [tilespmem:v13+s3+$0x0], $0xffff  }
0x24e: {  	s1 =	simm.s32 $0x4  }
0x24f: {  	v14 =	vmov s1  }
0x250: {  	s0 =	simm.s32 $0x6;
	v13 =	vshll.u32 v14, $0x7  }
.LBB2_10:
0x251: {  	p1 =	sne.s32 s0, $0x30;
	v13 =	vor.u32 v1, v13  }
0x252: {  	v14 =	vshrl.u32 v12, $0x1;
	v15 =	vshrl.u32 v12, $0x6;
	v13 =	vor.u32 v11, v13  }
0x253: {  	v12 =	vand.u32 $0xFFF, v12;
	v14 =	vand.u32 $0x7FFFF000, v14  }
0x254: {  	s30 =	sadd.s32 $0x10, s30;
	v12 =	vor.u32 v12, v14  }
0x255: {  	s31 =	sadd.s32 $0x10, s31;
	[tilespmem:s30+$0x0] =	vst v12;
	v12 =	vand.u32 $0x40, v15  }
0x256: {  	[tilespmem:s31+$0x0] =	vst v12  }
.Ltmp8:
0x257: {  	v12 =	vld.idx.msk [tilespmem:v13+s3+$0x0], $0xffff;
	(pc) =	sbr.rel @p1 .LBB2_10-.Ltmp8, $3  }
0x258: {  	_ =	sdelay $0x1  }
0x259: {  	v13 =	vmov s0  }
0x25a: {  	s0 =	sadd.s32 $0x2, s0;
	v13 =	vshll.u32 v13, $0x7  }
0x25b: {  	v13 =	vor.u32 v1, v13  }
0x25c: {  	v60 =	vshrl.u32 v12, $0x1;
	v11 =	vor.u32 v11, v13  }
0x25d: {  	v14 =	vand.u32 $0xFFF, v12;
	v13 =	vand.u32 $0x7FFFF000, v60  }
0x25e: {  	v61 =	vshrl.u32 v12, $0x6;
	s0 =	sadd.s32 $0x10, s30;
	v13 =	vor.u32 v14, v13  }
0x25f: {  	s1 =	sadd.s32 $0x10, s31;
	v12 =	vand.u32 $0x40, v61;
	[tilespmem:s0+$0x0] =	vst v13  }
0x260: {  	[tilespmem:s1+$0x0] =	vst v12  }
0x261: {  	v11 =	vld.idx.msk [tilespmem:v11+s3+$0x0], $0xffff;
	_ =	sdelay $0x4  }
0x262: {  	v62 =	vshrl.u32 v11, $0x1  }
0x263: {  	v63 =	vand.u32 $0xFFF, v11;
	v12 =	vand.u32 $0x7FFFF000, v62  }
0x264: {  	s0 =	sadd.s32 $0x10, s0;
	v11 =	vshrl.u32 v11, $0x6;
	v12 =	vor.u32 v63, v12  }
0x265: {  	s31 =	sadd.s32 $0x10, s1;
	v11 =	vand.u32 $0x40, v11;
	[tilespmem:s0+$0x0] =	vst v12  }
0x266: {  	[tilespmem:s31+$0x0] =	vst v11  }
0x267: {  	[tilespmem:s16], [sflag:$0x1] =	stream.indirect.gather [hbm4b:s4+s14], $0x80, s15, s14, $0xb8;
	[tilespmem:$0x1D400] =	vst v63  }
.LBB2_12:
0x268: {  	_ =	swait.ge [sflag:s22], $0xC800  }
0x269: {  	s0 =	sshll.u32 s28, $0x1;
	[sflag:s22] =	ssyncset.done $0x0  }
0x26a: {  	s31 =	simm.s32 $0x0;
	s30 =	sand.u32 $0xE, s0;
	[sflag:s22] =	ssyncadd.s32 $0xFFFF3800  }
.LBB2_13:
0x26b: {  	v11 =	vmov s31  }
0x26c: {  	s0 =	sadd.s32 $0x8, s31  }
0x26d: {  	s1 =	sadd.s32 $0x10, s31;
	v13 =	vmov s0  }
0x26e: {  	v19 =	vmov s1;
	s1 =	sadd.s32 $0x18, s31  }
0x26f: {  	v24 =	vmov s1;
	s1 =	sadd.s32 $0x20, s31  }
0x270: {  	v28 =	vmov s1;
	v12 =	vld.idx.msk [tilespmem:v11+s23+$0x0], $0xffff;
	_ =	sdelay $0x1  }
0x271: {  	s1 =	sadd.s32 $0x28, s31;
	v17 =	vld.idx.msk [tilespmem:v13+s23+$0x0], $0xffff  }
0x272: {  	v33 =	vmov s1;
	v11 =	vshll.u32 v11, $0x7;
	v55 =	vld.idx.msk [tilespmem:v19+s23+$0x0], $0xffff  }
0x273: {  	v13 =	vshll.u32 v13, $0x7;
	v19 =	vshll.u32 v19, $0x7;
	v25 =	vld.idx.msk [tilespmem:v24+s23+$0x0], $0xffff;
	v24 =	vshll.u32 v24, $0x7  }
0x274: {  	v38 =	vld.idx.msk [tilespmem:v28+s23+$0x0], $0xffff;
	v28 =	vshll.u32 v28, $0x7;
	v14 =	vadd.s32 v0, v12;
	v16 =	vadd.s32 v5, v12  }
0x275: {  	v18 =	vadd.s32 v6, v12;
	v12 =	vadd.s32 v7, v12;
	v15 =	vand.u32 $0xFFFFFF80, v14  }
0x276: {  	v14 =	vand.u32 $0x7F, v14;
	v48 =	vand.u32 $0xFFFFFF80, v16;
	v16 =	vand.u32 $0x7F, v16  }
0x277: {  	v49 =	vand.u32 $0xFFFFFF80, v18;
	v18 =	vand.u32 $0x7F, v18;
	v50 =	vand.u32 $0xFFFFFF80, v12  }
0x278: {  	v20 =	vadd.s32 v0, v17;
	v12 =	vand.u32 $0x7F, v12;
	v54 =	vadd.s32 v5, v17  }
0x279: {  	v22 =	vadd.s32 v6, v17;
	v17 =	vadd.s32 v7, v17;
	v59 =	vadd.s32 v0, v55  }
0x27a: {  	v61 =	vadd.s32 v5, v55;
	v26 =	vadd.s32 v6, v55;
	v15 =	vadd.s32 v11, v15  }
0x27b: {  	v21 =	vand.u32 $0xFFFFFF80, v20;
	v51 =	vand.u32 $0x7F, v20;
	v56 =	vand.u32 $0xFFFFFF80, v54  }
0x27c: {  	v23 =	vand.u32 $0xFFFFFF80, v22;
	v22 =	vand.u32 $0x7F, v22;
	v58 =	vand.u32 $0xFFFFFF80, v17  }
0x27d: {  	v17 =	vand.u32 $0x7F, v17;
	v60 =	vand.u32 $0xFFFFFF80, v59;
	v62 =	vand.u32 $0xFFFFFF80, v61  }
0x27e: {  	v27 =	vand.u32 $0xFFFFFF80, v26;
	v26 =	vand.u32 $0x7F, v26;
	v20 =	vadd.s32 v7, v55  }
0x27f: {  	v35 =	vadd.s32 v0, v25;
	v39 =	vadd.s32 v5, v25;
	v29 =	vadd.s32 v6, v25  }
0x280: {  	v25 =	vadd.s32 v7, v25;
	v14 =	vor.u32 v14, v15;
	v15 =	vadd.s32 v11, v48  }
0x281: {  	v52 =	vadd.s32 v13, v21;
	v21 =	vadd.s32 v13, v56;
	v23 =	vadd.s32 v13, v23  }
0x282: {  	v13 =	vadd.s32 v13, v58;
	v27 =	vadd.s32 v19, v27;
	v34 =	vand.u32 $0xFFFFFF80, v20  }
0x283: {  	v20 =	vand.u32 $0x7F, v20;
	v36 =	vand.u32 $0xFFFFFF80, v35;
	v37 =	vand.u32 $0x7F, v35  }
0x284: {  	v30 =	vand.u32 $0xFFFFFF80, v39;
	v31 =	vand.u32 $0xFFFFFF80, v29;
	v29 =	vand.u32 $0x7F, v29  }
0x285: {  	v40 =	vand.u32 $0xFFFFFF80, v25;
	v41 =	vadd.s32 v0, v38;
	v32 =	vadd.s32 v5, v38  }
0x286: {  	v46 =	vadd.s32 v6, v38;
	v15 =	vor.u32 v16, v15;
	v16 =	vadd.s32 v11, v49  }
0x287: {  	v11 =	vadd.s32 v11, v50;
	v53 =	vor.u32 v51, v52;
	v57 =	vor.u32 v22, v23  }
0x288: {  	v13 =	vor.u32 v17, v13;
	v22 =	vand.u32 $0x7F, v59;
	v17 =	vadd.s32 v19, v60  }
0x289: {  	v23 =	vand.u32 $0x7F, v61;
	v63 =	vor.u32 v26, v27;
	v26 =	vadd.s32 v24, v36  }
0x28a: {  	v30 =	vadd.s32 v24, v30;
	v31 =	vadd.s32 v24, v31;
	v42 =	vand.u32 $0xFFFFFF80, v41;
	v51 =	vld.idx.msk [tilespmem:v33+s23+$0x0], $0xffff  }
0x28b: {  	v44 =	vand.u32 $0xFFFFFF80, v32;
	v45 =	vand.u32 $0x7F, v32;
	v16 =	vor.u32 v18, v16;
	v14 =	vld.idx.msk [tilespmem:v14+s18+$0x0], $0xffff  }
0x28c: {  	v11 =	vor.u32 v12, v11;
	v18 =	vand.u32 $0x7F, v54;
	v17 =	vor.u32 v22, v17;
	v15 =	vld.idx.msk [tilespmem:v15+s18+$0x0], $0xffff  }
0x28d: {  	s1 =	sadd.s32 $0x30, s31;
	v22 =	vadd.s32 v19, v62;
	v19 =	vadd.s32 v19, v34;
	v29 =	vor.u32 v29, v31;
	v12 =	vld.idx.msk [tilespmem:v53+s18+$0x0], $0xffff  }
0x28e: {  	v31 =	vand.u32 $0x7F, v41;
	v54 =	vmov s1;
	v18 =	vor.u32 v18, v21;
	v21 =	vld.idx.msk [tilespmem:v57+s18+$0x0], $0xffff  }
0x28f: {  	v19 =	vor.u32 v20, v19;
	v20 =	vor.u32 v37, v26;
	v26 =	vand.u32 $0x7F, v39;
	v13 =	vld.idx.msk [tilespmem:v13+s18+$0x0], $0xffff  }
0x290: {  	v22 =	vor.u32 v23, v22;
	v26 =	vor.u32 v26, v30;
	v30 =	vadd.s32 v28, v42;
	v23 =	vld.idx.msk [tilespmem:v63+s18+$0x0], $0xffff  }
0x291: {  	v47 =	vand.u32 $0xFFFFFF80, v46;
	v43 =	vor.u32 v31, v30;
	v30 =	vadd.s32 v28, v44;
	v16 =	vld.idx.msk [tilespmem:v16+s18+$0x0], $0xffff  }
0x292: {  	v32 =	vand.u32 $0x7F, v46;
	v31 =	vadd.s32 v28, v47;
	v30 =	vor.u32 v45, v30;
	v11 =	vld.idx.msk [tilespmem:v11+s18+$0x0], $0xffff  }
0x293: {  	v25 =	vand.u32 $0x7F, v25;
	v24 =	vadd.s32 v24, v40;
	v31 =	vor.u32 v32, v31;
	v17 =	vld.idx.msk [tilespmem:v17+s18+$0x0], $0xffff  }
0x294: {  	v27 =	vadd.s32 v7, v38;
	v60 =	vshll.u32 v33, $0x7;
	v24 =	vor.u32 v25, v24;
	v63 =	vld.idx.msk [tilespmem:v54+s23+$0x0], $0xffff  }
0x295: {  	v48 =	vand.u32 $0xFFFFFF80, v27;
	v27 =	vand.u32 $0x7F, v27;
	s1 =	sadd.s32 $0x38, s31;
	v58 =	vadd.s32 v0, v51;
	v18 =	vld.idx.msk [tilespmem:v18+s18+$0x0], $0xffff  }
0x296: {  	v33 =	vmov s1;
	v28 =	vadd.s32 v28, v48;
	v59 =	vand.u32 $0xFFFFFF80, v58;
	v19 =	vld.idx.msk [tilespmem:v19+s18+$0x0], $0xffff  }
0x297: {  	v27 =	vor.u32 v27, v28;
	v62 =	vadd.s32 v5, v51;
	v61 =	vadd.s32 v60, v59;
	v50 =	vld.idx.msk [tilespmem:v30+s18+$0x0], $0xffff  }
0x298: {  	v12 =	vadd.f32 v12, v14;
	v53 =	vld.idx.msk [tilespmem:v31+s18+$0x0], $0xffff;
	v30 =	vand.u32 $0x7F, v62;
	v31 =	vadd.s32 v6, v51  }
0x299: {  	v29 =	vld.idx.msk [tilespmem:v29+s18+$0x0], $0xffff;
	v16 =	vadd.f32 v21, v16;
	v11 =	vadd.f32 v13, v11;
	v32 =	vand.u32 $0xFFFFFF80, v31  }
0x29a: {  	v22 =	vld.idx.msk [tilespmem:v22+s18+$0x0], $0xffff;
	v21 =	vand.u32 $0x7F, v31;
	v35 =	vadd.s32 v0, v63;
	v47 =	vadd.s32 v5, v63  }
0x29b: {  	v20 =	vld.idx.msk [tilespmem:v20+s18+$0x0], $0xffff;
	v49 =	vadd.f32 v18, v15;
	v12 =	vadd.f32 v17, v12;
	v15 =	vand.u32 $0x7F, v58  }
0x29c: {  	v24 =	vld.idx.msk [tilespmem:v24+s18+$0x0], $0xffff;
	v18 =	vadd.s32 v7, v51;
	v36 =	vand.u32 $0xFFFFFF80, v35;
	v17 =	vshll.u32 v54, $0x7  }
0x29d: {  	v48 =	vld.idx.msk [tilespmem:v33+s23+$0x0], $0xffff;
	v37 =	vand.u32 $0x7F, v35;
	v16 =	vadd.f32 v23, v16;
	v11 =	vadd.f32 v19, v11  }
0x29e: {  	v26 =	vld.idx.msk [tilespmem:v26+s18+$0x0], $0xffff;
	v15 =	vor.u32 v15, v61;
	v34 =	vand.u32 $0xFFFFFF80, v18;
	v18 =	vand.u32 $0x7F, v18  }
0x29f: {  	v25 =	vld.idx.msk [tilespmem:v43+s18+$0x0], $0xffff;
	v38 =	vadd.s32 v17, v36;
	v23 =	vadd.s32 v7, v63;
	v52 =	vadd.f32 v22, v49  }
0x2a0: {  	v12 =	vadd.f32 v20, v12;
	v20 =	vadd.s32 v60, v32;
	v39 =	vor.u32 v37, v38  }
0x2a1: {  	v49 =	vand.u32 $0xFFFFFF80, v47;
	v54 =	vand.u32 $0xFFFFFF80, v23;
	v23 =	vand.u32 $0x7F, v23  }
0x2a2: {  	v56 =	vld.idx.msk [tilespmem:v27+s18+$0x0], $0xffff;
	v22 =	vshll.u32 v33, $0x7;
	v16 =	vadd.f32 v29, v16;
	v57 =	vadd.f32 v24, v11  }
0x2a3: {  	v29 =	vand.u32 $0xFFFFFF80, v62;
	v20 =	vor.u32 v21, v20;
	v21 =	vand.u32 $0x7F, v47  }
0x2a4: {  	s1 =	sadd.s32 $0x40, s31;
	v24 =	vadd.s32 v7, v48;
	v55 =	vadd.f32 v26, v52;
	v13 =	vadd.f32 v25, v12  }
0x2a5: {  	v19 =	vadd.s32 v60, v29;
	v25 =	vadd.s32 v17, v49;
	v52 =	vmov s1  }
0x2a6: {  	v40 =	vand.u32 $0xFFFFFF80, v24;
	v24 =	vand.u32 $0x7F, v24;
	v11 =	vadd.f32 v53, v16  }
0x2a7: {  	v14 =	vadd.f32 v56, v57;
	v19 =	vor.u32 v30, v19;
	v16 =	vadd.s32 v60, v34  }
0x2a8: {  	s1 =	sadd.s32 $0x48, s31;
	v21 =	vor.u32 v21, v25;
	v57 =	vadd.s32 v5, v48;
	v60 =	vadd.s32 v6, v48  }
0x2a9: {  	v62 =	vmov s1;
	v28 =	vshll.u32 v52, $0x7;
	v12 =	vadd.f32 v50, v55  }
0x2aa: {  	v16 =	vor.u32 v18, v16;
	v50 =	vadd.s32 v6, v63;
	v55 =	vadd.s32 v0, v48  }
0x2ab: {  	s1 =	sadd.s32 $0x50, s31;
	v59 =	vand.u32 $0xFFFFFF80, v57;
	v61 =	vand.u32 $0xFFFFFF80, v60;
	v30 =	vand.u32 $0x7F, v60  }
0x2ac: {  	v15 =	vld.idx.msk [tilespmem:v15+s18+$0x0], $0xffff;
	v32 =	vshll.u32 v62, $0x7;
	v37 =	vmov s1;
	v51 =	vand.u32 $0xFFFFFF80, v50  }
0x2ad: {  	v26 =	vand.u32 $0x7F, v50;
	v56 =	vand.u32 $0xFFFFFF80, v55;
	v27 =	vadd.s32 v17, v51;
	v20 =	vld.idx.msk [tilespmem:v20+s18+$0x0], $0xffff  }
0x2ae: {  	v31 =	vadd.s32 v22, v61;
	v17 =	vadd.s32 v17, v54;
	v53 =	vor.u32 v26, v27;
	v58 =	vld.idx.msk [tilespmem:v52+s23+$0x0], $0xffff  }
0x2af: {  	v17 =	vor.u32 v23, v17;
	v26 =	vand.u32 $0x7F, v55;
	v23 =	vadd.s32 v22, v56  }
0x2b0: {  	v27 =	vand.u32 $0x7F, v57;
	v23 =	vor.u32 v26, v23;
	v26 =	vadd.s32 v22, v59  }
0x2b1: {  	v63 =	vor.u32 v30, v31;
	v22 =	vadd.s32 v22, v40;
	v44 =	vld.idx.msk [tilespmem:v62+s23+$0x0], $0xffff;
	v26 =	vor.u32 v27, v26  }
0x2b2: {  	v22 =	vor.u32 v24, v22;
	v13 =	vadd.f32 v15, v13;
	v11 =	vadd.f32 v20, v11  }
0x2b3: {  	v41 =	vadd.s32 v0, v58;
	v45 =	vadd.s32 v5, v58;
	v46 =	vadd.s32 v6, v58  }
0x2b4: {  	v29 =	vadd.s32 v7, v58;
	v42 =	vand.u32 $0xFFFFFF80, v41;
	v43 =	vand.u32 $0x7F, v41  }
0x2b5: {  	v18 =	vld.idx.msk [tilespmem:v39+s18+$0x0], $0xffff;
	v34 =	vand.u32 $0xFFFFFF80, v45;
	v35 =	vand.u32 $0xFFFFFF80, v46;
	v33 =	vand.u32 $0x7F, v46  }
0x2b6: {  	v19 =	vld.idx.msk [tilespmem:v19+s18+$0x0], $0xffff;
	v47 =	vand.u32 $0xFFFFFF80, v29;
	v29 =	vand.u32 $0x7F, v29;
	v48 =	vadd.s32 v0, v44  }
0x2b7: {  	v25 =	vld.idx.msk [tilespmem:v53+s18+$0x0], $0xffff;
	v36 =	vadd.s32 v5, v44;
	v53 =	vadd.s32 v6, v44;
	v31 =	vadd.s32 v7, v44  }
0x2b8: {  	v21 =	vld.idx.msk [tilespmem:v21+s18+$0x0], $0xffff;
	v30 =	vadd.s32 v28, v42;
	v34 =	vadd.s32 v28, v34;
	v35 =	vadd.s32 v28, v35  }
0x2b9: {  	s1 =	sadd.s32 $0x58, s31;
	v16 =	vld.idx.msk [tilespmem:v16+s18+$0x0], $0xffff;
	v28 =	vadd.s32 v28, v47;
	v49 =	vand.u32 $0xFFFFFF80, v48;
	v51 =	vand.u32 $0xFFFFFF80, v36  }
0x2ba: {  	v27 =	vld.idx.msk [tilespmem:v63+s18+$0x0], $0xffff;
	v57 =	vand.u32 $0xFFFFFF80, v31;
	v59 =	vand.u32 $0x7F, v31;
	v31 =	vmov s1  }
0x2bb: {  	v17 =	vld.idx.msk [tilespmem:v17+s18+$0x0], $0xffff;
	v52 =	vand.u32 $0x7F, v36;
	v54 =	vand.u32 $0xFFFFFF80, v53;
	v24 =	vor.u32 v43, v30  }
0x2bc: {  	v23 =	vld.idx.msk [tilespmem:v23+s18+$0x0], $0xffff;
	v30 =	vand.u32 $0x7F, v45;
	v33 =	vor.u32 v33, v35;
	v35 =	vand.u32 $0x7F, v48  }
0x2bd: {  	v26 =	vld.idx.msk [tilespmem:v26+s18+$0x0], $0xffff;
	v28 =	vor.u32 v29, v28;
	v30 =	vor.u32 v30, v34;
	v34 =	vadd.s32 v32, v49  }
0x2be: {  	v22 =	vld.idx.msk [tilespmem:v22+s18+$0x0], $0xffff;
	v36 =	vand.u32 $0x7F, v53;
	s1 =	sadd.s32 $0x60, s31;
	v50 =	vor.u32 v35, v34;
	v35 =	vadd.s32 v32, v54  }
0x2bf: {  	v60 =	vadd.s32 v32, v57;
	v40 =	vmov s1;
	v56 =	vor.u32 v36, v35;
	v36 =	vld.idx.msk [tilespmem:v31+s23+$0x0], $0xffff  }
0x2c0: {  	v12 =	vadd.f32 v19, v12;
	v62 =	vor.u32 v59, v60;
	v34 =	vadd.s32 v32, v51;
	v24 =	vld.idx.msk [tilespmem:v24+s18+$0x0], $0xffff  }
0x2c1: {  	v13 =	vadd.f32 v18, v13;
	v14 =	vadd.f32 v16, v14;
	v34 =	vor.u32 v52, v34;
	v55 =	vld.idx.msk [tilespmem:v33+s18+$0x0], $0xffff  }
0x2c2: {  	v12 =	vadd.f32 v21, v12;
	s1 =	sadd.s32 $0x68, s31;
	v11 =	vadd.f32 v25, v11;
	v58 =	vld.idx.msk [tilespmem:v28+s18+$0x0], $0xffff  }
0x2c3: {  	v14 =	vadd.f32 v17, v14;
	v13 =	vadd.f32 v23, v13;
	v52 =	vmov s1;
	v28 =	vld.idx.msk [tilespmem:v37+s23+$0x0], $0xffff  }
0x2c4: {  	v23 =	vshll.u32 v40, $0x7;
	s1 =	sadd.s32 $0x70, s31;
	v12 =	vadd.f32 v26, v12;
	v11 =	vadd.f32 v27, v11;
	v48 =	vld.idx.msk [tilespmem:v40+s23+$0x0], $0xffff  }
0x2c5: {  	v14 =	vadd.f32 v22, v14;
	v22 =	vshll.u32 v31, $0x7;
	v20 =	vld.idx.msk [tilespmem:v62+s18+$0x0], $0xffff;
	v62 =	vmov s1  }
0x2c6: {  	v63 =	vld.idx.msk [tilespmem:v34+s18+$0x0], $0xffff;
	v34 =	vshll.u32 v37, $0x7;
	v42 =	vadd.s32 v0, v36;
	v47 =	vadd.s32 v5, v36  }
0x2c7: {  	v61 =	vld.idx.msk [tilespmem:v50+s18+$0x0], $0xffff;
	v50 =	vadd.s32 v6, v36;
	v21 =	vadd.s32 v7, v36;
	v13 =	vadd.f32 v24, v13  }
0x2c8: {  	v11 =	vadd.f32 v55, v11;
	v14 =	vadd.f32 v58, v14;
	v32 =	vadd.s32 v0, v28  }
0x2c9: {  	v30 =	vld.idx.msk [tilespmem:v30+s18+$0x0], $0xffff;
	v35 =	vadd.s32 v5, v28;
	v38 =	vadd.s32 v6, v28;
	v17 =	vadd.s32 v7, v28  }
0x2ca: {  	v43 =	vand.u32 $0xFFFFFF80, v42;
	v44 =	vand.u32 $0x7F, v42;
	v49 =	vand.u32 $0xFFFFFF80, v47  }
0x2cb: {  	v51 =	vand.u32 $0xFFFFFF80, v50;
	v26 =	vand.u32 $0x7F, v50;
	v54 =	vand.u32 $0xFFFFFF80, v21  }
0x2cc: {  	v21 =	vand.u32 $0x7F, v21;
	v55 =	vadd.s32 v0, v48;
	v57 =	vadd.s32 v5, v48  }
0x2cd: {  	v60 =	vadd.s32 v6, v48;
	v24 =	vadd.s32 v7, v48;
	v28 =	vshll.u32 v52, $0x7  }
0x2ce: {  	v12 =	vadd.f32 v30, v12;
	v33 =	vand.u32 $0xFFFFFF80, v32;
	v15 =	vand.u32 $0x7F, v32  }
0x2cf: {  	v37 =	vand.u32 $0xFFFFFF80, v35;
	v19 =	vand.u32 $0x7F, v35;
	v39 =	vand.u32 $0xFFFFFF80, v38  }
0x2d0: {  	v41 =	vand.u32 $0xFFFFFF80, v17;
	v17 =	vand.u32 $0x7F, v17;
	v45 =	vadd.s32 v22, v43  }
0x2d1: {  	v25 =	vadd.s32 v22, v49;
	v27 =	vadd.s32 v22, v51;
	v22 =	vadd.s32 v22, v54  }
0x2d2: {  	v29 =	vld.idx.msk [tilespmem:v56+s18+$0x0], $0xffff;
	v56 =	vand.u32 $0xFFFFFF80, v55;
	v59 =	vand.u32 $0xFFFFFF80, v57;
	v30 =	vand.u32 $0x7F, v60  }
0x2d3: {  	v32 =	vshll.u32 v62, $0x7;
	v13 =	vadd.f32 v61, v13;
	v16 =	vadd.s32 v34, v33  }
0x2d4: {  	v14 =	vadd.f32 v20, v14;
	v20 =	vand.u32 $0x7F, v38;
	v18 =	vadd.s32 v34, v41  }
0x2d5: {  	v46 =	vor.u32 v44, v45;
	v53 =	vor.u32 v26, v27;
	v21 =	vor.u32 v21, v22  }
0x2d6: {  	s1 =	sadd.s32 $0x78, s31;
	v26 =	vand.u32 $0x7F, v55;
	v22 =	vadd.s32 v23, v56;
	v27 =	vand.u32 $0x7F, v57  }
0x2d7: {  	v61 =	vand.u32 $0xFFFFFF80, v60;
	v55 =	vmov s1;
	v12 =	vadd.f32 v63, v12  }
0x2d8: {  	v58 =	vld.idx.msk [tilespmem:v52+s23+$0x0], $0xffff;
	v11 =	vadd.f32 v29, v11;
	v15 =	vor.u32 v15, v16;
	v16 =	vadd.s32 v34, v37  }
0x2d9: {  	v17 =	vor.u32 v17, v18;
	v22 =	vor.u32 v26, v22;
	v26 =	vadd.s32 v23, v59  }
0x2da: {  	v31 =	vadd.s32 v23, v61;
	v37 =	vand.u32 $0xFFFFFF80, v24;
	v24 =	vand.u32 $0x7F, v24  }
0x2db: {  	v16 =	vor.u32 v19, v16;
	v19 =	vadd.s32 v34, v39;
	v26 =	vor.u32 v27, v26  }
0x2dc: {  	v63 =	vor.u32 v30, v31;
	v23 =	vadd.s32 v23, v37;
	v19 =	vor.u32 v20, v19  }
0x2dd: {  	v41 =	vld.idx.msk [tilespmem:v62+s23+$0x0], $0xffff;
	v20 =	vand.u32 $0x7F, v47;
	v38 =	vadd.s32 v0, v58;
	v23 =	vor.u32 v24, v23  }
0x2de: {  	v42 =	vadd.s32 v5, v58;
	v43 =	vadd.s32 v6, v58;
	v29 =	vadd.s32 v7, v58  }
0x2df: {  	v20 =	vor.u32 v20, v25;
	v39 =	vand.u32 $0xFFFFFF80, v38;
	v40 =	vand.u32 $0x7F, v38  }
0x2e0: {  	v44 =	vand.u32 $0xFFFFFF80, v42;
	v45 =	vand.u32 $0xFFFFFF80, v43;
	v33 =	vand.u32 $0x7F, v43  }
0x2e1: {  	v30 =	vadd.s32 v28, v39;
	v18 =	vld.idx.msk [tilespmem:v46+s18+$0x0], $0xffff;
	v34 =	vadd.s32 v28, v44;
	v35 =	vadd.s32 v28, v45  }
0x2e2: {  	v25 =	vld.idx.msk [tilespmem:v53+s18+$0x0], $0xffff;
	v46 =	vand.u32 $0xFFFFFF80, v29;
	v29 =	vand.u32 $0x7F, v29;
	v47 =	vadd.s32 v0, v41  }
0x2e3: {  	v21 =	vld.idx.msk [tilespmem:v21+s18+$0x0], $0xffff;
	v49 =	vadd.s32 v5, v41;
	v53 =	vadd.s32 v6, v41;
	v31 =	vadd.s32 v7, v41  }
0x2e4: {  	v15 =	vld.idx.msk [tilespmem:v15+s18+$0x0], $0xffff;
	v24 =	vor.u32 v40, v30;
	v30 =	vand.u32 $0x7F, v42;
	v33 =	vor.u32 v33, v35  }
0x2e5: {  	v17 =	vld.idx.msk [tilespmem:v17+s18+$0x0], $0xffff;
	v28 =	vadd.s32 v28, v46;
	v48 =	vand.u32 $0xFFFFFF80, v47;
	v35 =	vand.u32 $0x7F, v47  }
0x2e6: {  	v22 =	vld.idx.msk [tilespmem:v22+s18+$0x0], $0xffff;
	v51 =	vand.u32 $0xFFFFFF80, v49;
	v52 =	vand.u32 $0x7F, v49;
	v54 =	vand.u32 $0xFFFFFF80, v53  }
0x2e7: {  	v36 =	vand.u32 $0x7F, v53;
	v58 =	vand.u32 $0xFFFFFF80, v31;
	v60 =	vand.u32 $0x7F, v31;
	v16 =	vld.idx.msk [tilespmem:v16+s18+$0x0], $0xffff  }
0x2e8: {  	v30 =	vor.u32 v30, v34;
	v34 =	vadd.s32 v32, v48;
	v28 =	vor.u32 v29, v28;
	v29 =	vld.idx.msk [tilespmem:v55+s23+$0x0], $0xffff  }
0x2e9: {  	s1 =	sadd.s32 $0x80, s31;
	v61 =	vadd.s32 v32, v58;
	v19 =	vld.idx.msk [tilespmem:v19+s18+$0x0], $0xffff;
	v50 =	vor.u32 v35, v34;
	v34 =	vadd.s32 v32, v51  }
0x2ea: {  	v27 =	vld.idx.msk [tilespmem:v63+s18+$0x0], $0xffff;
	v35 =	vadd.s32 v32, v54;
	v63 =	vor.u32 v60, v61;
	v32 =	vmov s1;
	s1 =	sadd.s32 $0x88, s31  }
0x2eb: {  	v23 =	vld.idx.msk [tilespmem:v23+s18+$0x0], $0xffff;
	v34 =	vor.u32 v52, v34;
	v57 =	vor.u32 v36, v35;
	v41 =	vmov s1;
	s1 =	sadd.s32 $0x90, s31  }
0x2ec: {  	v20 =	vld.idx.msk [tilespmem:v20+s18+$0x0], $0xffff;
	v35 =	vshll.u32 v55, $0x7;
	v52 =	vmov s1;
	v13 =	vadd.f32 v15, v13  }
0x2ed: {  	v56 =	vld.idx.msk [tilespmem:v33+s18+$0x0], $0xffff;
	v14 =	vadd.f32 v17, v14;
	v12 =	vadd.f32 v16, v12;
	v33 =	vadd.s32 v0, v29  }
0x2ee: {  	v26 =	vld.idx.msk [tilespmem:v26+s18+$0x0], $0xffff;
	v36 =	vadd.s32 v5, v29;
	v39 =	vadd.s32 v6, v29;
	v11 =	vadd.f32 v19, v11  }
0x2ef: {  	v24 =	vld.idx.msk [tilespmem:v24+s18+$0x0], $0xffff;
	v13 =	vadd.f32 v18, v13;
	v14 =	vadd.f32 v21, v14;
	v15 =	vand.u32 $0x7F, v33  }
0x2f0: {  	v59 =	vld.idx.msk [tilespmem:v28+s18+$0x0], $0xffff;
	v38 =	vand.u32 $0xFFFFFF80, v36;
	v18 =	vand.u32 $0x7F, v36;
	v40 =	vand.u32 $0xFFFFFF80, v39  }
0x2f1: {  	v12 =	vadd.f32 v20, v12;
	v28 =	vld.idx.msk [tilespmem:v34+s18+$0x0], $0xffff;
	v34 =	vand.u32 $0xFFFFFF80, v33;
	v11 =	vadd.f32 v25, v11  }
0x2f2: {  	v30 =	vld.idx.msk [tilespmem:v30+s18+$0x0], $0xffff;
	v20 =	vadd.s32 v7, v29;
	v13 =	vadd.f32 v22, v13;
	v14 =	vadd.f32 v23, v14  }
0x2f3: {  	v37 =	vld.idx.msk [tilespmem:v32+s23+$0x0], $0xffff;
	v16 =	vadd.s32 v35, v34;
	v42 =	vand.u32 $0xFFFFFF80, v20;
	v20 =	vand.u32 $0x7F, v20  }
0x2f4: {  	v62 =	vld.idx.msk [tilespmem:v50+s18+$0x0], $0xffff;
	v22 =	vshll.u32 v32, $0x7;
	v23 =	vshll.u32 v41, $0x7;
	v12 =	vadd.f32 v26, v12  }
0x2f5: {  	v19 =	vld.idx.msk [tilespmem:v63+s18+$0x0], $0xffff;
	v15 =	vor.u32 v15, v16;
	v16 =	vadd.s32 v35, v38;
	v11 =	vadd.f32 v27, v11  }
0x2f6: {  	v17 =	vadd.s32 v35, v42;
	v13 =	vadd.f32 v24, v13;
	v14 =	vadd.f32 v59, v14  }
0x2f7: {  	v16 =	vor.u32 v18, v16;
	v18 =	vadd.s32 v35, v40;
	v17 =	vor.u32 v20, v17  }
0x2f8: {  	v48 =	vld.idx.msk [tilespmem:v41+s23+$0x0], $0xffff;
	v12 =	vadd.f32 v30, v12;
	v43 =	vadd.s32 v0, v37;
	v47 =	vadd.s32 v5, v37  }
0x2f9: {  	v50 =	vadd.s32 v6, v37;
	v21 =	vadd.s32 v7, v37;
	v11 =	vadd.f32 v56, v11  }
0x2fa: {  	v13 =	vadd.f32 v62, v13;
	v14 =	vadd.f32 v19, v14;
	v19 =	vand.u32 $0x7F, v39  }
0x2fb: {  	v44 =	vand.u32 $0xFFFFFF80, v43;
	v45 =	vand.u32 $0x7F, v43;
	v49 =	vand.u32 $0xFFFFFF80, v47  }
0x2fc: {  	v20 =	vand.u32 $0x7F, v47;
	v51 =	vand.u32 $0xFFFFFF80, v50;
	v26 =	vand.u32 $0x7F, v50  }
0x2fd: {  	s1 =	sadd.s32 $0x98, s31;
	v31 =	vld.idx.msk [tilespmem:v57+s18+$0x0], $0xffff;
	v54 =	vand.u32 $0xFFFFFF80, v21;
	v21 =	vand.u32 $0x7F, v21;
	v55 =	vadd.s32 v0, v48  }
0x2fe: {  	v58 =	vld.idx.msk [tilespmem:v52+s23+$0x0], $0xffff;
	v57 =	vadd.s32 v5, v48;
	v60 =	vadd.s32 v6, v48;
	v62 =	vmov s1  }
0x2ff: {  	v24 =	vadd.s32 v7, v48;
	v12 =	vadd.f32 v28, v12;
	v18 =	vor.u32 v19, v18  }
0x300: {  	v46 =	vadd.s32 v22, v44;
	v25 =	vadd.s32 v22, v49;
	v27 =	vadd.s32 v22, v51  }
0x301: {  	v22 =	vadd.s32 v22, v54;
	v56 =	vand.u32 $0xFFFFFF80, v55;
	v59 =	vand.u32 $0xFFFFFF80, v57  }
0x302: {  	v61 =	vand.u32 $0xFFFFFF80, v60;
	v30 =	vand.u32 $0x7F, v60;
	v36 =	vand.u32 $0xFFFFFF80, v24  }
0x303: {  	v24 =	vand.u32 $0x7F, v24;
	v37 =	vadd.s32 v0, v58;
	v28 =	vshll.u32 v52, $0x7  }
0x304: {  	s1 =	sadd.s32 $0xA0, s31;
	v41 =	vadd.s32 v5, v58;
	v42 =	vadd.s32 v6, v58;
	v29 =	vadd.s32 v7, v58  }
0x305: {  	v32 =	vshll.u32 v62, $0x7;
	v54 =	vmov s1;
	v11 =	vadd.f32 v31, v11  }
0x306: {  	v19 =	vor.u32 v45, v46;
	v20 =	vor.u32 v20, v25;
	v53 =	vor.u32 v26, v27  }
0x307: {  	v21 =	vor.u32 v21, v22;
	v26 =	vand.u32 $0x7F, v55;
	v22 =	vadd.s32 v23, v56  }
0x308: {  	v27 =	vand.u32 $0x7F, v57;
	v31 =	vadd.s32 v23, v61;
	v38 =	vand.u32 $0xFFFFFF80, v37  }
0x309: {  	v15 =	vld.idx.msk [tilespmem:v15+s18+$0x0], $0xffff;
	v39 =	vand.u32 $0x7F, v37;
	v43 =	vand.u32 $0xFFFFFF80, v41;
	v44 =	vand.u32 $0xFFFFFF80, v42  }
0x30a: {  	v33 =	vand.u32 $0x7F, v42;
	v45 =	vand.u32 $0xFFFFFF80, v29;
	v29 =	vand.u32 $0x7F, v29;
	v16 =	vld.idx.msk [tilespmem:v16+s18+$0x0], $0xffff  }
0x30b: {  	v22 =	vor.u32 v26, v22;
	v26 =	vadd.s32 v23, v59;
	v63 =	vor.u32 v30, v31;
	v17 =	vld.idx.msk [tilespmem:v17+s18+$0x0], $0xffff  }
0x30c: {  	v23 =	vadd.s32 v23, v36;
	v30 =	vadd.s32 v28, v38;
	v34 =	vadd.s32 v28, v43;
	v40 =	vld.idx.msk [tilespmem:v62+s23+$0x0], $0xffff  }
0x30d: {  	v35 =	vadd.s32 v28, v44;
	v28 =	vadd.s32 v28, v45;
	v26 =	vor.u32 v27, v26;
	v18 =	vld.idx.msk [tilespmem:v18+s18+$0x0], $0xffff  }
0x30e: {  	v23 =	vor.u32 v24, v23;
	v24 =	vor.u32 v39, v30;
	v30 =	vand.u32 $0x7F, v41;
	v19 =	vld.idx.msk [tilespmem:v19+s18+$0x0], $0xffff  }
0x30f: {  	v33 =	vor.u32 v33, v35;
	v28 =	vor.u32 v29, v28;
	v20 =	vld.idx.msk [tilespmem:v20+s18+$0x0], $0xffff;
	v13 =	vadd.f32 v15, v13  }
0x310: {  	v30 =	vor.u32 v30, v34;
	v25 =	vld.idx.msk [tilespmem:v53+s18+$0x0], $0xffff;
	v12 =	vadd.f32 v16, v12;
	v14 =	vadd.f32 v17, v14  }
0x311: {  	v21 =	vld.idx.msk [tilespmem:v21+s18+$0x0], $0xffff;
	v46 =	vadd.s32 v0, v40;
	v48 =	vadd.s32 v5, v40;
	v52 =	vadd.s32 v6, v40  }
0x312: {  	v22 =	vld.idx.msk [tilespmem:v22+s18+$0x0], $0xffff;
	v31 =	vadd.s32 v7, v40;
	v47 =	vand.u32 $0xFFFFFF80, v46;
	v35 =	vand.u32 $0x7F, v46  }
0x313: {  	v26 =	vld.idx.msk [tilespmem:v26+s18+$0x0], $0xffff;
	v50 =	vand.u32 $0xFFFFFF80, v48;
	v51 =	vand.u32 $0x7F, v48;
	v53 =	vand.u32 $0xFFFFFF80, v52  }
0x314: {  	s1 =	sadd.s32 $0xA8, s31;
	v23 =	vld.idx.msk [tilespmem:v23+s18+$0x0], $0xffff;
	v36 =	vand.u32 $0x7F, v52;
	v57 =	vand.u32 $0xFFFFFF80, v31;
	v59 =	vand.u32 $0x7F, v31  }
0x315: {  	v58 =	vld.idx.msk [tilespmem:v28+s18+$0x0], $0xffff;
	v11 =	vadd.f32 v18, v11;
	v31 =	vmov s1;
	v34 =	vadd.s32 v32, v47  }
0x316: {  	v28 =	vld.idx.msk [tilespmem:v54+s23+$0x0], $0xffff;
	s1 =	sadd.s32 $0xB0, s31;
	v60 =	vadd.s32 v32, v57;
	v13 =	vadd.f32 v19, v13;
	v12 =	vadd.f32 v20, v12  }
0x317: {  	v14 =	vadd.f32 v21, v14;
	v41 =	vmov s1;
	v49 =	vor.u32 v35, v34  }
0x318: {  	v27 =	vld.idx.msk [tilespmem:v63+s18+$0x0], $0xffff;
	s1 =	sadd.s32 $0xB8, s31;
	v34 =	vadd.s32 v32, v50;
	v35 =	vadd.s32 v32, v53;
	v62 =	vor.u32 v59, v60  }
0x319: {  	v11 =	vadd.f32 v25, v11;
	v52 =	vmov s1;
	v34 =	vor.u32 v51, v34  }
0x31a: {  	v56 =	vor.u32 v36, v35;
	v13 =	vadd.f32 v22, v13;
	v12 =	vadd.f32 v26, v12  }
0x31b: {  	v24 =	vld.idx.msk [tilespmem:v24+s18+$0x0], $0xffff;
	v14 =	vadd.f32 v23, v14;
	v32 =	vadd.s32 v0, v28;
	v35 =	vadd.s32 v5, v28  }
0x31c: {  	v30 =	vld.idx.msk [tilespmem:v30+s18+$0x0], $0xffff;
	v39 =	vadd.s32 v6, v28;
	v20 =	vadd.s32 v7, v28;
	v22 =	vshll.u32 v31, $0x7  }
0x31d: {  	v55 =	vld.idx.msk [tilespmem:v33+s18+$0x0], $0xffff;
	v23 =	vshll.u32 v41, $0x7;
	v28 =	vshll.u32 v52, $0x7;
	v11 =	vadd.f32 v27, v11  }
0x31e: {  	v33 =	vand.u32 $0xFFFFFF80, v32;
	v15 =	vand.u32 $0x7F, v32;
	v37 =	vand.u32 $0xFFFFFF80, v35  }
0x31f: {  	v38 =	vand.u32 $0x7F, v35;
	v40 =	vand.u32 $0xFFFFFF80, v39;
	v19 =	vand.u32 $0x7F, v39;
	v36 =	vld.idx.msk [tilespmem:v31+s23+$0x0], $0xffff  }
0x320: {  	v42 =	vand.u32 $0xFFFFFF80, v20;
	v20 =	vand.u32 $0x7F, v20;
	v13 =	vadd.f32 v24, v13  }
0x321: {  	s1 =	sadd.s32 $0xC0, s31;
	v12 =	vadd.f32 v30, v12;
	v14 =	vadd.f32 v58, v14;
	v63 =	vld.idx.msk [tilespmem:v34+s18+$0x0], $0xffff;
	v34 =	vshll.u32 v54, $0x7  }
0x322: {  	v11 =	vadd.f32 v55, v11;
	v18 =	vld.idx.msk [tilespmem:v62+s18+$0x0], $0xffff;
	v62 =	vmov s1;
	v16 =	vadd.s32 v34, v33  }
0x323: {  	v32 =	vshll.u32 v62, $0x7;
	v17 =	vadd.s32 v34, v42;
	v15 =	vor.u32 v15, v16  }
0x324: {  	v48 =	vld.idx.msk [tilespmem:v41+s23+$0x0], $0xffff;
	v16 =	vadd.s32 v34, v37;
	v43 =	vadd.s32 v0, v36;
	v17 =	vor.u32 v20, v17  }
0x325: {  	v61 =	vld.idx.msk [tilespmem:v49+s18+$0x0], $0xffff;
	v47 =	vadd.s32 v5, v36;
	v50 =	vadd.s32 v6, v36;
	v21 =	vadd.s32 v7, v36  }
0x326: {  	v16 =	vor.u32 v38, v16;
	v44 =	vand.u32 $0xFFFFFF80, v43;
	v45 =	vand.u32 $0x7F, v43  }
0x327: {  	v49 =	vand.u32 $0xFFFFFF80, v47;
	v20 =	vand.u32 $0x7F, v47;
	v51 =	vand.u32 $0xFFFFFF80, v50  }
0x328: {  	v26 =	vand.u32 $0x7F, v50;
	v54 =	vand.u32 $0xFFFFFF80, v21;
	v21 =	vand.u32 $0x7F, v21  }
0x329: {  	v58 =	vld.idx.msk [tilespmem:v52+s23+$0x0], $0xffff;
	v55 =	vadd.s32 v0, v48;
	v57 =	vadd.s32 v5, v48;
	v60 =	vadd.s32 v6, v48  }
0x32a: {  	v24 =	vadd.s32 v7, v48;
	v13 =	vadd.f32 v61, v13;
	v14 =	vadd.f32 v18, v14  }
0x32b: {  	v29 =	vld.idx.msk [tilespmem:v56+s18+$0x0], $0xffff;
	v18 =	vadd.s32 v34, v40;
	v46 =	vadd.s32 v22, v44;
	v25 =	vadd.s32 v22, v49  }
0x32c: {  	v27 =	vadd.s32 v22, v51;
	v22 =	vadd.s32 v22, v54;
	v56 =	vand.u32 $0xFFFFFF80, v55  }
0x32d: {  	v59 =	vand.u32 $0xFFFFFF80, v57;
	v61 =	vand.u32 $0xFFFFFF80, v60;
	v30 =	vand.u32 $0x7F, v60  }
0x32e: {  	s1 =	sadd.s32 $0xC8, s31;
	v36 =	vand.u32 $0xFFFFFF80, v24;
	v24 =	vand.u32 $0x7F, v24;
	v37 =	vadd.s32 v0, v58  }
0x32f: {  	v41 =	vadd.s32 v5, v58;
	v42 =	vadd.s32 v6, v58;
	v54 =	vmov s1  }
0x330: {  	v12 =	vadd.f32 v63, v12;
	v11 =	vadd.f32 v29, v11;
	v18 =	vor.u32 v19, v18  }
0x331: {  	v19 =	vor.u32 v45, v46;
	v20 =	vor.u32 v20, v25;
	v53 =	vor.u32 v26, v27  }
0x332: {  	v21 =	vor.u32 v21, v22;
	v26 =	vand.u32 $0x7F, v55;
	v22 =	vadd.s32 v23, v56  }
0x333: {  	v27 =	vand.u32 $0x7F, v57;
	v31 =	vadd.s32 v23, v61;
	v38 =	vand.u32 $0xFFFFFF80, v37  }
0x334: {  	v39 =	vand.u32 $0x7F, v37;
	v43 =	vand.u32 $0xFFFFFF80, v41;
	v44 =	vand.u32 $0xFFFFFF80, v42  }
0x335: {  	v40 =	vld.idx.msk [tilespmem:v62+s23+$0x0], $0xffff;
	v33 =	vand.u32 $0x7F, v42;
	v29 =	vadd.s32 v7, v58;
	v22 =	vor.u32 v26, v22  }
0x336: {  	v26 =	vadd.s32 v23, v59;
	v63 =	vor.u32 v30, v31;
	v23 =	vadd.s32 v23, v36;
	v15 =	vld.idx.msk [tilespmem:v15+s18+$0x0], $0xffff  }
0x337: {  	v30 =	vadd.s32 v28, v38;
	v34 =	vadd.s32 v28, v43;
	v35 =	vadd.s32 v28, v44;
	v17 =	vld.idx.msk [tilespmem:v17+s18+$0x0], $0xffff  }
0x338: {  	v45 =	vand.u32 $0xFFFFFF80, v29;
	v29 =	vand.u32 $0x7F, v29;
	v26 =	vor.u32 v27, v26;
	v16 =	vld.idx.msk [tilespmem:v16+s18+$0x0], $0xffff  }
0x339: {  	v23 =	vor.u32 v24, v23;
	v24 =	vor.u32 v39, v30;
	v30 =	vand.u32 $0x7F, v41;
	v18 =	vld.idx.msk [tilespmem:v18+s18+$0x0], $0xffff  }
0x33a: {  	v33 =	vor.u32 v33, v35;
	v28 =	vadd.s32 v28, v45;
	v30 =	vor.u32 v30, v34;
	v19 =	vld.idx.msk [tilespmem:v19+s18+$0x0], $0xffff  }
0x33b: {  	v28 =	vor.u32 v29, v28;
	v46 =	vadd.s32 v0, v40;
	v48 =	vadd.s32 v5, v40;
	v20 =	vld.idx.msk [tilespmem:v20+s18+$0x0], $0xffff  }
0x33c: {  	v52 =	vadd.s32 v6, v40;
	v31 =	vadd.s32 v7, v40;
	v25 =	vld.idx.msk [tilespmem:v53+s18+$0x0], $0xffff;
	v47 =	vand.u32 $0xFFFFFF80, v46  }
0x33d: {  	v21 =	vld.idx.msk [tilespmem:v21+s18+$0x0], $0xffff;
	v35 =	vand.u32 $0x7F, v46;
	v50 =	vand.u32 $0xFFFFFF80, v48;
	v51 =	vand.u32 $0x7F, v48  }
0x33e: {  	s1 =	sadd.s32 $0xD0, s31;
	v53 =	vand.u32 $0xFFFFFF80, v52;
	v36 =	vand.u32 $0x7F, v52;
	v57 =	vand.u32 $0xFFFFFF80, v31;
	v22 =	vld.idx.msk [tilespmem:v22+s18+$0x0], $0xffff  }
0x33f: {  	v59 =	vand.u32 $0x7F, v31;
	v31 =	vmov s1;
	s1 =	sadd.s32 $0xD8, s31;
	v34 =	vadd.s32 v32, v47;
	v26 =	vld.idx.msk [tilespmem:v26+s18+$0x0], $0xffff  }
0x340: {  	v60 =	vadd.s32 v32, v57;
	v41 =	vmov s1;
	v49 =	vor.u32 v35, v34;
	v23 =	vld.idx.msk [tilespmem:v23+s18+$0x0], $0xffff  }
0x341: {  	v34 =	vadd.s32 v32, v50;
	v35 =	vadd.s32 v32, v53;
	v13 =	vadd.f32 v15, v13;
	v58 =	vld.idx.msk [tilespmem:v28+s18+$0x0], $0xffff  }
0x342: {  	v14 =	vadd.f32 v17, v14;
	v62 =	vor.u32 v59, v60;
	v12 =	vadd.f32 v16, v12;
	v28 =	vld.idx.msk [tilespmem:v54+s23+$0x0], $0xffff  }
0x343: {  	v27 =	vld.idx.msk [tilespmem:v63+s18+$0x0], $0xffff;
	s1 =	sadd.s32 $0xE0, s31;
	v34 =	vor.u32 v51, v34;
	v11 =	vadd.f32 v18, v11;
	v13 =	vadd.f32 v19, v13  }
0x344: {  	v24 =	vld.idx.msk [tilespmem:v24+s18+$0x0], $0xffff;
	v52 =	vmov s1;
	v12 =	vadd.f32 v20, v12;
	v14 =	vadd.f32 v21, v14  }
0x345: {  	v30 =	vld.idx.msk [tilespmem:v30+s18+$0x0], $0xffff;
	v56 =	vor.u32 v36, v35;
	v11 =	vadd.f32 v25, v11;
	v13 =	vadd.f32 v22, v13  }
0x346: {  	s1 =	sadd.s32 $0xE8, s31;
	v12 =	vadd.f32 v26, v12;
	v14 =	vadd.f32 v23, v14;
	v22 =	vshll.u32 v31, $0x7  }
0x347: {  	v18 =	vld.idx.msk [tilespmem:v62+s18+$0x0], $0xffff;
	v23 =	vshll.u32 v41, $0x7;
	v62 =	vmov s1;
	v32 =	vadd.s32 v0, v28  }
0x348: {  	v63 =	vld.idx.msk [tilespmem:v34+s18+$0x0], $0xffff;
	v34 =	vshll.u32 v54, $0x7;
	v35 =	vadd.s32 v5, v28;
	v39 =	vadd.s32 v6, v28  }
0x349: {  	v36 =	vld.idx.msk [tilespmem:v31+s23+$0x0], $0xffff;
	v20 =	vadd.s32 v7, v28;
	v11 =	vadd.f32 v27, v11;
	v13 =	vadd.f32 v24, v13  }
0x34a: {  	v28 =	vshll.u32 v52, $0x7;
	v12 =	vadd.f32 v30, v12;
	v14 =	vadd.f32 v58, v14  }
0x34b: {  	v55 =	vld.idx.msk [tilespmem:v33+s18+$0x0], $0xffff;
	v33 =	vand.u32 $0xFFFFFF80, v32;
	v15 =	vand.u32 $0x7F, v32;
	v37 =	vand.u32 $0xFFFFFF80, v35  }
0x34c: {  	v38 =	vand.u32 $0x7F, v35;
	v40 =	vand.u32 $0xFFFFFF80, v39;
	v19 =	vand.u32 $0x7F, v39  }
0x34d: {  	v42 =	vand.u32 $0xFFFFFF80, v20;
	v20 =	vand.u32 $0x7F, v20;
	v32 =	vshll.u32 v62, $0x7  }
0x34e: {  	v16 =	vadd.s32 v34, v33;
	v43 =	vadd.s32 v0, v36;
	v17 =	vadd.s32 v34, v42  }
0x34f: {  	v48 =	vld.idx.msk [tilespmem:v41+s23+$0x0], $0xffff;
	v47 =	vadd.s32 v5, v36;
	v50 =	vadd.s32 v6, v36;
	v21 =	vadd.s32 v7, v36  }
0x350: {  	v61 =	vld.idx.msk [tilespmem:v49+s18+$0x0], $0xffff;
	v11 =	vadd.f32 v55, v11;
	v15 =	vor.u32 v15, v16;
	v16 =	vadd.s32 v34, v37  }
0x351: {  	v44 =	vand.u32 $0xFFFFFF80, v43;
	v45 =	vand.u32 $0x7F, v43;
	v17 =	vor.u32 v20, v17  }
0x352: {  	v49 =	vand.u32 $0xFFFFFF80, v47;
	v20 =	vand.u32 $0x7F, v47;
	v51 =	vand.u32 $0xFFFFFF80, v50  }
0x353: {  	v26 =	vand.u32 $0x7F, v50;
	v54 =	vand.u32 $0xFFFFFF80, v21;
	v21 =	vand.u32 $0x7F, v21  }
0x354: {  	v55 =	vadd.s32 v0, v48;
	v57 =	vadd.s32 v5, v48;
	v60 =	vadd.s32 v6, v48  }
0x355: {  	v29 =	vld.idx.msk [tilespmem:v56+s18+$0x0], $0xffff;
	v24 =	vadd.s32 v7, v48;
	v13 =	vadd.f32 v61, v13;
	v14 =	vadd.f32 v18, v14  }
0x356: {  	v16 =	vor.u32 v38, v16;
	v18 =	vadd.s32 v34, v40;
	v46 =	vadd.s32 v22, v44  }
0x357: {  	v25 =	vadd.s32 v22, v49;
	v27 =	vadd.s32 v22, v51;
	v22 =	vadd.s32 v22, v54  }
0x358: {  	v56 =	vand.u32 $0xFFFFFF80, v55;
	v59 =	vand.u32 $0xFFFFFF80, v57;
	v61 =	vand.u32 $0xFFFFFF80, v60  }
0x359: {  	s1 =	sadd.s32 $0xF0, s31;
	v30 =	vand.u32 $0x7F, v60;
	v36 =	vand.u32 $0xFFFFFF80, v24;
	v24 =	vand.u32 $0x7F, v24  }
0x35a: {  	v58 =	vld.idx.msk [tilespmem:v52+s23+$0x0], $0xffff;
	v54 =	vmov s1;
	v12 =	vadd.f32 v63, v12;
	v11 =	vadd.f32 v29, v11  }
0x35b: {  	v18 =	vor.u32 v19, v18;
	v19 =	vor.u32 v45, v46;
	v20 =	vor.u32 v20, v25  }
0x35c: {  	v53 =	vor.u32 v26, v27;
	v21 =	vor.u32 v21, v22;
	v26 =	vand.u32 $0x7F, v55  }
0x35d: {  	v22 =	vadd.s32 v23, v56;
	v27 =	vand.u32 $0x7F, v57;
	v31 =	vadd.s32 v23, v61  }
0x35e: {  	v22 =	vor.u32 v26, v22;
	v26 =	vadd.s32 v23, v59;
	v63 =	vor.u32 v30, v31  }
0x35f: {  	v37 =	vadd.s32 v0, v58;
	v23 =	vadd.s32 v23, v36;
	v41 =	vadd.s32 v5, v58  }
0x360: {  	v40 =	vld.idx.msk [tilespmem:v62+s23+$0x0], $0xffff;
	v42 =	vadd.s32 v6, v58;
	v29 =	vadd.s32 v7, v58;
	v26 =	vor.u32 v27, v26  }
0x361: {  	v38 =	vand.u32 $0xFFFFFF80, v37;
	v23 =	vor.u32 v24, v23;
	v39 =	vand.u32 $0x7F, v37;
	v15 =	vld.idx.msk [tilespmem:v15+s18+$0x0], $0xffff  }
0x362: {  	v43 =	vand.u32 $0xFFFFFF80, v41;
	v44 =	vand.u32 $0xFFFFFF80, v42;
	v33 =	vand.u32 $0x7F, v42;
	v17 =	vld.idx.msk [tilespmem:v17+s18+$0x0], $0xffff  }
0x363: {  	v45 =	vand.u32 $0xFFFFFF80, v29;
	v29 =	vand.u32 $0x7F, v29;
	v30 =	vadd.s32 v28, v38;
	v16 =	vld.idx.msk [tilespmem:v16+s18+$0x0], $0xffff  }
0x364: {  	v34 =	vadd.s32 v28, v43;
	v35 =	vadd.s32 v28, v44;
	v28 =	vadd.s32 v28, v45;
	v18 =	vld.idx.msk [tilespmem:v18+s18+$0x0], $0xffff  }
0x365: {  	v24 =	vor.u32 v39, v30;
	v30 =	vand.u32 $0x7F, v41;
	v33 =	vor.u32 v33, v35;
	v19 =	vld.idx.msk [tilespmem:v19+s18+$0x0], $0xffff  }
0x366: {  	v46 =	vadd.s32 v0, v40;
	v48 =	vadd.s32 v5, v40;
	v28 =	vor.u32 v29, v28;
	v20 =	vld.idx.msk [tilespmem:v20+s18+$0x0], $0xffff  }
0x367: {  	v52 =	vadd.s32 v6, v40;
	v31 =	vadd.s32 v7, v40;
	v25 =	vld.idx.msk [tilespmem:v53+s18+$0x0], $0xffff;
	v30 =	vor.u32 v30, v34  }
0x368: {  	v21 =	vld.idx.msk [tilespmem:v21+s18+$0x0], $0xffff;
	v47 =	vand.u32 $0xFFFFFF80, v46;
	v35 =	vand.u32 $0x7F, v46;
	v50 =	vand.u32 $0xFFFFFF80, v48  }
0x369: {  	s1 =	sadd.s32 $0xF8, s31;
	v51 =	vand.u32 $0x7F, v48;
	v53 =	vand.u32 $0xFFFFFF80, v52;
	v36 =	vand.u32 $0x7F, v52;
	v22 =	vld.idx.msk [tilespmem:v22+s18+$0x0], $0xffff  }
0x36a: {  	v57 =	vand.u32 $0xFFFFFF80, v31;
	v59 =	vand.u32 $0x7F, v31;
	v31 =	vmov s1;
	s1 =	sadd.s32 $0x100, s31;
	v27 =	vld.idx.msk [tilespmem:v63+s18+$0x0], $0xffff  }
0x36b: {  	v34 =	vadd.s32 v32, v47;
	v60 =	vadd.s32 v32, v57;
	v41 =	vmov s1;
	v26 =	vld.idx.msk [tilespmem:v26+s18+$0x0], $0xffff  }
0x36c: {  	v49 =	vor.u32 v35, v34;
	v23 =	vld.idx.msk [tilespmem:v23+s18+$0x0], $0xffff;
	v34 =	vadd.s32 v32, v50;
	v35 =	vadd.s32 v32, v53  }
0x36d: {  	v62 =	vor.u32 v59, v60;
	v13 =	vadd.f32 v15, v13;
	v14 =	vadd.f32 v17, v14;
	v24 =	vld.idx.msk [tilespmem:v24+s18+$0x0], $0xffff  }
0x36e: {  	s1 =	sadd.s32 $0x108, s31;
	v34 =	vor.u32 v51, v34;
	v12 =	vadd.f32 v16, v12;
	v58 =	vld.idx.msk [tilespmem:v28+s18+$0x0], $0xffff;
	v11 =	vadd.f32 v18, v11  }
0x36f: {  	v52 =	vmov s1;
	v28 =	vld.idx.msk [tilespmem:v54+s23+$0x0], $0xffff;
	v13 =	vadd.f32 v19, v13;
	v14 =	vadd.f32 v21, v14  }
0x370: {  	v56 =	vor.u32 v36, v35;
	v30 =	vld.idx.msk [tilespmem:v30+s18+$0x0], $0xffff;
	v12 =	vadd.f32 v20, v12;
	v11 =	vadd.f32 v25, v11  }
0x371: {  	s1 =	sadd.s32 $0x110, s31;
	v36 =	vld.idx.msk [tilespmem:v31+s23+$0x0], $0xffff;
	v13 =	vadd.f32 v22, v13;
	v14 =	vadd.f32 v23, v14;
	v22 =	vshll.u32 v31, $0x7  }
0x372: {  	v18 =	vld.idx.msk [tilespmem:v62+s18+$0x0], $0xffff;
	v23 =	vshll.u32 v41, $0x7;
	v62 =	vmov s1;
	v12 =	vadd.f32 v26, v12  }
0x373: {  	v63 =	vld.idx.msk [tilespmem:v34+s18+$0x0], $0xffff;
	v34 =	vshll.u32 v54, $0x7;
	v11 =	vadd.f32 v27, v11;
	v13 =	vadd.f32 v24, v13  }
0x374: {  	v14 =	vadd.f32 v58, v14;
	v32 =	vadd.s32 v0, v28;
	v35 =	vadd.s32 v5, v28  }
0x375: {  	v55 =	vld.idx.msk [tilespmem:v33+s18+$0x0], $0xffff;
	v39 =	vadd.s32 v6, v28;
	v20 =	vadd.s32 v7, v28;
	v28 =	vshll.u32 v52, $0x7  }
0x376: {  	v12 =	vadd.f32 v30, v12;
	v33 =	vand.u32 $0xFFFFFF80, v32;
	v15 =	vand.u32 $0x7F, v32  }
0x377: {  	v37 =	vand.u32 $0xFFFFFF80, v35;
	v38 =	vand.u32 $0x7F, v35;
	v40 =	vand.u32 $0xFFFFFF80, v39  }
0x378: {  	v19 =	vand.u32 $0x7F, v39;
	v42 =	vand.u32 $0xFFFFFF80, v20;
	v43 =	vadd.s32 v0, v36  }
0x379: {  	v48 =	vld.idx.msk [tilespmem:v41+s23+$0x0], $0xffff;
	v20 =	vand.u32 $0x7F, v20;
	v47 =	vadd.s32 v5, v36;
	v50 =	vadd.s32 v6, v36  }
0x37a: {  	v61 =	vld.idx.msk [tilespmem:v49+s18+$0x0], $0xffff;
	v21 =	vadd.s32 v7, v36;
	v32 =	vshll.u32 v62, $0x7;
	v11 =	vadd.f32 v55, v11  }
0x37b: {  	v16 =	vadd.s32 v34, v33;
	v44 =	vand.u32 $0xFFFFFF80, v43;
	v17 =	vadd.s32 v34, v42  }
0x37c: {  	v45 =	vand.u32 $0x7F, v43;
	v49 =	vand.u32 $0xFFFFFF80, v47;
	v51 =	vand.u32 $0xFFFFFF80, v50  }
0x37d: {  	v26 =	vand.u32 $0x7F, v50;
	v54 =	vand.u32 $0xFFFFFF80, v21;
	v21 =	vand.u32 $0x7F, v21  }
0x37e: {  	v55 =	vadd.s32 v0, v48;
	v57 =	vadd.s32 v5, v48;
	v60 =	vadd.s32 v6, v48  }
0x37f: {  	v24 =	vadd.s32 v7, v48;
	v13 =	vadd.f32 v61, v13;
	v14 =	vadd.f32 v18, v14  }
0x380: {  	v29 =	vld.idx.msk [tilespmem:v56+s18+$0x0], $0xffff;
	v15 =	vor.u32 v15, v16;
	v16 =	vadd.s32 v34, v37;
	v18 =	vadd.s32 v34, v40  }
0x381: {  	v46 =	vadd.s32 v22, v44;
	v17 =	vor.u32 v20, v17;
	v20 =	vand.u32 $0x7F, v47  }
0x382: {  	v25 =	vadd.s32 v22, v49;
	v27 =	vadd.s32 v22, v51;
	v22 =	vadd.s32 v22, v54  }
0x383: {  	v56 =	vand.u32 $0xFFFFFF80, v55;
	v59 =	vand.u32 $0xFFFFFF80, v57;
	v61 =	vand.u32 $0xFFFFFF80, v60  }
0x384: {  	v30 =	vand.u32 $0x7F, v60;
	v40 =	vand.u32 $0xFFFFFF80, v24;
	v24 =	vand.u32 $0x7F, v24  }
0x385: {  	v58 =	vld.idx.msk [tilespmem:v52+s23+$0x0], $0xffff;
	v12 =	vadd.f32 v63, v12;
	v11 =	vadd.f32 v29, v11;
	v16 =	vor.u32 v38, v16  }
0x386: {  	v18 =	vor.u32 v19, v18;
	v19 =	vor.u32 v45, v46;
	v20 =	vor.u32 v20, v25  }
0x387: {  	v53 =	vor.u32 v26, v27;
	v21 =	vor.u32 v21, v22;
	v26 =	vand.u32 $0x7F, v55  }
0x388: {  	v22 =	vadd.s32 v23, v56;
	v27 =	vand.u32 $0x7F, v57;
	v31 =	vadd.s32 v23, v61  }
0x389: {  	v22 =	vor.u32 v26, v22;
	v26 =	vadd.s32 v23, v59;
	v63 =	vor.u32 v30, v31  }
0x38a: {  	s1 =	sadd.s32 $0x118, s31;
	v41 =	vadd.s32 v0, v58;
	v23 =	vadd.s32 v23, v40;
	v45 =	vadd.s32 v5, v58  }
0x38b: {  	v46 =	vadd.s32 v6, v58;
	v29 =	vadd.s32 v7, v58;
	v58 =	vmov s1  }
0x38c: {  	v44 =	vld.idx.msk [tilespmem:v62+s23+$0x0], $0xffff;
	v26 =	vor.u32 v27, v26;
	v42 =	vand.u32 $0xFFFFFF80, v41;
	v23 =	vor.u32 v24, v23  }
0x38d: {  	v43 =	vand.u32 $0x7F, v41;
	v47 =	vand.u32 $0xFFFFFF80, v45;
	v48 =	vand.u32 $0xFFFFFF80, v46  }
0x38e: {  	v33 =	vand.u32 $0x7F, v46;
	v49 =	vand.u32 $0xFFFFFF80, v29;
	v29 =	vand.u32 $0x7F, v29  }
0x38f: {  	s1 =	sadd.s32 $0x120, s31;
	v30 =	vadd.s32 v28, v42;
	v34 =	vadd.s32 v28, v47;
	v35 =	vadd.s32 v28, v48;
	v15 =	vld.idx.msk [tilespmem:v15+s18+$0x0], $0xffff  }
0x390: {  	v28 =	vadd.s32 v28, v49;
	v42 =	vmov s1;
	v17 =	vld.idx.msk [tilespmem:v17+s18+$0x0], $0xffff;
	v24 =	vor.u32 v43, v30  }
0x391: {  	v30 =	vand.u32 $0x7F, v45;
	v33 =	vor.u32 v33, v35;
	v50 =	vadd.s32 v0, v44;
	v16 =	vld.idx.msk [tilespmem:v16+s18+$0x0], $0xffff  }
0x392: {  	v52 =	vadd.s32 v5, v44;
	v28 =	vor.u32 v29, v28;
	v56 =	vadd.s32 v6, v44;
	v18 =	vld.idx.msk [tilespmem:v18+s18+$0x0], $0xffff  }
0x393: {  	v31 =	vadd.s32 v7, v44;
	v45 =	vshll.u32 v58, $0x7;
	v19 =	vld.idx.msk [tilespmem:v19+s18+$0x0], $0xffff;
	v30 =	vor.u32 v30, v34  }
0x394: {  	v20 =	vld.idx.msk [tilespmem:v20+s18+$0x0], $0xffff;
	v51 =	vand.u32 $0xFFFFFF80, v50;
	v35 =	vand.u32 $0x7F, v50;
	v54 =	vand.u32 $0xFFFFFF80, v52  }
0x395: {  	s1 =	sadd.s32 $0x128, s31;
	v25 =	vld.idx.msk [tilespmem:v53+s18+$0x0], $0xffff;
	v55 =	vand.u32 $0x7F, v52;
	v57 =	vand.u32 $0xFFFFFF80, v56;
	v36 =	vand.u32 $0x7F, v56  }
0x396: {  	v21 =	vld.idx.msk [tilespmem:v21+s18+$0x0], $0xffff;
	v61 =	vand.u32 $0xFFFFFF80, v31;
	v52 =	vmov s1;
	v34 =	vadd.s32 v32, v51  }
0x397: {  	v40 =	vld.idx.msk [tilespmem:v58+s23+$0x0], $0xffff;
	v53 =	vor.u32 v35, v34;
	v34 =	vadd.s32 v32, v54;
	v35 =	vadd.s32 v32, v57  }
0x398: {  	v27 =	vld.idx.msk [tilespmem:v63+s18+$0x0], $0xffff;
	v63 =	vand.u32 $0x7F, v31;
	v34 =	vor.u32 v55, v34;
	v60 =	vor.u32 v36, v35  }
0x399: {  	s1 =	sadd.s32 $0x130, s31;
	v22 =	vld.idx.msk [tilespmem:v22+s18+$0x0], $0xffff;
	v35 =	vadd.s32 v32, v61;
	v13 =	vadd.f32 v15, v13;
	v14 =	vadd.f32 v17, v14  }
0x39a: {  	v23 =	vld.idx.msk [tilespmem:v23+s18+$0x0], $0xffff;
	v38 =	vor.u32 v63, v35;
	v63 =	vmov s1;
	v12 =	vadd.f32 v16, v12  }
0x39b: {  	v62 =	vld.idx.msk [tilespmem:v28+s18+$0x0], $0xffff;
	v11 =	vadd.f32 v18, v11;
	v28 =	vshll.u32 v63, $0x7;
	v13 =	vadd.f32 v19, v13  }
0x39c: {  	v47 =	vld.idx.msk [tilespmem:v42+s23+$0x0], $0xffff;
	v14 =	vadd.f32 v21, v14;
	v43 =	vadd.s32 v0, v40;
	v46 =	vadd.s32 v5, v40  }
0x39d: {  	v50 =	vadd.s32 v6, v40;
	v12 =	vadd.f32 v20, v12;
	v11 =	vadd.f32 v25, v11  }
0x39e: {  	v44 =	vand.u32 $0xFFFFFF80, v43;
	v15 =	vand.u32 $0x7F, v43;
	v48 =	vand.u32 $0xFFFFFF80, v46  }
0x39f: {  	v26 =	vld.idx.msk [tilespmem:v26+s18+$0x0], $0xffff;
	v49 =	vand.u32 $0x7F, v46;
	v51 =	vand.u32 $0xFFFFFF80, v50;
	v19 =	vand.u32 $0x7F, v50  }
0x3a0: {  	v20 =	vadd.s32 v7, v40;
	v13 =	vadd.f32 v22, v13;
	v14 =	vadd.f32 v23, v14  }
0x3a1: {  	v36 =	vld.idx.msk [tilespmem:v53+s18+$0x0], $0xffff;
	v16 =	vadd.s32 v45, v44;
	v53 =	vand.u32 $0xFFFFFF80, v20;
	v54 =	vadd.s32 v0, v47  }
0x3a2: {  	v24 =	vld.idx.msk [tilespmem:v24+s18+$0x0], $0xffff;
	v20 =	vand.u32 $0x7F, v20;
	v22 =	vshll.u32 v42, $0x7;
	v58 =	vadd.s32 v5, v47  }
0x3a3: {  	v61 =	vadd.s32 v6, v47;
	v21 =	vadd.s32 v7, v47;
	v23 =	vshll.u32 v52, $0x7  }
0x3a4: {  	v59 =	vld.idx.msk [tilespmem:v33+s18+$0x0], $0xffff;
	v12 =	vadd.f32 v26, v12;
	v11 =	vadd.f32 v27, v11;
	v15 =	vor.u32 v15, v16  }
0x3a5: {  	v30 =	vld.idx.msk [tilespmem:v30+s18+$0x0], $0xffff;
	v16 =	vadd.s32 v45, v48;
	v55 =	vand.u32 $0xFFFFFF80, v54;
	v17 =	vadd.s32 v45, v53  }
0x3a6: {  	v41 =	vld.idx.msk [tilespmem:v60+s18+$0x0], $0xffff;
	v56 =	vand.u32 $0x7F, v54;
	v60 =	vand.u32 $0xFFFFFF80, v58;
	v26 =	vand.u32 $0x7F, v61  }
0x3a7: {  	v39 =	vld.idx.msk [tilespmem:v34+s18+$0x0], $0xffff;
	v37 =	vand.u32 $0xFFFFFF80, v21;
	v21 =	vand.u32 $0x7F, v21;
	v13 =	vadd.f32 v24, v13  }
0x3a8: {  	v18 =	vld.idx.msk [tilespmem:v38+s18+$0x0], $0xffff;
	v14 =	vadd.f32 v62, v14;
	v16 =	vor.u32 v49, v16;
	v57 =	vadd.s32 v22, v55  }
0x3a9: {  	v17 =	vor.u32 v20, v17;
	v20 =	vand.u32 $0x7F, v58;
	v25 =	vadd.s32 v22, v60  }
0x3aa: {  	v62 =	vand.u32 $0xFFFFFF80, v61;
	v12 =	vadd.f32 v30, v12;
	v11 =	vadd.f32 v59, v11;
	v59 =	vld.idx.msk [tilespmem:v52+s23+$0x0], $0xffff  }
0x3ab: {  	v27 =	vadd.s32 v22, v62;
	v20 =	vor.u32 v20, v25;
	v22 =	vadd.s32 v22, v37  }
0x3ac: {  	v13 =	vadd.f32 v36, v13;
	v36 =	vor.u32 v26, v27;
	v21 =	vor.u32 v21, v22  }
0x3ad: {  	s1 =	sadd.s32 $0x138, s31;
	v12 =	vadd.f32 v39, v12;
	v14 =	vadd.f32 v18, v14;
	v18 =	vadd.s32 v45, v51  }
0x3ae: {  	v11 =	vadd.f32 v41, v11;
	v45 =	vmov s1;
	v18 =	vor.u32 v19, v18  }
0x3af: {  	v41 =	vld.idx.msk [tilespmem:v63+s23+$0x0], $0xffff;
	v19 =	vor.u32 v56, v57;
	v32 =	vshll.u32 v45, $0x7;
	v38 =	vadd.s32 v0, v59  }
0x3b0: {  	v40 =	vadd.s32 v5, v59;
	v43 =	vadd.s32 v6, v59;
	v24 =	vadd.s32 v7, v59  }
0x3b1: {  	v39 =	vand.u32 $0xFFFFFF80, v38;
	v26 =	vand.u32 $0x7F, v38;
	v42 =	vand.u32 $0xFFFFFF80, v40  }
0x3b2: {  	v27 =	vand.u32 $0x7F, v40;
	v44 =	vand.u32 $0xFFFFFF80, v43;
	v30 =	vand.u32 $0x7F, v43  }
0x3b3: {  	v47 =	vand.u32 $0xFFFFFF80, v24;
	v24 =	vand.u32 $0x7F, v24;
	v22 =	vadd.s32 v23, v39  }
0x3b4: {  	v15 =	vld.idx.msk [tilespmem:v15+s18+$0x0], $0xffff;
	s1 =	sadd.s32 $0x140, s31;
	v31 =	vadd.s32 v23, v44;
	v48 =	vadd.s32 v0, v41;
	v52 =	vadd.s32 v5, v41  }
0x3b5: {  	v53 =	vadd.s32 v6, v41;
	v29 =	vadd.s32 v7, v41;
	v41 =	vmov s1  }
0x3b6: {  	v16 =	vld.idx.msk [tilespmem:v16+s18+$0x0], $0xffff;
	v22 =	vor.u32 v26, v22;
	v26 =	vadd.s32 v23, v42;
	v46 =	vor.u32 v30, v31  }
0x3b7: {  	v17 =	vld.idx.msk [tilespmem:v17+s18+$0x0], $0xffff;
	v23 =	vadd.s32 v23, v47;
	v49 =	vand.u32 $0xFFFFFF80, v48;
	v50 =	vand.u32 $0x7F, v48  }
0x3b8: {  	v20 =	vld.idx.msk [tilespmem:v20+s18+$0x0], $0xffff;
	v54 =	vand.u32 $0xFFFFFF80, v52;
	v55 =	vand.u32 $0xFFFFFF80, v53;
	v33 =	vand.u32 $0x7F, v53  }
0x3b9: {  	v21 =	vld.idx.msk [tilespmem:v21+s18+$0x0], $0xffff;
	s1 =	sadd.s32 $0x148, s31;
	v56 =	vand.u32 $0xFFFFFF80, v29;
	v29 =	vand.u32 $0x7F, v29;
	v13 =	vadd.f32 v15, v13  }
0x3ba: {  	v51 =	vld.idx.msk [tilespmem:v45+s23+$0x0], $0xffff;
	v53 =	vmov s1;
	v26 =	vor.u32 v27, v26;
	v23 =	vor.u32 v24, v23  }
0x3bb: {  	v30 =	vadd.s32 v28, v49;
	v34 =	vadd.s32 v28, v54;
	v35 =	vadd.s32 v28, v55  }
0x3bc: {  	v28 =	vadd.s32 v28, v56;
	v12 =	vadd.f32 v16, v12;
	v14 =	vadd.f32 v17, v14  }
0x3bd: {  	v56 =	vshll.u32 v41, $0x7;
	v24 =	vor.u32 v50, v30;
	v30 =	vand.u32 $0x7F, v52  }
0x3be: {  	v18 =	vld.idx.msk [tilespmem:v18+s18+$0x0], $0xffff;
	v33 =	vor.u32 v33, v35;
	v28 =	vor.u32 v29, v28;
	v30 =	vor.u32 v30, v34  }
0x3bf: {  	v19 =	vld.idx.msk [tilespmem:v19+s18+$0x0], $0xffff;
	v12 =	vadd.f32 v20, v12;
	v14 =	vadd.f32 v21, v14;
	v57 =	vadd.s32 v0, v51  }
0x3c0: {  	v25 =	vld.idx.msk [tilespmem:v36+s18+$0x0], $0xffff;
	v59 =	vadd.s32 v5, v51;
	v63 =	vadd.s32 v6, v51;
	v31 =	vadd.s32 v7, v51  }
0x3c1: {  	v22 =	vld.idx.msk [tilespmem:v22+s18+$0x0], $0xffff;
	v58 =	vand.u32 $0xFFFFFF80, v57;
	v35 =	vand.u32 $0x7F, v57;
	v61 =	vand.u32 $0xFFFFFF80, v59  }
0x3c2: {  	v27 =	vld.idx.msk [tilespmem:v46+s18+$0x0], $0xffff;
	v62 =	vand.u32 $0x7F, v59;
	v40 =	vand.u32 $0xFFFFFF80, v63;
	v36 =	vand.u32 $0x7F, v63  }
0x3c3: {  	s1 =	sadd.s32 $0x150, s31;
	v51 =	vld.idx.msk [tilespmem:v41+s23+$0x0], $0xffff;
	v44 =	vand.u32 $0xFFFFFF80, v31;
	v46 =	vand.u32 $0x7F, v31;
	v11 =	vadd.f32 v18, v11  }
0x3c4: {  	v26 =	vld.idx.msk [tilespmem:v26+s18+$0x0], $0xffff;
	v13 =	vadd.f32 v19, v13;
	v63 =	vmov s1;
	s1 =	sadd.s32 $0x158, s31;
	v34 =	vadd.s32 v32, v58  }
0x3c5: {  	v23 =	vld.idx.msk [tilespmem:v23+s18+$0x0], $0xffff;
	v47 =	vadd.s32 v32, v44;
	v41 =	vmov s1;
	v60 =	vor.u32 v35, v34  }
0x3c6: {  	v24 =	vld.idx.msk [tilespmem:v24+s18+$0x0], $0xffff;
	v34 =	vadd.s32 v32, v61;
	v35 =	vadd.s32 v32, v40;
	v11 =	vadd.f32 v25, v11  }
0x3c7: {  	v45 =	vld.idx.msk [tilespmem:v28+s18+$0x0], $0xffff;
	v49 =	vor.u32 v46, v47;
	v28 =	vshll.u32 v41, $0x7;
	v34 =	vor.u32 v62, v34  }
0x3c8: {  	v42 =	vld.idx.msk [tilespmem:v33+s18+$0x0], $0xffff;
	v43 =	vor.u32 v36, v35;
	v13 =	vadd.f32 v22, v13;
	v11 =	vadd.f32 v27, v11  }
0x3c9: {  	v58 =	vld.idx.msk [tilespmem:v53+s23+$0x0], $0xffff;
	v54 =	vadd.s32 v0, v51;
	v57 =	vadd.s32 v5, v51;
	v61 =	vadd.s32 v6, v51  }
0x3ca: {  	v20 =	vadd.s32 v7, v51;
	v22 =	vshll.u32 v53, $0x7;
	v12 =	vadd.f32 v26, v12  }
0x3cb: {  	v30 =	vld.idx.msk [tilespmem:v30+s18+$0x0], $0xffff;
	v14 =	vadd.f32 v23, v14;
	v55 =	vand.u32 $0xFFFFFF80, v54;
	v16 =	vand.u32 $0x7F, v54  }
0x3cc: {  	v59 =	vand.u32 $0xFFFFFF80, v57;
	v62 =	vand.u32 $0xFFFFFF80, v61;
	v19 =	vand.u32 $0x7F, v61  }
0x3cd: {  	v31 =	vand.u32 $0xFFFFFF80, v20;
	v20 =	vand.u32 $0x7F, v20;
	v23 =	vshll.u32 v63, $0x7  }
0x3ce: {  	v13 =	vadd.f32 v24, v13;
	v15 =	vadd.f32 v42, v11;
	v32 =	vadd.s32 v0, v58  }
0x3cf: {  	v17 =	vadd.s32 v56, v31;
	v36 =	vadd.s32 v5, v58;
	v39 =	vadd.s32 v6, v58  }
0x3d0: {  	v37 =	vld.idx.msk [tilespmem:v63+s23+$0x0], $0xffff;
	v21 =	vadd.s32 v7, v58;
	v12 =	vadd.f32 v30, v12;
	v14 =	vadd.f32 v45, v14  }
0x3d1: {  	v48 =	vld.idx.msk [tilespmem:v60+s18+$0x0], $0xffff;
	v60 =	vand.u32 $0x7F, v57;
	v33 =	vand.u32 $0xFFFFFF80, v32;
	v17 =	vor.u32 v20, v17  }
0x3d2: {  	v38 =	vand.u32 $0xFFFFFF80, v36;
	v20 =	vand.u32 $0x7F, v36;
	v40 =	vand.u32 $0xFFFFFF80, v39  }
0x3d3: {  	v26 =	vand.u32 $0x7F, v39;
	v50 =	vld.idx.msk [tilespmem:v34+s18+$0x0], $0xffff;
	v34 =	vand.u32 $0x7F, v32;
	v35 =	vadd.s32 v22, v33  }
0x3d4: {  	v52 =	vld.idx.msk [tilespmem:v43+s18+$0x0], $0xffff;
	v25 =	vadd.s32 v22, v38;
	v27 =	vadd.s32 v22, v40;
	v43 =	vand.u32 $0xFFFFFF80, v21  }
0x3d5: {  	v18 =	vld.idx.msk [tilespmem:v49+s18+$0x0], $0xffff;
	v21 =	vand.u32 $0x7F, v21;
	v20 =	vor.u32 v20, v25;
	v22 =	vadd.s32 v22, v43  }
0x3d6: {  	v42 =	vor.u32 v26, v27;
	v44 =	vadd.s32 v0, v37;
	v21 =	vor.u32 v21, v22  }
0x3d7: {  	v46 =	vadd.s32 v5, v37;
	v24 =	vadd.s32 v7, v37;
	v45 =	vand.u32 $0xFFFFFF80, v44  }
0x3d8: {  	v26 =	vand.u32 $0x7F, v44;
	v47 =	vand.u32 $0xFFFFFF80, v46;
	v27 =	vand.u32 $0x7F, v46  }
0x3d9: {  	v53 =	vand.u32 $0xFFFFFF80, v24;
	v24 =	vand.u32 $0x7F, v24;
	v13 =	vadd.f32 v48, v13  }
0x3da: {  	v14 =	vadd.f32 v18, v14;
	v18 =	vadd.s32 v56, v62;
	v22 =	vadd.s32 v23, v45  }
0x3db: {  	v29 =	vadd.s32 v23, v47;
	v11 =	vadd.f32 v50, v12;
	v12 =	vadd.f32 v52, v15  }
0x3dc: {  	v15 =	vadd.s32 v56, v55;
	v18 =	vor.u32 v19, v18;
	v19 =	vor.u32 v34, v35  }
0x3dd: {  	s1 =	sadd.s32 $0x160, s31;
	v48 =	vld.idx.msk [tilespmem:v41+s23+$0x0], $0xffff;
	v22 =	vor.u32 v26, v22;
	v49 =	vor.u32 v27, v29;
	v50 =	vadd.s32 v6, v37  }
0x3de: {  	v17 =	vld.idx.msk [tilespmem:v17+s18+$0x0], $0xffff;
	v52 =	vmov s1;
	s1 =	sadd.s32 $0x168, s31;
	v15 =	vor.u32 v16, v15;
	v16 =	vadd.s32 v56, v59  }
0x3df: {  	v51 =	vand.u32 $0xFFFFFF80, v50;
	v27 =	vand.u32 $0x7F, v50;
	v59 =	vmov s1  }
0x3e0: {  	v31 =	vshll.u32 v52, $0x7;
	v16 =	vor.u32 v60, v16;
	v29 =	vadd.s32 v23, v51  }
0x3e1: {  	v23 =	vadd.s32 v23, v53;
	v35 =	vshll.u32 v59, $0x7;
	v27 =	vor.u32 v27, v29  }
0x3e2: {  	v23 =	vor.u32 v24, v23;
	v54 =	vadd.s32 v0, v48;
	v57 =	vadd.s32 v5, v48  }
0x3e3: {  	v62 =	vadd.s32 v6, v48;
	v30 =	vadd.s32 v7, v48;
	v14 =	vadd.f32 v17, v14  }
0x3e4: {  	v21 =	vld.idx.msk [tilespmem:v21+s18+$0x0], $0xffff;
	v55 =	vand.u32 $0xFFFFFF80, v54;
	v56 =	vand.u32 $0x7F, v54;
	v58 =	vand.u32 $0xFFFFFF80, v57  }
0x3e5: {  	s1 =	sadd.s32 $0x170, s31;
	v34 =	vld.idx.msk [tilespmem:v52+s23+$0x0], $0xffff;
	v60 =	vand.u32 $0x7F, v57;
	v63 =	vand.u32 $0xFFFFFF80, v62;
	v32 =	vand.u32 $0x7F, v62  }
0x3e6: {  	v18 =	vld.idx.msk [tilespmem:v18+s18+$0x0], $0xffff;
	v40 =	vand.u32 $0xFFFFFF80, v30;
	v30 =	vand.u32 $0x7F, v30;
	v57 =	vmov s1  }
0x3e7: {  	v25 =	vld.idx.msk [tilespmem:v42+s18+$0x0], $0xffff;
	v24 =	vadd.s32 v28, v55;
	v61 =	vadd.s32 v28, v58;
	v33 =	vadd.s32 v28, v63  }
0x3e8: {  	v15 =	vld.idx.msk [tilespmem:v15+s18+$0x0], $0xffff;
	v28 =	vadd.s32 v28, v40;
	v24 =	vor.u32 v56, v24;
	v29 =	vor.u32 v60, v61  }
0x3e9: {  	v42 =	vld.idx.msk [tilespmem:v59+s23+$0x0], $0xffff;
	v32 =	vor.u32 v32, v33;
	v28 =	vor.u32 v30, v28;
	v14 =	vadd.f32 v21, v14  }
0x3ea: {  	v21 =	vshll.u32 v57, $0x7;
	v41 =	vadd.s32 v0, v34;
	v44 =	vadd.s32 v5, v34  }
0x3eb: {  	v20 =	vld.idx.msk [tilespmem:v20+s18+$0x0], $0xffff;
	v39 =	vadd.s32 v6, v34;
	v12 =	vadd.f32 v18, v12;
	v60 =	vadd.s32 v7, v34  }
0x3ec: {  	v16 =	vld.idx.msk [tilespmem:v16+s18+$0x0], $0xffff;
	v43 =	vand.u32 $0xFFFFFF80, v41;
	v30 =	vand.u32 $0x7F, v41;
	v38 =	vand.u32 $0xFFFFFF80, v44  }
0x3ed: {  	v19 =	vld.idx.msk [tilespmem:v19+s18+$0x0], $0xffff;
	v37 =	vand.u32 $0x7F, v44;
	v46 =	vand.u32 $0xFFFFFF80, v39;
	v47 =	vand.u32 $0x7F, v39  }
0x3ee: {  	v22 =	vld.idx.msk [tilespmem:v22+s18+$0x0], $0xffff;
	v48 =	vadd.s32 v0, v42;
	v13 =	vadd.f32 v15, v13;
	v61 =	vand.u32 $0xFFFFFF80, v60  }
0x3ef: {  	v26 =	vld.idx.msk [tilespmem:v49+s18+$0x0], $0xffff;
	v15 =	vand.u32 $0x7F, v60;
	v62 =	vadd.s32 v5, v42;
	v33 =	vadd.s32 v7, v42  }
0x3f0: {  	v23 =	vld.idx.msk [tilespmem:v23+s18+$0x0], $0xffff;
	v36 =	vadd.s32 v31, v43;
	v38 =	vadd.s32 v31, v38;
	v49 =	vand.u32 $0xFFFFFF80, v48  }
0x3f1: {  	s1 =	sadd.s32 $0x178, s31;
	v27 =	vld.idx.msk [tilespmem:v27+s18+$0x0], $0xffff;
	v51 =	vand.u32 $0x7F, v48;
	v11 =	vadd.f32 v16, v11;
	v12 =	vadd.f32 v25, v12  }
0x3f2: {  	v50 =	vld.idx.msk [tilespmem:v32+s18+$0x0], $0xffff;
	v16 =	vadd.s32 v31, v61;
	v17 =	vand.u32 $0x7F, v62;
	v32 =	vmov s1  }
0x3f3: {  	v63 =	vld.idx.msk [tilespmem:v57+s23+$0x0], $0xffff;
	v34 =	vand.u32 $0xFFFFFF80, v33;
	v30 =	vor.u32 v30, v36;
	v45 =	vor.u32 v37, v38  }
0x3f4: {  	v37 =	vadd.s32 v31, v46;
	v38 =	vadd.s32 v35, v49;
	v13 =	vadd.f32 v19, v13  }
0x3f5: {  	v24 =	vld.idx.msk [tilespmem:v24+s18+$0x0], $0xffff;
	v14 =	vadd.f32 v23, v14;
	v15 =	vor.u32 v15, v16;
	v37 =	vor.u32 v47, v37  }
0x3f6: {  	v29 =	vld.idx.msk [tilespmem:v29+s18+$0x0], $0xffff;
	s1 =	sadd.s32 $0x180, s31;
	v53 =	vor.u32 v51, v38;
	v11 =	vadd.f32 v20, v11;
	v12 =	vadd.f32 v27, v12  }
0x3f7: {  	v52 =	vld.idx.msk [tilespmem:v28+s18+$0x0], $0xffff;
	v47 =	vmov s1;
	v20 =	vshll.u32 v32, $0x7;
	v13 =	vadd.f32 v22, v13  }
0x3f8: {  	s1 =	sadd.s32 $0x188, s31;
	v36 =	vadd.s32 v0, v63;
	v22 =	vand.u32 $0x7F, v33;
	v19 =	vadd.s32 v7, v63  }
0x3f9: {  	v57 =	vmov s1;
	v28 =	vshll.u32 v47, $0x7;
	v11 =	vadd.f32 v26, v11  }
0x3fa: {  	v23 =	vand.u32 $0x7F, v36;
	v49 =	vand.u32 $0xFFFFFF80, v19;
	v19 =	vand.u32 $0x7F, v19  }
0x3fb: {  	v13 =	vadd.f32 v24, v13;
	v12 =	vadd.f32 v50, v12;
	v43 =	vld.idx.msk [tilespmem:v32+s23+$0x0], $0xffff;
	v32 =	vshll.u32 v57, $0x7  }
0x3fc: {  	v54 =	vld.idx.msk [tilespmem:v30+s18+$0x0], $0xffff;
	v58 =	vadd.f32 v29, v11;
	v11 =	vadd.f32 v52, v14;
	v29 =	vand.u32 $0xFFFFFF80, v62  }
0x3fd: {  	v55 =	vld.idx.msk [tilespmem:v45+s18+$0x0], $0xffff;
	v30 =	vadd.s32 v6, v42;
	v42 =	vadd.s32 v5, v63;
	v45 =	vadd.s32 v6, v63  }
0x3fe: {  	v56 =	vld.idx.msk [tilespmem:v37+s18+$0x0], $0xffff;
	v16 =	vadd.s32 v35, v29;
	v31 =	vand.u32 $0xFFFFFF80, v30;
	v37 =	vand.u32 $0xFFFFFF80, v36  }
0x3ff: {  	v44 =	vand.u32 $0xFFFFFF80, v42;
	v46 =	vand.u32 $0xFFFFFF80, v45;
	v26 =	vand.u32 $0x7F, v45  }
0x400: {  	v16 =	vor.u32 v17, v16;
	v17 =	vadd.s32 v35, v31;
	v24 =	vadd.s32 v21, v37  }
0x401: {  	v25 =	vadd.s32 v21, v44;
	v27 =	vadd.s32 v21, v46;
	v21 =	vadd.s32 v21, v49  }
0x402: {  	v18 =	vld.idx.msk [tilespmem:v53+s18+$0x0], $0xffff;
	v38 =	vor.u32 v23, v24;
	v23 =	vand.u32 $0x7F, v42;
	v48 =	vor.u32 v26, v27  }
0x403: {  	v53 =	vld.idx.msk [tilespmem:v47+s23+$0x0], $0xffff;
	v19 =	vor.u32 v19, v21;
	v23 =	vor.u32 v23, v25;
	v50 =	vadd.s32 v0, v43  }
0x404: {  	v52 =	vadd.s32 v5, v43;
	v24 =	vadd.s32 v7, v43;
	v59 =	vadd.f32 v54, v13  }
0x405: {  	v13 =	vadd.f32 v55, v58;
	v51 =	vand.u32 $0xFFFFFF80, v50;
	v26 =	vand.u32 $0x7F, v50  }
0x406: {  	v54 =	vand.u32 $0xFFFFFF80, v52;
	v55 =	vadd.s32 v6, v43;
	v27 =	vand.u32 $0x7F, v52  }
0x407: {  	v12 =	vadd.f32 v56, v12;
	v21 =	vadd.s32 v20, v51;
	v56 =	vand.u32 $0xFFFFFF80, v55  }
0x408: {  	v60 =	vadd.s32 v0, v53;
	v39 =	vadd.s32 v5, v53;
	v40 =	vadd.s32 v6, v53  }
0x409: {  	v63 =	vld.idx.msk [tilespmem:v57+s23+$0x0], $0xffff;
	v29 =	vadd.s32 v7, v53;
	v14 =	vadd.f32 v18, v59;
	v18 =	vand.u32 $0x7F, v30  }
0x40a: {  	v21 =	vor.u32 v26, v21;
	v26 =	vadd.s32 v20, v54;
	v30 =	vand.u32 $0x7F, v55  }
0x40b: {  	v31 =	vadd.s32 v20, v56;
	v59 =	vand.u32 $0xFFFFFF80, v24;
	v24 =	vand.u32 $0x7F, v24  }
0x40c: {  	v15 =	vld.idx.msk [tilespmem:v15+s18+$0x0], $0xffff;
	v61 =	vand.u32 $0xFFFFFF80, v60;
	v62 =	vand.u32 $0x7F, v60;
	v41 =	vand.u32 $0xFFFFFF80, v39  }
0x40d: {  	v16 =	vld.idx.msk [tilespmem:v16+s18+$0x0], $0xffff;
	v42 =	vand.u32 $0xFFFFFF80, v40;
	v33 =	vand.u32 $0x7F, v40;
	v43 =	vand.u32 $0xFFFFFF80, v29  }
0x40e: {  	v29 =	vand.u32 $0x7F, v29;
	v44 =	vadd.s32 v0, v63;
	v17 =	vor.u32 v18, v17;
	v25 =	vld.idx.msk [tilespmem:v48+s18+$0x0], $0xffff  }
0x40f: {  	v46 =	vadd.s32 v5, v63;
	v18 =	vadd.s32 v35, v34;
	v26 =	vor.u32 v27, v26;
	v19 =	vld.idx.msk [tilespmem:v19+s18+$0x0], $0xffff  }
0x410: {  	v50 =	vadd.s32 v6, v63;
	v58 =	vor.u32 v30, v31;
	v18 =	vor.u32 v22, v18;
	v22 =	vld.idx.msk [tilespmem:v38+s18+$0x0], $0xffff  }
0x411: {  	v20 =	vadd.s32 v20, v59;
	v30 =	vadd.s32 v28, v61;
	v34 =	vadd.s32 v28, v41;
	v23 =	vld.idx.msk [tilespmem:v23+s18+$0x0], $0xffff  }
0x412: {  	v35 =	vadd.s32 v28, v42;
	v28 =	vadd.s32 v28, v43;
	v20 =	vor.u32 v24, v20;
	v21 =	vld.idx.msk [tilespmem:v21+s18+$0x0], $0xffff  }
0x413: {  	v45 =	vand.u32 $0xFFFFFF80, v44;
	v48 =	vand.u32 $0xFFFFFF80, v46;
	v24 =	vor.u32 v62, v30;
	v17 =	vld.idx.msk [tilespmem:v17+s18+$0x0], $0xffff  }
0x414: {  	v49 =	vand.u32 $0x7F, v46;
	v51 =	vand.u32 $0xFFFFFF80, v50;
	v33 =	vor.u32 v33, v35;
	v26 =	vld.idx.msk [tilespmem:v26+s18+$0x0], $0xffff  }
0x415: {  	v31 =	vadd.s32 v7, v63;
	v30 =	vand.u32 $0x7F, v39;
	v28 =	vor.u32 v29, v28;
	v27 =	vld.idx.msk [tilespmem:v58+s18+$0x0], $0xffff  }
0x416: {  	v35 =	vand.u32 $0x7F, v44;
	v30 =	vor.u32 v30, v34;
	v34 =	vadd.s32 v32, v45;
	v18 =	vld.idx.msk [tilespmem:v18+s18+$0x0], $0xffff  }
0x417: {  	v36 =	vand.u32 $0x7F, v50;
	v47 =	vor.u32 v35, v34;
	v34 =	vadd.s32 v32, v48;
	v20 =	vld.idx.msk [tilespmem:v20+s18+$0x0], $0xffff  }
0x418: {  	v52 =	vand.u32 $0xFFFFFF80, v31;
	v35 =	vadd.s32 v32, v51;
	v34 =	vor.u32 v49, v34;
	v24 =	vld.idx.msk [tilespmem:v24+s18+$0x0], $0xffff  }
0x419: {  	v31 =	vand.u32 $0x7F, v31;
	v32 =	vadd.s32 v32, v52;
	v35 =	vor.u32 v36, v35;
	v54 =	vld.idx.msk [tilespmem:v33+s18+$0x0], $0xffff  }
0x41a: {  	s1 =	rddreg [dreg:$0x4];
	v11 =	vadd.f32 v15, v11;
	v13 =	vadd.f32 v16, v13;
	v53 =	vor.u32 v31, v32;
	v55 =	vld.idx.msk [tilespmem:v28+s18+$0x0], $0xffff  }
0x41b: {  	s0 =	sadd.s32 s31, s1;
	v14 =	vadd.f32 v22, v14;
	v30 =	vld.idx.msk [tilespmem:v30+s18+$0x0], $0xffff;
	v12 =	vadd.f32 v17, v12  }
0x41c: {  	v57 =	vmov s0;
	v13 =	vadd.f32 v23, v13;
	v56 =	vld.idx.msk [tilespmem:v47+s18+$0x0], $0xffff;
	v11 =	vadd.f32 v18, v11  }
0x41d: {  	v22 =	vand.u32 $0x7F, v57;
	v14 =	vadd.f32 v21, v14;
	v58 =	vld.idx.msk [tilespmem:v34+s18+$0x0], $0xffff;
	v12 =	vadd.f32 v25, v12  }
0x41e: {  	v22 =	vbroadcast v22, $0x0;
	v59 =	vld.idx.msk [tilespmem:v35+s18+$0x0], $0xffff;
	v13 =	vadd.f32 v26, v13;
	v11 =	vadd.f32 v19, v11  }
0x41f: {  	v15 =	vld.idx.msk [tilespmem:v53+s18+$0x0], $0xffff;
	v14 =	vadd.f32 v24, v14;
	v12 =	vadd.f32 v27, v12  }
0x420: {  	v60 =	vor.u32 v4, v22;
	v13 =	vadd.f32 v30, v13;
	v11 =	vadd.f32 v20, v11  }
0x421: {  	v61 =	vor.u32 v8, v22;
	v14 =	vadd.f32 v56, v14;
	v12 =	vadd.f32 v54, v12  }
0x422: {  	v62 =	vor.u32 v9, v22;
	v13 =	vadd.f32 v58, v13;
	v11 =	vadd.f32 v55, v11  }
0x423: {  	p1 =	sne.s32 s31, $0x7;
	v63 =	vor.u32 v10, v22;
	v14 =	vmul.f32 $1.999999960e-02, v14;
	v12 =	vadd.f32 v59, v12  }
.Ltmp9:
0x424: {  	v13 =	vmul.f32 $1.999999960e-02, v13;
	v11 =	vadd.f32 v15, v11;
	(pc) =	sbr.rel @p1 .LBB2_13-.Ltmp9, $4  }
0x425: {  	[tilespmem:v60+s21+$0x0] =	vst.idx.msk $0xffff, v14;
	v12 =	vmul.f32 $1.999999960e-02, v12  }
0x426: {  	[tilespmem:v61+s21+$0x0] =	vst.idx.msk $0xffff, v13;
	v11 =	vmul.f32 $1.999999960e-02, v11  }
0x427: {  	[tilespmem:v62+s21+$0x0] =	vst.idx.msk $0xffff, v12  }
0x428: {  	s31 =	sadd.s32 $0x1, s31;
	[tilespmem:v63+s21+$0x0] =	vst.idx.msk $0xffff, v11  }
.Ltmp10:
0x429: {  	(pc) =	sbr.rel @p0 .LBB2_19-.Ltmp10, $1  }
0x42a: {  	_ =	sdelay $0x3  }
0x42b: {  	s0 =	simm.s32 $0x0  }
0x42c: {  	s1 =	sadd.s32 $0x18, s29;
	v11 =	vmov s0  }
0x42d: {  	s1 =	sand.u32 $0x78, s1;
	v12 =	vshll.u32 v11, $0x7  }
0x42e: {  	v11 =	vor.u32 s1, v2;
	v12 =	vor.u32 v1, v12  }
0x42f: {  	v12 =	vor.u32 v11, v12;
	_ =	sdelay $0x4  }
0x430: {  	v12 =	vld.idx.msk [tilespmem:v12+s3+$0x0], $0xffff  }
0x431: {  	s1 =	simm.s32 $0x2  }
0x432: {  	v13 =	vmov s1  }
0x433: {  	v13 =	vshll.u32 v13, $0x7  }
0x434: {  	v13 =	vor.u32 v1, v13  }
0x435: {  	v13 =	vor.u32 v11, v13;
	v14 =	vshrl.u32 v12, $0x1  }
0x436: {  	v15 =	vand.u32 $0xFFF, v12;
	v14 =	vand.u32 $0x7FFFF000, v14  }
0x437: {  	s31 =	simm.s32 $0x1CE00;
	v12 =	vshrl.u32 v12, $0x6;
	v14 =	vor.u32 v15, v14  }
0x438: {  	s0 =	simm.s32 $0x1D200;
	v12 =	vand.u32 $0x40, v12;
	[tilespmem:s31+$0x0] =	vst v14  }
0x439: {  	[tilespmem:s0+$0x0] =	vst v12  }
0x43a: {  	v12 =	vld.idx.msk [tilespmem:v13+s3+$0x0], $0xffff  }
0x43b: {  	s1 =	simm.s32 $0x4  }
0x43c: {  	v14 =	vmov s1  }
0x43d: {  	s1 =	simm.s32 $0x6;
	v13 =	vshll.u32 v14, $0x7  }
.LBB2_16:
0x43e: {  	p0 =	sne.s32 s1, $0x30;
	v13 =	vor.u32 v1, v13  }
0x43f: {  	v14 =	vshrl.u32 v12, $0x1;
	v15 =	vshrl.u32 v12, $0x6;
	v13 =	vor.u32 v11, v13  }
0x440: {  	v12 =	vand.u32 $0xFFF, v12;
	v14 =	vand.u32 $0x7FFFF000, v14  }
0x441: {  	s31 =	sadd.s32 $0x10, s31;
	v12 =	vor.u32 v12, v14  }
0x442: {  	s0 =	sadd.s32 $0x10, s0;
	[tilespmem:s31+$0x0] =	vst v12;
	v12 =	vand.u32 $0x40, v15  }
0x443: {  	[tilespmem:s0+$0x0] =	vst v12  }
.Ltmp11:
0x444: {  	v12 =	vld.idx.msk [tilespmem:v13+s3+$0x0], $0xffff;
	(pc) =	sbr.rel @p0 .LBB2_16-.Ltmp11, $3  }
0x445: {  	_ =	sdelay $0x1  }
0x446: {  	v13 =	vmov s1  }
0x447: {  	s1 =	sadd.s32 $0x2, s1;
	v13 =	vshll.u32 v13, $0x7  }
0x448: {  	v13 =	vor.u32 v1, v13  }
0x449: {  	v60 =	vshrl.u32 v12, $0x1;
	v11 =	vor.u32 v11, v13  }
0x44a: {  	v14 =	vand.u32 $0xFFF, v12;
	v13 =	vand.u32 $0x7FFFF000, v60  }
0x44b: {  	v61 =	vshrl.u32 v12, $0x6;
	s1 =	sadd.s32 $0x10, s31;
	v13 =	vor.u32 v14, v13  }
0x44c: {  	s0 =	sadd.s32 $0x10, s0;
	v12 =	vand.u32 $0x40, v61;
	[tilespmem:s1+$0x0] =	vst v13  }
0x44d: {  	[tilespmem:s0+$0x0] =	vst v12  }
0x44e: {  	v11 =	vld.idx.msk [tilespmem:v11+s3+$0x0], $0xffff;
	_ =	sdelay $0x2  }
0x44f: {  	p0 =	sgt.u32 s28, $0x18  }
0x450: {  	p1 =	sne.s32 @!p0 s30, $0xC  }
0x451: {  	p0 =	por p0, p1;
	v62 =	vshrl.u32 v11, $0x1  }
.Ltmp12:
0x452: {  	v63 =	vand.u32 $0xFFF, v11;
	v12 =	vand.u32 $0x7FFFF000, v62;
	(pc) =	sbr.rel @p0 .LBB2_19-.Ltmp12, $4  }
0x453: {  	s1 =	sadd.s32 $0x10, s1;
	v11 =	vshrl.u32 v11, $0x6;
	v12 =	vor.u32 v63, v12  }
0x454: {  	s0 =	sadd.s32 $0x10, s0;
	v11 =	vand.u32 $0x40, v11;
	[tilespmem:s1+$0x0] =	vst v12  }
0x455: {  	[tilespmem:s0+$0x0] =	vst v11  }
0x456: {  	[tilespmem:s18], [sflag:$0x2] =	stream.indirect.gather [hbm4b:s4+s14], $0x80, s17, s14, $0xb8;
	[tilespmem:$0x1D400] =	vst v63  }
0x457: {  	s0 =	sand.u32 $0x180, s29  }
0x458: {  	s0 =	sadd.s32 s0, s7  }
0x459: {  	[tilespmem:s3], [sflag:$0x4] =	stream.strided.gather [hbm4b:s0+s10], $0x1800, s11, s10, $0x38;
	[tilespmem:$0x1D400] =	vst v63  }
.Ltmp13:
0x45a: {  	s0 =	sadd.s32 $0x18000, s0;
	(pc) =	sbr.rel .LBB2_20-.Ltmp13, $4  }
0x45b: {  	[tilespmem:s12], [sflag:$0x4] =	stream.linear.gather [hbm4b:s0+s3], $0x100, $0x38;
	[tilespmem:$0x1D400] =	vst v63  }
0x45c: {  	_ =	swait.ge [sflag:s24], $0x1900  }
0x45d: {  	[sflag:s24] =	ssyncset.done $0x0  }
0x45e: {  	[sflag:s24] =	ssyncadd.s32 $0xFFFFE700  }
.LBB2_22:
0x45f: {  	_ =	sfence.sel $0x180000  }
0x460: {  	[bflag:$0x0] =	sbarrier.arrive $0xFFFF  }
0x461: {  	_ =	strace $0x90000047  }
0x462: {  	s0 =	stileid.u32;
	[bflag:$0x2] =	sbarrier.arrive $0xFFFF  }
0x463: {  	p0 =	sne.s32 s0, $0x0;
	s0 =	rddreg [dreg:$0x3]  }
0x464: {  	s0 =	sadd.s32 @!p0 $0x100000, s0  }
0x465: {  	[sflag:s0] =	ssyncadd.tile.s32 @!p0 $0x1;
	_ =	shalt  }
.Lfunc_end2:
_tile_overlayer_lowered:
.L_overlay_start_2:
0x466: {  	(tag) =	ssettag $0x2  }
0x467: {  	s0 =	rddreg [dreg:$0x0];
	s2 =	stileid.u32  }
0x468: {  	s1 =	rddreg [dreg:$0x1];
	p0 =	sne.s32 s2, $0x0  }
0x469: {  	s3 =	rddreg [dreg:$0x2];
	[bflag:$0x3] =	sbarrier.arrive $0xFFFF;
	s2 =	simm.s32 @!p0 $0x1C03  }
0x46a: {  	[timem:s3], [sflag:s2] =	dma.local @!p0 [hbm:s0], s1  }
0x46b: {  	s0 =	simm.s32 @!p0 $0x3  }
0x46c: {  	_ =	swait.ge @!p0 [sflag:s0], s1  }
0x46d: {  	s1 =	ssub.s32 @!p0 $0x0, s1;
	[sflag:s0] =	ssyncset.done @!p0 $0x0  }
0x46e: {  	[sflag:s0] =	ssyncadd.s32 @!p0 s1  }
0x46f: {  	[bflag:$0x3] =	sbarrier.arrive $0xFFFF  }
0x470: {  	_ =	shalt  }

</sc_bundles>
